<compile_context>
chip_gen: v7x
topology: tpu7x:2x2x1
jax: 0.10.2.dev20260603
libtpu: 0.0.44.dev20260713+nightly
codegen_flags: <defaults>
</compile_context>

<pallas_src>
import functools

import jax
import jax.numpy as jnp
from jax import lax
from jax.experimental import pallas as pl
from jax.experimental.pallas import tpu as pltpu
from jax.experimental.pallas import tpu_sc as plsc

NUM_EXPERTS = 64
TOP_K = 8
DIM = 1024
HIDDEN_DIM = 512
ROUTE_SCALE = 1.0

NC = 2
NS = 16
NW = NC * NS

BR = 128


def _router_body(x_ref, gwt_ref, bias_ref, sel_ref, w_ref, rank_ref,
                 counts_ref, carry_ref):
    tb = x_ref.shape[0]

    @pl.when(pl.program_id(0) == 0)
    def _():
        carry_ref[...] = jnp.zeros_like(carry_ref)

    xb = x_ref[...]
    scores = jax.nn.sigmoid(
        jnp.dot(xb, gwt_ref[...], preferred_element_type=jnp.float32))
    biased = scores + bias_ref[0:1, :]
    iota_e = lax.broadcasted_iota(jnp.int32, (tb, NUM_EXPERTS), 1)

    cur = biased
    msum = jnp.zeros((tb, NUM_EXPERTS), jnp.float32)
    sel_ks, sc_ks, oh_ks = [], [], []
    for _ in range(TOP_K):
        m = jnp.max(cur, axis=1, keepdims=True)
        idx = jnp.min(jnp.where(cur == m, iota_e, NUM_EXPERTS), axis=1,
                      keepdims=True)
        onehot = iota_e == idx
        sel_ks.append(idx[:, 0])
        sc_ks.append(jnp.sum(jnp.where(onehot, scores, 0.0), axis=1))
        oh_ks.append(onehot)
        msum = msum + onehot.astype(jnp.float32)
        cur = jnp.where(onehot, -jnp.inf, cur)

    sc = jnp.stack(sc_ks, axis=0)
    denom = jnp.maximum(jnp.sum(sc, axis=0, keepdims=True), 1e-20)
    w_ref[...] = sc / denom * ROUTE_SCALE
    sel_ref[...] = jnp.stack(sel_ks, axis=0).astype(jnp.int32)

    carry0 = carry_ref[0:1, :].astype(jnp.float32)
    tri = (lax.broadcasted_iota(jnp.int32, (tb, tb), 0)
           >= lax.broadcasted_iota(jnp.int32, (tb, tb), 1)).astype(jnp.float32)
    cum = jnp.dot(tri, msum, preferred_element_type=jnp.float32)
    c_excl = carry0 + cum - msum
    ranks = [jnp.sum(jnp.where(oh_ks[k], c_excl, 0), axis=1)
             for k in range(TOP_K)]
    rank_ref[...] = jnp.stack(ranks, axis=0).astype(jnp.int32)
    new_carry = jnp.broadcast_to(carry0 + cum[tb - 1:tb, :],
                                 (8, NUM_EXPERTS)).astype(jnp.int32)
    carry_ref[...] = new_carry
    counts_ref[...] = new_carry


def _router(xf, gwt, bias8):
    t = xf.shape[0]
    tb = 512
    grid = (t // tb,)
    return pl.pallas_call(
        _router_body,
        grid=grid,
        in_specs=[
            pl.BlockSpec((tb, DIM), lambda i: (i, 0)),
            pl.BlockSpec((DIM, NUM_EXPERTS), lambda i: (0, 0)),
            pl.BlockSpec((8, NUM_EXPERTS), lambda i: (0, 0)),
        ],
        out_specs=[
            pl.BlockSpec((TOP_K, tb), lambda i: (0, i)),
            pl.BlockSpec((TOP_K, tb), lambda i: (0, i)),
            pl.BlockSpec((TOP_K, tb), lambda i: (0, i)),
            pl.BlockSpec((8, NUM_EXPERTS), lambda i: (0, 0)),
        ],
        out_shape=[
            jax.ShapeDtypeStruct((TOP_K, t), jnp.int32),
            jax.ShapeDtypeStruct((TOP_K, t), jnp.float32),
            jax.ShapeDtypeStruct((TOP_K, t), jnp.int32),
            jax.ShapeDtypeStruct((8, NUM_EXPERTS), jnp.int32),
        ],
        scratch_shapes=[pltpu.VMEM((8, NUM_EXPERTS), jnp.int32)],
    )(xf, gwt, bias8)


def _destcalc_body(e_ref, r_ref, w_ref, off_ref, dest_ref, w16_ref):
    e = e_ref[...]
    acc = r_ref[...]
    for j in range(NUM_EXPERTS):
        acc = acc + jnp.where(e == j, off_ref[j], 0)
    dest_ref[...] = acc
    w16_ref[...] = jnp.broadcast_to(w_ref[...], w16_ref.shape)


def _destcalc(e_t, r_t, w2, offset_pad):
    k, t = e_t.shape
    tb = t // 8
    tk = k * t
    tkb = tk // 8
    return pl.pallas_call(
        _destcalc_body,
        grid=(8,),
        in_specs=[
            pl.BlockSpec((k, tb), lambda i: (0, i)),
            pl.BlockSpec((k, tb), lambda i: (0, i)),
            pl.BlockSpec((tkb, 1), lambda i: (i, 0)),
            pl.BlockSpec(memory_space=pltpu.SMEM),
        ],
        out_specs=[
            pl.BlockSpec((k, tb), lambda i: (0, i)),
            pl.BlockSpec((tkb, 128), lambda i: (i, 0)),
        ],
        out_shape=[
            jax.ShapeDtypeStruct((k, t), jnp.int32),
            jax.ShapeDtypeStruct((tk, 128), jnp.float32),
        ],
    )(e_t, r_t, w2, offset_pad)


def _dispatch(xf, dest_t, w16, cap):
    t = xf.shape[0]
    tok_per = t // NW
    tch = 64
    nch = tok_per // tch
    mesh = plsc.VectorSubcoreMesh(core_axis_name="c", subcore_axis_name="s",
                                  num_cores=NC, num_subcores=NS)

    @functools.partial(
        pl.kernel,
        out_type=[
            jax.ShapeDtypeStruct((cap, DIM), jnp.float32),
            jax.ShapeDtypeStruct((cap, 128), jnp.float32),
        ],
        mesh=mesh,
        scratch_types=[
            pltpu.VMEM((TOP_K, tch), jnp.int32),
            pltpu.VMEM((tch, 128), jnp.float32),
            pltpu.VMEM((tch, 128), jnp.float32),
            pltpu.VMEM((tch, DIM), jnp.float32),
            pltpu.SemaphoreType.DMA,
            pltpu.SemaphoreType.DMA,
        ],
    )
    def dispatch(xf_hbm, dt_hbm, w16_hbm, perm_hbm, s16_hbm,
                 idx_v, s16a_v, s16b_v, rows_v, sem, sem2):
        wid = lax.axis_index("s") * NC + lax.axis_index("c")
        tbase = wid * tok_per

        def chunk_body(ci, carry):
            t0 = tbase + ci * tch
            pltpu.sync_copy(xf_hbm.at[pl.ds(t0, tch)], rows_v)
            for k in range(TOP_K):
                pltpu.sync_copy(dt_hbm.at[k, pl.ds(t0, tch)], idx_v.at[k])
            cps = []
            for k in range(TOP_K):
                cps.append(
                    pltpu.async_copy(rows_v, perm_hbm.at[idx_v.at[k]], sem))
            bufs = (s16a_v, s16b_v)
            cps2 = []
            for k in range(TOP_K):
                sb = bufs[k % 2]
                if k >= 2:
                    cps2[k - 2].wait()
                pltpu.sync_copy(w16_hbm.at[pl.ds(k * t + t0, tch)], sb)
                cps2.append(
                    pltpu.async_copy(sb, s16_hbm.at[idx_v.at[k]], sem2))
            cps2[TOP_K - 2].wait()
            cps2[TOP_K - 1].wait()
            for cp in cps:
                cp.wait()
            return carry

        lax.fori_loop(0, nch, chunk_body, 0)

    return dispatch(xf, dest_t, w16)


def _expert_body(meta_ref, p_ref, s_ref, w1_hbm, w3_hbm, w2_hbm, o_ref,
                 w1s, w3s, w2s, sems):
    i = pl.program_id(0)
    first = meta_ref[0, i]
    slot = meta_ref[1, i]
    next_e = meta_ref[2, i]
    next_slot = meta_ref[3, i]
    cur_e = meta_ref[4, i]
    do_start = meta_ref[5, i]

    def _start(e, s):
        pltpu.make_async_copy(w1_hbm.at[e], w1s.at[s], sems.at[s]).start()
        pltpu.make_async_copy(w3_hbm.at[e], w3s.at[s], sems.at[s]).start()
        pltpu.make_async_copy(w2_hbm.at[e], w2s.at[s], sems.at[s]).start()

    def _wait(e, s):
        pltpu.make_async_copy(w1_hbm.at[e], w1s.at[s], sems.at[s]).wait()
        pltpu.make_async_copy(w3_hbm.at[e], w3s.at[s], sems.at[s]).wait()
        pltpu.make_async_copy(w2_hbm.at[e], w2s.at[s], sems.at[s]).wait()

    @pl.when(i == 0)
    def _():
        _start(cur_e, slot)

    @pl.when(first == 1)
    def _():
        _wait(cur_e, slot)

    @pl.when(do_start == 1)
    def _():
        _start(next_e, next_slot)

    p = p_ref[...] * s_ref[:, 0:1]
    a = jnp.dot(p, w1s[slot], preferred_element_type=jnp.float32)
    b = jnp.dot(p, w3s[slot], preferred_element_type=jnp.float32)
    h = a * jax.nn.sigmoid(a) * b
    o_ref[...] = jnp.dot(h, w2s[slot], preferred_element_type=jnp.float32)


def _experts(blk_expert, perm, s16, w1, w2, w3, nblk):
    diff = blk_expert[1:] != blk_expert[:-1]
    first_flag = jnp.concatenate(
        [jnp.ones((1,), jnp.int32), diff.astype(jnp.int32)])
    run_id = jnp.cumsum(first_flag) - 1
    total_runs = run_id[-1] + 1
    slot = run_id % 3
    next_slot = (run_id + 1) % 3
    change_next = jnp.concatenate([diff, jnp.ones((1,), bool)])
    pos = jnp.where(change_next, jnp.arange(1, nblk + 1), nblk + 1)
    ncp = lax.cummin(pos[::-1])[::-1]
    next_e = blk_expert[jnp.minimum(ncp, nblk - 1)]
    do_start = first_flag * (run_id != total_runs - 1).astype(jnp.int32)
    meta = jnp.stack([first_flag, slot, next_e, next_slot, blk_expert,
                      do_start]).astype(jnp.int32)

    grid_spec = pltpu.PrefetchScalarGridSpec(
        num_scalar_prefetch=1,
        grid=(nblk,),
        in_specs=[
            pl.BlockSpec((BR, DIM), lambda i, m: (i, 0)),
            pl.BlockSpec((BR, 128), lambda i, m: (i, 0)),
            pl.BlockSpec(memory_space=pltpu.HBM),
            pl.BlockSpec(memory_space=pltpu.HBM),
            pl.BlockSpec(memory_space=pltpu.HBM),
        ],
        out_specs=pl.BlockSpec((BR, DIM), lambda i, m: (i, 0)),
        scratch_shapes=[
            pltpu.VMEM((3, DIM, HIDDEN_DIM), jnp.float32),
            pltpu.VMEM((3, DIM, HIDDEN_DIM), jnp.float32),
            pltpu.VMEM((3, HIDDEN_DIM, DIM), jnp.float32),
            pltpu.SemaphoreType.DMA((3,)),
        ],
    )
    return pl.pallas_call(
        _expert_body,
        grid_spec=grid_spec,
        out_shape=jax.ShapeDtypeStruct((nblk * BR, DIM), jnp.float32),
    )(meta, perm, s16, w1, w3, w2)


def _combine(eo, dest_t, t):
    tok_per = t // NW
    tch = 8
    nch = tok_per // tch
    mesh = plsc.VectorSubcoreMesh(core_axis_name="c", subcore_axis_name="s",
                                  num_cores=NC, num_subcores=NS)

    @functools.partial(
        pl.kernel,
        out_type=jax.ShapeDtypeStruct((t, DIM), jnp.float32),
        mesh=mesh,
        scratch_types=[
            pltpu.VMEM((TOP_K, tok_per), jnp.int32),
            pltpu.VMEM((TOP_K * tch, DIM), jnp.float32),
            pltpu.VMEM((tch, DIM), jnp.float32),
            pltpu.SemaphoreType.DMA,
        ],
    )
    def combine(eo_hbm, dt_hbm, out_hbm, idx_v, rows_v, out_v, sem):
        wid = lax.axis_index("s") * NC + lax.axis_index("c")
        tbase = wid * tok_per
        for k in range(TOP_K):
            pltpu.sync_copy(dt_hbm.at[k, pl.ds(tbase, tok_per)], idx_v.at[k])

        def chunk_body(ci, carry):
            c0 = ci * tch
            cps = []
            for k in range(TOP_K):
                cps.append(pltpu.async_copy(
                    eo_hbm.at[idx_v.at[k, pl.ds(c0, tch)]],
                    rows_v.at[pl.ds(k * tch, tch)], sem))
            for cp in cps:
                cp.wait()

            def cbody(c, c2):
                sl = pl.ds(c * 16, 16)
                for tt in range(tch):
                    acc = rows_v[tt, sl]
                    for j in range(1, TOP_K):
                        acc = acc + rows_v[j * tch + tt, sl]
                    out_v[tt, sl] = acc
                return c2

            lax.fori_loop(0, DIM // 16, cbody, 0)
            pltpu.sync_copy(out_v, out_hbm.at[pl.ds(tbase + c0, tch)])
            return carry

        lax.fori_loop(0, nch, chunk_body, 0)

    return combine(eo, dest_t)


def kernel(x, gate_w, w1, w2, w3, expert_bias):
    bs, slen, dim = x.shape
    xf = x.reshape(-1, dim).astype(jnp.float32)
    t = xf.shape[0]
    tk = t * TOP_K
    nblk = tk // BR + NUM_EXPERTS
    cap = nblk * BR

    gwt = gate_w.T
    bias8 = jnp.broadcast_to(expert_bias[None, :], (8, NUM_EXPERTS))

    sel_t, w_t, rank_t, counts8 = _router(xf, gwt, bias8)

    counts = counts8[0]
    nblk_e = (counts + BR - 1) // BR
    cum_incl = jnp.cumsum(nblk_e)
    offset_pad = ((cum_incl - nblk_e) * BR).astype(jnp.int32)
    blk_expert = jnp.minimum(
        jnp.sum(cum_incl[:, None] <= jnp.arange(nblk)[None, :], axis=0),
        NUM_EXPERTS - 1).astype(jnp.int32)

    dest_t, w16 = _destcalc(sel_t, rank_t, w_t.reshape(-1, 1), offset_pad)

    perm, s16 = _dispatch(xf, dest_t, w16, cap)
    eo = _experts(blk_expert, perm, s16, w1, w2, w3, nblk)
    out = _combine(eo, dest_t, t)
    return out.reshape(bs, slen, dim)

# --- scband reference (transcript-rebuilt; emitter-appended) ---
"""Pipeline reference for scband-mo-e-22454089023919 (READ-ONLY COPY).

The authoritative reference and input builder live on the scoring server;
editing this copy changes nothing except your own understanding.
"""

import jax, jax.numpy as jnp
import numpy as np

NUM_EXPERTS = 64
TOP_K = 8
DIM = 1024
HIDDEN_DIM = 512
ROUTE_SCALE = 1.0
BATCH = 2
SEQ_LEN = 2048


def setup_inputs(seed: int = 0) -> dict:
    key = jax.random.key(seed)
    ks = jax.random.split(key, 5)
    x = jax.random.normal(ks[0], (BATCH, SEQ_LEN, DIM), dtype=jnp.float32)
    gate_w = jax.random.normal(ks[1], (NUM_EXPERTS, DIM), dtype=jnp.float32) * 0.02
    w1 = jax.random.normal(ks[2], (NUM_EXPERTS, DIM, HIDDEN_DIM), dtype=jnp.float32) * 0.02
    w2 = jax.random.normal(ks[3], (NUM_EXPERTS, HIDDEN_DIM, DIM), dtype=jnp.float32) * 0.02
    w3 = jax.random.normal(ks[4], (NUM_EXPERTS, DIM, HIDDEN_DIM), dtype=jnp.float32) * 0.02
    expert_bias = jnp.zeros((NUM_EXPERTS,), dtype=jnp.float32)
    return {"x": x, "gate_w": gate_w, "w1": w1, "w2": w2, "w3": w3, "expert_bias": expert_bias}


def reference(x, gate_w, w1, w2, w3, expert_bias):
    bs, slen, dim = x.shape
    xf = x.reshape(-1, dim).astype(jnp.float32)
    T = xf.shape[0]
    # --- TokenChoiceTopKRouter (sigmoid score, route_norm, aux-loss-free bias for selection only) ---
    scores = jax.nn.sigmoid(xf @ gate_w.T)
    _, sel = jax.lax.top_k(scores + expert_bias[None, :], TOP_K)  # bias affects selection only
    top_scores = jnp.take_along_axis(scores, sel, axis=1)  # original scores gathered
    top_scores = top_scores / jnp.maximum(jnp.sum(top_scores, axis=-1, keepdims=True), 1e-20)  # route_norm
    top_scores = top_scores * ROUTE_SCALE
    # --- permute_tokens: sort routed (token, expert) pairs by expert id ---
    flat_experts = sel.reshape(-1)  # [T*K]
    sorted_idx = jnp.argsort(flat_experts)  # stable by default
    token_ids = sorted_idx // TOP_K
    permuted = jnp.take(xf, token_ids, axis=0)
    # score_before_experts=True: scale inputs by routing scores
    scores_sorted = top_scores.reshape(-1)[sorted_idx]
    permuted = permuted * scores_sorted[:, None]
    sorted_experts = flat_experts[sorted_idx]
    # --- GroupedExperts: per-expert SwiGLU over contiguous token groups ---
    def expert_body(acc, inputs):
        e, w1e, w2e, w3e = inputs
        h = jax.nn.silu(permuted @ w1e) * (permuted @ w3e)
        o = h @ w2e
        mask = (sorted_experts == e)[:, None]
        return acc + jnp.where(mask, o, jnp.zeros_like(o)), None

    expert_out, _ = jax.lax.scan(
        expert_body,
        jnp.zeros((T * TOP_K, dim), dtype=permuted.dtype),
        (jnp.arange(NUM_EXPERTS), w1, w2, w3),
    )
    # --- unpermute_tokens: scatter back to (token, k) order ---
    unsorted = jnp.zeros((T * TOP_K, dim), dtype=expert_out.dtype).at[sorted_idx].set(expert_out)
    out = unsorted.reshape(T, TOP_K, dim).sum(axis=1)  # score_before_experts -> plain sum over k
    return out.reshape(bs, slen, dim)

if __name__ == "__main__":
    import jax
    _d = setup_inputs()
    print(jax.jit(kernel)(*tuple(_d.values())))

</pallas_src>

<mosaic_0001>
#map = affine_map<(d0, d1) -> (0, 0)>
module attributes {stable_mosaic.version = 14 : i64} {
  func.func @dispatch(%arg0: i32, %arg1: i32, %arg2: memref<4096x1024xf32, #tpu.memory_space<hbm>>, %arg3: memref<8x4096xi32, #tpu.memory_space<hbm>>, %arg4: memref<32768x128xf32, #tpu.memory_space<hbm>>, %arg5: memref<40960x1024xf32, #tpu.memory_space<hbm>>, %arg6: memref<40960x128xf32, #tpu.memory_space<hbm>>, %arg7: memref<8x64xi32, #tpu.memory_space<vmem>>, %arg8: memref<64x128xf32, #tpu.memory_space<vmem>>, %arg9: memref<64x128xf32, #tpu.memory_space<vmem>>, %arg10: memref<64x1024xf32, #tpu.memory_space<vmem>>, %arg11: memref<!tpu.dma_semaphore, #tpu.memory_space<semaphore_mem>>, %arg12: memref<!tpu.dma_semaphore, #tpu.memory_space<semaphore_mem>>) attributes {dimension_semantics = [#tpu.dimension_semantics<core_parallel>, #tpu.dimension_semantics<subcore_parallel>], iteration_bounds = array<i64: 2, 16>, scalar_prefetch = 0 : i64, scratch_operands = 6 : i64, tpu.core_type = #tpu.core_type<sc_vector_subcore>, window_params = [{transform_indices = #map}, {transform_indices = #map}, {transform_indices = #map}, {transform_indices = #map}, {transform_indices = #map}]} {
    %mul3A = arith.constant 2 : i32
    %mul3A_0 = arith.muli %arg1, %mul3A : i32
    %add3A = arith.addi %mul3A_0, %arg0 : i32
    %mul3A_1 = arith.constant 128 : i32
    %mul3A_2 = arith.muli %add3A, %mul3A_1 : i32
    %scan3A = arith.constant 0 : i32
    %scan3A_3 = arith.constant 0 : i32
    %scan3A_4 = arith.constant 2 : i32
    %scan3A_5 = arith.addi %scan3A_3, %scan3A_4 : i32
    %scan3A_6 = arith.constant 1 : i32
    scf.for %scan3A_8 = %scan3A_3 to %scan3A_5 step %scan3A_6  : i32 {
      %mul3A_9 = arith.constant 64 : i32
      %mul3A_10 = arith.muli %scan3A_8, %mul3A_9 : i32
      %add3A_11 = arith.addi %mul3A_2, %mul3A_10 : i32
      "tpu.region"() ({
        %run_scoped3A_265 = tpu.sem_alloc : memref<!tpu.dma_semaphore, #tpu.memory_space<semaphore_mem>>
        %dma_start3A_266 = arith.constant 0 : i32
        %dma_start3A_267 = tpu.memref_slice %arg2[%add3A_11, %dma_start3A_266] : memref<4096x1024xf32, #tpu.memory_space<hbm>> -> memref<64x1024xf32, #tpu.memory_space<hbm>>
        %dma_start3A_268 = arith.constant 0 : i32
        %dma_start3A_269 = tpu.memref_slice %arg2[%add3A_11, %dma_start3A_268] : memref<4096x1024xf32, #tpu.memory_space<hbm>> -> memref<64x1024xf32, #tpu.memory_space<hbm>>
        tpu.enqueue_dma source(%dma_start3A_269 : memref<64x1024xf32, #tpu.memory_space<hbm>>) target(%arg10 : memref<64x1024xf32, #tpu.memory_space<vmem>>) target_semaphore(%run_scoped3A_265 : memref<!tpu.dma_semaphore, #tpu.memory_space<semaphore_mem>>)
        %dma_wait3A_270 = arith.constant 0 : i32
        %dma_wait3A_271 = tpu.memref_slice %arg2[%add3A_11, %dma_wait3A_270] : memref<4096x1024xf32, #tpu.memory_space<hbm>> -> memref<64x1024xf32, #tpu.memory_space<hbm>>
        %dma_wait3A_272 = arith.constant 0 : i32
        %dma_wait3A_273 = tpu.memref_slice %arg2[%add3A_11, %dma_wait3A_272] : memref<4096x1024xf32, #tpu.memory_space<hbm>> -> memref<64x1024xf32, #tpu.memory_space<hbm>>
        tpu.wait_dma2 semaphore(%run_scoped3A_265 : memref<!tpu.dma_semaphore, #tpu.memory_space<semaphore_mem>>) src(%dma_wait3A_273 : memref<64x1024xf32, #tpu.memory_space<hbm>>) dst(%arg10 : memref<64x1024xf32, #tpu.memory_space<vmem>>)
        tpu.yield
      }) : () -> ()
      %run_scoped3A = arith.constant 0 : i32
      %run_scoped3A_12 = arith.constant 0 : i32
      "tpu.region"() ({
        %run_scoped3A_265 = tpu.sem_alloc : memref<!tpu.dma_semaphore, #tpu.memory_space<semaphore_mem>>
        %dma_start3A_266 = arith.constant 0 : i32
        %dma_start3A_267 = tpu.memref_slice %arg7[%run_scoped3A_12, %dma_start3A_266] : memref<8x64xi32, #tpu.memory_space<vmem>> -> memref<1x64xi32, #tpu.memory_space<vmem>>
        %dma_start3A_268 = tpu.memref_squeeze %dma_start3A_267 : memref<1x64xi32, #tpu.memory_space<vmem>> -> memref<64xi32, #tpu.memory_space<vmem>>
        %dma_start3A_269 = tpu.memref_slice %arg3[%run_scoped3A, %add3A_11] : memref<8x4096xi32, #tpu.memory_space<hbm>> -> memref<1x64xi32, #tpu.memory_space<hbm>>
        %dma_start3A_270 = tpu.memref_squeeze %dma_start3A_269 : memref<1x64xi32, #tpu.memory_space<hbm>> -> memref<64xi32, #tpu.memory_space<hbm>>
        %dma_start3A_271 = arith.constant 0 : i32
        %dma_start3A_272 = tpu.memref_slice %arg7[%run_scoped3A_12, %dma_start3A_271] : memref<8x64xi32, #tpu.memory_space<vmem>> -> memref<1x64xi32, #tpu.memory_space<vmem>>
        %dma_start3A_273 = tpu.memref_squeeze %dma_start3A_272 : memref<1x64xi32, #tpu.memory_space<vmem>> -> memref<64xi32, #tpu.memory_space<vmem>>
        %dma_start3A_274 = tpu.memref_slice %arg3[%run_scoped3A, %add3A_11] : memref<8x4096xi32, #tpu.memory_space<hbm>> -> memref<1x64xi32, #tpu.memory_space<hbm>>
        %dma_start3A_275 = tpu.memref_squeeze %dma_start3A_274 : memref<1x64xi32, #tpu.memory_space<hbm>> -> memref<64xi32, #tpu.memory_space<hbm>>
        tpu.enqueue_dma source(%dma_start3A_275 : memref<64xi32, #tpu.memory_space<hbm>>) target(%dma_start3A_273 : memref<64xi32, #tpu.memory_space<vmem>>) target_semaphore(%run_scoped3A_265 : memref<!tpu.dma_semaphore, #tpu.memory_space<semaphore_mem>>)
        %dma_wait3A_276 = arith.constant 0 : i32
        %dma_wait3A_277 = tpu.memref_slice %arg7[%run_scoped3A_12, %dma_wait3A_276] : memref<8x64xi32, #tpu.memory_space<vmem>> -> memref<1x64xi32, #tpu.memory_space<vmem>>
        %dma_wait3A_278 = tpu.memref_squeeze %dma_wait3A_277 : memref<1x64xi32, #tpu.memory_space<vmem>> -> memref<64xi32, #tpu.memory_space<vmem>>
        %dma_wait3A_279 = tpu.memref_slice %arg3[%run_scoped3A, %add3A_11] : memref<8x4096xi32, #tpu.memory_space<hbm>> -> memref<1x64xi32, #tpu.memory_space<hbm>>
        %dma_wait3A_280 = tpu.memref_squeeze %dma_wait3A_279 : memref<1x64xi32, #tpu.memory_space<hbm>> -> memref<64xi32, #tpu.memory_space<hbm>>
        %dma_wait3A_281 = arith.constant 0 : i32
        %dma_wait3A_282 = tpu.memref_slice %arg7[%run_scoped3A_12, %dma_wait3A_281] : memref<8x64xi32, #tpu.memory_space<vmem>> -> memref<1x64xi32, #tpu.memory_space<vmem>>
        %dma_wait3A_283 = tpu.memref_squeeze %dma_wait3A_282 : memref<1x64xi32, #tpu.memory_space<vmem>> -> memref<64xi32, #tpu.memory_space<vmem>>
        %dma_wait3A_284 = tpu.memref_slice %arg3[%run_scoped3A, %add3A_11] : memref<8x4096xi32, #tpu.memory_space<hbm>> -> memref<1x64xi32, #tpu.memory_space<hbm>>
        %dma_wait3A_285 = tpu.memref_squeeze %dma_wait3A_284 : memref<1x64xi32, #tpu.memory_space<hbm>> -> memref<64xi32, #tpu.memory_space<hbm>>
        tpu.wait_dma2 semaphore(%run_scoped3A_265 : memref<!tpu.dma_semaphore, #tpu.memory_space<semaphore_mem>>) src(%dma_wait3A_285 : memref<64xi32, #tpu.memory_space<hbm>>) dst(%dma_wait3A_283 : memref<64xi32, #tpu.memory_space<vmem>>)
        tpu.yield
      }) : () -> ()
      %run_scoped3A_13 = arith.constant 1 : i32
      %run_scoped3A_14 = arith.constant 1 : i32
      "tpu.region"() ({
        %run_scoped3A_265 = tpu.sem_alloc : memref<!tpu.dma_semaphore, #tpu.memory_space<semaphore_mem>>
        %dma_start3A_266 = arith.constant 0 : i32
        %dma_start3A_267 = tpu.memref_slice %arg7[%run_scoped3A_14, %dma_start3A_266] : memref<8x64xi32, #tpu.memory_space<vmem>> -> memref<1x64xi32, #tpu.memory_space<vmem>>
        %dma_start3A_268 = tpu.memref_squeeze %dma_start3A_267 : memref<1x64xi32, #tpu.memory_space<vmem>> -> memref<64xi32, #tpu.memory_space<vmem>>
        %dma_start3A_269 = tpu.memref_slice %arg3[%run_scoped3A_13, %add3A_11] : memref<8x4096xi32, #tpu.memory_space<hbm>> -> memref<1x64xi32, #tpu.memory_space<hbm>>
        %dma_start3A_270 = tpu.memref_squeeze %dma_start3A_269 : memref<1x64xi32, #tpu.memory_space<hbm>> -> memref<64xi32, #tpu.memory_space<hbm>>
        %dma_start3A_271 = arith.constant 0 : i32
        %dma_start3A_272 = tpu.memref_slice %arg7[%run_scoped3A_14, %dma_start3A_271] : memref<8x64xi32, #tpu.memory_space<vmem>> -> memref<1x64xi32, #tpu.memory_space<vmem>>
        %dma_start3A_273 = tpu.memref_squeeze %dma_start3A_272 : memref<1x64xi32, #tpu.memory_space<vmem>> -> memref<64xi32, #tpu.memory_space<vmem>>
        %dma_start3A_274 = tpu.memref_slice %arg3[%run_scoped3A_13, %add3A_11] : memref<8x4096xi32, #tpu.memory_space<hbm>> -> memref<1x64xi32, #tpu.memory_space<hbm>>
        %dma_start3A_275 = tpu.memref_squeeze %dma_start3A_274 : memref<1x64xi32, #tpu.memory_space<hbm>> -> memref<64xi32, #tpu.memory_space<hbm>>
        tpu.enqueue_dma source(%dma_start3A_275 : memref<64xi32, #tpu.memory_space<hbm>>) target(%dma_start3A_273 : memref<64xi32, #tpu.memory_space<vmem>>) target_semaphore(%run_scoped3A_265 : memref<!tpu.dma_semaphore, #tpu.memory_space<semaphore_mem>>)
        %dma_wait3A_276 = arith.constant 0 : i32
        %dma_wait3A_277 = tpu.memref_slice %arg7[%run_scoped3A_14, %dma_wait3A_276] : memref<8x64xi32, #tpu.memory_space<vmem>> -> memref<1x64xi32, #tpu.memory_space<vmem>>
        %dma_wait3A_278 = tpu.memref_squeeze %dma_wait3A_277 : memref<1x64xi32, #tpu.memory_space<vmem>> -> memref<64xi32, #tpu.memory_space<vmem>>
        %dma_wait3A_279 = tpu.memref_slice %arg3[%run_scoped3A_13, %add3A_11] : memref<8x4096xi32, #tpu.memory_space<hbm>> -> memref<1x64xi32, #tpu.memory_space<hbm>>
        %dma_wait3A_280 = tpu.memref_squeeze %dma_wait3A_279 : memref<1x64xi32, #tpu.memory_space<hbm>> -> memref<64xi32, #tpu.memory_space<hbm>>
        %dma_wait3A_281 = arith.constant 0 : i32
        %dma_wait3A_282 = tpu.memref_slice %arg7[%run_scoped3A_14, %dma_wait3A_281] : memref<8x64xi32, #tpu.memory_space<vmem>> -> memref<1x64xi32, #tpu.memory_space<vmem>>
        %dma_wait3A_283 = tpu.memref_squeeze %dma_wait3A_282 : memref<1x64xi32, #tpu.memory_space<vmem>> -> memref<64xi32, #tpu.memory_space<vmem>>
        %dma_wait3A_284 = tpu.memref_slice %arg3[%run_scoped3A_13, %add3A_11] : memref<8x4096xi32, #tpu.memory_space<hbm>> -> memref<1x64xi32, #tpu.memory_space<hbm>>
        %dma_wait3A_285 = tpu.memref_squeeze %dma_wait3A_284 : memref<1x64xi32, #tpu.memory_space<hbm>> -> memref<64xi32, #tpu.memory_space<hbm>>
        tpu.wait_dma2 semaphore(%run_scoped3A_265 : memref<!tpu.dma_semaphore, #tpu.memory_space<semaphore_mem>>) src(%dma_wait3A_285 : memref<64xi32, #tpu.memory_space<hbm>>) dst(%dma_wait3A_283 : memref<64xi32, #tpu.memory_space<vmem>>)
        tpu.yield
      }) : () -> ()
      %run_scoped3A_15 = arith.constant 2 : i32
      %run_scoped3A_16 = arith.constant 2 : i32
      "tpu.region"() ({
        %run_scoped3A_265 = tpu.sem_alloc : memref<!tpu.dma_semaphore, #tpu.memory_space<semaphore_mem>>
        %dma_start3A_266 = arith.constant 0 : i32
        %dma_start3A_267 = tpu.memref_slice %arg7[%run_scoped3A_16, %dma_start3A_266] : memref<8x64xi32, #tpu.memory_space<vmem>> -> memref<1x64xi32, #tpu.memory_space<vmem>>
        %dma_start3A_268 = tpu.memref_squeeze %dma_start3A_267 : memref<1x64xi32, #tpu.memory_space<vmem>> -> memref<64xi32, #tpu.memory_space<vmem>>
        %dma_start3A_269 = tpu.memref_slice %arg3[%run_scoped3A_15, %add3A_11] : memref<8x4096xi32, #tpu.memory_space<hbm>> -> memref<1x64xi32, #tpu.memory_space<hbm>>
        %dma_start3A_270 = tpu.memref_squeeze %dma_start3A_269 : memref<1x64xi32, #tpu.memory_space<hbm>> -> memref<64xi32, #tpu.memory_space<hbm>>
        %dma_start3A_271 = arith.constant 0 : i32
        %dma_start3A_272 = tpu.memref_slice %arg7[%run_scoped3A_16, %dma_start3A_271] : memref<8x64xi32, #tpu.memory_space<vmem>> -> memref<1x64xi32, #tpu.memory_space<vmem>>
        %dma_start3A_273 = tpu.memref_squeeze %dma_start3A_272 : memref<1x64xi32, #tpu.memory_space<vmem>> -> memref<64xi32, #tpu.memory_space<vmem>>
        %dma_start3A_274 = tpu.memref_slice %arg3[%run_scoped3A_15, %add3A_11] : memref<8x4096xi32, #tpu.memory_space<hbm>> -> memref<1x64xi32, #tpu.memory_space<hbm>>
        %dma_start3A_275 = tpu.memref_squeeze %dma_start3A_274 : memref<1x64xi32, #tpu.memory_space<hbm>> -> memref<64xi32, #tpu.memory_space<hbm>>
        tpu.enqueue_dma source(%dma_start3A_275 : memref<64xi32, #tpu.memory_space<hbm>>) target(%dma_start3A_273 : memref<64xi32, #tpu.memory_space<vmem>>) target_semaphore(%run_scoped3A_265 : memref<!tpu.dma_semaphore, #tpu.memory_space<semaphore_mem>>)
        %dma_wait3A_276 = arith.constant 0 : i32
        %dma_wait3A_277 = tpu.memref_slice %arg7[%run_scoped3A_16, %dma_wait3A_276] : memref<8x64xi32, #tpu.memory_space<vmem>> -> memref<1x64xi32, #tpu.memory_space<vmem>>
        %dma_wait3A_278 = tpu.memref_squeeze %dma_wait3A_277 : memref<1x64xi32, #tpu.memory_space<vmem>> -> memref<64xi32, #tpu.memory_space<vmem>>
        %dma_wait3A_279 = tpu.memref_slice %arg3[%run_scoped3A_15, %add3A_11] : memref<8x4096xi32, #tpu.memory_space<hbm>> -> memref<1x64xi32, #tpu.memory_space<hbm>>
        %dma_wait3A_280 = tpu.memref_squeeze %dma_wait3A_279 : memref<1x64xi32, #tpu.memory_space<hbm>> -> memref<64xi32, #tpu.memory_space<hbm>>
        %dma_wait3A_281 = arith.constant 0 : i32
        %dma_wait3A_282 = tpu.memref_slice %arg7[%run_scoped3A_16, %dma_wait3A_281] : memref<8x64xi32, #tpu.memory_space<vmem>> -> memref<1x64xi32, #tpu.memory_space<vmem>>
        %dma_wait3A_283 = tpu.memref_squeeze %dma_wait3A_282 : memref<1x64xi32, #tpu.memory_space<vmem>> -> memref<64xi32, #tpu.memory_space<vmem>>
        %dma_wait3A_284 = tpu.memref_slice %arg3[%run_scoped3A_15, %add3A_11] : memref<8x4096xi32, #tpu.memory_space<hbm>> -> memref<1x64xi32, #tpu.memory_space<hbm>>
        %dma_wait3A_285 = tpu.memref_squeeze %dma_wait3A_284 : memref<1x64xi32, #tpu.memory_space<hbm>> -> memref<64xi32, #tpu.memory_space<hbm>>
        tpu.wait_dma2 semaphore(%run_scoped3A_265 : memref<!tpu.dma_semaphore, #tpu.memory_space<semaphore_mem>>) src(%dma_wait3A_285 : memref<64xi32, #tpu.memory_space<hbm>>) dst(%dma_wait3A_283 : memref<64xi32, #tpu.memory_space<vmem>>)
        tpu.yield
      }) : () -> ()
      %run_scoped3A_17 = arith.constant 3 : i32
      %run_scoped3A_18 = arith.constant 3 : i32
      "tpu.region"() ({
        %run_scoped3A_265 = tpu.sem_alloc : memref<!tpu.dma_semaphore, #tpu.memory_space<semaphore_mem>>
        %dma_start3A_266 = arith.constant 0 : i32
        %dma_start3A_267 = tpu.memref_slice %arg7[%run_scoped3A_18, %dma_start3A_266] : memref<8x64xi32, #tpu.memory_space<vmem>> -> memref<1x64xi32, #tpu.memory_space<vmem>>
        %dma_start3A_268 = tpu.memref_squeeze %dma_start3A_267 : memref<1x64xi32, #tpu.memory_space<vmem>> -> memref<64xi32, #tpu.memory_space<vmem>>
        %dma_start3A_269 = tpu.memref_slice %arg3[%run_scoped3A_17, %add3A_11] : memref<8x4096xi32, #tpu.memory_space<hbm>> -> memref<1x64xi32, #tpu.memory_space<hbm>>
        %dma_start3A_270 = tpu.memref_squeeze %dma_start3A_269 : memref<1x64xi32, #tpu.memory_space<hbm>> -> memref<64xi32, #tpu.memory_space<hbm>>
        %dma_start3A_271 = arith.constant 0 : i32
        %dma_start3A_272 = tpu.memref_slice %arg7[%run_scoped3A_18, %dma_start3A_271] : memref<8x64xi32, #tpu.memory_space<vmem>> -> memref<1x64xi32, #tpu.memory_space<vmem>>
        %dma_start3A_273 = tpu.memref_squeeze %dma_start3A_272 : memref<1x64xi32, #tpu.memory_space<vmem>> -> memref<64xi32, #tpu.memory_space<vmem>>
        %dma_start3A_274 = tpu.memref_slice %arg3[%run_scoped3A_17, %add3A_11] : memref<8x4096xi32, #tpu.memory_space<hbm>> -> memref<1x64xi32, #tpu.memory_space<hbm>>
        %dma_start3A_275 = tpu.memref_squeeze %dma_start3A_274 : memref<1x64xi32, #tpu.memory_space<hbm>> -> memref<64xi32, #tpu.memory_space<hbm>>
        tpu.enqueue_dma source(%dma_start3A_275 : memref<64xi32, #tpu.memory_space<hbm>>) target(%dma_start3A_273 : memref<64xi32, #tpu.memory_space<vmem>>) target_semaphore(%run_scoped3A_265 : memref<!tpu.dma_semaphore, #tpu.memory_space<semaphore_mem>>)
        %dma_wait3A_276 = arith.constant 0 : i32
        %dma_wait3A_277 = tpu.memref_slice %arg7[%run_scoped3A_18, %dma_wait3A_276] : memref<8x64xi32, #tpu.memory_space<vmem>> -> memref<1x64xi32, #tpu.memory_space<vmem>>
        %dma_wait3A_278 = tpu.memref_squeeze %dma_wait3A_277 : memref<1x64xi32, #tpu.memory_space<vmem>> -> memref<64xi32, #tpu.memory_space<vmem>>
        %dma_wait3A_279 = tpu.memref_slice %arg3[%run_scoped3A_17, %add3A_11] : memref<8x4096xi32, #tpu.memory_space<hbm>> -> memref<1x64xi32, #tpu.memory_space<hbm>>
        %dma_wait3A_280 = tpu.memref_squeeze %dma_wait3A_279 : memref<1x64xi32, #tpu.memory_space<hbm>> -> memref<64xi32, #tpu.memory_space<hbm>>
        %dma_wait3A_281 = arith.constant 0 : i32
        %dma_wait3A_282 = tpu.memref_slice %arg7[%run_scoped3A_18, %dma_wait3A_281] : memref<8x64xi32, #tpu.memory_space<vmem>> -> memref<1x64xi32, #tpu.memory_space<vmem>>
        %dma_wait3A_283 = tpu.memref_squeeze %dma_wait3A_282 : memref<1x64xi32, #tpu.memory_space<vmem>> -> memref<64xi32, #tpu.memory_space<vmem>>
        %dma_wait3A_284 = tpu.memref_slice %arg3[%run_scoped3A_17, %add3A_11] : memref<8x4096xi32, #tpu.memory_space<hbm>> -> memref<1x64xi32, #tpu.memory_space<hbm>>
        %dma_wait3A_285 = tpu.memref_squeeze %dma_wait3A_284 : memref<1x64xi32, #tpu.memory_space<hbm>> -> memref<64xi32, #tpu.memory_space<hbm>>
        tpu.wait_dma2 semaphore(%run_scoped3A_265 : memref<!tpu.dma_semaphore, #tpu.memory_space<semaphore_mem>>) src(%dma_wait3A_285 : memref<64xi32, #tpu.memory_space<hbm>>) dst(%dma_wait3A_283 : memref<64xi32, #tpu.memory_space<vmem>>)
        tpu.yield
      }) : () -> ()
      %run_scoped3A_19 = arith.constant 4 : i32
      %run_scoped3A_20 = arith.constant 4 : i32
      "tpu.region"() ({
        %run_scoped3A_265 = tpu.sem_alloc : memref<!tpu.dma_semaphore, #tpu.memory_space<semaphore_mem>>
        %dma_start3A_266 = arith.constant 0 : i32
        %dma_start3A_267 = tpu.memref_slice %arg7[%run_scoped3A_20, %dma_start3A_266] : memref<8x64xi32, #tpu.memory_space<vmem>> -> memref<1x64xi32, #tpu.memory_space<vmem>>
        %dma_start3A_268 = tpu.memref_squeeze %dma_start3A_267 : memref<1x64xi32, #tpu.memory_space<vmem>> -> memref<64xi32, #tpu.memory_space<vmem>>
        %dma_start3A_269 = tpu.memref_slice %arg3[%run_scoped3A_19, %add3A_11] : memref<8x4096xi32, #tpu.memory_space<hbm>> -> memref<1x64xi32, #tpu.memory_space<hbm>>
        %dma_start3A_270 = tpu.memref_squeeze %dma_start3A_269 : memref<1x64xi32, #tpu.memory_space<hbm>> -> memref<64xi32, #tpu.memory_space<hbm>>
        %dma_start3A_271 = arith.constant 0 : i32
        %dma_start3A_272 = tpu.memref_slice %arg7[%run_scoped3A_20, %dma_start3A_271] : memref<8x64xi32, #tpu.memory_space<vmem>> -> memref<1x64xi32, #tpu.memory_space<vmem>>
        %dma_start3A_273 = tpu.memref_squeeze %dma_start3A_272 : memref<1x64xi32, #tpu.memory_space<vmem>> -> memref<64xi32, #tpu.memory_space<vmem>>
        %dma_start3A_274 = tpu.memref_slice %arg3[%run_scoped3A_19, %add3A_11] : memref<8x4096xi32, #tpu.memory_space<hbm>> -> memref<1x64xi32, #tpu.memory_space<hbm>>
        %dma_start3A_275 = tpu.memref_squeeze %dma_start3A_274 : memref<1x64xi32, #tpu.memory_space<hbm>> -> memref<64xi32, #tpu.memory_space<hbm>>
        tpu.enqueue_dma source(%dma_start3A_275 : memref<64xi32, #tpu.memory_space<hbm>>) target(%dma_start3A_273 : memref<64xi32, #tpu.memory_space<vmem>>) target_semaphore(%run_scoped3A_265 : memref<!tpu.dma_semaphore, #tpu.memory_space<semaphore_mem>>)
        %dma_wait3A_276 = arith.constant 0 : i32
        %dma_wait3A_277 = tpu.memref_slice %arg7[%run_scoped3A_20, %dma_wait3A_276] : memref<8x64xi32, #tpu.memory_space<vmem>> -> memref<1x64xi32, #tpu.memory_space<vmem>>
        %dma_wait3A_278 = tpu.memref_squeeze %dma_wait3A_277 : memref<1x64xi32, #tpu.memory_space<vmem>> -> memref<64xi32, #tpu.memory_space<vmem>>
        %dma_wait3A_279 = tpu.memref_slice %arg3[%run_scoped3A_19, %add3A_11] : memref<8x4096xi32, #tpu.memory_space<hbm>> -> memref<1x64xi32, #tpu.memory_space<hbm>>
        %dma_wait3A_280 = tpu.memref_squeeze %dma_wait3A_279 : memref<1x64xi32, #tpu.memory_space<hbm>> -> memref<64xi32, #tpu.memory_space<hbm>>
        %dma_wait3A_281 = arith.constant 0 : i32
        %dma_wait3A_282 = tpu.memref_slice %arg7[%run_scoped3A_20, %dma_wait3A_281] : memref<8x64xi32, #tpu.memory_space<vmem>> -> memref<1x64xi32, #tpu.memory_space<vmem>>
        %dma_wait3A_283 = tpu.memref_squeeze %dma_wait3A_282 : memref<1x64xi32, #tpu.memory_space<vmem>> -> memref<64xi32, #tpu.memory_space<vmem>>
        %dma_wait3A_284 = tpu.memref_slice %arg3[%run_scoped3A_19, %add3A_11] : memref<8x4096xi32, #tpu.memory_space<hbm>> -> memref<1x64xi32, #tpu.memory_space<hbm>>
        %dma_wait3A_285 = tpu.memref_squeeze %dma_wait3A_284 : memref<1x64xi32, #tpu.memory_space<hbm>> -> memref<64xi32, #tpu.memory_space<hbm>>
        tpu.wait_dma2 semaphore(%run_scoped3A_265 : memref<!tpu.dma_semaphore, #tpu.memory_space<semaphore_mem>>) src(%dma_wait3A_285 : memref<64xi32, #tpu.memory_space<hbm>>) dst(%dma_wait3A_283 : memref<64xi32, #tpu.memory_space<vmem>>)
        tpu.yield
      }) : () -> ()
      %run_scoped3A_21 = arith.constant 5 : i32
      %run_scoped3A_22 = arith.constant 5 : i32
      "tpu.region"() ({
        %run_scoped3A_265 = tpu.sem_alloc : memref<!tpu.dma_semaphore, #tpu.memory_space<semaphore_mem>>
        %dma_start3A_266 = arith.constant 0 : i32
        %dma_start3A_267 = tpu.memref_slice %arg7[%run_scoped3A_22, %dma_start3A_266] : memref<8x64xi32, #tpu.memory_space<vmem>> -> memref<1x64xi32, #tpu.memory_space<vmem>>
        %dma_start3A_268 = tpu.memref_squeeze %dma_start3A_267 : memref<1x64xi32, #tpu.memory_space<vmem>> -> memref<64xi32, #tpu.memory_space<vmem>>
        %dma_start3A_269 = tpu.memref_slice %arg3[%run_scoped3A_21, %add3A_11] : memref<8x4096xi32, #tpu.memory_space<hbm>> -> memref<1x64xi32, #tpu.memory_space<hbm>>
        %dma_start3A_270 = tpu.memref_squeeze %dma_start3A_269 : memref<1x64xi32, #tpu.memory_space<hbm>> -> memref<64xi32, #tpu.memory_space<hbm>>
        %dma_start3A_271 = arith.constant 0 : i32
        %dma_start3A_272 = tpu.memref_slice %arg7[%run_scoped3A_22, %dma_start3A_271] : memref<8x64xi32, #tpu.memory_space<vmem>> -> memref<1x64xi32, #tpu.memory_space<vmem>>
        %dma_start3A_273 = tpu.memref_squeeze %dma_start3A_272 : memref<1x64xi32, #tpu.memory_space<vmem>> -> memref<64xi32, #tpu.memory_space<vmem>>
        %dma_start3A_274 = tpu.memref_slice %arg3[%run_scoped3A_21, %add3A_11] : memref<8x4096xi32, #tpu.memory_space<hbm>> -> memref<1x64xi32, #tpu.memory_space<hbm>>
        %dma_start3A_275 = tpu.memref_squeeze %dma_start3A_274 : memref<1x64xi32, #tpu.memory_space<hbm>> -> memref<64xi32, #tpu.memory_space<hbm>>
        tpu.enqueue_dma source(%dma_start3A_275 : memref<64xi32, #tpu.memory_space<hbm>>) target(%dma_start3A_273 : memref<64xi32, #tpu.memory_space<vmem>>) target_semaphore(%run_scoped3A_265 : memref<!tpu.dma_semaphore, #tpu.memory_space<semaphore_mem>>)
        %dma_wait3A_276 = arith.constant 0 : i32
        %dma_wait3A_277 = tpu.memref_slice %arg7[%run_scoped3A_22, %dma_wait3A_276] : memref<8x64xi32, #tpu.memory_space<vmem>> -> memref<1x64xi32, #tpu.memory_space<vmem>>
        %dma_wait3A_278 = tpu.memref_squeeze %dma_wait3A_277 : memref<1x64xi32, #tpu.memory_space<vmem>> -> memref<64xi32, #tpu.memory_space<vmem>>
        %dma_wait3A_279 = tpu.memref_slice %arg3[%run_scoped3A_21, %add3A_11] : memref<8x4096xi32, #tpu.memory_space<hbm>> -> memref<1x64xi32, #tpu.memory_space<hbm>>
        %dma_wait3A_280 = tpu.memref_squeeze %dma_wait3A_279 : memref<1x64xi32, #tpu.memory_space<hbm>> -> memref<64xi32, #tpu.memory_space<hbm>>
        %dma_wait3A_281 = arith.constant 0 : i32
        %dma_wait3A_282 = tpu.memref_slice %arg7[%run_scoped3A_22, %dma_wait3A_281] : memref<8x64xi32, #tpu.memory_space<vmem>> -> memref<1x64xi32, #tpu.memory_space<vmem>>
        %dma_wait3A_283 = tpu.memref_squeeze %dma_wait3A_282 : memref<1x64xi32, #tpu.memory_space<vmem>> -> memref<64xi32, #tpu.memory_space<vmem>>
        %dma_wait3A_284 = tpu.memref_slice %arg3[%run_scoped3A_21, %add3A_11] : memref<8x4096xi32, #tpu.memory_space<hbm>> -> memref<1x64xi32, #tpu.memory_space<hbm>>
        %dma_wait3A_285 = tpu.memref_squeeze %dma_wait3A_284 : memref<1x64xi32, #tpu.memory_space<hbm>> -> memref<64xi32, #tpu.memory_space<hbm>>
        tpu.wait_dma2 semaphore(%run_scoped3A_265 : memref<!tpu.dma_semaphore, #tpu.memory_space<semaphore_mem>>) src(%dma_wait3A_285 : memref<64xi32, #tpu.memory_space<hbm>>) dst(%dma_wait3A_283 : memref<64xi32, #tpu.memory_space<vmem>>)
        tpu.yield
      }) : () -> ()
      %run_scoped3A_23 = arith.constant 6 : i32
      %run_scoped3A_24 = arith.constant 6 : i32
      "tpu.region"() ({
        %run_scoped3A_265 = tpu.sem_alloc : memref<!tpu.dma_semaphore, #tpu.memory_space<semaphore_mem>>
        %dma_start3A_266 = arith.constant 0 : i32
        %dma_start3A_267 = tpu.memref_slice %arg7[%run_scoped3A_24, %dma_start3A_266] : memref<8x64xi32, #tpu.memory_space<vmem>> -> memref<1x64xi32, #tpu.memory_space<vmem>>
        %dma_start3A_268 = tpu.memref_squeeze %dma_start3A_267 : memref<1x64xi32, #tpu.memory_space<vmem>> -> memref<64xi32, #tpu.memory_space<vmem>>
        %dma_start3A_269 = tpu.memref_slice %arg3[%run_scoped3A_23, %add3A_11] : memref<8x4096xi32, #tpu.memory_space<hbm>> -> memref<1x64xi32, #tpu.memory_space<hbm>>
        %dma_start3A_270 = tpu.memref_squeeze %dma_start3A_269 : memref<1x64xi32, #tpu.memory_space<hbm>> -> memref<64xi32, #tpu.memory_space<hbm>>
        %dma_start3A_271 = arith.constant 0 : i32
        %dma_start3A_272 = tpu.memref_slice %arg7[%run_scoped3A_24, %dma_start3A_271] : memref<8x64xi32, #tpu.memory_space<vmem>> -> memref<1x64xi32, #tpu.memory_space<vmem>>
        %dma_start3A_273 = tpu.memref_squeeze %dma_start3A_272 : memref<1x64xi32, #tpu.memory_space<vmem>> -> memref<64xi32, #tpu.memory_space<vmem>>
        %dma_start3A_274 = tpu.memref_slice %arg3[%run_scoped3A_23, %add3A_11] : memref<8x4096xi32, #tpu.memory_space<hbm>> -> memref<1x64xi32, #tpu.memory_space<hbm>>
        %dma_start3A_275 = tpu.memref_squeeze %dma_start3A_274 : memref<1x64xi32, #tpu.memory_space<hbm>> -> memref<64xi32, #tpu.memory_space<hbm>>
        tpu.enqueue_dma source(%dma_start3A_275 : memref<64xi32, #tpu.memory_space<hbm>>) target(%dma_start3A_273 : memref<64xi32, #tpu.memory_space<vmem>>) target_semaphore(%run_scoped3A_265 : memref<!tpu.dma_semaphore, #tpu.memory_space<semaphore_mem>>)
        %dma_wait3A_276 = arith.constant 0 : i32
        %dma_wait3A_277 = tpu.memref_slice %arg7[%run_scoped3A_24, %dma_wait3A_276] : memref<8x64xi32, #tpu.memory_space<vmem>> -> memref<1x64xi32, #tpu.memory_space<vmem>>
        %dma_wait3A_278 = tpu.memref_squeeze %dma_wait3A_277 : memref<1x64xi32, #tpu.memory_space<vmem>> -> memref<64xi32, #tpu.memory_space<vmem>>
        %dma_wait3A_279 = tpu.memref_slice %arg3[%run_scoped3A_23, %add3A_11] : memref<8x4096xi32, #tpu.memory_space<hbm>> -> memref<1x64xi32, #tpu.memory_space<hbm>>
        %dma_wait3A_280 = tpu.memref_squeeze %dma_wait3A_279 : memref<1x64xi32, #tpu.memory_space<hbm>> -> memref<64xi32, #tpu.memory_space<hbm>>
        %dma_wait3A_281 = arith.constant 0 : i32
        %dma_wait3A_282 = tpu.memref_slice %arg7[%run_scoped3A_24, %dma_wait3A_281] : memref<8x64xi32, #tpu.memory_space<vmem>> -> memref<1x64xi32, #tpu.memory_space<vmem>>
        %dma_wait3A_283 = tpu.memref_squeeze %dma_wait3A_282 : memref<1x64xi32, #tpu.memory_space<vmem>> -> memref<64xi32, #tpu.memory_space<vmem>>
        %dma_wait3A_284 = tpu.memref_slice %arg3[%run_scoped3A_23, %add3A_11] : memref<8x4096xi32, #tpu.memory_space<hbm>> -> memref<1x64xi32, #tpu.memory_space<hbm>>
        %dma_wait3A_285 = tpu.memref_squeeze %dma_wait3A_284 : memref<1x64xi32, #tpu.memory_space<hbm>> -> memref<64xi32, #tpu.memory_space<hbm>>
        tpu.wait_dma2 semaphore(%run_scoped3A_265 : memref<!tpu.dma_semaphore, #tpu.memory_space<semaphore_mem>>) src(%dma_wait3A_285 : memref<64xi32, #tpu.memory_space<hbm>>) dst(%dma_wait3A_283 : memref<64xi32, #tpu.memory_space<vmem>>)
        tpu.yield
      }) : () -> ()
      %run_scoped3A_25 = arith.constant 7 : i32
      %run_scoped3A_26 = arith.constant 7 : i32
      "tpu.region"() ({
        %run_scoped3A_265 = tpu.sem_alloc : memref<!tpu.dma_semaphore, #tpu.memory_space<semaphore_mem>>
        %dma_start3A_266 = arith.constant 0 : i32
        %dma_start3A_267 = tpu.memref_slice %arg7[%run_scoped3A_26, %dma_start3A_266] : memref<8x64xi32, #tpu.memory_space<vmem>> -> memref<1x64xi32, #tpu.memory_space<vmem>>
        %dma_start3A_268 = tpu.memref_squeeze %dma_start3A_267 : memref<1x64xi32, #tpu.memory_space<vmem>> -> memref<64xi32, #tpu.memory_space<vmem>>
        %dma_start3A_269 = tpu.memref_slice %arg3[%run_scoped3A_25, %add3A_11] : memref<8x4096xi32, #tpu.memory_space<hbm>> -> memref<1x64xi32, #tpu.memory_space<hbm>>
        %dma_start3A_270 = tpu.memref_squeeze %dma_start3A_269 : memref<1x64xi32, #tpu.memory_space<hbm>> -> memref<64xi32, #tpu.memory_space<hbm>>
        %dma_start3A_271 = arith.constant 0 : i32
        %dma_start3A_272 = tpu.memref_slice %arg7[%run_scoped3A_26, %dma_start3A_271] : memref<8x64xi32, #tpu.memory_space<vmem>> -> memref<1x64xi32, #tpu.memory_space<vmem>>
        %dma_start3A_273 = tpu.memref_squeeze %dma_start3A_272 : memref<1x64xi32, #tpu.memory_space<vmem>> -> memref<64xi32, #tpu.memory_space<vmem>>
        %dma_start3A_274 = tpu.memref_slice %arg3[%run_scoped3A_25, %add3A_11] : memref<8x4096xi32, #tpu.memory_space<hbm>> -> memref<1x64xi32, #tpu.memory_space<hbm>>
        %dma_start3A_275 = tpu.memref_squeeze %dma_start3A_274 : memref<1x64xi32, #tpu.memory_space<hbm>> -> memref<64xi32, #tpu.memory_space<hbm>>
        tpu.enqueue_dma source(%dma_start3A_275 : memref<64xi32, #tpu.memory_space<hbm>>) target(%dma_start3A_273 : memref<64xi32, #tpu.memory_space<vmem>>) target_semaphore(%run_scoped3A_265 : memref<!tpu.dma_semaphore, #tpu.memory_space<semaphore_mem>>)
        %dma_wait3A_276 = arith.constant 0 : i32
        %dma_wait3A_277 = tpu.memref_slice %arg7[%run_scoped3A_26, %dma_wait3A_276] : memref<8x64xi32, #tpu.memory_space<vmem>> -> memref<1x64xi32, #tpu.memory_space<vmem>>
        %dma_wait3A_278 = tpu.memref_squeeze %dma_wait3A_277 : memref<1x64xi32, #tpu.memory_space<vmem>> -> memref<64xi32, #tpu.memory_space<vmem>>
        %dma_wait3A_279 = tpu.memref_slice %arg3[%run_scoped3A_25, %add3A_11] : memref<8x4096xi32, #tpu.memory_space<hbm>> -> memref<1x64xi32, #tpu.memory_space<hbm>>
        %dma_wait3A_280 = tpu.memref_squeeze %dma_wait3A_279 : memref<1x64xi32, #tpu.memory_space<hbm>> -> memref<64xi32, #tpu.memory_space<hbm>>
        %dma_wait3A_281 = arith.constant 0 : i32
        %dma_wait3A_282 = tpu.memref_slice %arg7[%run_scoped3A_26, %dma_wait3A_281] : memref<8x64xi32, #tpu.memory_space<vmem>> -> memref<1x64xi32, #tpu.memory_space<vmem>>
        %dma_wait3A_283 = tpu.memref_squeeze %dma_wait3A_282 : memref<1x64xi32, #tpu.memory_space<vmem>> -> memref<64xi32, #tpu.memory_space<vmem>>
        %dma_wait3A_284 = tpu.memref_slice %arg3[%run_scoped3A_25, %add3A_11] : memref<8x4096xi32, #tpu.memory_space<hbm>> -> memref<1x64xi32, #tpu.memory_space<hbm>>
        %dma_wait3A_285 = tpu.memref_squeeze %dma_wait3A_284 : memref<1x64xi32, #tpu.memory_space<hbm>> -> memref<64xi32, #tpu.memory_space<hbm>>
        tpu.wait_dma2 semaphore(%run_scoped3A_265 : memref<!tpu.dma_semaphore, #tpu.memory_space<semaphore_mem>>) src(%dma_wait3A_285 : memref<64xi32, #tpu.memory_space<hbm>>) dst(%dma_wait3A_283 : memref<64xi32, #tpu.memory_space<vmem>>)
        tpu.yield
      }) : () -> ()
      %dma_start3A = arith.constant 0 : i32
      %dma_start3A_27 = arith.constant 0 : i32
      %dma_start3A_28 = tpu.memref_slice %arg7[%dma_start3A, %dma_start3A_27] : memref<8x64xi32, #tpu.memory_space<vmem>> -> memref<1x64xi32, #tpu.memory_space<vmem>>
      %dma_start3A_29 = tpu.memref_squeeze %dma_start3A_28 : memref<1x64xi32, #tpu.memory_space<vmem>> -> memref<64xi32, #tpu.memory_space<vmem>>
      %dma_start3A_30 = arith.constant 0 : i32
      %dma_start3A_31 = arith.constant 0 : i32
      %dma_start3A_32 = tpu.memref_slice %arg5[%dma_start3A_30, %dma_start3A_31] : memref<40960x1024xf32, #tpu.memory_space<hbm>> -> memref<40960x1024xf32, #tpu.memory_space<hbm>>
      tpu.enqueue_indirect_dma source(%arg10 : memref<64x1024xf32, #tpu.memory_space<vmem>>) target(%dma_start3A_32 : memref<40960x1024xf32, #tpu.memory_space<hbm>>) offsets(%dma_start3A_29 : memref<64xi32, #tpu.memory_space<vmem>>) semaphore(%arg11 : memref<!tpu.dma_semaphore, #tpu.memory_space<semaphore_mem>>)
      %dma_start3A_33 = arith.constant 1 : i32
      %dma_start3A_34 = arith.constant 0 : i32
      %dma_start3A_35 = tpu.memref_slice %arg7[%dma_start3A_33, %dma_start3A_34] : memref<8x64xi32, #tpu.memory_space<vmem>> -> memref<1x64xi32, #tpu.memory_space<vmem>>
      %dma_start3A_36 = tpu.memref_squeeze %dma_start3A_35 : memref<1x64xi32, #tpu.memory_space<vmem>> -> memref<64xi32, #tpu.memory_space<vmem>>
      %dma_start3A_37 = arith.constant 0 : i32
      %dma_start3A_38 = arith.constant 0 : i32
      %dma_start3A_39 = tpu.memref_slice %arg5[%dma_start3A_37, %dma_start3A_38] : memref<40960x1024xf32, #tpu.memory_space<hbm>> -> memref<40960x1024xf32, #tpu.memory_space<hbm>>
      tpu.enqueue_indirect_dma source(%arg10 : memref<64x1024xf32, #tpu.memory_space<vmem>>) target(%dma_start3A_39 : memref<40960x1024xf32, #tpu.memory_space<hbm>>) offsets(%dma_start3A_36 : memref<64xi32, #tpu.memory_space<vmem>>) semaphore(%arg11 : memref<!tpu.dma_semaphore, #tpu.memory_space<semaphore_mem>>)
      %dma_start3A_40 = arith.constant 2 : i32
      %dma_start3A_41 = arith.constant 0 : i32
      %dma_start3A_42 = tpu.memref_slice %arg7[%dma_start3A_40, %dma_start3A_41] : memref<8x64xi32, #tpu.memory_space<vmem>> -> memref<1x64xi32, #tpu.memory_space<vmem>>
      %dma_start3A_43 = tpu.memref_squeeze %dma_start3A_42 : memref<1x64xi32, #tpu.memory_space<vmem>> -> memref<64xi32, #tpu.memory_space<vmem>>
      %dma_start3A_44 = arith.constant 0 : i32
      %dma_start3A_45 = arith.constant 0 : i32
      %dma_start3A_46 = tpu.memref_slice %arg5[%dma_start3A_44, %dma_start3A_45] : memref<40960x1024xf32, #tpu.memory_space<hbm>> -> memref<40960x1024xf32, #tpu.memory_space<hbm>>
      tpu.enqueue_indirect_dma source(%arg10 : memref<64x1024xf32, #tpu.memory_space<vmem>>) target(%dma_start3A_46 : memref<40960x1024xf32, #tpu.memory_space<hbm>>) offsets(%dma_start3A_43 : memref<64xi32, #tpu.memory_space<vmem>>) semaphore(%arg11 : memref<!tpu.dma_semaphore, #tpu.memory_space<semaphore_mem>>)
      %dma_start3A_47 = arith.constant 3 : i32
      %dma_start3A_48 = arith.constant 0 : i32
      %dma_start3A_49 = tpu.memref_slice %arg7[%dma_start3A_47, %dma_start3A_48] : memref<8x64xi32, #tpu.memory_space<vmem>> -> memref<1x64xi32, #tpu.memory_space<vmem>>
      %dma_start3A_50 = tpu.memref_squeeze %dma_start3A_49 : memref<1x64xi32, #tpu.memory_space<vmem>> -> memref<64xi32, #tpu.memory_space<vmem>>
      %dma_start3A_51 = arith.constant 0 : i32
      %dma_start3A_52 = arith.constant 0 : i32
      %dma_start3A_53 = tpu.memref_slice %arg5[%dma_start3A_51, %dma_start3A_52] : memref<40960x1024xf32, #tpu.memory_space<hbm>> -> memref<40960x1024xf32, #tpu.memory_space<hbm>>
      tpu.enqueue_indirect_dma source(%arg10 : memref<64x1024xf32, #tpu.memory_space<vmem>>) target(%dma_start3A_53 : memref<40960x1024xf32, #tpu.memory_space<hbm>>) offsets(%dma_start3A_50 : memref<64xi32, #tpu.memory_space<vmem>>) semaphore(%arg11 : memref<!tpu.dma_semaphore, #tpu.memory_space<semaphore_mem>>)
      %dma_start3A_54 = arith.constant 4 : i32
      %dma_start3A_55 = arith.constant 0 : i32
      %dma_start3A_56 = tpu.memref_slice %arg7[%dma_start3A_54, %dma_start3A_55] : memref<8x64xi32, #tpu.memory_space<vmem>> -> memref<1x64xi32, #tpu.memory_space<vmem>>
      %dma_start3A_57 = tpu.memref_squeeze %dma_start3A_56 : memref<1x64xi32, #tpu.memory_space<vmem>> -> memref<64xi32, #tpu.memory_space<vmem>>
      %dma_start3A_58 = arith.constant 0 : i32
      %dma_start3A_59 = arith.constant 0 : i32
      %dma_start3A_60 = tpu.memref_slice %arg5[%dma_start3A_58, %dma_start3A_59] : memref<40960x1024xf32, #tpu.memory_space<hbm>> -> memref<40960x1024xf32, #tpu.memory_space<hbm>>
      tpu.enqueue_indirect_dma source(%arg10 : memref<64x1024xf32, #tpu.memory_space<vmem>>) target(%dma_start3A_60 : memref<40960x1024xf32, #tpu.memory_space<hbm>>) offsets(%dma_start3A_57 : memref<64xi32, #tpu.memory_space<vmem>>) semaphore(%arg11 : memref<!tpu.dma_semaphore, #tpu.memory_space<semaphore_mem>>)
      %dma_start3A_61 = arith.constant 5 : i32
      %dma_start3A_62 = arith.constant 0 : i32
      %dma_start3A_63 = tpu.memref_slice %arg7[%dma_start3A_61, %dma_start3A_62] : memref<8x64xi32, #tpu.memory_space<vmem>> -> memref<1x64xi32, #tpu.memory_space<vmem>>
      %dma_start3A_64 = tpu.memref_squeeze %dma_start3A_63 : memref<1x64xi32, #tpu.memory_space<vmem>> -> memref<64xi32, #tpu.memory_space<vmem>>
      %dma_start3A_65 = arith.constant 0 : i32
      %dma_start3A_66 = arith.constant 0 : i32
      %dma_start3A_67 = tpu.memref_slice %arg5[%dma_start3A_65, %dma_start3A_66] : memref<40960x1024xf32, #tpu.memory_space<hbm>> -> memref<40960x1024xf32, #tpu.memory_space<hbm>>
      tpu.enqueue_indirect_dma source(%arg10 : memref<64x1024xf32, #tpu.memory_space<vmem>>) target(%dma_start3A_67 : memref<40960x1024xf32, #tpu.memory_space<hbm>>) offsets(%dma_start3A_64 : memref<64xi32, #tpu.memory_space<vmem>>) semaphore(%arg11 : memref<!tpu.dma_semaphore, #tpu.memory_space<semaphore_mem>>)
      %dma_start3A_68 = arith.constant 6 : i32
      %dma_start3A_69 = arith.constant 0 : i32
      %dma_start3A_70 = tpu.memref_slice %arg7[%dma_start3A_68, %dma_start3A_69] : memref<8x64xi32, #tpu.memory_space<vmem>> -> memref<1x64xi32, #tpu.memory_space<vmem>>
      %dma_start3A_71 = tpu.memref_squeeze %dma_start3A_70 : memref<1x64xi32, #tpu.memory_space<vmem>> -> memref<64xi32, #tpu.memory_space<vmem>>
      %dma_start3A_72 = arith.constant 0 : i32
      %dma_start3A_73 = arith.constant 0 : i32
      %dma_start3A_74 = tpu.memref_slice %arg5[%dma_start3A_72, %dma_start3A_73] : memref<40960x1024xf32, #tpu.memory_space<hbm>> -> memref<40960x1024xf32, #tpu.memory_space<hbm>>
      tpu.enqueue_indirect_dma source(%arg10 : memref<64x1024xf32, #tpu.memory_space<vmem>>) target(%dma_start3A_74 : memref<40960x1024xf32, #tpu.memory_space<hbm>>) offsets(%dma_start3A_71 : memref<64xi32, #tpu.memory_space<vmem>>) semaphore(%arg11 : memref<!tpu.dma_semaphore, #tpu.memory_space<semaphore_mem>>)
      %dma_start3A_75 = arith.constant 7 : i32
      %dma_start3A_76 = arith.constant 0 : i32
      %dma_start3A_77 = tpu.memref_slice %arg7[%dma_start3A_75, %dma_start3A_76] : memref<8x64xi32, #tpu.memory_space<vmem>> -> memref<1x64xi32, #tpu.memory_space<vmem>>
      %dma_start3A_78 = tpu.memref_squeeze %dma_start3A_77 : memref<1x64xi32, #tpu.memory_space<vmem>> -> memref<64xi32, #tpu.memory_space<vmem>>
      %dma_start3A_79 = arith.constant 0 : i32
      %dma_start3A_80 = arith.constant 0 : i32
      %dma_start3A_81 = tpu.memref_slice %arg5[%dma_start3A_79, %dma_start3A_80] : memref<40960x1024xf32, #tpu.memory_space<hbm>> -> memref<40960x1024xf32, #tpu.memory_space<hbm>>
      tpu.enqueue_indirect_dma source(%arg10 : memref<64x1024xf32, #tpu.memory_space<vmem>>) target(%dma_start3A_81 : memref<40960x1024xf32, #tpu.memory_space<hbm>>) offsets(%dma_start3A_78 : memref<64xi32, #tpu.memory_space<vmem>>) semaphore(%arg11 : memref<!tpu.dma_semaphore, #tpu.memory_space<semaphore_mem>>)
      %add3A_82 = arith.constant 0 : i32
      %add3A_83 = arith.addi %add3A_82, %add3A_11 : i32
      "tpu.region"() ({
        %run_scoped3A_265 = tpu.sem_alloc : memref<!tpu.dma_semaphore, #tpu.memory_space<semaphore_mem>>
        %dma_start3A_266 = arith.constant 0 : i32
        %dma_start3A_267 = tpu.memref_slice %arg4[%add3A_83, %dma_start3A_266] : memref<32768x128xf32, #tpu.memory_space<hbm>> -> memref<64x128xf32, #tpu.memory_space<hbm>>
        %dma_start3A_268 = arith.constant 0 : i32
        %dma_start3A_269 = tpu.memref_slice %arg4[%add3A_83, %dma_start3A_268] : memref<32768x128xf32, #tpu.memory_space<hbm>> -> memref<64x128xf32, #tpu.memory_space<hbm>>
        tpu.enqueue_dma source(%dma_start3A_269 : memref<64x128xf32, #tpu.memory_space<hbm>>) target(%arg8 : memref<64x128xf32, #tpu.memory_space<vmem>>) target_semaphore(%run_scoped3A_265 : memref<!tpu.dma_semaphore, #tpu.memory_space<semaphore_mem>>)
        %dma_wait3A_270 = arith.constant 0 : i32
        %dma_wait3A_271 = tpu.memref_slice %arg4[%add3A_83, %dma_wait3A_270] : memref<32768x128xf32, #tpu.memory_space<hbm>> -> memref<64x128xf32, #tpu.memory_space<hbm>>
        %dma_wait3A_272 = arith.constant 0 : i32
        %dma_wait3A_273 = tpu.memref_slice %arg4[%add3A_83, %dma_wait3A_272] : memref<32768x128xf32, #tpu.memory_space<hbm>> -> memref<64x128xf32, #tpu.memory_space<hbm>>
        tpu.wait_dma2 semaphore(%run_scoped3A_265 : memref<!tpu.dma_semaphore, #tpu.memory_space<semaphore_mem>>) src(%dma_wait3A_273 : memref<64x128xf32, #tpu.memory_space<hbm>>) dst(%arg8 : memref<64x128xf32, #tpu.memory_space<vmem>>)
        tpu.yield
      }) : () -> ()
      %dma_start3A_84 = arith.constant 0 : i32
      %dma_start3A_85 = arith.constant 0 : i32
      %dma_start3A_86 = tpu.memref_slice %arg7[%dma_start3A_84, %dma_start3A_85] : memref<8x64xi32, #tpu.memory_space<vmem>> -> memref<1x64xi32, #tpu.memory_space<vmem>>
      %dma_start3A_87 = tpu.memref_squeeze %dma_start3A_86 : memref<1x64xi32, #tpu.memory_space<vmem>> -> memref<64xi32, #tpu.memory_space<vmem>>
      %dma_start3A_88 = arith.constant 0 : i32
      %dma_start3A_89 = arith.constant 0 : i32
      %dma_start3A_90 = tpu.memref_slice %arg6[%dma_start3A_88, %dma_start3A_89] : memref<40960x128xf32, #tpu.memory_space<hbm>> -> memref<40960x128xf32, #tpu.memory_space<hbm>>
      tpu.enqueue_indirect_dma source(%arg8 : memref<64x128xf32, #tpu.memory_space<vmem>>) target(%dma_start3A_90 : memref<40960x128xf32, #tpu.memory_space<hbm>>) offsets(%dma_start3A_87 : memref<64xi32, #tpu.memory_space<vmem>>) semaphore(%arg12 : memref<!tpu.dma_semaphore, #tpu.memory_space<semaphore_mem>>)
      %add3A_91 = arith.constant 4096 : i32
      %add3A_92 = arith.addi %add3A_91, %add3A_11 : i32
      "tpu.region"() ({
        %run_scoped3A_265 = tpu.sem_alloc : memref<!tpu.dma_semaphore, #tpu.memory_space<semaphore_mem>>
        %dma_start3A_266 = arith.constant 0 : i32
        %dma_start3A_267 = tpu.memref_slice %arg4[%add3A_92, %dma_start3A_266] : memref<32768x128xf32, #tpu.memory_space<hbm>> -> memref<64x128xf32, #tpu.memory_space<hbm>>
        %dma_start3A_268 = arith.constant 0 : i32
        %dma_start3A_269 = tpu.memref_slice %arg4[%add3A_92, %dma_start3A_268] : memref<32768x128xf32, #tpu.memory_space<hbm>> -> memref<64x128xf32, #tpu.memory_space<hbm>>
        tpu.enqueue_dma source(%dma_start3A_269 : memref<64x128xf32, #tpu.memory_space<hbm>>) target(%arg9 : memref<64x128xf32, #tpu.memory_space<vmem>>) target_semaphore(%run_scoped3A_265 : memref<!tpu.dma_semaphore, #tpu.memory_space<semaphore_mem>>)
        %dma_wait3A_270 = arith.constant 0 : i32
        %dma_wait3A_271 = tpu.memref_slice %arg4[%add3A_92, %dma_wait3A_270] : memref<32768x128xf32, #tpu.memory_space<hbm>> -> memref<64x128xf32, #tpu.memory_space<hbm>>
        %dma_wait3A_272 = arith.constant 0 : i32
        %dma_wait3A_273 = tpu.memref_slice %arg4[%add3A_92, %dma_wait3A_272] : memref<32768x128xf32, #tpu.memory_space<hbm>> -> memref<64x128xf32, #tpu.memory_space<hbm>>
        tpu.wait_dma2 semaphore(%run_scoped3A_265 : memref<!tpu.dma_semaphore, #tpu.memory_space<semaphore_mem>>) src(%dma_wait3A_273 : memref<64x128xf32, #tpu.memory_space<hbm>>) dst(%arg9 : memref<64x128xf32, #tpu.memory_space<vmem>>)
        tpu.yield
      }) : () -> ()
      %dma_start3A_93 = arith.constant 1 : i32
      %dma_start3A_94 = arith.constant 0 : i32
      %dma_start3A_95 = tpu.memref_slice %arg7[%dma_start3A_93, %dma_start3A_94] : memref<8x64xi32, #tpu.memory_space<vmem>> -> memref<1x64xi32, #tpu.memory_space<vmem>>
      %dma_start3A_96 = tpu.memref_squeeze %dma_start3A_95 : memref<1x64xi32, #tpu.memory_space<vmem>> -> memref<64xi32, #tpu.memory_space<vmem>>
      %dma_start3A_97 = arith.constant 0 : i32
      %dma_start3A_98 = arith.constant 0 : i32
      %dma_start3A_99 = tpu.memref_slice %arg6[%dma_start3A_97, %dma_start3A_98] : memref<40960x128xf32, #tpu.memory_space<hbm>> -> memref<40960x128xf32, #tpu.memory_space<hbm>>
      tpu.enqueue_indirect_dma source(%arg9 : memref<64x128xf32, #tpu.memory_space<vmem>>) target(%dma_start3A_99 : memref<40960x128xf32, #tpu.memory_space<hbm>>) offsets(%dma_start3A_96 : memref<64xi32, #tpu.memory_space<vmem>>) semaphore(%arg12 : memref<!tpu.dma_semaphore, #tpu.memory_space<semaphore_mem>>)
      %dma_wait3A = arith.constant 0 : i32
      %dma_wait3A_100 = arith.constant 0 : i32
      %dma_wait3A_101 = tpu.memref_slice %arg7[%dma_wait3A, %dma_wait3A_100] : memref<8x64xi32, #tpu.memory_space<vmem>> -> memref<1x64xi32, #tpu.memory_space<vmem>>
      %dma_wait3A_102 = tpu.memref_squeeze %dma_wait3A_101 : memref<1x64xi32, #tpu.memory_space<vmem>> -> memref<64xi32, #tpu.memory_space<vmem>>
      %dma_wait3A_103 = arith.constant 0 : i32
      %dma_wait3A_104 = arith.constant 0 : i32
      %dma_wait3A_105 = tpu.memref_slice %arg6[%dma_wait3A_103, %dma_wait3A_104] : memref<40960x128xf32, #tpu.memory_space<hbm>> -> memref<40960x128xf32, #tpu.memory_space<hbm>>
      tpu.wait_indirect_dma semaphore(%arg12 : memref<!tpu.dma_semaphore, #tpu.memory_space<semaphore_mem>>) src(%arg8 : memref<64x128xf32, #tpu.memory_space<vmem>>) dst(%dma_wait3A_105 : memref<40960x128xf32, #tpu.memory_space<hbm>>)
      %add3A_106 = arith.constant 8192 : i32
      %add3A_107 = arith.addi %add3A_106, %add3A_11 : i32
      "tpu.region"() ({
        %run_scoped3A_265 = tpu.sem_alloc : memref<!tpu.dma_semaphore, #tpu.memory_space<semaphore_mem>>
        %dma_start3A_266 = arith.constant 0 : i32
        %dma_start3A_267 = tpu.memref_slice %arg4[%add3A_107, %dma_start3A_266] : memref<32768x128xf32, #tpu.memory_space<hbm>> -> memref<64x128xf32, #tpu.memory_space<hbm>>
        %dma_start3A_268 = arith.constant 0 : i32
        %dma_start3A_269 = tpu.memref_slice %arg4[%add3A_107, %dma_start3A_268] : memref<32768x128xf32, #tpu.memory_space<hbm>> -> memref<64x128xf32, #tpu.memory_space<hbm>>
        tpu.enqueue_dma source(%dma_start3A_269 : memref<64x128xf32, #tpu.memory_space<hbm>>) target(%arg8 : memref<64x128xf32, #tpu.memory_space<vmem>>) target_semaphore(%run_scoped3A_265 : memref<!tpu.dma_semaphore, #tpu.memory_space<semaphore_mem>>)
        %dma_wait3A_270 = arith.constant 0 : i32
        %dma_wait3A_271 = tpu.memref_slice %arg4[%add3A_107, %dma_wait3A_270] : memref<32768x128xf32, #tpu.memory_space<hbm>> -> memref<64x128xf32, #tpu.memory_space<hbm>>
        %dma_wait3A_272 = arith.constant 0 : i32
        %dma_wait3A_273 = tpu.memref_slice %arg4[%add3A_107, %dma_wait3A_272] : memref<32768x128xf32, #tpu.memory_space<hbm>> -> memref<64x128xf32, #tpu.memory_space<hbm>>
        tpu.wait_dma2 semaphore(%run_scoped3A_265 : memref<!tpu.dma_semaphore, #tpu.memory_space<semaphore_mem>>) src(%dma_wait3A_273 : memref<64x128xf32, #tpu.memory_space<hbm>>) dst(%arg8 : memref<64x128xf32, #tpu.memory_space<vmem>>)
        tpu.yield
      }) : () -> ()
      %dma_start3A_108 = arith.constant 2 : i32
      %dma_start3A_109 = arith.constant 0 : i32
      %dma_start3A_110 = tpu.memref_slice %arg7[%dma_start3A_108, %dma_start3A_109] : memref<8x64xi32, #tpu.memory_space<vmem>> -> memref<1x64xi32, #tpu.memory_space<vmem>>
      %dma_start3A_111 = tpu.memref_squeeze %dma_start3A_110 : memref<1x64xi32, #tpu.memory_space<vmem>> -> memref<64xi32, #tpu.memory_space<vmem>>
      %dma_start3A_112 = arith.constant 0 : i32
      %dma_start3A_113 = arith.constant 0 : i32
      %dma_start3A_114 = tpu.memref_slice %arg6[%dma_start3A_112, %dma_start3A_113] : memref<40960x128xf32, #tpu.memory_space<hbm>> -> memref<40960x128xf32, #tpu.memory_space<hbm>>
      tpu.enqueue_indirect_dma source(%arg8 : memref<64x128xf32, #tpu.memory_space<vmem>>) target(%dma_start3A_114 : memref<40960x128xf32, #tpu.memory_space<hbm>>) offsets(%dma_start3A_111 : memref<64xi32, #tpu.memory_space<vmem>>) semaphore(%arg12 : memref<!tpu.dma_semaphore, #tpu.memory_space<semaphore_mem>>)
      %dma_wait3A_115 = arith.constant 1 : i32
      %dma_wait3A_116 = arith.constant 0 : i32
      %dma_wait3A_117 = tpu.memref_slice %arg7[%dma_wait3A_115, %dma_wait3A_116] : memref<8x64xi32, #tpu.memory_space<vmem>> -> memref<1x64xi32, #tpu.memory_space<vmem>>
      %dma_wait3A_118 = tpu.memref_squeeze %dma_wait3A_117 : memref<1x64xi32, #tpu.memory_space<vmem>> -> memref<64xi32, #tpu.memory_space<vmem>>
      %dma_wait3A_119 = arith.constant 0 : i32
      %dma_wait3A_120 = arith.constant 0 : i32
      %dma_wait3A_121 = tpu.memref_slice %arg6[%dma_wait3A_119, %dma_wait3A_120] : memref<40960x128xf32, #tpu.memory_space<hbm>> -> memref<40960x128xf32, #tpu.memory_space<hbm>>
      tpu.wait_indirect_dma semaphore(%arg12 : memref<!tpu.dma_semaphore, #tpu.memory_space<semaphore_mem>>) src(%arg9 : memref<64x128xf32, #tpu.memory_space<vmem>>) dst(%dma_wait3A_121 : memref<40960x128xf32, #tpu.memory_space<hbm>>)
      %add3A_122 = arith.constant 12288 : i32
      %add3A_123 = arith.addi %add3A_122, %add3A_11 : i32
      "tpu.region"() ({
        %run_scoped3A_265 = tpu.sem_alloc : memref<!tpu.dma_semaphore, #tpu.memory_space<semaphore_mem>>
        %dma_start3A_266 = arith.constant 0 : i32
        %dma_start3A_267 = tpu.memref_slice %arg4[%add3A_123, %dma_start3A_266] : memref<32768x128xf32, #tpu.memory_space<hbm>> -> memref<64x128xf32, #tpu.memory_space<hbm>>
        %dma_start3A_268 = arith.constant 0 : i32
        %dma_start3A_269 = tpu.memref_slice %arg4[%add3A_123, %dma_start3A_268] : memref<32768x128xf32, #tpu.memory_space<hbm>> -> memref<64x128xf32, #tpu.memory_space<hbm>>
        tpu.enqueue_dma source(%dma_start3A_269 : memref<64x128xf32, #tpu.memory_space<hbm>>) target(%arg9 : memref<64x128xf32, #tpu.memory_space<vmem>>) target_semaphore(%run_scoped3A_265 : memref<!tpu.dma_semaphore, #tpu.memory_space<semaphore_mem>>)
        %dma_wait3A_270 = arith.constant 0 : i32
        %dma_wait3A_271 = tpu.memref_slice %arg4[%add3A_123, %dma_wait3A_270] : memref<32768x128xf32, #tpu.memory_space<hbm>> -> memref<64x128xf32, #tpu.memory_space<hbm>>
        %dma_wait3A_272 = arith.constant 0 : i32
        %dma_wait3A_273 = tpu.memref_slice %arg4[%add3A_123, %dma_wait3A_272] : memref<32768x128xf32, #tpu.memory_space<hbm>> -> memref<64x128xf32, #tpu.memory_space<hbm>>
        tpu.wait_dma2 semaphore(%run_scoped3A_265 : memref<!tpu.dma_semaphore, #tpu.memory_space<semaphore_mem>>) src(%dma_wait3A_273 : memref<64x128xf32, #tpu.memory_space<hbm>>) dst(%arg9 : memref<64x128xf32, #tpu.memory_space<vmem>>)
        tpu.yield
      }) : () -> ()
      %dma_start3A_124 = arith.constant 3 : i32
      %dma_start3A_125 = arith.constant 0 : i32
      %dma_start3A_126 = tpu.memref_slice %arg7[%dma_start3A_124, %dma_start3A_125] : memref<8x64xi32, #tpu.memory_space<vmem>> -> memref<1x64xi32, #tpu.memory_space<vmem>>
      %dma_start3A_127 = tpu.memref_squeeze %dma_start3A_126 : memref<1x64xi32, #tpu.memory_space<vmem>> -> memref<64xi32, #tpu.memory_space<vmem>>
      %dma_start3A_128 = arith.constant 0 : i32
      %dma_start3A_129 = arith.constant 0 : i32
      %dma_start3A_130 = tpu.memref_slice %arg6[%dma_start3A_128, %dma_start3A_129] : memref<40960x128xf32, #tpu.memory_space<hbm>> -> memref<40960x128xf32, #tpu.memory_space<hbm>>
      tpu.enqueue_indirect_dma source(%arg9 : memref<64x128xf32, #tpu.memory_space<vmem>>) target(%dma_start3A_130 : memref<40960x128xf32, #tpu.memory_space<hbm>>) offsets(%dma_start3A_127 : memref<64xi32, #tpu.memory_space<vmem>>) semaphore(%arg12 : memref<!tpu.dma_semaphore, #tpu.memory_space<semaphore_mem>>)
      %dma_wait3A_131 = arith.constant 2 : i32
      %dma_wait3A_132 = arith.constant 0 : i32
      %dma_wait3A_133 = tpu.memref_slice %arg7[%dma_wait3A_131, %dma_wait3A_132] : memref<8x64xi32, #tpu.memory_space<vmem>> -> memref<1x64xi32, #tpu.memory_space<vmem>>
      %dma_wait3A_134 = tpu.memref_squeeze %dma_wait3A_133 : memref<1x64xi32, #tpu.memory_space<vmem>> -> memref<64xi32, #tpu.memory_space<vmem>>
      %dma_wait3A_135 = arith.constant 0 : i32
      %dma_wait3A_136 = arith.constant 0 : i32
      %dma_wait3A_137 = tpu.memref_slice %arg6[%dma_wait3A_135, %dma_wait3A_136] : memref<40960x128xf32, #tpu.memory_space<hbm>> -> memref<40960x128xf32, #tpu.memory_space<hbm>>
      tpu.wait_indirect_dma semaphore(%arg12 : memref<!tpu.dma_semaphore, #tpu.memory_space<semaphore_mem>>) src(%arg8 : memref<64x128xf32, #tpu.memory_space<vmem>>) dst(%dma_wait3A_137 : memref<40960x128xf32, #tpu.memory_space<hbm>>)
      %add3A_138 = arith.constant 16384 : i32
      %add3A_139 = arith.addi %add3A_138, %add3A_11 : i32
      "tpu.region"() ({
        %run_scoped3A_265 = tpu.sem_alloc : memref<!tpu.dma_semaphore, #tpu.memory_space<semaphore_mem>>
        %dma_start3A_266 = arith.constant 0 : i32
        %dma_start3A_267 = tpu.memref_slice %arg4[%add3A_139, %dma_start3A_266] : memref<32768x128xf32, #tpu.memory_space<hbm>> -> memref<64x128xf32, #tpu.memory_space<hbm>>
        %dma_start3A_268 = arith.constant 0 : i32
        %dma_start3A_269 = tpu.memref_slice %arg4[%add3A_139, %dma_start3A_268] : memref<32768x128xf32, #tpu.memory_space<hbm>> -> memref<64x128xf32, #tpu.memory_space<hbm>>
        tpu.enqueue_dma source(%dma_start3A_269 : memref<64x128xf32, #tpu.memory_space<hbm>>) target(%arg8 : memref<64x128xf32, #tpu.memory_space<vmem>>) target_semaphore(%run_scoped3A_265 : memref<!tpu.dma_semaphore, #tpu.memory_space<semaphore_mem>>)
        %dma_wait3A_270 = arith.constant 0 : i32
        %dma_wait3A_271 = tpu.memref_slice %arg4[%add3A_139, %dma_wait3A_270] : memref<32768x128xf32, #tpu.memory_space<hbm>> -> memref<64x128xf32, #tpu.memory_space<hbm>>
        %dma_wait3A_272 = arith.constant 0 : i32
        %dma_wait3A_273 = tpu.memref_slice %arg4[%add3A_139, %dma_wait3A_272] : memref<32768x128xf32, #tpu.memory_space<hbm>> -> memref<64x128xf32, #tpu.memory_space<hbm>>
        tpu.wait_dma2 semaphore(%run_scoped3A_265 : memref<!tpu.dma_semaphore, #tpu.memory_space<semaphore_mem>>) src(%dma_wait3A_273 : memref<64x128xf32, #tpu.memory_space<hbm>>) dst(%arg8 : memref<64x128xf32, #tpu.memory_space<vmem>>)
        tpu.yield
      }) : () -> ()
      %dma_start3A_140 = arith.constant 4 : i32
      %dma_start3A_141 = arith.constant 0 : i32
      %dma_start3A_142 = tpu.memref_slice %arg7[%dma_start3A_140, %dma_start3A_141] : memref<8x64xi32, #tpu.memory_space<vmem>> -> memref<1x64xi32, #tpu.memory_space<vmem>>
      %dma_start3A_143 = tpu.memref_squeeze %dma_start3A_142 : memref<1x64xi32, #tpu.memory_space<vmem>> -> memref<64xi32, #tpu.memory_space<vmem>>
      %dma_start3A_144 = arith.constant 0 : i32
      %dma_start3A_145 = arith.constant 0 : i32
      %dma_start3A_146 = tpu.memref_slice %arg6[%dma_start3A_144, %dma_start3A_145] : memref<40960x128xf32, #tpu.memory_space<hbm>> -> memref<40960x128xf32, #tpu.memory_space<hbm>>
      tpu.enqueue_indirect_dma source(%arg8 : memref<64x128xf32, #tpu.memory_space<vmem>>) target(%dma_start3A_146 : memref<40960x128xf32, #tpu.memory_space<hbm>>) offsets(%dma_start3A_143 : memref<64xi32, #tpu.memory_space<vmem>>) semaphore(%arg12 : memref<!tpu.dma_semaphore, #tpu.memory_space<semaphore_mem>>)
      %dma_wait3A_147 = arith.constant 3 : i32
      %dma_wait3A_148 = arith.constant 0 : i32
      %dma_wait3A_149 = tpu.memref_slice %arg7[%dma_wait3A_147, %dma_wait3A_148] : memref<8x64xi32, #tpu.memory_space<vmem>> -> memref<1x64xi32, #tpu.memory_space<vmem>>
      %dma_wait3A_150 = tpu.memref_squeeze %dma_wait3A_149 : memref<1x64xi32, #tpu.memory_space<vmem>> -> memref<64xi32, #tpu.memory_space<vmem>>
      %dma_wait3A_151 = arith.constant 0 : i32
      %dma_wait3A_152 = arith.constant 0 : i32
      %dma_wait3A_153 = tpu.memref_slice %arg6[%dma_wait3A_151, %dma_wait3A_152] : memref<40960x128xf32, #tpu.memory_space<hbm>> -> memref<40960x128xf32, #tpu.memory_space<hbm>>
      tpu.wait_indirect_dma semaphore(%arg12 : memref<!tpu.dma_semaphore, #tpu.memory_space<semaphore_mem>>) src(%arg9 : memref<64x128xf32, #tpu.memory_space<vmem>>) dst(%dma_wait3A_153 : memref<40960x128xf32, #tpu.memory_space<hbm>>)
      %add3A_154 = arith.constant 20480 : i32
      %add3A_155 = arith.addi %add3A_154, %add3A_11 : i32
      "tpu.region"() ({
        %run_scoped3A_265 = tpu.sem_alloc : memref<!tpu.dma_semaphore, #tpu.memory_space<semaphore_mem>>
        %dma_start3A_266 = arith.constant 0 : i32
        %dma_start3A_267 = tpu.memref_slice %arg4[%add3A_155, %dma_start3A_266] : memref<32768x128xf32, #tpu.memory_space<hbm>> -> memref<64x128xf32, #tpu.memory_space<hbm>>
        %dma_start3A_268 = arith.constant 0 : i32
        %dma_start3A_269 = tpu.memref_slice %arg4[%add3A_155, %dma_start3A_268] : memref<32768x128xf32, #tpu.memory_space<hbm>> -> memref<64x128xf32, #tpu.memory_space<hbm>>
        tpu.enqueue_dma source(%dma_start3A_269 : memref<64x128xf32, #tpu.memory_space<hbm>>) target(%arg9 : memref<64x128xf32, #tpu.memory_space<vmem>>) target_semaphore(%run_scoped3A_265 : memref<!tpu.dma_semaphore, #tpu.memory_space<semaphore_mem>>)
        %dma_wait3A_270 = arith.constant 0 : i32
        %dma_wait3A_271 = tpu.memref_slice %arg4[%add3A_155, %dma_wait3A_270] : memref<32768x128xf32, #tpu.memory_space<hbm>> -> memref<64x128xf32, #tpu.memory_space<hbm>>
        %dma_wait3A_272 = arith.constant 0 : i32
        %dma_wait3A_273 = tpu.memref_slice %arg4[%add3A_155, %dma_wait3A_272] : memref<32768x128xf32, #tpu.memory_space<hbm>> -> memref<64x128xf32, #tpu.memory_space<hbm>>
        tpu.wait_dma2 semaphore(%run_scoped3A_265 : memref<!tpu.dma_semaphore, #tpu.memory_space<semaphore_mem>>) src(%dma_wait3A_273 : memref<64x128xf32, #tpu.memory_space<hbm>>) dst(%arg9 : memref<64x128xf32, #tpu.memory_space<vmem>>)
        tpu.yield
      }) : () -> ()
      %dma_start3A_156 = arith.constant 5 : i32
      %dma_start3A_157 = arith.constant 0 : i32
      %dma_start3A_158 = tpu.memref_slice %arg7[%dma_start3A_156, %dma_start3A_157] : memref<8x64xi32, #tpu.memory_space<vmem>> -> memref<1x64xi32, #tpu.memory_space<vmem>>
      %dma_start3A_159 = tpu.memref_squeeze %dma_start3A_158 : memref<1x64xi32, #tpu.memory_space<vmem>> -> memref<64xi32, #tpu.memory_space<vmem>>
      %dma_start3A_160 = arith.constant 0 : i32
      %dma_start3A_161 = arith.constant 0 : i32
      %dma_start3A_162 = tpu.memref_slice %arg6[%dma_start3A_160, %dma_start3A_161] : memref<40960x128xf32, #tpu.memory_space<hbm>> -> memref<40960x128xf32, #tpu.memory_space<hbm>>
      tpu.enqueue_indirect_dma source(%arg9 : memref<64x128xf32, #tpu.memory_space<vmem>>) target(%dma_start3A_162 : memref<40960x128xf32, #tpu.memory_space<hbm>>) offsets(%dma_start3A_159 : memref<64xi32, #tpu.memory_space<vmem>>) semaphore(%arg12 : memref<!tpu.dma_semaphore, #tpu.memory_space<semaphore_mem>>)
      %dma_wait3A_163 = arith.constant 4 : i32
      %dma_wait3A_164 = arith.constant 0 : i32
      %dma_wait3A_165 = tpu.memref_slice %arg7[%dma_wait3A_163, %dma_wait3A_164] : memref<8x64xi32, #tpu.memory_space<vmem>> -> memref<1x64xi32, #tpu.memory_space<vmem>>
      %dma_wait3A_166 = tpu.memref_squeeze %dma_wait3A_165 : memref<1x64xi32, #tpu.memory_space<vmem>> -> memref<64xi32, #tpu.memory_space<vmem>>
      %dma_wait3A_167 = arith.constant 0 : i32
      %dma_wait3A_168 = arith.constant 0 : i32
      %dma_wait3A_169 = tpu.memref_slice %arg6[%dma_wait3A_167, %dma_wait3A_168] : memref<40960x128xf32, #tpu.memory_space<hbm>> -> memref<40960x128xf32, #tpu.memory_space<hbm>>
      tpu.wait_indirect_dma semaphore(%arg12 : memref<!tpu.dma_semaphore, #tpu.memory_space<semaphore_mem>>) src(%arg8 : memref<64x128xf32, #tpu.memory_space<vmem>>) dst(%dma_wait3A_169 : memref<40960x128xf32, #tpu.memory_space<hbm>>)
      %add3A_170 = arith.constant 24576 : i32
      %add3A_171 = arith.addi %add3A_170, %add3A_11 : i32
      "tpu.region"() ({
        %run_scoped3A_265 = tpu.sem_alloc : memref<!tpu.dma_semaphore, #tpu.memory_space<semaphore_mem>>
        %dma_start3A_266 = arith.constant 0 : i32
        %dma_start3A_267 = tpu.memref_slice %arg4[%add3A_171, %dma_start3A_266] : memref<32768x128xf32, #tpu.memory_space<hbm>> -> memref<64x128xf32, #tpu.memory_space<hbm>>
        %dma_start3A_268 = arith.constant 0 : i32
        %dma_start3A_269 = tpu.memref_slice %arg4[%add3A_171, %dma_start3A_268] : memref<32768x128xf32, #tpu.memory_space<hbm>> -> memref<64x128xf32, #tpu.memory_space<hbm>>
        tpu.enqueue_dma source(%dma_start3A_269 : memref<64x128xf32, #tpu.memory_space<hbm>>) target(%arg8 : memref<64x128xf32, #tpu.memory_space<vmem>>) target_semaphore(%run_scoped3A_265 : memref<!tpu.dma_semaphore, #tpu.memory_space<semaphore_mem>>)
        %dma_wait3A_270 = arith.constant 0 : i32
        %dma_wait3A_271 = tpu.memref_slice %arg4[%add3A_171, %dma_wait3A_270] : memref<32768x128xf32, #tpu.memory_space<hbm>> -> memref<64x128xf32, #tpu.memory_space<hbm>>
        %dma_wait3A_272 = arith.constant 0 : i32
        %dma_wait3A_273 = tpu.memref_slice %arg4[%add3A_171, %dma_wait3A_272] : memref<32768x128xf32, #tpu.memory_space<hbm>> -> memref<64x128xf32, #tpu.memory_space<hbm>>
        tpu.wait_dma2 semaphore(%run_scoped3A_265 : memref<!tpu.dma_semaphore, #tpu.memory_space<semaphore_mem>>) src(%dma_wait3A_273 : memref<64x128xf32, #tpu.memory_space<hbm>>) dst(%arg8 : memref<64x128xf32, #tpu.memory_space<vmem>>)
        tpu.yield
      }) : () -> ()
      %dma_start3A_172 = arith.constant 6 : i32
      %dma_start3A_173 = arith.constant 0 : i32
      %dma_start3A_174 = tpu.memref_slice %arg7[%dma_start3A_172, %dma_start3A_173] : memref<8x64xi32, #tpu.memory_space<vmem>> -> memref<1x64xi32, #tpu.memory_space<vmem>>
      %dma_start3A_175 = tpu.memref_squeeze %dma_start3A_174 : memref<1x64xi32, #tpu.memory_space<vmem>> -> memref<64xi32, #tpu.memory_space<vmem>>
      %dma_start3A_176 = arith.constant 0 : i32
      %dma_start3A_177 = arith.constant 0 : i32
      %dma_start3A_178 = tpu.memref_slice %arg6[%dma_start3A_176, %dma_start3A_177] : memref<40960x128xf32, #tpu.memory_space<hbm>> -> memref<40960x128xf32, #tpu.memory_space<hbm>>
      tpu.enqueue_indirect_dma source(%arg8 : memref<64x128xf32, #tpu.memory_space<vmem>>) target(%dma_start3A_178 : memref<40960x128xf32, #tpu.memory_space<hbm>>) offsets(%dma_start3A_175 : memref<64xi32, #tpu.memory_space<vmem>>) semaphore(%arg12 : memref<!tpu.dma_semaphore, #tpu.memory_space<semaphore_mem>>)
      %dma_wait3A_179 = arith.constant 5 : i32
      %dma_wait3A_180 = arith.constant 0 : i32
      %dma_wait3A_181 = tpu.memref_slice %arg7[%dma_wait3A_179, %dma_wait3A_180] : memref<8x64xi32, #tpu.memory_space<vmem>> -> memref<1x64xi32, #tpu.memory_space<vmem>>
      %dma_wait3A_182 = tpu.memref_squeeze %dma_wait3A_181 : memref<1x64xi32, #tpu.memory_space<vmem>> -> memref<64xi32, #tpu.memory_space<vmem>>
      %dma_wait3A_183 = arith.constant 0 : i32
      %dma_wait3A_184 = arith.constant 0 : i32
      %dma_wait3A_185 = tpu.memref_slice %arg6[%dma_wait3A_183, %dma_wait3A_184] : memref<40960x128xf32, #tpu.memory_space<hbm>> -> memref<40960x128xf32, #tpu.memory_space<hbm>>
      tpu.wait_indirect_dma semaphore(%arg12 : memref<!tpu.dma_semaphore, #tpu.memory_space<semaphore_mem>>) src(%arg9 : memref<64x128xf32, #tpu.memory_space<vmem>>) dst(%dma_wait3A_185 : memref<40960x128xf32, #tpu.memory_space<hbm>>)
      %add3A_186 = arith.constant 28672 : i32
      %add3A_187 = arith.addi %add3A_186, %add3A_11 : i32
      "tpu.region"() ({
        %run_scoped3A_265 = tpu.sem_alloc : memref<!tpu.dma_semaphore, #tpu.memory_space<semaphore_mem>>
        %dma_start3A_266 = arith.constant 0 : i32
        %dma_start3A_267 = tpu.memref_slice %arg4[%add3A_187, %dma_start3A_266] : memref<32768x128xf32, #tpu.memory_space<hbm>> -> memref<64x128xf32, #tpu.memory_space<hbm>>
        %dma_start3A_268 = arith.constant 0 : i32
        %dma_start3A_269 = tpu.memref_slice %arg4[%add3A_187, %dma_start3A_268] : memref<32768x128xf32, #tpu.memory_space<hbm>> -> memref<64x128xf32, #tpu.memory_space<hbm>>
        tpu.enqueue_dma source(%dma_start3A_269 : memref<64x128xf32, #tpu.memory_space<hbm>>) target(%arg9 : memref<64x128xf32, #tpu.memory_space<vmem>>) target_semaphore(%run_scoped3A_265 : memref<!tpu.dma_semaphore, #tpu.memory_space<semaphore_mem>>)
        %dma_wait3A_270 = arith.constant 0 : i32
        %dma_wait3A_271 = tpu.memref_slice %arg4[%add3A_187, %dma_wait3A_270] : memref<32768x128xf32, #tpu.memory_space<hbm>> -> memref<64x128xf32, #tpu.memory_space<hbm>>
        %dma_wait3A_272 = arith.constant 0 : i32
        %dma_wait3A_273 = tpu.memref_slice %arg4[%add3A_187, %dma_wait3A_272] : memref<32768x128xf32, #tpu.memory_space<hbm>> -> memref<64x128xf32, #tpu.memory_space<hbm>>
        tpu.wait_dma2 semaphore(%run_scoped3A_265 : memref<!tpu.dma_semaphore, #tpu.memory_space<semaphore_mem>>) src(%dma_wait3A_273 : memref<64x128xf32, #tpu.memory_space<hbm>>) dst(%arg9 : memref<64x128xf32, #tpu.memory_space<vmem>>)
        tpu.yield
      }) : () -> ()
      %dma_start3A_188 = arith.constant 7 : i32
      %dma_start3A_189 = arith.constant 0 : i32
      %dma_start3A_190 = tpu.memref_slice %arg7[%dma_start3A_188, %dma_start3A_189] : memref<8x64xi32, #tpu.memory_space<vmem>> -> memref<1x64xi32, #tpu.memory_space<vmem>>
      %dma_start3A_191 = tpu.memref_squeeze %dma_start3A_190 : memref<1x64xi32, #tpu.memory_space<vmem>> -> memref<64xi32, #tpu.memory_space<vmem>>
      %dma_start3A_192 = arith.constant 0 : i32
      %dma_start3A_193 = arith.constant 0 : i32
      %dma_start3A_194 = tpu.memref_slice %arg6[%dma_start3A_192, %dma_start3A_193] : memref<40960x128xf32, #tpu.memory_space<hbm>> -> memref<40960x128xf32, #tpu.memory_space<hbm>>
      tpu.enqueue_indirect_dma source(%arg9 : memref<64x128xf32, #tpu.memory_space<vmem>>) target(%dma_start3A_194 : memref<40960x128xf32, #tpu.memory_space<hbm>>) offsets(%dma_start3A_191 : memref<64xi32, #tpu.memory_space<vmem>>) semaphore(%arg12 : memref<!tpu.dma_semaphore, #tpu.memory_space<semaphore_mem>>)
      %dma_wait3A_195 = arith.constant 6 : i32
      %dma_wait3A_196 = arith.constant 0 : i32
      %dma_wait3A_197 = tpu.memref_slice %arg7[%dma_wait3A_195, %dma_wait3A_196] : memref<8x64xi32, #tpu.memory_space<vmem>> -> memref<1x64xi32, #tpu.memory_space<vmem>>
      %dma_wait3A_198 = tpu.memref_squeeze %dma_wait3A_197 : memref<1x64xi32, #tpu.memory_space<vmem>> -> memref<64xi32, #tpu.memory_space<vmem>>
      %dma_wait3A_199 = arith.constant 0 : i32
      %dma_wait3A_200 = arith.constant 0 : i32
      %dma_wait3A_201 = tpu.memref_slice %arg6[%dma_wait3A_199, %dma_wait3A_200] : memref<40960x128xf32, #tpu.memory_space<hbm>> -> memref<40960x128xf32, #tpu.memory_space<hbm>>
      tpu.wait_indirect_dma semaphore(%arg12 : memref<!tpu.dma_semaphore, #tpu.memory_space<semaphore_mem>>) src(%arg8 : memref<64x128xf32, #tpu.memory_space<vmem>>) dst(%dma_wait3A_201 : memref<40960x128xf32, #tpu.memory_space<hbm>>)
      %dma_wait3A_202 = arith.constant 7 : i32
      %dma_wait3A_203 = arith.constant 0 : i32
      %dma_wait3A_204 = tpu.memref_slice %arg7[%dma_wait3A_202, %dma_wait3A_203] : memref<8x64xi32, #tpu.memory_space<vmem>> -> memref<1x64xi32, #tpu.memory_space<vmem>>
      %dma_wait3A_205 = tpu.memref_squeeze %dma_wait3A_204 : memref<1x64xi32, #tpu.memory_space<vmem>> -> memref<64xi32, #tpu.memory_space<vmem>>
      %dma_wait3A_206 = arith.constant 0 : i32
      %dma_wait3A_207 = arith.constant 0 : i32
      %dma_wait3A_208 = tpu.memref_slice %arg6[%dma_wait3A_206, %dma_wait3A_207] : memref<40960x128xf32, #tpu.memory_space<hbm>> -> memref<40960x128xf32, #tpu.memory_space<hbm>>
      tpu.wait_indirect_dma semaphore(%arg12 : memref<!tpu.dma_semaphore, #tpu.memory_space<semaphore_mem>>) src(%arg9 : memref<64x128xf32, #tpu.memory_space<vmem>>) dst(%dma_wait3A_208 : memref<40960x128xf32, #tpu.memory_space<hbm>>)
      %dma_wait3A_209 = arith.constant 0 : i32
      %dma_wait3A_210 = arith.constant 0 : i32
      %dma_wait3A_211 = tpu.memref_slice %arg7[%dma_wait3A_209, %dma_wait3A_210] : memref<8x64xi32, #tpu.memory_space<vmem>> -> memref<1x64xi32, #tpu.memory_space<vmem>>
      %dma_wait3A_212 = tpu.memref_squeeze %dma_wait3A_211 : memref<1x64xi32, #tpu.memory_space<vmem>> -> memref<64xi32, #tpu.memory_space<vmem>>
      %dma_wait3A_213 = arith.constant 0 : i32
      %dma_wait3A_214 = arith.constant 0 : i32
      %dma_wait3A_215 = tpu.memref_slice %arg5[%dma_wait3A_213, %dma_wait3A_214] : memref<40960x1024xf32, #tpu.memory_space<hbm>> -> memref<40960x1024xf32, #tpu.memory_space<hbm>>
      tpu.wait_indirect_dma semaphore(%arg11 : memref<!tpu.dma_semaphore, #tpu.memory_space<semaphore_mem>>) src(%arg10 : memref<64x1024xf32, #tpu.memory_space<vmem>>) dst(%dma_wait3A_215 : memref<40960x1024xf32, #tpu.memory_space<hbm>>)
      %dma_wait3A_216 = arith.constant 1 : i32
      %dma_wait3A_217 = arith.constant 0 : i32
      %dma_wait3A_218 = tpu.memref_slice %arg7[%dma_wait3A_216, %dma_wait3A_217] : memref<8x64xi32, #tpu.memory_space<vmem>> -> memref<1x64xi32, #tpu.memory_space<vmem>>
      %dma_wait3A_219 = tpu.memref_squeeze %dma_wait3A_218 : memref<1x64xi32, #tpu.memory_space<vmem>> -> memref<64xi32, #tpu.memory_space<vmem>>
      %dma_wait3A_220 = arith.constant 0 : i32
      %dma_wait3A_221 = arith.constant 0 : i32
      %dma_wait3A_222 = tpu.memref_slice %arg5[%dma_wait3A_220, %dma_wait3A_221] : memref<40960x1024xf32, #tpu.memory_space<hbm>> -> memref<40960x1024xf32, #tpu.memory_space<hbm>>
      tpu.wait_indirect_dma semaphore(%arg11 : memref<!tpu.dma_semaphore, #tpu.memory_space<semaphore_mem>>) src(%arg10 : memref<64x1024xf32, #tpu.memory_space<vmem>>) dst(%dma_wait3A_222 : memref<40960x1024xf32, #tpu.memory_space<hbm>>)
      %dma_wait3A_223 = arith.constant 2 : i32
      %dma_wait3A_224 = arith.constant 0 : i32
      %dma_wait3A_225 = tpu.memref_slice %arg7[%dma_wait3A_223, %dma_wait3A_224] : memref<8x64xi32, #tpu.memory_space<vmem>> -> memref<1x64xi32, #tpu.memory_space<vmem>>
      %dma_wait3A_226 = tpu.memref_squeeze %dma_wait3A_225 : memref<1x64xi32, #tpu.memory_space<vmem>> -> memref<64xi32, #tpu.memory_space<vmem>>
      %dma_wait3A_227 = arith.constant 0 : i32
      %dma_wait3A_228 = arith.constant 0 : i32
      %dma_wait3A_229 = tpu.memref_slice %arg5[%dma_wait3A_227, %dma_wait3A_228] : memref<40960x1024xf32, #tpu.memory_space<hbm>> -> memref<40960x1024xf32, #tpu.memory_space<hbm>>
      tpu.wait_indirect_dma semaphore(%arg11 : memref<!tpu.dma_semaphore, #tpu.memory_space<semaphore_mem>>) src(%arg10 : memref<64x1024xf32, #tpu.memory_space<vmem>>) dst(%dma_wait3A_229 : memref<40960x1024xf32, #tpu.memory_space<hbm>>)
      %dma_wait3A_230 = arith.constant 3 : i32
      %dma_wait3A_231 = arith.constant 0 : i32
      %dma_wait3A_232 = tpu.memref_slice %arg7[%dma_wait3A_230, %dma_wait3A_231] : memref<8x64xi32, #tpu.memory_space<vmem>> -> memref<1x64xi32, #tpu.memory_space<vmem>>
      %dma_wait3A_233 = tpu.memref_squeeze %dma_wait3A_232 : memref<1x64xi32, #tpu.memory_space<vmem>> -> memref<64xi32, #tpu.memory_space<vmem>>
      %dma_wait3A_234 = arith.constant 0 : i32
      %dma_wait3A_235 = arith.constant 0 : i32
      %dma_wait3A_236 = tpu.memref_slice %arg5[%dma_wait3A_234, %dma_wait3A_235] : memref<40960x1024xf32, #tpu.memory_space<hbm>> -> memref<40960x1024xf32, #tpu.memory_space<hbm>>
      tpu.wait_indirect_dma semaphore(%arg11 : memref<!tpu.dma_semaphore, #tpu.memory_space<semaphore_mem>>) src(%arg10 : memref<64x1024xf32, #tpu.memory_space<vmem>>) dst(%dma_wait3A_236 : memref<40960x1024xf32, #tpu.memory_space<hbm>>)
      %dma_wait3A_237 = arith.constant 4 : i32
      %dma_wait3A_238 = arith.constant 0 : i32
      %dma_wait3A_239 = tpu.memref_slice %arg7[%dma_wait3A_237, %dma_wait3A_238] : memref<8x64xi32, #tpu.memory_space<vmem>> -> memref<1x64xi32, #tpu.memory_space<vmem>>
      %dma_wait3A_240 = tpu.memref_squeeze %dma_wait3A_239 : memref<1x64xi32, #tpu.memory_space<vmem>> -> memref<64xi32, #tpu.memory_space<vmem>>
      %dma_wait3A_241 = arith.constant 0 : i32
      %dma_wait3A_242 = arith.constant 0 : i32
      %dma_wait3A_243 = tpu.memref_slice %arg5[%dma_wait3A_241, %dma_wait3A_242] : memref<40960x1024xf32, #tpu.memory_space<hbm>> -> memref<40960x1024xf32, #tpu.memory_space<hbm>>
      tpu.wait_indirect_dma semaphore(%arg11 : memref<!tpu.dma_semaphore, #tpu.memory_space<semaphore_mem>>) src(%arg10 : memref<64x1024xf32, #tpu.memory_space<vmem>>) dst(%dma_wait3A_243 : memref<40960x1024xf32, #tpu.memory_space<hbm>>)
      %dma_wait3A_244 = arith.constant 5 : i32
      %dma_wait3A_245 = arith.constant 0 : i32
      %dma_wait3A_246 = tpu.memref_slice %arg7[%dma_wait3A_244, %dma_wait3A_245] : memref<8x64xi32, #tpu.memory_space<vmem>> -> memref<1x64xi32, #tpu.memory_space<vmem>>
      %dma_wait3A_247 = tpu.memref_squeeze %dma_wait3A_246 : memref<1x64xi32, #tpu.memory_space<vmem>> -> memref<64xi32, #tpu.memory_space<vmem>>
      %dma_wait3A_248 = arith.constant 0 : i32
      %dma_wait3A_249 = arith.constant 0 : i32
      %dma_wait3A_250 = tpu.memref_slice %arg5[%dma_wait3A_248, %dma_wait3A_249] : memref<40960x1024xf32, #tpu.memory_space<hbm>> -> memref<40960x1024xf32, #tpu.memory_space<hbm>>
      tpu.wait_indirect_dma semaphore(%arg11 : memref<!tpu.dma_semaphore, #tpu.memory_space<semaphore_mem>>) src(%arg10 : memref<64x1024xf32, #tpu.memory_space<vmem>>) dst(%dma_wait3A_250 : memref<40960x1024xf32, #tpu.memory_space<hbm>>)
      %dma_wait3A_251 = arith.constant 6 : i32
      %dma_wait3A_252 = arith.constant 0 : i32
      %dma_wait3A_253 = tpu.memref_slice %arg7[%dma_wait3A_251, %dma_wait3A_252] : memref<8x64xi32, #tpu.memory_space<vmem>> -> memref<1x64xi32, #tpu.memory_space<vmem>>
      %dma_wait3A_254 = tpu.memref_squeeze %dma_wait3A_253 : memref<1x64xi32, #tpu.memory_space<vmem>> -> memref<64xi32, #tpu.memory_space<vmem>>
      %dma_wait3A_255 = arith.constant 0 : i32
      %dma_wait3A_256 = arith.constant 0 : i32
      %dma_wait3A_257 = tpu.memref_slice %arg5[%dma_wait3A_255, %dma_wait3A_256] : memref<40960x1024xf32, #tpu.memory_space<hbm>> -> memref<40960x1024xf32, #tpu.memory_space<hbm>>
      tpu.wait_indirect_dma semaphore(%arg11 : memref<!tpu.dma_semaphore, #tpu.memory_space<semaphore_mem>>) src(%arg10 : memref<64x1024xf32, #tpu.memory_space<vmem>>) dst(%dma_wait3A_257 : memref<40960x1024xf32, #tpu.memory_space<hbm>>)
      %dma_wait3A_258 = arith.constant 7 : i32
      %dma_wait3A_259 = arith.constant 0 : i32
      %dma_wait3A_260 = tpu.memref_slice %arg7[%dma_wait3A_258, %dma_wait3A_259] : memref<8x64xi32, #tpu.memory_space<vmem>> -> memref<1x64xi32, #tpu.memory_space<vmem>>
      %dma_wait3A_261 = tpu.memref_squeeze %dma_wait3A_260 : memref<1x64xi32, #tpu.memory_space<vmem>> -> memref<64xi32, #tpu.memory_space<vmem>>
      %dma_wait3A_262 = arith.constant 0 : i32
      %dma_wait3A_263 = arith.constant 0 : i32
      %dma_wait3A_264 = tpu.memref_slice %arg5[%dma_wait3A_262, %dma_wait3A_263] : memref<40960x1024xf32, #tpu.memory_space<hbm>> -> memref<40960x1024xf32, #tpu.memory_space<hbm>>
      tpu.wait_indirect_dma semaphore(%arg11 : memref<!tpu.dma_semaphore, #tpu.memory_space<semaphore_mem>>) src(%arg10 : memref<64x1024xf32, #tpu.memory_space<vmem>>) dst(%dma_wait3A_264 : memref<40960x1024xf32, #tpu.memory_space<hbm>>)
    }
    %scan3A_7 = arith.constant 2 : i32
    return
  }
}

#map = affine_map<(d0, d1) -> (0, 0)>
module attributes {stable_mosaic.version = 14 : i64} {
  func.func @combine(%arg0: i32, %arg1: i32, %arg2: memref<40960x1024xf32, #tpu.memory_space<hbm>>, %arg3: memref<8x4096xi32, #tpu.memory_space<hbm>>, %arg4: memref<4096x1024xf32, #tpu.memory_space<hbm>>, %arg5: memref<8x128xi32, #tpu.memory_space<vmem>>, %arg6: memref<64x1024xf32, #tpu.memory_space<vmem>>, %arg7: memref<8x1024xf32, #tpu.memory_space<vmem>>, %arg8: memref<!tpu.dma_semaphore, #tpu.memory_space<semaphore_mem>>) attributes {dimension_semantics = [#tpu.dimension_semantics<core_parallel>, #tpu.dimension_semantics<subcore_parallel>], iteration_bounds = array<i64: 2, 16>, scalar_prefetch = 0 : i64, scratch_operands = 4 : i64, tpu.core_type = #tpu.core_type<sc_vector_subcore>, window_params = [{transform_indices = #map}, {transform_indices = #map}, {transform_indices = #map}]} {
    %mul3A = arith.constant 2 : i32
    %mul3A_0 = arith.muli %arg1, %mul3A : i32
    %add3A = arith.addi %mul3A_0, %arg0 : i32
    %mul3A_1 = arith.constant 128 : i32
    %mul3A_2 = arith.muli %add3A, %mul3A_1 : i32
    %run_scoped3A = arith.constant 0 : i32
    %run_scoped3A_3 = arith.constant 0 : i32
    "tpu.region"() ({
      %run_scoped3A_23 = tpu.sem_alloc : memref<!tpu.dma_semaphore, #tpu.memory_space<semaphore_mem>>
      %dma_start3A = arith.constant 0 : i32
      %dma_start3A_24 = tpu.memref_slice %arg5[%run_scoped3A_3, %dma_start3A] : memref<8x128xi32, #tpu.memory_space<vmem>> -> memref<1x128xi32, #tpu.memory_space<vmem>>
      %dma_start3A_25 = tpu.memref_squeeze %dma_start3A_24 : memref<1x128xi32, #tpu.memory_space<vmem>> -> memref<128xi32, #tpu.memory_space<vmem>>
      %dma_start3A_26 = tpu.memref_slice %arg3[%run_scoped3A, %mul3A_2] : memref<8x4096xi32, #tpu.memory_space<hbm>> -> memref<1x128xi32, #tpu.memory_space<hbm>>
      %dma_start3A_27 = tpu.memref_squeeze %dma_start3A_26 : memref<1x128xi32, #tpu.memory_space<hbm>> -> memref<128xi32, #tpu.memory_space<hbm>>
      %dma_start3A_28 = arith.constant 0 : i32
      %dma_start3A_29 = tpu.memref_slice %arg5[%run_scoped3A_3, %dma_start3A_28] : memref<8x128xi32, #tpu.memory_space<vmem>> -> memref<1x128xi32, #tpu.memory_space<vmem>>
      %dma_start3A_30 = tpu.memref_squeeze %dma_start3A_29 : memref<1x128xi32, #tpu.memory_space<vmem>> -> memref<128xi32, #tpu.memory_space<vmem>>
      %dma_start3A_31 = tpu.memref_slice %arg3[%run_scoped3A, %mul3A_2] : memref<8x4096xi32, #tpu.memory_space<hbm>> -> memref<1x128xi32, #tpu.memory_space<hbm>>
      %dma_start3A_32 = tpu.memref_squeeze %dma_start3A_31 : memref<1x128xi32, #tpu.memory_space<hbm>> -> memref<128xi32, #tpu.memory_space<hbm>>
      tpu.enqueue_dma source(%dma_start3A_32 : memref<128xi32, #tpu.memory_space<hbm>>) target(%dma_start3A_30 : memref<128xi32, #tpu.memory_space<vmem>>) target_semaphore(%run_scoped3A_23 : memref<!tpu.dma_semaphore, #tpu.memory_space<semaphore_mem>>)
      %dma_wait3A = arith.constant 0 : i32
      %dma_wait3A_33 = tpu.memref_slice %arg5[%run_scoped3A_3, %dma_wait3A] : memref<8x128xi32, #tpu.memory_space<vmem>> -> memref<1x128xi32, #tpu.memory_space<vmem>>
      %dma_wait3A_34 = tpu.memref_squeeze %dma_wait3A_33 : memref<1x128xi32, #tpu.memory_space<vmem>> -> memref<128xi32, #tpu.memory_space<vmem>>
      %dma_wait3A_35 = tpu.memref_slice %arg3[%run_scoped3A, %mul3A_2] : memref<8x4096xi32, #tpu.memory_space<hbm>> -> memref<1x128xi32, #tpu.memory_space<hbm>>
      %dma_wait3A_36 = tpu.memref_squeeze %dma_wait3A_35 : memref<1x128xi32, #tpu.memory_space<hbm>> -> memref<128xi32, #tpu.memory_space<hbm>>
      %dma_wait3A_37 = arith.constant 0 : i32
      %dma_wait3A_38 = tpu.memref_slice %arg5[%run_scoped3A_3, %dma_wait3A_37] : memref<8x128xi32, #tpu.memory_space<vmem>> -> memref<1x128xi32, #tpu.memory_space<vmem>>
      %dma_wait3A_39 = tpu.memref_squeeze %dma_wait3A_38 : memref<1x128xi32, #tpu.memory_space<vmem>> -> memref<128xi32, #tpu.memory_space<vmem>>
      %dma_wait3A_40 = tpu.memref_slice %arg3[%run_scoped3A, %mul3A_2] : memref<8x4096xi32, #tpu.memory_space<hbm>> -> memref<1x128xi32, #tpu.memory_space<hbm>>
      %dma_wait3A_41 = tpu.memref_squeeze %dma_wait3A_40 : memref<1x128xi32, #tpu.memory_space<hbm>> -> memref<128xi32, #tpu.memory_space<hbm>>
      tpu.wait_dma2 semaphore(%run_scoped3A_23 : memref<!tpu.dma_semaphore, #tpu.memory_space<semaphore_mem>>) src(%dma_wait3A_41 : memref<128xi32, #tpu.memory_space<hbm>>) dst(%dma_wait3A_39 : memref<128xi32, #tpu.memory_space<vmem>>)
      tpu.yield
    }) : () -> ()
    %run_scoped3A_4 = arith.constant 1 : i32
    %run_scoped3A_5 = arith.constant 1 : i32
    "tpu.region"() ({
      %run_scoped3A_23 = tpu.sem_alloc : memref<!tpu.dma_semaphore, #tpu.memory_space<semaphore_mem>>
      %dma_start3A = arith.constant 0 : i32
      %dma_start3A_24 = tpu.memref_slice %arg5[%run_scoped3A_5, %dma_start3A] : memref<8x128xi32, #tpu.memory_space<vmem>> -> memref<1x128xi32, #tpu.memory_space<vmem>>
      %dma_start3A_25 = tpu.memref_squeeze %dma_start3A_24 : memref<1x128xi32, #tpu.memory_space<vmem>> -> memref<128xi32, #tpu.memory_space<vmem>>
      %dma_start3A_26 = tpu.memref_slice %arg3[%run_scoped3A_4, %mul3A_2] : memref<8x4096xi32, #tpu.memory_space<hbm>> -> memref<1x128xi32, #tpu.memory_space<hbm>>
      %dma_start3A_27 = tpu.memref_squeeze %dma_start3A_26 : memref<1x128xi32, #tpu.memory_space<hbm>> -> memref<128xi32, #tpu.memory_space<hbm>>
      %dma_start3A_28 = arith.constant 0 : i32
      %dma_start3A_29 = tpu.memref_slice %arg5[%run_scoped3A_5, %dma_start3A_28] : memref<8x128xi32, #tpu.memory_space<vmem>> -> memref<1x128xi32, #tpu.memory_space<vmem>>
      %dma_start3A_30 = tpu.memref_squeeze %dma_start3A_29 : memref<1x128xi32, #tpu.memory_space<vmem>> -> memref<128xi32, #tpu.memory_space<vmem>>
      %dma_start3A_31 = tpu.memref_slice %arg3[%run_scoped3A_4, %mul3A_2] : memref<8x4096xi32, #tpu.memory_space<hbm>> -> memref<1x128xi32, #tpu.memory_space<hbm>>
      %dma_start3A_32 = tpu.memref_squeeze %dma_start3A_31 : memref<1x128xi32, #tpu.memory_space<hbm>> -> memref<128xi32, #tpu.memory_space<hbm>>
      tpu.enqueue_dma source(%dma_start3A_32 : memref<128xi32, #tpu.memory_space<hbm>>) target(%dma_start3A_30 : memref<128xi32, #tpu.memory_space<vmem>>) target_semaphore(%run_scoped3A_23 : memref<!tpu.dma_semaphore, #tpu.memory_space<semaphore_mem>>)
      %dma_wait3A = arith.constant 0 : i32
      %dma_wait3A_33 = tpu.memref_slice %arg5[%run_scoped3A_5, %dma_wait3A] : memref<8x128xi32, #tpu.memory_space<vmem>> -> memref<1x128xi32, #tpu.memory_space<vmem>>
      %dma_wait3A_34 = tpu.memref_squeeze %dma_wait3A_33 : memref<1x128xi32, #tpu.memory_space<vmem>> -> memref<128xi32, #tpu.memory_space<vmem>>
      %dma_wait3A_35 = tpu.memref_slice %arg3[%run_scoped3A_4, %mul3A_2] : memref<8x4096xi32, #tpu.memory_space<hbm>> -> memref<1x128xi32, #tpu.memory_space<hbm>>
      %dma_wait3A_36 = tpu.memref_squeeze %dma_wait3A_35 : memref<1x128xi32, #tpu.memory_space<hbm>> -> memref<128xi32, #tpu.memory_space<hbm>>
      %dma_wait3A_37 = arith.constant 0 : i32
      %dma_wait3A_38 = tpu.memref_slice %arg5[%run_scoped3A_5, %dma_wait3A_37] : memref<8x128xi32, #tpu.memory_space<vmem>> -> memref<1x128xi32, #tpu.memory_space<vmem>>
      %dma_wait3A_39 = tpu.memref_squeeze %dma_wait3A_38 : memref<1x128xi32, #tpu.memory_space<vmem>> -> memref<128xi32, #tpu.memory_space<vmem>>
      %dma_wait3A_40 = tpu.memref_slice %arg3[%run_scoped3A_4, %mul3A_2] : memref<8x4096xi32, #tpu.memory_space<hbm>> -> memref<1x128xi32, #tpu.memory_space<hbm>>
      %dma_wait3A_41 = tpu.memref_squeeze %dma_wait3A_40 : memref<1x128xi32, #tpu.memory_space<hbm>> -> memref<128xi32, #tpu.memory_space<hbm>>
      tpu.wait_dma2 semaphore(%run_scoped3A_23 : memref<!tpu.dma_semaphore, #tpu.memory_space<semaphore_mem>>) src(%dma_wait3A_41 : memref<128xi32, #tpu.memory_space<hbm>>) dst(%dma_wait3A_39 : memref<128xi32, #tpu.memory_space<vmem>>)
      tpu.yield
    }) : () -> ()
    %run_scoped3A_6 = arith.constant 2 : i32
    %run_scoped3A_7 = arith.constant 2 : i32
    "tpu.region"() ({
      %run_scoped3A_23 = tpu.sem_alloc : memref<!tpu.dma_semaphore, #tpu.memory_space<semaphore_mem>>
      %dma_start3A = arith.constant 0 : i32
      %dma_start3A_24 = tpu.memref_slice %arg5[%run_scoped3A_7, %dma_start3A] : memref<8x128xi32, #tpu.memory_space<vmem>> -> memref<1x128xi32, #tpu.memory_space<vmem>>
      %dma_start3A_25 = tpu.memref_squeeze %dma_start3A_24 : memref<1x128xi32, #tpu.memory_space<vmem>> -> memref<128xi32, #tpu.memory_space<vmem>>
      %dma_start3A_26 = tpu.memref_slice %arg3[%run_scoped3A_6, %mul3A_2] : memref<8x4096xi32, #tpu.memory_space<hbm>> -> memref<1x128xi32, #tpu.memory_space<hbm>>
      %dma_start3A_27 = tpu.memref_squeeze %dma_start3A_26 : memref<1x128xi32, #tpu.memory_space<hbm>> -> memref<128xi32, #tpu.memory_space<hbm>>
      %dma_start3A_28 = arith.constant 0 : i32
      %dma_start3A_29 = tpu.memref_slice %arg5[%run_scoped3A_7, %dma_start3A_28] : memref<8x128xi32, #tpu.memory_space<vmem>> -> memref<1x128xi32, #tpu.memory_space<vmem>>
      %dma_start3A_30 = tpu.memref_squeeze %dma_start3A_29 : memref<1x128xi32, #tpu.memory_space<vmem>> -> memref<128xi32, #tpu.memory_space<vmem>>
      %dma_start3A_31 = tpu.memref_slice %arg3[%run_scoped3A_6, %mul3A_2] : memref<8x4096xi32, #tpu.memory_space<hbm>> -> memref<1x128xi32, #tpu.memory_space<hbm>>
      %dma_start3A_32 = tpu.memref_squeeze %dma_start3A_31 : memref<1x128xi32, #tpu.memory_space<hbm>> -> memref<128xi32, #tpu.memory_space<hbm>>
      tpu.enqueue_dma source(%dma_start3A_32 : memref<128xi32, #tpu.memory_space<hbm>>) target(%dma_start3A_30 : memref<128xi32, #tpu.memory_space<vmem>>) target_semaphore(%run_scoped3A_23 : memref<!tpu.dma_semaphore, #tpu.memory_space<semaphore_mem>>)
      %dma_wait3A = arith.constant 0 : i32
      %dma_wait3A_33 = tpu.memref_slice %arg5[%run_scoped3A_7, %dma_wait3A] : memref<8x128xi32, #tpu.memory_space<vmem>> -> memref<1x128xi32, #tpu.memory_space<vmem>>
      %dma_wait3A_34 = tpu.memref_squeeze %dma_wait3A_33 : memref<1x128xi32, #tpu.memory_space<vmem>> -> memref<128xi32, #tpu.memory_space<vmem>>
      %dma_wait3A_35 = tpu.memref_slice %arg3[%run_scoped3A_6, %mul3A_2] : memref<8x4096xi32, #tpu.memory_space<hbm>> -> memref<1x128xi32, #tpu.memory_space<hbm>>
      %dma_wait3A_36 = tpu.memref_squeeze %dma_wait3A_35 : memref<1x128xi32, #tpu.memory_space<hbm>> -> memref<128xi32, #tpu.memory_space<hbm>>
      %dma_wait3A_37 = arith.constant 0 : i32
      %dma_wait3A_38 = tpu.memref_slice %arg5[%run_scoped3A_7, %dma_wait3A_37] : memref<8x128xi32, #tpu.memory_space<vmem>> -> memref<1x128xi32, #tpu.memory_space<vmem>>
      %dma_wait3A_39 = tpu.memref_squeeze %dma_wait3A_38 : memref<1x128xi32, #tpu.memory_space<vmem>> -> memref<128xi32, #tpu.memory_space<vmem>>
      %dma_wait3A_40 = tpu.memref_slice %arg3[%run_scoped3A_6, %mul3A_2] : memref<8x4096xi32, #tpu.memory_space<hbm>> -> memref<1x128xi32, #tpu.memory_space<hbm>>
      %dma_wait3A_41 = tpu.memref_squeeze %dma_wait3A_40 : memref<1x128xi32, #tpu.memory_space<hbm>> -> memref<128xi32, #tpu.memory_space<hbm>>
      tpu.wait_dma2 semaphore(%run_scoped3A_23 : memref<!tpu.dma_semaphore, #tpu.memory_space<semaphore_mem>>) src(%dma_wait3A_41 : memref<128xi32, #tpu.memory_space<hbm>>) dst(%dma_wait3A_39 : memref<128xi32, #tpu.memory_space<vmem>>)
      tpu.yield
    }) : () -> ()
    %run_scoped3A_8 = arith.constant 3 : i32
    %run_scoped3A_9 = arith.constant 3 : i32
    "tpu.region"() ({
      %run_scoped3A_23 = tpu.sem_alloc : memref<!tpu.dma_semaphore, #tpu.memory_space<semaphore_mem>>
      %dma_start3A = arith.constant 0 : i32
      %dma_start3A_24 = tpu.memref_slice %arg5[%run_scoped3A_9, %dma_start3A] : memref<8x128xi32, #tpu.memory_space<vmem>> -> memref<1x128xi32, #tpu.memory_space<vmem>>
      %dma_start3A_25 = tpu.memref_squeeze %dma_start3A_24 : memref<1x128xi32, #tpu.memory_space<vmem>> -> memref<128xi32, #tpu.memory_space<vmem>>
      %dma_start3A_26 = tpu.memref_slice %arg3[%run_scoped3A_8, %mul3A_2] : memref<8x4096xi32, #tpu.memory_space<hbm>> -> memref<1x128xi32, #tpu.memory_space<hbm>>
      %dma_start3A_27 = tpu.memref_squeeze %dma_start3A_26 : memref<1x128xi32, #tpu.memory_space<hbm>> -> memref<128xi32, #tpu.memory_space<hbm>>
      %dma_start3A_28 = arith.constant 0 : i32
      %dma_start3A_29 = tpu.memref_slice %arg5[%run_scoped3A_9, %dma_start3A_28] : memref<8x128xi32, #tpu.memory_space<vmem>> -> memref<1x128xi32, #tpu.memory_space<vmem>>
      %dma_start3A_30 = tpu.memref_squeeze %dma_start3A_29 : memref<1x128xi32, #tpu.memory_space<vmem>> -> memref<128xi32, #tpu.memory_space<vmem>>
      %dma_start3A_31 = tpu.memref_slice %arg3[%run_scoped3A_8, %mul3A_2] : memref<8x4096xi32, #tpu.memory_space<hbm>> -> memref<1x128xi32, #tpu.memory_space<hbm>>
      %dma_start3A_32 = tpu.memref_squeeze %dma_start3A_31 : memref<1x128xi32, #tpu.memory_space<hbm>> -> memref<128xi32, #tpu.memory_space<hbm>>
      tpu.enqueue_dma source(%dma_start3A_32 : memref<128xi32, #tpu.memory_space<hbm>>) target(%dma_start3A_30 : memref<128xi32, #tpu.memory_space<vmem>>) target_semaphore(%run_scoped3A_23 : memref<!tpu.dma_semaphore, #tpu.memory_space<semaphore_mem>>)
      %dma_wait3A = arith.constant 0 : i32
      %dma_wait3A_33 = tpu.memref_slice %arg5[%run_scoped3A_9, %dma_wait3A] : memref<8x128xi32, #tpu.memory_space<vmem>> -> memref<1x128xi32, #tpu.memory_space<vmem>>
      %dma_wait3A_34 = tpu.memref_squeeze %dma_wait3A_33 : memref<1x128xi32, #tpu.memory_space<vmem>> -> memref<128xi32, #tpu.memory_space<vmem>>
      %dma_wait3A_35 = tpu.memref_slice %arg3[%run_scoped3A_8, %mul3A_2] : memref<8x4096xi32, #tpu.memory_space<hbm>> -> memref<1x128xi32, #tpu.memory_space<hbm>>
      %dma_wait3A_36 = tpu.memref_squeeze %dma_wait3A_35 : memref<1x128xi32, #tpu.memory_space<hbm>> -> memref<128xi32, #tpu.memory_space<hbm>>
      %dma_wait3A_37 = arith.constant 0 : i32
      %dma_wait3A_38 = tpu.memref_slice %arg5[%run_scoped3A_9, %dma_wait3A_37] : memref<8x128xi32, #tpu.memory_space<vmem>> -> memref<1x128xi32, #tpu.memory_space<vmem>>
      %dma_wait3A_39 = tpu.memref_squeeze %dma_wait3A_38 : memref<1x128xi32, #tpu.memory_space<vmem>> -> memref<128xi32, #tpu.memory_space<vmem>>
      %dma_wait3A_40 = tpu.memref_slice %arg3[%run_scoped3A_8, %mul3A_2] : memref<8x4096xi32, #tpu.memory_space<hbm>> -> memref<1x128xi32, #tpu.memory_space<hbm>>
      %dma_wait3A_41 = tpu.memref_squeeze %dma_wait3A_40 : memref<1x128xi32, #tpu.memory_space<hbm>> -> memref<128xi32, #tpu.memory_space<hbm>>
      tpu.wait_dma2 semaphore(%run_scoped3A_23 : memref<!tpu.dma_semaphore, #tpu.memory_space<semaphore_mem>>) src(%dma_wait3A_41 : memref<128xi32, #tpu.memory_space<hbm>>) dst(%dma_wait3A_39 : memref<128xi32, #tpu.memory_space<vmem>>)
      tpu.yield
    }) : () -> ()
    %run_scoped3A_10 = arith.constant 4 : i32
    %run_scoped3A_11 = arith.constant 4 : i32
    "tpu.region"() ({
      %run_scoped3A_23 = tpu.sem_alloc : memref<!tpu.dma_semaphore, #tpu.memory_space<semaphore_mem>>
      %dma_start3A = arith.constant 0 : i32
      %dma_start3A_24 = tpu.memref_slice %arg5[%run_scoped3A_11, %dma_start3A] : memref<8x128xi32, #tpu.memory_space<vmem>> -> memref<1x128xi32, #tpu.memory_space<vmem>>
      %dma_start3A_25 = tpu.memref_squeeze %dma_start3A_24 : memref<1x128xi32, #tpu.memory_space<vmem>> -> memref<128xi32, #tpu.memory_space<vmem>>
      %dma_start3A_26 = tpu.memref_slice %arg3[%run_scoped3A_10, %mul3A_2] : memref<8x4096xi32, #tpu.memory_space<hbm>> -> memref<1x128xi32, #tpu.memory_space<hbm>>
      %dma_start3A_27 = tpu.memref_squeeze %dma_start3A_26 : memref<1x128xi32, #tpu.memory_space<hbm>> -> memref<128xi32, #tpu.memory_space<hbm>>
      %dma_start3A_28 = arith.constant 0 : i32
      %dma_start3A_29 = tpu.memref_slice %arg5[%run_scoped3A_11, %dma_start3A_28] : memref<8x128xi32, #tpu.memory_space<vmem>> -> memref<1x128xi32, #tpu.memory_space<vmem>>
      %dma_start3A_30 = tpu.memref_squeeze %dma_start3A_29 : memref<1x128xi32, #tpu.memory_space<vmem>> -> memref<128xi32, #tpu.memory_space<vmem>>
      %dma_start3A_31 = tpu.memref_slice %arg3[%run_scoped3A_10, %mul3A_2] : memref<8x4096xi32, #tpu.memory_space<hbm>> -> memref<1x128xi32, #tpu.memory_space<hbm>>
      %dma_start3A_32 = tpu.memref_squeeze %dma_start3A_31 : memref<1x128xi32, #tpu.memory_space<hbm>> -> memref<128xi32, #tpu.memory_space<hbm>>
      tpu.enqueue_dma source(%dma_start3A_32 : memref<128xi32, #tpu.memory_space<hbm>>) target(%dma_start3A_30 : memref<128xi32, #tpu.memory_space<vmem>>) target_semaphore(%run_scoped3A_23 : memref<!tpu.dma_semaphore, #tpu.memory_space<semaphore_mem>>)
      %dma_wait3A = arith.constant 0 : i32
      %dma_wait3A_33 = tpu.memref_slice %arg5[%run_scoped3A_11, %dma_wait3A] : memref<8x128xi32, #tpu.memory_space<vmem>> -> memref<1x128xi32, #tpu.memory_space<vmem>>
      %dma_wait3A_34 = tpu.memref_squeeze %dma_wait3A_33 : memref<1x128xi32, #tpu.memory_space<vmem>> -> memref<128xi32, #tpu.memory_space<vmem>>
      %dma_wait3A_35 = tpu.memref_slice %arg3[%run_scoped3A_10, %mul3A_2] : memref<8x4096xi32, #tpu.memory_space<hbm>> -> memref<1x128xi32, #tpu.memory_space<hbm>>
      %dma_wait3A_36 = tpu.memref_squeeze %dma_wait3A_35 : memref<1x128xi32, #tpu.memory_space<hbm>> -> memref<128xi32, #tpu.memory_space<hbm>>
      %dma_wait3A_37 = arith.constant 0 : i32
      %dma_wait3A_38 = tpu.memref_slice %arg5[%run_scoped3A_11, %dma_wait3A_37] : memref<8x128xi32, #tpu.memory_space<vmem>> -> memref<1x128xi32, #tpu.memory_space<vmem>>
      %dma_wait3A_39 = tpu.memref_squeeze %dma_wait3A_38 : memref<1x128xi32, #tpu.memory_space<vmem>> -> memref<128xi32, #tpu.memory_space<vmem>>
      %dma_wait3A_40 = tpu.memref_slice %arg3[%run_scoped3A_10, %mul3A_2] : memref<8x4096xi32, #tpu.memory_space<hbm>> -> memref<1x128xi32, #tpu.memory_space<hbm>>
      %dma_wait3A_41 = tpu.memref_squeeze %dma_wait3A_40 : memref<1x128xi32, #tpu.memory_space<hbm>> -> memref<128xi32, #tpu.memory_space<hbm>>
      tpu.wait_dma2 semaphore(%run_scoped3A_23 : memref<!tpu.dma_semaphore, #tpu.memory_space<semaphore_mem>>) src(%dma_wait3A_41 : memref<128xi32, #tpu.memory_space<hbm>>) dst(%dma_wait3A_39 : memref<128xi32, #tpu.memory_space<vmem>>)
      tpu.yield
    }) : () -> ()
    %run_scoped3A_12 = arith.constant 5 : i32
    %run_scoped3A_13 = arith.constant 5 : i32
    "tpu.region"() ({
      %run_scoped3A_23 = tpu.sem_alloc : memref<!tpu.dma_semaphore, #tpu.memory_space<semaphore_mem>>
      %dma_start3A = arith.constant 0 : i32
      %dma_start3A_24 = tpu.memref_slice %arg5[%run_scoped3A_13, %dma_start3A] : memref<8x128xi32, #tpu.memory_space<vmem>> -> memref<1x128xi32, #tpu.memory_space<vmem>>
      %dma_start3A_25 = tpu.memref_squeeze %dma_start3A_24 : memref<1x128xi32, #tpu.memory_space<vmem>> -> memref<128xi32, #tpu.memory_space<vmem>>
      %dma_start3A_26 = tpu.memref_slice %arg3[%run_scoped3A_12, %mul3A_2] : memref<8x4096xi32, #tpu.memory_space<hbm>> -> memref<1x128xi32, #tpu.memory_space<hbm>>
      %dma_start3A_27 = tpu.memref_squeeze %dma_start3A_26 : memref<1x128xi32, #tpu.memory_space<hbm>> -> memref<128xi32, #tpu.memory_space<hbm>>
      %dma_start3A_28 = arith.constant 0 : i32
      %dma_start3A_29 = tpu.memref_slice %arg5[%run_scoped3A_13, %dma_start3A_28] : memref<8x128xi32, #tpu.memory_space<vmem>> -> memref<1x128xi32, #tpu.memory_space<vmem>>
      %dma_start3A_30 = tpu.memref_squeeze %dma_start3A_29 : memref<1x128xi32, #tpu.memory_space<vmem>> -> memref<128xi32, #tpu.memory_space<vmem>>
      %dma_start3A_31 = tpu.memref_slice %arg3[%run_scoped3A_12, %mul3A_2] : memref<8x4096xi32, #tpu.memory_space<hbm>> -> memref<1x128xi32, #tpu.memory_space<hbm>>
      %dma_start3A_32 = tpu.memref_squeeze %dma_start3A_31 : memref<1x128xi32, #tpu.memory_space<hbm>> -> memref<128xi32, #tpu.memory_space<hbm>>
      tpu.enqueue_dma source(%dma_start3A_32 : memref<128xi32, #tpu.memory_space<hbm>>) target(%dma_start3A_30 : memref<128xi32, #tpu.memory_space<vmem>>) target_semaphore(%run_scoped3A_23 : memref<!tpu.dma_semaphore, #tpu.memory_space<semaphore_mem>>)
      %dma_wait3A = arith.constant 0 : i32
      %dma_wait3A_33 = tpu.memref_slice %arg5[%run_scoped3A_13, %dma_wait3A] : memref<8x128xi32, #tpu.memory_space<vmem>> -> memref<1x128xi32, #tpu.memory_space<vmem>>
      %dma_wait3A_34 = tpu.memref_squeeze %dma_wait3A_33 : memref<1x128xi32, #tpu.memory_space<vmem>> -> memref<128xi32, #tpu.memory_space<vmem>>
      %dma_wait3A_35 = tpu.memref_slice %arg3[%run_scoped3A_12, %mul3A_2] : memref<8x4096xi32, #tpu.memory_space<hbm>> -> memref<1x128xi32, #tpu.memory_space<hbm>>
      %dma_wait3A_36 = tpu.memref_squeeze %dma_wait3A_35 : memref<1x128xi32, #tpu.memory_space<hbm>> -> memref<128xi32, #tpu.memory_space<hbm>>
      %dma_wait3A_37 = arith.constant 0 : i32
      %dma_wait3A_38 = tpu.memref_slice %arg5[%run_scoped3A_13, %dma_wait3A_37] : memref<8x128xi32, #tpu.memory_space<vmem>> -> memref<1x128xi32, #tpu.memory_space<vmem>>
      %dma_wait3A_39 = tpu.memref_squeeze %dma_wait3A_38 : memref<1x128xi32, #tpu.memory_space<vmem>> -> memref<128xi32, #tpu.memory_space<vmem>>
      %dma_wait3A_40 = tpu.memref_slice %arg3[%run_scoped3A_12, %mul3A_2] : memref<8x4096xi32, #tpu.memory_space<hbm>> -> memref<1x128xi32, #tpu.memory_space<hbm>>
      %dma_wait3A_41 = tpu.memref_squeeze %dma_wait3A_40 : memref<1x128xi32, #tpu.memory_space<hbm>> -> memref<128xi32, #tpu.memory_space<hbm>>
      tpu.wait_dma2 semaphore(%run_scoped3A_23 : memref<!tpu.dma_semaphore, #tpu.memory_space<semaphore_mem>>) src(%dma_wait3A_41 : memref<128xi32, #tpu.memory_space<hbm>>) dst(%dma_wait3A_39 : memref<128xi32, #tpu.memory_space<vmem>>)
      tpu.yield
    }) : () -> ()
    %run_scoped3A_14 = arith.constant 6 : i32
    %run_scoped3A_15 = arith.constant 6 : i32
    "tpu.region"() ({
      %run_scoped3A_23 = tpu.sem_alloc : memref<!tpu.dma_semaphore, #tpu.memory_space<semaphore_mem>>
      %dma_start3A = arith.constant 0 : i32
      %dma_start3A_24 = tpu.memref_slice %arg5[%run_scoped3A_15, %dma_start3A] : memref<8x128xi32, #tpu.memory_space<vmem>> -> memref<1x128xi32, #tpu.memory_space<vmem>>
      %dma_start3A_25 = tpu.memref_squeeze %dma_start3A_24 : memref<1x128xi32, #tpu.memory_space<vmem>> -> memref<128xi32, #tpu.memory_space<vmem>>
      %dma_start3A_26 = tpu.memref_slice %arg3[%run_scoped3A_14, %mul3A_2] : memref<8x4096xi32, #tpu.memory_space<hbm>> -> memref<1x128xi32, #tpu.memory_space<hbm>>
      %dma_start3A_27 = tpu.memref_squeeze %dma_start3A_26 : memref<1x128xi32, #tpu.memory_space<hbm>> -> memref<128xi32, #tpu.memory_space<hbm>>
      %dma_start3A_28 = arith.constant 0 : i32
      %dma_start3A_29 = tpu.memref_slice %arg5[%run_scoped3A_15, %dma_start3A_28] : memref<8x128xi32, #tpu.memory_space<vmem>> -> memref<1x128xi32, #tpu.memory_space<vmem>>
      %dma_start3A_30 = tpu.memref_squeeze %dma_start3A_29 : memref<1x128xi32, #tpu.memory_space<vmem>> -> memref<128xi32, #tpu.memory_space<vmem>>
      %dma_start3A_31 = tpu.memref_slice %arg3[%run_scoped3A_14, %mul3A_2] : memref<8x4096xi32, #tpu.memory_space<hbm>> -> memref<1x128xi32, #tpu.memory_space<hbm>>
      %dma_start3A_32 = tpu.memref_squeeze %dma_start3A_31 : memref<1x128xi32, #tpu.memory_space<hbm>> -> memref<128xi32, #tpu.memory_space<hbm>>
      tpu.enqueue_dma source(%dma_start3A_32 : memref<128xi32, #tpu.memory_space<hbm>>) target(%dma_start3A_30 : memref<128xi32, #tpu.memory_space<vmem>>) target_semaphore(%run_scoped3A_23 : memref<!tpu.dma_semaphore, #tpu.memory_space<semaphore_mem>>)
      %dma_wait3A = arith.constant 0 : i32
      %dma_wait3A_33 = tpu.memref_slice %arg5[%run_scoped3A_15, %dma_wait3A] : memref<8x128xi32, #tpu.memory_space<vmem>> -> memref<1x128xi32, #tpu.memory_space<vmem>>
      %dma_wait3A_34 = tpu.memref_squeeze %dma_wait3A_33 : memref<1x128xi32, #tpu.memory_space<vmem>> -> memref<128xi32, #tpu.memory_space<vmem>>
      %dma_wait3A_35 = tpu.memref_slice %arg3[%run_scoped3A_14, %mul3A_2] : memref<8x4096xi32, #tpu.memory_space<hbm>> -> memref<1x128xi32, #tpu.memory_space<hbm>>
      %dma_wait3A_36 = tpu.memref_squeeze %dma_wait3A_35 : memref<1x128xi32, #tpu.memory_space<hbm>> -> memref<128xi32, #tpu.memory_space<hbm>>
      %dma_wait3A_37 = arith.constant 0 : i32
      %dma_wait3A_38 = tpu.memref_slice %arg5[%run_scoped3A_15, %dma_wait3A_37] : memref<8x128xi32, #tpu.memory_space<vmem>> -> memref<1x128xi32, #tpu.memory_space<vmem>>
      %dma_wait3A_39 = tpu.memref_squeeze %dma_wait3A_38 : memref<1x128xi32, #tpu.memory_space<vmem>> -> memref<128xi32, #tpu.memory_space<vmem>>
      %dma_wait3A_40 = tpu.memref_slice %arg3[%run_scoped3A_14, %mul3A_2] : memref<8x4096xi32, #tpu.memory_space<hbm>> -> memref<1x128xi32, #tpu.memory_space<hbm>>
      %dma_wait3A_41 = tpu.memref_squeeze %dma_wait3A_40 : memref<1x128xi32, #tpu.memory_space<hbm>> -> memref<128xi32, #tpu.memory_space<hbm>>
      tpu.wait_dma2 semaphore(%run_scoped3A_23 : memref<!tpu.dma_semaphore, #tpu.memory_space<semaphore_mem>>) src(%dma_wait3A_41 : memref<128xi32, #tpu.memory_space<hbm>>) dst(%dma_wait3A_39 : memref<128xi32, #tpu.memory_space<vmem>>)
      tpu.yield
    }) : () -> ()
    %run_scoped3A_16 = arith.constant 7 : i32
    %run_scoped3A_17 = arith.constant 7 : i32
    "tpu.region"() ({
      %run_scoped3A_23 = tpu.sem_alloc : memref<!tpu.dma_semaphore, #tpu.memory_space<semaphore_mem>>
      %dma_start3A = arith.constant 0 : i32
      %dma_start3A_24 = tpu.memref_slice %arg5[%run_scoped3A_17, %dma_start3A] : memref<8x128xi32, #tpu.memory_space<vmem>> -> memref<1x128xi32, #tpu.memory_space<vmem>>
      %dma_start3A_25 = tpu.memref_squeeze %dma_start3A_24 : memref<1x128xi32, #tpu.memory_space<vmem>> -> memref<128xi32, #tpu.memory_space<vmem>>
      %dma_start3A_26 = tpu.memref_slice %arg3[%run_scoped3A_16, %mul3A_2] : memref<8x4096xi32, #tpu.memory_space<hbm>> -> memref<1x128xi32, #tpu.memory_space<hbm>>
      %dma_start3A_27 = tpu.memref_squeeze %dma_start3A_26 : memref<1x128xi32, #tpu.memory_space<hbm>> -> memref<128xi32, #tpu.memory_space<hbm>>
      %dma_start3A_28 = arith.constant 0 : i32
      %dma_start3A_29 = tpu.memref_slice %arg5[%run_scoped3A_17, %dma_start3A_28] : memref<8x128xi32, #tpu.memory_space<vmem>> -> memref<1x128xi32, #tpu.memory_space<vmem>>
      %dma_start3A_30 = tpu.memref_squeeze %dma_start3A_29 : memref<1x128xi32, #tpu.memory_space<vmem>> -> memref<128xi32, #tpu.memory_space<vmem>>
      %dma_start3A_31 = tpu.memref_slice %arg3[%run_scoped3A_16, %mul3A_2] : memref<8x4096xi32, #tpu.memory_space<hbm>> -> memref<1x128xi32, #tpu.memory_space<hbm>>
      %dma_start3A_32 = tpu.memref_squeeze %dma_start3A_31 : memref<1x128xi32, #tpu.memory_space<hbm>> -> memref<128xi32, #tpu.memory_space<hbm>>
      tpu.enqueue_dma source(%dma_start3A_32 : memref<128xi32, #tpu.memory_space<hbm>>) target(%dma_start3A_30 : memref<128xi32, #tpu.memory_space<vmem>>) target_semaphore(%run_scoped3A_23 : memref<!tpu.dma_semaphore, #tpu.memory_space<semaphore_mem>>)
      %dma_wait3A = arith.constant 0 : i32
      %dma_wait3A_33 = tpu.memref_slice %arg5[%run_scoped3A_17, %dma_wait3A] : memref<8x128xi32, #tpu.memory_space<vmem>> -> memref<1x128xi32, #tpu.memory_space<vmem>>
      %dma_wait3A_34 = tpu.memref_squeeze %dma_wait3A_33 : memref<1x128xi32, #tpu.memory_space<vmem>> -> memref<128xi32, #tpu.memory_space<vmem>>
      %dma_wait3A_35 = tpu.memref_slice %arg3[%run_scoped3A_16, %mul3A_2] : memref<8x4096xi32, #tpu.memory_space<hbm>> -> memref<1x128xi32, #tpu.memory_space<hbm>>
      %dma_wait3A_36 = tpu.memref_squeeze %dma_wait3A_35 : memref<1x128xi32, #tpu.memory_space<hbm>> -> memref<128xi32, #tpu.memory_space<hbm>>
      %dma_wait3A_37 = arith.constant 0 : i32
      %dma_wait3A_38 = tpu.memref_slice %arg5[%run_scoped3A_17, %dma_wait3A_37] : memref<8x128xi32, #tpu.memory_space<vmem>> -> memref<1x128xi32, #tpu.memory_space<vmem>>
      %dma_wait3A_39 = tpu.memref_squeeze %dma_wait3A_38 : memref<1x128xi32, #tpu.memory_space<vmem>> -> memref<128xi32, #tpu.memory_space<vmem>>
      %dma_wait3A_40 = tpu.memref_slice %arg3[%run_scoped3A_16, %mul3A_2] : memref<8x4096xi32, #tpu.memory_space<hbm>> -> memref<1x128xi32, #tpu.memory_space<hbm>>
      %dma_wait3A_41 = tpu.memref_squeeze %dma_wait3A_40 : memref<1x128xi32, #tpu.memory_space<hbm>> -> memref<128xi32, #tpu.memory_space<hbm>>
      tpu.wait_dma2 semaphore(%run_scoped3A_23 : memref<!tpu.dma_semaphore, #tpu.memory_space<semaphore_mem>>) src(%dma_wait3A_41 : memref<128xi32, #tpu.memory_space<hbm>>) dst(%dma_wait3A_39 : memref<128xi32, #tpu.memory_space<vmem>>)
      tpu.yield
    }) : () -> ()
    %scan3A = arith.constant 0 : i32
    %scan3A_18 = arith.constant 0 : i32
    %scan3A_19 = arith.constant 16 : i32
    %scan3A_20 = arith.addi %scan3A_18, %scan3A_19 : i32
    %scan3A_21 = arith.constant 1 : i32
    scf.for %scan3A_23 = %scan3A_18 to %scan3A_20 step %scan3A_21  : i32 {
      %mul3A_24 = arith.constant 8 : i32
      %mul3A_25 = arith.muli %scan3A_23, %mul3A_24 : i32
      %dma_start3A = arith.constant 0 : i32
      %dma_start3A_26 = arith.constant 0 : i32
      %dma_start3A_27 = arith.constant 0 : i32
      %dma_start3A_28 = tpu.memref_slice %arg6[%dma_start3A_26, %dma_start3A_27] : memref<64x1024xf32, #tpu.memory_space<vmem>> -> memref<8x1024xf32, #tpu.memory_space<vmem>>
      %dma_start3A_29 = tpu.memref_slice %arg5[%dma_start3A, %mul3A_25] : memref<8x128xi32, #tpu.memory_space<vmem>> -> memref<1x8xi32, #tpu.memory_space<vmem>>
      %dma_start3A_30 = tpu.memref_squeeze %dma_start3A_29 : memref<1x8xi32, #tpu.memory_space<vmem>> -> memref<8xi32, #tpu.memory_space<vmem>>
      %dma_start3A_31 = arith.constant 0 : i32
      %dma_start3A_32 = arith.constant 0 : i32
      %dma_start3A_33 = tpu.memref_slice %arg2[%dma_start3A_31, %dma_start3A_32] : memref<40960x1024xf32, #tpu.memory_space<hbm>> -> memref<40960x1024xf32, #tpu.memory_space<hbm>>
      tpu.enqueue_indirect_dma source(%dma_start3A_33 : memref<40960x1024xf32, #tpu.memory_space<hbm>>) target(%dma_start3A_28 : memref<8x1024xf32, #tpu.memory_space<vmem>>) offsets(%dma_start3A_30 : memref<8xi32, #tpu.memory_space<vmem>>) semaphore(%arg8 : memref<!tpu.dma_semaphore, #tpu.memory_space<semaphore_mem>>)
      %dma_start3A_34 = arith.constant 1 : i32
      %dma_start3A_35 = arith.constant 8 : i32
      %dma_start3A_36 = arith.constant 0 : i32
      %dma_start3A_37 = tpu.memref_slice %arg6[%dma_start3A_35, %dma_start3A_36] : memref<64x1024xf32, #tpu.memory_space<vmem>> -> memref<8x1024xf32, #tpu.memory_space<vmem>>
      %dma_start3A_38 = tpu.memref_slice %arg5[%dma_start3A_34, %mul3A_25] : memref<8x128xi32, #tpu.memory_space<vmem>> -> memref<1x8xi32, #tpu.memory_space<vmem>>
      %dma_start3A_39 = tpu.memref_squeeze %dma_start3A_38 : memref<1x8xi32, #tpu.memory_space<vmem>> -> memref<8xi32, #tpu.memory_space<vmem>>
      %dma_start3A_40 = arith.constant 0 : i32
      %dma_start3A_41 = arith.constant 0 : i32
      %dma_start3A_42 = tpu.memref_slice %arg2[%dma_start3A_40, %dma_start3A_41] : memref<40960x1024xf32, #tpu.memory_space<hbm>> -> memref<40960x1024xf32, #tpu.memory_space<hbm>>
      tpu.enqueue_indirect_dma source(%dma_start3A_42 : memref<40960x1024xf32, #tpu.memory_space<hbm>>) target(%dma_start3A_37 : memref<8x1024xf32, #tpu.memory_space<vmem>>) offsets(%dma_start3A_39 : memref<8xi32, #tpu.memory_space<vmem>>) semaphore(%arg8 : memref<!tpu.dma_semaphore, #tpu.memory_space<semaphore_mem>>)
      %dma_start3A_43 = arith.constant 2 : i32
      %dma_start3A_44 = arith.constant 16 : i32
      %dma_start3A_45 = arith.constant 0 : i32
      %dma_start3A_46 = tpu.memref_slice %arg6[%dma_start3A_44, %dma_start3A_45] : memref<64x1024xf32, #tpu.memory_space<vmem>> -> memref<8x1024xf32, #tpu.memory_space<vmem>>
      %dma_start3A_47 = tpu.memref_slice %arg5[%dma_start3A_43, %mul3A_25] : memref<8x128xi32, #tpu.memory_space<vmem>> -> memref<1x8xi32, #tpu.memory_space<vmem>>
      %dma_start3A_48 = tpu.memref_squeeze %dma_start3A_47 : memref<1x8xi32, #tpu.memory_space<vmem>> -> memref<8xi32, #tpu.memory_space<vmem>>
      %dma_start3A_49 = arith.constant 0 : i32
      %dma_start3A_50 = arith.constant 0 : i32
      %dma_start3A_51 = tpu.memref_slice %arg2[%dma_start3A_49, %dma_start3A_50] : memref<40960x1024xf32, #tpu.memory_space<hbm>> -> memref<40960x1024xf32, #tpu.memory_space<hbm>>
      tpu.enqueue_indirect_dma source(%dma_start3A_51 : memref<40960x1024xf32, #tpu.memory_space<hbm>>) target(%dma_start3A_46 : memref<8x1024xf32, #tpu.memory_space<vmem>>) offsets(%dma_start3A_48 : memref<8xi32, #tpu.memory_space<vmem>>) semaphore(%arg8 : memref<!tpu.dma_semaphore, #tpu.memory_space<semaphore_mem>>)
      %dma_start3A_52 = arith.constant 3 : i32
      %dma_start3A_53 = arith.constant 24 : i32
      %dma_start3A_54 = arith.constant 0 : i32
      %dma_start3A_55 = tpu.memref_slice %arg6[%dma_start3A_53, %dma_start3A_54] : memref<64x1024xf32, #tpu.memory_space<vmem>> -> memref<8x1024xf32, #tpu.memory_space<vmem>>
      %dma_start3A_56 = tpu.memref_slice %arg5[%dma_start3A_52, %mul3A_25] : memref<8x128xi32, #tpu.memory_space<vmem>> -> memref<1x8xi32, #tpu.memory_space<vmem>>
      %dma_start3A_57 = tpu.memref_squeeze %dma_start3A_56 : memref<1x8xi32, #tpu.memory_space<vmem>> -> memref<8xi32, #tpu.memory_space<vmem>>
      %dma_start3A_58 = arith.constant 0 : i32
      %dma_start3A_59 = arith.constant 0 : i32
      %dma_start3A_60 = tpu.memref_slice %arg2[%dma_start3A_58, %dma_start3A_59] : memref<40960x1024xf32, #tpu.memory_space<hbm>> -> memref<40960x1024xf32, #tpu.memory_space<hbm>>
      tpu.enqueue_indirect_dma source(%dma_start3A_60 : memref<40960x1024xf32, #tpu.memory_space<hbm>>) target(%dma_start3A_55 : memref<8x1024xf32, #tpu.memory_space<vmem>>) offsets(%dma_start3A_57 : memref<8xi32, #tpu.memory_space<vmem>>) semaphore(%arg8 : memref<!tpu.dma_semaphore, #tpu.memory_space<semaphore_mem>>)
      %dma_start3A_61 = arith.constant 4 : i32
      %dma_start3A_62 = arith.constant 32 : i32
      %dma_start3A_63 = arith.constant 0 : i32
      %dma_start3A_64 = tpu.memref_slice %arg6[%dma_start3A_62, %dma_start3A_63] : memref<64x1024xf32, #tpu.memory_space<vmem>> -> memref<8x1024xf32, #tpu.memory_space<vmem>>
      %dma_start3A_65 = tpu.memref_slice %arg5[%dma_start3A_61, %mul3A_25] : memref<8x128xi32, #tpu.memory_space<vmem>> -> memref<1x8xi32, #tpu.memory_space<vmem>>
      %dma_start3A_66 = tpu.memref_squeeze %dma_start3A_65 : memref<1x8xi32, #tpu.memory_space<vmem>> -> memref<8xi32, #tpu.memory_space<vmem>>
      %dma_start3A_67 = arith.constant 0 : i32
      %dma_start3A_68 = arith.constant 0 : i32
      %dma_start3A_69 = tpu.memref_slice %arg2[%dma_start3A_67, %dma_start3A_68] : memref<40960x1024xf32, #tpu.memory_space<hbm>> -> memref<40960x1024xf32, #tpu.memory_space<hbm>>
      tpu.enqueue_indirect_dma source(%dma_start3A_69 : memref<40960x1024xf32, #tpu.memory_space<hbm>>) target(%dma_start3A_64 : memref<8x1024xf32, #tpu.memory_space<vmem>>) offsets(%dma_start3A_66 : memref<8xi32, #tpu.memory_space<vmem>>) semaphore(%arg8 : memref<!tpu.dma_semaphore, #tpu.memory_space<semaphore_mem>>)
      %dma_start3A_70 = arith.constant 5 : i32
      %dma_start3A_71 = arith.constant 40 : i32
      %dma_start3A_72 = arith.constant 0 : i32
      %dma_start3A_73 = tpu.memref_slice %arg6[%dma_start3A_71, %dma_start3A_72] : memref<64x1024xf32, #tpu.memory_space<vmem>> -> memref<8x1024xf32, #tpu.memory_space<vmem>>
      %dma_start3A_74 = tpu.memref_slice %arg5[%dma_start3A_70, %mul3A_25] : memref<8x128xi32, #tpu.memory_space<vmem>> -> memref<1x8xi32, #tpu.memory_space<vmem>>
      %dma_start3A_75 = tpu.memref_squeeze %dma_start3A_74 : memref<1x8xi32, #tpu.memory_space<vmem>> -> memref<8xi32, #tpu.memory_space<vmem>>
      %dma_start3A_76 = arith.constant 0 : i32
      %dma_start3A_77 = arith.constant 0 : i32
      %dma_start3A_78 = tpu.memref_slice %arg2[%dma_start3A_76, %dma_start3A_77] : memref<40960x1024xf32, #tpu.memory_space<hbm>> -> memref<40960x1024xf32, #tpu.memory_space<hbm>>
      tpu.enqueue_indirect_dma source(%dma_start3A_78 : memref<40960x1024xf32, #tpu.memory_space<hbm>>) target(%dma_start3A_73 : memref<8x1024xf32, #tpu.memory_space<vmem>>) offsets(%dma_start3A_75 : memref<8xi32, #tpu.memory_space<vmem>>) semaphore(%arg8 : memref<!tpu.dma_semaphore, #tpu.memory_space<semaphore_mem>>)
      %dma_start3A_79 = arith.constant 6 : i32
      %dma_start3A_80 = arith.constant 48 : i32
      %dma_start3A_81 = arith.constant 0 : i32
      %dma_start3A_82 = tpu.memref_slice %arg6[%dma_start3A_80, %dma_start3A_81] : memref<64x1024xf32, #tpu.memory_space<vmem>> -> memref<8x1024xf32, #tpu.memory_space<vmem>>
      %dma_start3A_83 = tpu.memref_slice %arg5[%dma_start3A_79, %mul3A_25] : memref<8x128xi32, #tpu.memory_space<vmem>> -> memref<1x8xi32, #tpu.memory_space<vmem>>
      %dma_start3A_84 = tpu.memref_squeeze %dma_start3A_83 : memref<1x8xi32, #tpu.memory_space<vmem>> -> memref<8xi32, #tpu.memory_space<vmem>>
      %dma_start3A_85 = arith.constant 0 : i32
      %dma_start3A_86 = arith.constant 0 : i32
      %dma_start3A_87 = tpu.memref_slice %arg2[%dma_start3A_85, %dma_start3A_86] : memref<40960x1024xf32, #tpu.memory_space<hbm>> -> memref<40960x1024xf32, #tpu.memory_space<hbm>>
      tpu.enqueue_indirect_dma source(%dma_start3A_87 : memref<40960x1024xf32, #tpu.memory_space<hbm>>) target(%dma_start3A_82 : memref<8x1024xf32, #tpu.memory_space<vmem>>) offsets(%dma_start3A_84 : memref<8xi32, #tpu.memory_space<vmem>>) semaphore(%arg8 : memref<!tpu.dma_semaphore, #tpu.memory_space<semaphore_mem>>)
      %dma_start3A_88 = arith.constant 7 : i32
      %dma_start3A_89 = arith.constant 56 : i32
      %dma_start3A_90 = arith.constant 0 : i32
      %dma_start3A_91 = tpu.memref_slice %arg6[%dma_start3A_89, %dma_start3A_90] : memref<64x1024xf32, #tpu.memory_space<vmem>> -> memref<8x1024xf32, #tpu.memory_space<vmem>>
      %dma_start3A_92 = tpu.memref_slice %arg5[%dma_start3A_88, %mul3A_25] : memref<8x128xi32, #tpu.memory_space<vmem>> -> memref<1x8xi32, #tpu.memory_space<vmem>>
      %dma_start3A_93 = tpu.memref_squeeze %dma_start3A_92 : memref<1x8xi32, #tpu.memory_space<vmem>> -> memref<8xi32, #tpu.memory_space<vmem>>
      %dma_start3A_94 = arith.constant 0 : i32
      %dma_start3A_95 = arith.constant 0 : i32
      %dma_start3A_96 = tpu.memref_slice %arg2[%dma_start3A_94, %dma_start3A_95] : memref<40960x1024xf32, #tpu.memory_space<hbm>> -> memref<40960x1024xf32, #tpu.memory_space<hbm>>
      tpu.enqueue_indirect_dma source(%dma_start3A_96 : memref<40960x1024xf32, #tpu.memory_space<hbm>>) target(%dma_start3A_91 : memref<8x1024xf32, #tpu.memory_space<vmem>>) offsets(%dma_start3A_93 : memref<8xi32, #tpu.memory_space<vmem>>) semaphore(%arg8 : memref<!tpu.dma_semaphore, #tpu.memory_space<semaphore_mem>>)
      %dma_wait3A = arith.constant 0 : i32
      %dma_wait3A_97 = arith.constant 0 : i32
      %dma_wait3A_98 = arith.constant 0 : i32
      %dma_wait3A_99 = tpu.memref_slice %arg6[%dma_wait3A_97, %dma_wait3A_98] : memref<64x1024xf32, #tpu.memory_space<vmem>> -> memref<8x1024xf32, #tpu.memory_space<vmem>>
      %dma_wait3A_100 = tpu.memref_slice %arg5[%dma_wait3A, %mul3A_25] : memref<8x128xi32, #tpu.memory_space<vmem>> -> memref<1x8xi32, #tpu.memory_space<vmem>>
      %dma_wait3A_101 = tpu.memref_squeeze %dma_wait3A_100 : memref<1x8xi32, #tpu.memory_space<vmem>> -> memref<8xi32, #tpu.memory_space<vmem>>
      %dma_wait3A_102 = arith.constant 0 : i32
      %dma_wait3A_103 = arith.constant 0 : i32
      %dma_wait3A_104 = tpu.memref_slice %arg2[%dma_wait3A_102, %dma_wait3A_103] : memref<40960x1024xf32, #tpu.memory_space<hbm>> -> memref<40960x1024xf32, #tpu.memory_space<hbm>>
      tpu.wait_indirect_dma semaphore(%arg8 : memref<!tpu.dma_semaphore, #tpu.memory_space<semaphore_mem>>) src(%dma_wait3A_104 : memref<40960x1024xf32, #tpu.memory_space<hbm>>) dst(%dma_wait3A_99 : memref<8x1024xf32, #tpu.memory_space<vmem>>)
      %dma_wait3A_105 = arith.constant 1 : i32
      %dma_wait3A_106 = arith.constant 8 : i32
      %dma_wait3A_107 = arith.constant 0 : i32
      %dma_wait3A_108 = tpu.memref_slice %arg6[%dma_wait3A_106, %dma_wait3A_107] : memref<64x1024xf32, #tpu.memory_space<vmem>> -> memref<8x1024xf32, #tpu.memory_space<vmem>>
      %dma_wait3A_109 = tpu.memref_slice %arg5[%dma_wait3A_105, %mul3A_25] : memref<8x128xi32, #tpu.memory_space<vmem>> -> memref<1x8xi32, #tpu.memory_space<vmem>>
      %dma_wait3A_110 = tpu.memref_squeeze %dma_wait3A_109 : memref<1x8xi32, #tpu.memory_space<vmem>> -> memref<8xi32, #tpu.memory_space<vmem>>
      %dma_wait3A_111 = arith.constant 0 : i32
      %dma_wait3A_112 = arith.constant 0 : i32
      %dma_wait3A_113 = tpu.memref_slice %arg2[%dma_wait3A_111, %dma_wait3A_112] : memref<40960x1024xf32, #tpu.memory_space<hbm>> -> memref<40960x1024xf32, #tpu.memory_space<hbm>>
      tpu.wait_indirect_dma semaphore(%arg8 : memref<!tpu.dma_semaphore, #tpu.memory_space<semaphore_mem>>) src(%dma_wait3A_113 : memref<40960x1024xf32, #tpu.memory_space<hbm>>) dst(%dma_wait3A_108 : memref<8x1024xf32, #tpu.memory_space<vmem>>)
      %dma_wait3A_114 = arith.constant 2 : i32
      %dma_wait3A_115 = arith.constant 16 : i32
      %dma_wait3A_116 = arith.constant 0 : i32
      %dma_wait3A_117 = tpu.memref_slice %arg6[%dma_wait3A_115, %dma_wait3A_116] : memref<64x1024xf32, #tpu.memory_space<vmem>> -> memref<8x1024xf32, #tpu.memory_space<vmem>>
      %dma_wait3A_118 = tpu.memref_slice %arg5[%dma_wait3A_114, %mul3A_25] : memref<8x128xi32, #tpu.memory_space<vmem>> -> memref<1x8xi32, #tpu.memory_space<vmem>>
      %dma_wait3A_119 = tpu.memref_squeeze %dma_wait3A_118 : memref<1x8xi32, #tpu.memory_space<vmem>> -> memref<8xi32, #tpu.memory_space<vmem>>
      %dma_wait3A_120 = arith.constant 0 : i32
      %dma_wait3A_121 = arith.constant 0 : i32
      %dma_wait3A_122 = tpu.memref_slice %arg2[%dma_wait3A_120, %dma_wait3A_121] : memref<40960x1024xf32, #tpu.memory_space<hbm>> -> memref<40960x1024xf32, #tpu.memory_space<hbm>>
      tpu.wait_indirect_dma semaphore(%arg8 : memref<!tpu.dma_semaphore, #tpu.memory_space<semaphore_mem>>) src(%dma_wait3A_122 : memref<40960x1024xf32, #tpu.memory_space<hbm>>) dst(%dma_wait3A_117 : memref<8x1024xf32, #tpu.memory_space<vmem>>)
      %dma_wait3A_123 = arith.constant 3 : i32
      %dma_wait3A_124 = arith.constant 24 : i32
      %dma_wait3A_125 = arith.constant 0 : i32
      %dma_wait3A_126 = tpu.memref_slice %arg6[%dma_wait3A_124, %dma_wait3A_125] : memref<64x1024xf32, #tpu.memory_space<vmem>> -> memref<8x1024xf32, #tpu.memory_space<vmem>>
      %dma_wait3A_127 = tpu.memref_slice %arg5[%dma_wait3A_123, %mul3A_25] : memref<8x128xi32, #tpu.memory_space<vmem>> -> memref<1x8xi32, #tpu.memory_space<vmem>>
      %dma_wait3A_128 = tpu.memref_squeeze %dma_wait3A_127 : memref<1x8xi32, #tpu.memory_space<vmem>> -> memref<8xi32, #tpu.memory_space<vmem>>
      %dma_wait3A_129 = arith.constant 0 : i32
      %dma_wait3A_130 = arith.constant 0 : i32
      %dma_wait3A_131 = tpu.memref_slice %arg2[%dma_wait3A_129, %dma_wait3A_130] : memref<40960x1024xf32, #tpu.memory_space<hbm>> -> memref<40960x1024xf32, #tpu.memory_space<hbm>>
      tpu.wait_indirect_dma semaphore(%arg8 : memref<!tpu.dma_semaphore, #tpu.memory_space<semaphore_mem>>) src(%dma_wait3A_131 : memref<40960x1024xf32, #tpu.memory_space<hbm>>) dst(%dma_wait3A_126 : memref<8x1024xf32, #tpu.memory_space<vmem>>)
      %dma_wait3A_132 = arith.constant 4 : i32
      %dma_wait3A_133 = arith.constant 32 : i32
      %dma_wait3A_134 = arith.constant 0 : i32
      %dma_wait3A_135 = tpu.memref_slice %arg6[%dma_wait3A_133, %dma_wait3A_134] : memref<64x1024xf32, #tpu.memory_space<vmem>> -> memref<8x1024xf32, #tpu.memory_space<vmem>>
      %dma_wait3A_136 = tpu.memref_slice %arg5[%dma_wait3A_132, %mul3A_25] : memref<8x128xi32, #tpu.memory_space<vmem>> -> memref<1x8xi32, #tpu.memory_space<vmem>>
      %dma_wait3A_137 = tpu.memref_squeeze %dma_wait3A_136 : memref<1x8xi32, #tpu.memory_space<vmem>> -> memref<8xi32, #tpu.memory_space<vmem>>
      %dma_wait3A_138 = arith.constant 0 : i32
      %dma_wait3A_139 = arith.constant 0 : i32
      %dma_wait3A_140 = tpu.memref_slice %arg2[%dma_wait3A_138, %dma_wait3A_139] : memref<40960x1024xf32, #tpu.memory_space<hbm>> -> memref<40960x1024xf32, #tpu.memory_space<hbm>>
      tpu.wait_indirect_dma semaphore(%arg8 : memref<!tpu.dma_semaphore, #tpu.memory_space<semaphore_mem>>) src(%dma_wait3A_140 : memref<40960x1024xf32, #tpu.memory_space<hbm>>) dst(%dma_wait3A_135 : memref<8x1024xf32, #tpu.memory_space<vmem>>)
      %dma_wait3A_141 = arith.constant 5 : i32
      %dma_wait3A_142 = arith.constant 40 : i32
      %dma_wait3A_143 = arith.constant 0 : i32
      %dma_wait3A_144 = tpu.memref_slice %arg6[%dma_wait3A_142, %dma_wait3A_143] : memref<64x1024xf32, #tpu.memory_space<vmem>> -> memref<8x1024xf32, #tpu.memory_space<vmem>>
      %dma_wait3A_145 = tpu.memref_slice %arg5[%dma_wait3A_141, %mul3A_25] : memref<8x128xi32, #tpu.memory_space<vmem>> -> memref<1x8xi32, #tpu.memory_space<vmem>>
      %dma_wait3A_146 = tpu.memref_squeeze %dma_wait3A_145 : memref<1x8xi32, #tpu.memory_space<vmem>> -> memref<8xi32, #tpu.memory_space<vmem>>
      %dma_wait3A_147 = arith.constant 0 : i32
      %dma_wait3A_148 = arith.constant 0 : i32
      %dma_wait3A_149 = tpu.memref_slice %arg2[%dma_wait3A_147, %dma_wait3A_148] : memref<40960x1024xf32, #tpu.memory_space<hbm>> -> memref<40960x1024xf32, #tpu.memory_space<hbm>>
      tpu.wait_indirect_dma semaphore(%arg8 : memref<!tpu.dma_semaphore, #tpu.memory_space<semaphore_mem>>) src(%dma_wait3A_149 : memref<40960x1024xf32, #tpu.memory_space<hbm>>) dst(%dma_wait3A_144 : memref<8x1024xf32, #tpu.memory_space<vmem>>)
      %dma_wait3A_150 = arith.constant 6 : i32
      %dma_wait3A_151 = arith.constant 48 : i32
      %dma_wait3A_152 = arith.constant 0 : i32
      %dma_wait3A_153 = tpu.memref_slice %arg6[%dma_wait3A_151, %dma_wait3A_152] : memref<64x1024xf32, #tpu.memory_space<vmem>> -> memref<8x1024xf32, #tpu.memory_space<vmem>>
      %dma_wait3A_154 = tpu.memref_slice %arg5[%dma_wait3A_150, %mul3A_25] : memref<8x128xi32, #tpu.memory_space<vmem>> -> memref<1x8xi32, #tpu.memory_space<vmem>>
      %dma_wait3A_155 = tpu.memref_squeeze %dma_wait3A_154 : memref<1x8xi32, #tpu.memory_space<vmem>> -> memref<8xi32, #tpu.memory_space<vmem>>
      %dma_wait3A_156 = arith.constant 0 : i32
      %dma_wait3A_157 = arith.constant 0 : i32
      %dma_wait3A_158 = tpu.memref_slice %arg2[%dma_wait3A_156, %dma_wait3A_157] : memref<40960x1024xf32, #tpu.memory_space<hbm>> -> memref<40960x1024xf32, #tpu.memory_space<hbm>>
      tpu.wait_indirect_dma semaphore(%arg8 : memref<!tpu.dma_semaphore, #tpu.memory_space<semaphore_mem>>) src(%dma_wait3A_158 : memref<40960x1024xf32, #tpu.memory_space<hbm>>) dst(%dma_wait3A_153 : memref<8x1024xf32, #tpu.memory_space<vmem>>)
      %dma_wait3A_159 = arith.constant 7 : i32
      %dma_wait3A_160 = arith.constant 56 : i32
      %dma_wait3A_161 = arith.constant 0 : i32
      %dma_wait3A_162 = tpu.memref_slice %arg6[%dma_wait3A_160, %dma_wait3A_161] : memref<64x1024xf32, #tpu.memory_space<vmem>> -> memref<8x1024xf32, #tpu.memory_space<vmem>>
      %dma_wait3A_163 = tpu.memref_slice %arg5[%dma_wait3A_159, %mul3A_25] : memref<8x128xi32, #tpu.memory_space<vmem>> -> memref<1x8xi32, #tpu.memory_space<vmem>>
      %dma_wait3A_164 = tpu.memref_squeeze %dma_wait3A_163 : memref<1x8xi32, #tpu.memory_space<vmem>> -> memref<8xi32, #tpu.memory_space<vmem>>
      %dma_wait3A_165 = arith.constant 0 : i32
      %dma_wait3A_166 = arith.constant 0 : i32
      %dma_wait3A_167 = tpu.memref_slice %arg2[%dma_wait3A_165, %dma_wait3A_166] : memref<40960x1024xf32, #tpu.memory_space<hbm>> -> memref<40960x1024xf32, #tpu.memory_space<hbm>>
      tpu.wait_indirect_dma semaphore(%arg8 : memref<!tpu.dma_semaphore, #tpu.memory_space<semaphore_mem>>) src(%dma_wait3A_167 : memref<40960x1024xf32, #tpu.memory_space<hbm>>) dst(%dma_wait3A_162 : memref<8x1024xf32, #tpu.memory_space<vmem>>)
      %scan3A_168 = arith.constant 0 : i32
      %scan3A_169 = arith.constant 0 : i32
      %scan3A_170 = arith.constant 64 : i32
      %scan3A_171 = arith.addi %scan3A_169, %scan3A_170 : i32
      %scan3A_172 = arith.constant 1 : i32
      scf.for %scan3A_175 = %scan3A_169 to %scan3A_171 step %scan3A_172  : i32 {
        %mul3A_176 = arith.constant 16 : i32
        %mul3A_177 = arith.muli %scan3A_175, %mul3A_176 : i32
        %get3A = arith.constant 0 : i32
        %get3A_178 = arith.index_cast %get3A : i32 to index
        %get3A_179 = arith.index_cast %mul3A_177 : i32 to index
        %get3A_180 = tpu.vector_load %arg6[%get3A_178, %get3A_179] {strides = array<i32>} : memref<64x1024xf32, #tpu.memory_space<vmem>>, vector<1x16xf32>,
        %get3A_181 = vector.shape_cast %get3A_180 : vector<1x16xf32> to vector<16xf32>
        %get3A_182 = arith.constant 8 : i32
        %get3A_183 = arith.index_cast %get3A_182 : i32 to index
        %get3A_184 = arith.index_cast %mul3A_177 : i32 to index
        %get3A_185 = tpu.vector_load %arg6[%get3A_183, %get3A_184] {strides = array<i32>} : memref<64x1024xf32, #tpu.memory_space<vmem>>, vector<1x16xf32>,
        %get3A_186 = vector.shape_cast %get3A_185 : vector<1x16xf32> to vector<16xf32>
        %add3A_187 = arith.addf %get3A_181, %get3A_186 : vector<16xf32>
        %get3A_188 = arith.constant 16 : i32
        %get3A_189 = arith.index_cast %get3A_188 : i32 to index
        %get3A_190 = arith.index_cast %mul3A_177 : i32 to index
        %get3A_191 = tpu.vector_load %arg6[%get3A_189, %get3A_190] {strides = array<i32>} : memref<64x1024xf32, #tpu.memory_space<vmem>>, vector<1x16xf32>,
        %get3A_192 = vector.shape_cast %get3A_191 : vector<1x16xf32> to vector<16xf32>
        %add3A_193 = arith.addf %add3A_187, %get3A_192 : vector<16xf32>
        %get3A_194 = arith.constant 24 : i32
        %get3A_195 = arith.index_cast %get3A_194 : i32 to index
        %get3A_196 = arith.index_cast %mul3A_177 : i32 to index
        %get3A_197 = tpu.vector_load %arg6[%get3A_195, %get3A_196] {strides = array<i32>} : memref<64x1024xf32, #tpu.memory_space<vmem>>, vector<1x16xf32>,
        %get3A_198 = vector.shape_cast %get3A_197 : vector<1x16xf32> to vector<16xf32>
        %add3A_199 = arith.addf %add3A_193, %get3A_198 : vector<16xf32>
        %get3A_200 = arith.constant 32 : i32
        %get3A_201 = arith.index_cast %get3A_200 : i32 to index
        %get3A_202 = arith.index_cast %mul3A_177 : i32 to index
        %get3A_203 = tpu.vector_load %arg6[%get3A_201, %get3A_202] {strides = array<i32>} : memref<64x1024xf32, #tpu.memory_space<vmem>>, vector<1x16xf32>,
        %get3A_204 = vector.shape_cast %get3A_203 : vector<1x16xf32> to vector<16xf32>
        %add3A_205 = arith.addf %add3A_199, %get3A_204 : vector<16xf32>
        %get3A_206 = arith.constant 40 : i32
        %get3A_207 = arith.index_cast %get3A_206 : i32 to index
        %get3A_208 = arith.index_cast %mul3A_177 : i32 to index
        %get3A_209 = tpu.vector_load %arg6[%get3A_207, %get3A_208] {strides = array<i32>} : memref<64x1024xf32, #tpu.memory_space<vmem>>, vector<1x16xf32>,
        %get3A_210 = vector.shape_cast %get3A_209 : vector<1x16xf32> to vector<16xf32>
        %add3A_211 = arith.addf %add3A_205, %get3A_210 : vector<16xf32>
        %get3A_212 = arith.constant 48 : i32
        %get3A_213 = arith.index_cast %get3A_212 : i32 to index
        %get3A_214 = arith.index_cast %mul3A_177 : i32 to index
        %get3A_215 = tpu.vector_load %arg6[%get3A_213, %get3A_214] {strides = array<i32>} : memref<64x1024xf32, #tpu.memory_space<vmem>>, vector<1x16xf32>,
        %get3A_216 = vector.shape_cast %get3A_215 : vector<1x16xf32> to vector<16xf32>
        %add3A_217 = arith.addf %add3A_211, %get3A_216 : vector<16xf32>
        %get3A_218 = arith.constant 56 : i32
        %get3A_219 = arith.index_cast %get3A_218 : i32 to index
        %get3A_220 = arith.index_cast %mul3A_177 : i32 to index
        %get3A_221 = tpu.vector_load %arg6[%get3A_219, %get3A_220] {strides = array<i32>} : memref<64x1024xf32, #tpu.memory_space<vmem>>, vector<1x16xf32>,
        %get3A_222 = vector.shape_cast %get3A_221 : vector<1x16xf32> to vector<16xf32>
        %add3A_223 = arith.addf %add3A_217, %get3A_222 : vector<16xf32>
        %swap3A = arith.constant 0 : i32
        %swap3A_224 = arith.index_cast %swap3A : i32 to index
        %swap3A_225 = arith.index_cast %mul3A_177 : i32 to index
        %swap3A_226 = tpu.vector_load %arg7[%swap3A_224, %swap3A_225] {strides = array<i32>} : memref<8x1024xf32, #tpu.memory_space<vmem>>, vector<1x16xf32>,
        %swap3A_227 = vector.shape_cast %swap3A_226 : vector<1x16xf32> to vector<16xf32>
        %swap3A_228 = vector.shape_cast %add3A_223 : vector<16xf32> to vector<1x16xf32>
        tpu.vector_store %arg7[%swap3A_224, %swap3A_225], %swap3A_228 {strides = array<i32>} : memref<8x1024xf32, #tpu.memory_space<vmem>>, vector<1x16xf32>,
        %get3A_229 = arith.constant 1 : i32
        %get3A_230 = arith.index_cast %get3A_229 : i32 to index
        %get3A_231 = arith.index_cast %mul3A_177 : i32 to index
        %get3A_232 = tpu.vector_load %arg6[%get3A_230, %get3A_231] {strides = array<i32>} : memref<64x1024xf32, #tpu.memory_space<vmem>>, vector<1x16xf32>,
        %get3A_233 = vector.shape_cast %get3A_232 : vector<1x16xf32> to vector<16xf32>
        %get3A_234 = arith.constant 9 : i32
        %get3A_235 = arith.index_cast %get3A_234 : i32 to index
        %get3A_236 = arith.index_cast %mul3A_177 : i32 to index
        %get3A_237 = tpu.vector_load %arg6[%get3A_235, %get3A_236] {strides = array<i32>} : memref<64x1024xf32, #tpu.memory_space<vmem>>, vector<1x16xf32>,
        %get3A_238 = vector.shape_cast %get3A_237 : vector<1x16xf32> to vector<16xf32>
        %add3A_239 = arith.addf %get3A_233, %get3A_238 : vector<16xf32>
        %get3A_240 = arith.constant 17 : i32
        %get3A_241 = arith.index_cast %get3A_240 : i32 to index
        %get3A_242 = arith.index_cast %mul3A_177 : i32 to index
        %get3A_243 = tpu.vector_load %arg6[%get3A_241, %get3A_242] {strides = array<i32>} : memref<64x1024xf32, #tpu.memory_space<vmem>>, vector<1x16xf32>,
        %get3A_244 = vector.shape_cast %get3A_243 : vector<1x16xf32> to vector<16xf32>
        %add3A_245 = arith.addf %add3A_239, %get3A_244 : vector<16xf32>
        %get3A_246 = arith.constant 25 : i32
        %get3A_247 = arith.index_cast %get3A_246 : i32 to index
        %get3A_248 = arith.index_cast %mul3A_177 : i32 to index
        %get3A_249 = tpu.vector_load %arg6[%get3A_247, %get3A_248] {strides = array<i32>} : memref<64x1024xf32, #tpu.memory_space<vmem>>, vector<1x16xf32>,
        %get3A_250 = vector.shape_cast %get3A_249 : vector<1x16xf32> to vector<16xf32>
        %add3A_251 = arith.addf %add3A_245, %get3A_250 : vector<16xf32>
        %get3A_252 = arith.constant 33 : i32
        %get3A_253 = arith.index_cast %get3A_252 : i32 to index
        %get3A_254 = arith.index_cast %mul3A_177 : i32 to index
        %get3A_255 = tpu.vector_load %arg6[%get3A_253, %get3A_254] {strides = array<i32>} : memref<64x1024xf32, #tpu.memory_space<vmem>>, vector<1x16xf32>,
        %get3A_256 = vector.shape_cast %get3A_255 : vector<1x16xf32> to vector<16xf32>
        %add3A_257 = arith.addf %add3A_251, %get3A_256 : vector<16xf32>
        %get3A_258 = arith.constant 41 : i32
        %get3A_259 = arith.index_cast %get3A_258 : i32 to index
        %get3A_260 = arith.index_cast %mul3A_177 : i32 to index
        %get3A_261 = tpu.vector_load %arg6[%get3A_259, %get3A_260] {strides = array<i32>} : memref<64x1024xf32, #tpu.memory_space<vmem>>, vector<1x16xf32>,
        %get3A_262 = vector.shape_cast %get3A_261 : vector<1x16xf32> to vector<16xf32>
        %add3A_263 = arith.addf %add3A_257, %get3A_262 : vector<16xf32>
        %get3A_264 = arith.constant 49 : i32
        %get3A_265 = arith.index_cast %get3A_264 : i32 to index
        %get3A_266 = arith.index_cast %mul3A_177 : i32 to index
        %get3A_267 = tpu.vector_load %arg6[%get3A_265, %get3A_266] {strides = array<i32>} : memref<64x1024xf32, #tpu.memory_space<vmem>>, vector<1x16xf32>,
        %get3A_268 = vector.shape_cast %get3A_267 : vector<1x16xf32> to vector<16xf32>
        %add3A_269 = arith.addf %add3A_263, %get3A_268 : vector<16xf32>
        %get3A_270 = arith.constant 57 : i32
        %get3A_271 = arith.index_cast %get3A_270 : i32 to index
        %get3A_272 = arith.index_cast %mul3A_177 : i32 to index
        %get3A_273 = tpu.vector_load %arg6[%get3A_271, %get3A_272] {strides = array<i32>} : memref<64x1024xf32, #tpu.memory_space<vmem>>, vector<1x16xf32>,
        %get3A_274 = vector.shape_cast %get3A_273 : vector<1x16xf32> to vector<16xf32>
        %add3A_275 = arith.addf %add3A_269, %get3A_274 : vector<16xf32>
        %swap3A_276 = arith.constant 1 : i32
        %swap3A_277 = arith.index_cast %swap3A_276 : i32 to index
        %swap3A_278 = arith.index_cast %mul3A_177 : i32 to index
        %swap3A_279 = tpu.vector_load %arg7[%swap3A_277, %swap3A_278] {strides = array<i32>} : memref<8x1024xf32, #tpu.memory_space<vmem>>, vector<1x16xf32>,
        %swap3A_280 = vector.shape_cast %swap3A_279 : vector<1x16xf32> to vector<16xf32>
        %swap3A_281 = vector.shape_cast %add3A_275 : vector<16xf32> to vector<1x16xf32>
        tpu.vector_store %arg7[%swap3A_277, %swap3A_278], %swap3A_281 {strides = array<i32>} : memref<8x1024xf32, #tpu.memory_space<vmem>>, vector<1x16xf32>,
        %get3A_282 = arith.constant 2 : i32
        %get3A_283 = arith.index_cast %get3A_282 : i32 to index
        %get3A_284 = arith.index_cast %mul3A_177 : i32 to index
        %get3A_285 = tpu.vector_load %arg6[%get3A_283, %get3A_284] {strides = array<i32>} : memref<64x1024xf32, #tpu.memory_space<vmem>>, vector<1x16xf32>,
        %get3A_286 = vector.shape_cast %get3A_285 : vector<1x16xf32> to vector<16xf32>
        %get3A_287 = arith.constant 10 : i32
        %get3A_288 = arith.index_cast %get3A_287 : i32 to index
        %get3A_289 = arith.index_cast %mul3A_177 : i32 to index
        %get3A_290 = tpu.vector_load %arg6[%get3A_288, %get3A_289] {strides = array<i32>} : memref<64x1024xf32, #tpu.memory_space<vmem>>, vector<1x16xf32>,
        %get3A_291 = vector.shape_cast %get3A_290 : vector<1x16xf32> to vector<16xf32>
        %add3A_292 = arith.addf %get3A_286, %get3A_291 : vector<16xf32>
        %get3A_293 = arith.constant 18 : i32
        %get3A_294 = arith.index_cast %get3A_293 : i32 to index
        %get3A_295 = arith.index_cast %mul3A_177 : i32 to index
        %get3A_296 = tpu.vector_load %arg6[%get3A_294, %get3A_295] {strides = array<i32>} : memref<64x1024xf32, #tpu.memory_space<vmem>>, vector<1x16xf32>,
        %get3A_297 = vector.shape_cast %get3A_296 : vector<1x16xf32> to vector<16xf32>
        %add3A_298 = arith.addf %add3A_292, %get3A_297 : vector<16xf32>
        %get3A_299 = arith.constant 26 : i32
        %get3A_300 = arith.index_cast %get3A_299 : i32 to index
        %get3A_301 = arith.index_cast %mul3A_177 : i32 to index
        %get3A_302 = tpu.vector_load %arg6[%get3A_300, %get3A_301] {strides = array<i32>} : memref<64x1024xf32, #tpu.memory_space<vmem>>, vector<1x16xf32>,
        %get3A_303 = vector.shape_cast %get3A_302 : vector<1x16xf32> to vector<16xf32>
        %add3A_304 = arith.addf %add3A_298, %get3A_303 : vector<16xf32>
        %get3A_305 = arith.constant 34 : i32
        %get3A_306 = arith.index_cast %get3A_305 : i32 to index
        %get3A_307 = arith.index_cast %mul3A_177 : i32 to index
        %get3A_308 = tpu.vector_load %arg6[%get3A_306, %get3A_307] {strides = array<i32>} : memref<64x1024xf32, #tpu.memory_space<vmem>>, vector<1x16xf32>,
        %get3A_309 = vector.shape_cast %get3A_308 : vector<1x16xf32> to vector<16xf32>
        %add3A_310 = arith.addf %add3A_304, %get3A_309 : vector<16xf32>
        %get3A_311 = arith.constant 42 : i32
        %get3A_312 = arith.index_cast %get3A_311 : i32 to index
        %get3A_313 = arith.index_cast %mul3A_177 : i32 to index
        %get3A_314 = tpu.vector_load %arg6[%get3A_312, %get3A_313] {strides = array<i32>} : memref<64x1024xf32, #tpu.memory_space<vmem>>, vector<1x16xf32>,
        %get3A_315 = vector.shape_cast %get3A_314 : vector<1x16xf32> to vector<16xf32>
        %add3A_316 = arith.addf %add3A_310, %get3A_315 : vector<16xf32>
        %get3A_317 = arith.constant 50 : i32
        %get3A_318 = arith.index_cast %get3A_317 : i32 to index
        %get3A_319 = arith.index_cast %mul3A_177 : i32 to index
        %get3A_320 = tpu.vector_load %arg6[%get3A_318, %get3A_319] {strides = array<i32>} : memref<64x1024xf32, #tpu.memory_space<vmem>>, vector<1x16xf32>,
        %get3A_321 = vector.shape_cast %get3A_320 : vector<1x16xf32> to vector<16xf32>
        %add3A_322 = arith.addf %add3A_316, %get3A_321 : vector<16xf32>
        %get3A_323 = arith.constant 58 : i32
        %get3A_324 = arith.index_cast %get3A_323 : i32 to index
        %get3A_325 = arith.index_cast %mul3A_177 : i32 to index
        %get3A_326 = tpu.vector_load %arg6[%get3A_324, %get3A_325] {strides = array<i32>} : memref<64x1024xf32, #tpu.memory_space<vmem>>, vector<1x16xf32>,
        %get3A_327 = vector.shape_cast %get3A_326 : vector<1x16xf32> to vector<16xf32>
        %add3A_328 = arith.addf %add3A_322, %get3A_327 : vector<16xf32>
        %swap3A_329 = arith.constant 2 : i32
        %swap3A_330 = arith.index_cast %swap3A_329 : i32 to index
        %swap3A_331 = arith.index_cast %mul3A_177 : i32 to index
        %swap3A_332 = tpu.vector_load %arg7[%swap3A_330, %swap3A_331] {strides = array<i32>} : memref<8x1024xf32, #tpu.memory_space<vmem>>, vector<1x16xf32>,
        %swap3A_333 = vector.shape_cast %swap3A_332 : vector<1x16xf32> to vector<16xf32>
        %swap3A_334 = vector.shape_cast %add3A_328 : vector<16xf32> to vector<1x16xf32>
        tpu.vector_store %arg7[%swap3A_330, %swap3A_331], %swap3A_334 {strides = array<i32>} : memref<8x1024xf32, #tpu.memory_space<vmem>>, vector<1x16xf32>,
        %get3A_335 = arith.constant 3 : i32
        %get3A_336 = arith.index_cast %get3A_335 : i32 to index
        %get3A_337 = arith.index_cast %mul3A_177 : i32 to index
        %get3A_338 = tpu.vector_load %arg6[%get3A_336, %get3A_337] {strides = array<i32>} : memref<64x1024xf32, #tpu.memory_space<vmem>>, vector<1x16xf32>,
        %get3A_339 = vector.shape_cast %get3A_338 : vector<1x16xf32> to vector<16xf32>
        %get3A_340 = arith.constant 11 : i32
        %get3A_341 = arith.index_cast %get3A_340 : i32 to index
        %get3A_342 = arith.index_cast %mul3A_177 : i32 to index
        %get3A_343 = tpu.vector_load %arg6[%get3A_341, %get3A_342] {strides = array<i32>} : memref<64x1024xf32, #tpu.memory_space<vmem>>, vector<1x16xf32>,
        %get3A_344 = vector.shape_cast %get3A_343 : vector<1x16xf32> to vector<16xf32>
        %add3A_345 = arith.addf %get3A_339, %get3A_344 : vector<16xf32>
        %get3A_346 = arith.constant 19 : i32
        %get3A_347 = arith.index_cast %get3A_346 : i32 to index
        %get3A_348 = arith.index_cast %mul3A_177 : i32 to index
        %get3A_349 = tpu.vector_load %arg6[%get3A_347, %get3A_348] {strides = array<i32>} : memref<64x1024xf32, #tpu.memory_space<vmem>>, vector<1x16xf32>,
        %get3A_350 = vector.shape_cast %get3A_349 : vector<1x16xf32> to vector<16xf32>
        %add3A_351 = arith.addf %add3A_345, %get3A_350 : vector<16xf32>
        %get3A_352 = arith.constant 27 : i32
        %get3A_353 = arith.index_cast %get3A_352 : i32 to index
        %get3A_354 = arith.index_cast %mul3A_177 : i32 to index
        %get3A_355 = tpu.vector_load %arg6[%get3A_353, %get3A_354] {strides = array<i32>} : memref<64x1024xf32, #tpu.memory_space<vmem>>, vector<1x16xf32>,
        %get3A_356 = vector.shape_cast %get3A_355 : vector<1x16xf32> to vector<16xf32>
        %add3A_357 = arith.addf %add3A_351, %get3A_356 : vector<16xf32>
        %get3A_358 = arith.constant 35 : i32
        %get3A_359 = arith.index_cast %get3A_358 : i32 to index
        %get3A_360 = arith.index_cast %mul3A_177 : i32 to index
        %get3A_361 = tpu.vector_load %arg6[%get3A_359, %get3A_360] {strides = array<i32>} : memref<64x1024xf32, #tpu.memory_space<vmem>>, vector<1x16xf32>,
        %get3A_362 = vector.shape_cast %get3A_361 : vector<1x16xf32> to vector<16xf32>
        %add3A_363 = arith.addf %add3A_357, %get3A_362 : vector<16xf32>
        %get3A_364 = arith.constant 43 : i32
        %get3A_365 = arith.index_cast %get3A_364 : i32 to index
        %get3A_366 = arith.index_cast %mul3A_177 : i32 to index
        %get3A_367 = tpu.vector_load %arg6[%get3A_365, %get3A_366] {strides = array<i32>} : memref<64x1024xf32, #tpu.memory_space<vmem>>, vector<1x16xf32>,
        %get3A_368 = vector.shape_cast %get3A_367 : vector<1x16xf32> to vector<16xf32>
        %add3A_369 = arith.addf %add3A_363, %get3A_368 : vector<16xf32>
        %get3A_370 = arith.constant 51 : i32
        %get3A_371 = arith.index_cast %get3A_370 : i32 to index
        %get3A_372 = arith.index_cast %mul3A_177 : i32 to index
        %get3A_373 = tpu.vector_load %arg6[%get3A_371, %get3A_372] {strides = array<i32>} : memref<64x1024xf32, #tpu.memory_space<vmem>>, vector<1x16xf32>,
        %get3A_374 = vector.shape_cast %get3A_373 : vector<1x16xf32> to vector<16xf32>
        %add3A_375 = arith.addf %add3A_369, %get3A_374 : vector<16xf32>
        %get3A_376 = arith.constant 59 : i32
        %get3A_377 = arith.index_cast %get3A_376 : i32 to index
        %get3A_378 = arith.index_cast %mul3A_177 : i32 to index
        %get3A_379 = tpu.vector_load %arg6[%get3A_377, %get3A_378] {strides = array<i32>} : memref<64x1024xf32, #tpu.memory_space<vmem>>, vector<1x16xf32>,
        %get3A_380 = vector.shape_cast %get3A_379 : vector<1x16xf32> to vector<16xf32>
        %add3A_381 = arith.addf %add3A_375, %get3A_380 : vector<16xf32>
        %swap3A_382 = arith.constant 3 : i32
        %swap3A_383 = arith.index_cast %swap3A_382 : i32 to index
        %swap3A_384 = arith.index_cast %mul3A_177 : i32 to index
        %swap3A_385 = tpu.vector_load %arg7[%swap3A_383, %swap3A_384] {strides = array<i32>} : memref<8x1024xf32, #tpu.memory_space<vmem>>, vector<1x16xf32>,
        %swap3A_386 = vector.shape_cast %swap3A_385 : vector<1x16xf32> to vector<16xf32>
        %swap3A_387 = vector.shape_cast %add3A_381 : vector<16xf32> to vector<1x16xf32>
        tpu.vector_store %arg7[%swap3A_383, %swap3A_384], %swap3A_387 {strides = array<i32>} : memref<8x1024xf32, #tpu.memory_space<vmem>>, vector<1x16xf32>,
        %get3A_388 = arith.constant 4 : i32
        %get3A_389 = arith.index_cast %get3A_388 : i32 to index
        %get3A_390 = arith.index_cast %mul3A_177 : i32 to index
        %get3A_391 = tpu.vector_load %arg6[%get3A_389, %get3A_390] {strides = array<i32>} : memref<64x1024xf32, #tpu.memory_space<vmem>>, vector<1x16xf32>,
        %get3A_392 = vector.shape_cast %get3A_391 : vector<1x16xf32> to vector<16xf32>
        %get3A_393 = arith.constant 12 : i32
        %get3A_394 = arith.index_cast %get3A_393 : i32 to index
        %get3A_395 = arith.index_cast %mul3A_177 : i32 to index
        %get3A_396 = tpu.vector_load %arg6[%get3A_394, %get3A_395] {strides = array<i32>} : memref<64x1024xf32, #tpu.memory_space<vmem>>, vector<1x16xf32>,
        %get3A_397 = vector.shape_cast %get3A_396 : vector<1x16xf32> to vector<16xf32>
        %add3A_398 = arith.addf %get3A_392, %get3A_397 : vector<16xf32>
        %get3A_399 = arith.constant 20 : i32
        %get3A_400 = arith.index_cast %get3A_399 : i32 to index
        %get3A_401 = arith.index_cast %mul3A_177 : i32 to index
        %get3A_402 = tpu.vector_load %arg6[%get3A_400, %get3A_401] {strides = array<i32>} : memref<64x1024xf32, #tpu.memory_space<vmem>>, vector<1x16xf32>,
        %get3A_403 = vector.shape_cast %get3A_402 : vector<1x16xf32> to vector<16xf32>
        %add3A_404 = arith.addf %add3A_398, %get3A_403 : vector<16xf32>
        %get3A_405 = arith.constant 28 : i32
        %get3A_406 = arith.index_cast %get3A_405 : i32 to index
        %get3A_407 = arith.index_cast %mul3A_177 : i32 to index
        %get3A_408 = tpu.vector_load %arg6[%get3A_406, %get3A_407] {strides = array<i32>} : memref<64x1024xf32, #tpu.memory_space<vmem>>, vector<1x16xf32>,
        %get3A_409 = vector.shape_cast %get3A_408 : vector<1x16xf32> to vector<16xf32>
        %add3A_410 = arith.addf %add3A_404, %get3A_409 : vector<16xf32>
        %get3A_411 = arith.constant 36 : i32
        %get3A_412 = arith.index_cast %get3A_411 : i32 to index
        %get3A_413 = arith.index_cast %mul3A_177 : i32 to index
        %get3A_414 = tpu.vector_load %arg6[%get3A_412, %get3A_413] {strides = array<i32>} : memref<64x1024xf32, #tpu.memory_space<vmem>>, vector<1x16xf32>,
        %get3A_415 = vector.shape_cast %get3A_414 : vector<1x16xf32> to vector<16xf32>
        %add3A_416 = arith.addf %add3A_410, %get3A_415 : vector<16xf32>
        %get3A_417 = arith.constant 44 : i32
        %get3A_418 = arith.index_cast %get3A_417 : i32 to index
        %get3A_419 = arith.index_cast %mul3A_177 : i32 to index
        %get3A_420 = tpu.vector_load %arg6[%get3A_418, %get3A_419] {strides = array<i32>} : memref<64x1024xf32, #tpu.memory_space<vmem>>, vector<1x16xf32>,
        %get3A_421 = vector.shape_cast %get3A_420 : vector<1x16xf32> to vector<16xf32>
        %add3A_422 = arith.addf %add3A_416, %get3A_421 : vector<16xf32>
        %get3A_423 = arith.constant 52 : i32
        %get3A_424 = arith.index_cast %get3A_423 : i32 to index
        %get3A_425 = arith.index_cast %mul3A_177 : i32 to index
        %get3A_426 = tpu.vector_load %arg6[%get3A_424, %get3A_425] {strides = array<i32>} : memref<64x1024xf32, #tpu.memory_space<vmem>>, vector<1x16xf32>,
        %get3A_427 = vector.shape_cast %get3A_426 : vector<1x16xf32> to vector<16xf32>
        %add3A_428 = arith.addf %add3A_422, %get3A_427 : vector<16xf32>
        %get3A_429 = arith.constant 60 : i32
        %get3A_430 = arith.index_cast %get3A_429 : i32 to index
        %get3A_431 = arith.index_cast %mul3A_177 : i32 to index
        %get3A_432 = tpu.vector_load %arg6[%get3A_430, %get3A_431] {strides = array<i32>} : memref<64x1024xf32, #tpu.memory_space<vmem>>, vector<1x16xf32>,
        %get3A_433 = vector.shape_cast %get3A_432 : vector<1x16xf32> to vector<16xf32>
        %add3A_434 = arith.addf %add3A_428, %get3A_433 : vector<16xf32>
        %swap3A_435 = arith.constant 4 : i32
        %swap3A_436 = arith.index_cast %swap3A_435 : i32 to index
        %swap3A_437 = arith.index_cast %mul3A_177 : i32 to index
        %swap3A_438 = tpu.vector_load %arg7[%swap3A_436, %swap3A_437] {strides = array<i32>} : memref<8x1024xf32, #tpu.memory_space<vmem>>, vector<1x16xf32>,
        %swap3A_439 = vector.shape_cast %swap3A_438 : vector<1x16xf32> to vector<16xf32>
        %swap3A_440 = vector.shape_cast %add3A_434 : vector<16xf32> to vector<1x16xf32>
        tpu.vector_store %arg7[%swap3A_436, %swap3A_437], %swap3A_440 {strides = array<i32>} : memref<8x1024xf32, #tpu.memory_space<vmem>>, vector<1x16xf32>,
        %get3A_441 = arith.constant 5 : i32
        %get3A_442 = arith.index_cast %get3A_441 : i32 to index
        %get3A_443 = arith.index_cast %mul3A_177 : i32 to index
        %get3A_444 = tpu.vector_load %arg6[%get3A_442, %get3A_443] {strides = array<i32>} : memref<64x1024xf32, #tpu.memory_space<vmem>>, vector<1x16xf32>,
        %get3A_445 = vector.shape_cast %get3A_444 : vector<1x16xf32> to vector<16xf32>
        %get3A_446 = arith.constant 13 : i32
        %get3A_447 = arith.index_cast %get3A_446 : i32 to index
        %get3A_448 = arith.index_cast %mul3A_177 : i32 to index
        %get3A_449 = tpu.vector_load %arg6[%get3A_447, %get3A_448] {strides = array<i32>} : memref<64x1024xf32, #tpu.memory_space<vmem>>, vector<1x16xf32>,
        %get3A_450 = vector.shape_cast %get3A_449 : vector<1x16xf32> to vector<16xf32>
        %add3A_451 = arith.addf %get3A_445, %get3A_450 : vector<16xf32>
        %get3A_452 = arith.constant 21 : i32
        %get3A_453 = arith.index_cast %get3A_452 : i32 to index
        %get3A_454 = arith.index_cast %mul3A_177 : i32 to index
        %get3A_455 = tpu.vector_load %arg6[%get3A_453, %get3A_454] {strides = array<i32>} : memref<64x1024xf32, #tpu.memory_space<vmem>>, vector<1x16xf32>,
        %get3A_456 = vector.shape_cast %get3A_455 : vector<1x16xf32> to vector<16xf32>
        %add3A_457 = arith.addf %add3A_451, %get3A_456 : vector<16xf32>
        %get3A_458 = arith.constant 29 : i32
        %get3A_459 = arith.index_cast %get3A_458 : i32 to index
        %get3A_460 = arith.index_cast %mul3A_177 : i32 to index
        %get3A_461 = tpu.vector_load %arg6[%get3A_459, %get3A_460] {strides = array<i32>} : memref<64x1024xf32, #tpu.memory_space<vmem>>, vector<1x16xf32>,
        %get3A_462 = vector.shape_cast %get3A_461 : vector<1x16xf32> to vector<16xf32>
        %add3A_463 = arith.addf %add3A_457, %get3A_462 : vector<16xf32>
        %get3A_464 = arith.constant 37 : i32
        %get3A_465 = arith.index_cast %get3A_464 : i32 to index
        %get3A_466 = arith.index_cast %mul3A_177 : i32 to index
        %get3A_467 = tpu.vector_load %arg6[%get3A_465, %get3A_466] {strides = array<i32>} : memref<64x1024xf32, #tpu.memory_space<vmem>>, vector<1x16xf32>,
        %get3A_468 = vector.shape_cast %get3A_467 : vector<1x16xf32> to vector<16xf32>
        %add3A_469 = arith.addf %add3A_463, %get3A_468 : vector<16xf32>
        %get3A_470 = arith.constant 45 : i32
        %get3A_471 = arith.index_cast %get3A_470 : i32 to index
        %get3A_472 = arith.index_cast %mul3A_177 : i32 to index
        %get3A_473 = tpu.vector_load %arg6[%get3A_471, %get3A_472] {strides = array<i32>} : memref<64x1024xf32, #tpu.memory_space<vmem>>, vector<1x16xf32>,
        %get3A_474 = vector.shape_cast %get3A_473 : vector<1x16xf32> to vector<16xf32>
        %add3A_475 = arith.addf %add3A_469, %get3A_474 : vector<16xf32>
        %get3A_476 = arith.constant 53 : i32
        %get3A_477 = arith.index_cast %get3A_476 : i32 to index
        %get3A_478 = arith.index_cast %mul3A_177 : i32 to index
        %get3A_479 = tpu.vector_load %arg6[%get3A_477, %get3A_478] {strides = array<i32>} : memref<64x1024xf32, #tpu.memory_space<vmem>>, vector<1x16xf32>,
        %get3A_480 = vector.shape_cast %get3A_479 : vector<1x16xf32> to vector<16xf32>
        %add3A_481 = arith.addf %add3A_475, %get3A_480 : vector<16xf32>
        %get3A_482 = arith.constant 61 : i32
        %get3A_483 = arith.index_cast %get3A_482 : i32 to index
        %get3A_484 = arith.index_cast %mul3A_177 : i32 to index
        %get3A_485 = tpu.vector_load %arg6[%get3A_483, %get3A_484] {strides = array<i32>} : memref<64x1024xf32, #tpu.memory_space<vmem>>, vector<1x16xf32>,
        %get3A_486 = vector.shape_cast %get3A_485 : vector<1x16xf32> to vector<16xf32>
        %add3A_487 = arith.addf %add3A_481, %get3A_486 : vector<16xf32>
        %swap3A_488 = arith.constant 5 : i32
        %swap3A_489 = arith.index_cast %swap3A_488 : i32 to index
        %swap3A_490 = arith.index_cast %mul3A_177 : i32 to index
        %swap3A_491 = tpu.vector_load %arg7[%swap3A_489, %swap3A_490] {strides = array<i32>} : memref<8x1024xf32, #tpu.memory_space<vmem>>, vector<1x16xf32>,
        %swap3A_492 = vector.shape_cast %swap3A_491 : vector<1x16xf32> to vector<16xf32>
        %swap3A_493 = vector.shape_cast %add3A_487 : vector<16xf32> to vector<1x16xf32>
        tpu.vector_store %arg7[%swap3A_489, %swap3A_490], %swap3A_493 {strides = array<i32>} : memref<8x1024xf32, #tpu.memory_space<vmem>>, vector<1x16xf32>,
        %get3A_494 = arith.constant 6 : i32
        %get3A_495 = arith.index_cast %get3A_494 : i32 to index
        %get3A_496 = arith.index_cast %mul3A_177 : i32 to index
        %get3A_497 = tpu.vector_load %arg6[%get3A_495, %get3A_496] {strides = array<i32>} : memref<64x1024xf32, #tpu.memory_space<vmem>>, vector<1x16xf32>,
        %get3A_498 = vector.shape_cast %get3A_497 : vector<1x16xf32> to vector<16xf32>
        %get3A_499 = arith.constant 14 : i32
        %get3A_500 = arith.index_cast %get3A_499 : i32 to index
        %get3A_501 = arith.index_cast %mul3A_177 : i32 to index
        %get3A_502 = tpu.vector_load %arg6[%get3A_500, %get3A_501] {strides = array<i32>} : memref<64x1024xf32, #tpu.memory_space<vmem>>, vector<1x16xf32>,
        %get3A_503 = vector.shape_cast %get3A_502 : vector<1x16xf32> to vector<16xf32>
        %add3A_504 = arith.addf %get3A_498, %get3A_503 : vector<16xf32>
        %get3A_505 = arith.constant 22 : i32
        %get3A_506 = arith.index_cast %get3A_505 : i32 to index
        %get3A_507 = arith.index_cast %mul3A_177 : i32 to index
        %get3A_508 = tpu.vector_load %arg6[%get3A_506, %get3A_507] {strides = array<i32>} : memref<64x1024xf32, #tpu.memory_space<vmem>>, vector<1x16xf32>,
        %get3A_509 = vector.shape_cast %get3A_508 : vector<1x16xf32> to vector<16xf32>
        %add3A_510 = arith.addf %add3A_504, %get3A_509 : vector<16xf32>
        %get3A_511 = arith.constant 30 : i32
        %get3A_512 = arith.index_cast %get3A_511 : i32 to index
        %get3A_513 = arith.index_cast %mul3A_177 : i32 to index
        %get3A_514 = tpu.vector_load %arg6[%get3A_512, %get3A_513] {strides = array<i32>} : memref<64x1024xf32, #tpu.memory_space<vmem>>, vector<1x16xf32>,
        %get3A_515 = vector.shape_cast %get3A_514 : vector<1x16xf32> to vector<16xf32>
        %add3A_516 = arith.addf %add3A_510, %get3A_515 : vector<16xf32>
        %get3A_517 = arith.constant 38 : i32
        %get3A_518 = arith.index_cast %get3A_517 : i32 to index
        %get3A_519 = arith.index_cast %mul3A_177 : i32 to index
        %get3A_520 = tpu.vector_load %arg6[%get3A_518, %get3A_519] {strides = array<i32>} : memref<64x1024xf32, #tpu.memory_space<vmem>>, vector<1x16xf32>,
        %get3A_521 = vector.shape_cast %get3A_520 : vector<1x16xf32> to vector<16xf32>
        %add3A_522 = arith.addf %add3A_516, %get3A_521 : vector<16xf32>
        %get3A_523 = arith.constant 46 : i32
        %get3A_524 = arith.index_cast %get3A_523 : i32 to index
        %get3A_525 = arith.index_cast %mul3A_177 : i32 to index
        %get3A_526 = tpu.vector_load %arg6[%get3A_524, %get3A_525] {strides = array<i32>} : memref<64x1024xf32, #tpu.memory_space<vmem>>, vector<1x16xf32>,
        %get3A_527 = vector.shape_cast %get3A_526 : vector<1x16xf32> to vector<16xf32>
        %add3A_528 = arith.addf %add3A_522, %get3A_527 : vector<16xf32>
        %get3A_529 = arith.constant 54 : i32
        %get3A_530 = arith.index_cast %get3A_529 : i32 to index
        %get3A_531 = arith.index_cast %mul3A_177 : i32 to index
        %get3A_532 = tpu.vector_load %arg6[%get3A_530, %get3A_531] {strides = array<i32>} : memref<64x1024xf32, #tpu.memory_space<vmem>>, vector<1x16xf32>,
        %get3A_533 = vector.shape_cast %get3A_532 : vector<1x16xf32> to vector<16xf32>
        %add3A_534 = arith.addf %add3A_528, %get3A_533 : vector<16xf32>
        %get3A_535 = arith.constant 62 : i32
        %get3A_536 = arith.index_cast %get3A_535 : i32 to index
        %get3A_537 = arith.index_cast %mul3A_177 : i32 to index
        %get3A_538 = tpu.vector_load %arg6[%get3A_536, %get3A_537] {strides = array<i32>} : memref<64x1024xf32, #tpu.memory_space<vmem>>, vector<1x16xf32>,
        %get3A_539 = vector.shape_cast %get3A_538 : vector<1x16xf32> to vector<16xf32>
        %add3A_540 = arith.addf %add3A_534, %get3A_539 : vector<16xf32>
        %swap3A_541 = arith.constant 6 : i32
        %swap3A_542 = arith.index_cast %swap3A_541 : i32 to index
        %swap3A_543 = arith.index_cast %mul3A_177 : i32 to index
        %swap3A_544 = tpu.vector_load %arg7[%swap3A_542, %swap3A_543] {strides = array<i32>} : memref<8x1024xf32, #tpu.memory_space<vmem>>, vector<1x16xf32>,
        %swap3A_545 = vector.shape_cast %swap3A_544 : vector<1x16xf32> to vector<16xf32>
        %swap3A_546 = vector.shape_cast %add3A_540 : vector<16xf32> to vector<1x16xf32>
        tpu.vector_store %arg7[%swap3A_542, %swap3A_543], %swap3A_546 {strides = array<i32>} : memref<8x1024xf32, #tpu.memory_space<vmem>>, vector<1x16xf32>,
        %get3A_547 = arith.constant 7 : i32
        %get3A_548 = arith.index_cast %get3A_547 : i32 to index
        %get3A_549 = arith.index_cast %mul3A_177 : i32 to index
        %get3A_550 = tpu.vector_load %arg6[%get3A_548, %get3A_549] {strides = array<i32>} : memref<64x1024xf32, #tpu.memory_space<vmem>>, vector<1x16xf32>,
        %get3A_551 = vector.shape_cast %get3A_550 : vector<1x16xf32> to vector<16xf32>
        %get3A_552 = arith.constant 15 : i32
        %get3A_553 = arith.index_cast %get3A_552 : i32 to index
        %get3A_554 = arith.index_cast %mul3A_177 : i32 to index
        %get3A_555 = tpu.vector_load %arg6[%get3A_553, %get3A_554] {strides = array<i32>} : memref<64x1024xf32, #tpu.memory_space<vmem>>, vector<1x16xf32>,
        %get3A_556 = vector.shape_cast %get3A_555 : vector<1x16xf32> to vector<16xf32>
        %add3A_557 = arith.addf %get3A_551, %get3A_556 : vector<16xf32>
        %get3A_558 = arith.constant 23 : i32
        %get3A_559 = arith.index_cast %get3A_558 : i32 to index
        %get3A_560 = arith.index_cast %mul3A_177 : i32 to index
        %get3A_561 = tpu.vector_load %arg6[%get3A_559, %get3A_560] {strides = array<i32>} : memref<64x1024xf32, #tpu.memory_space<vmem>>, vector<1x16xf32>,
        %get3A_562 = vector.shape_cast %get3A_561 : vector<1x16xf32> to vector<16xf32>
        %add3A_563 = arith.addf %add3A_557, %get3A_562 : vector<16xf32>
        %get3A_564 = arith.constant 31 : i32
        %get3A_565 = arith.index_cast %get3A_564 : i32 to index
        %get3A_566 = arith.index_cast %mul3A_177 : i32 to index
        %get3A_567 = tpu.vector_load %arg6[%get3A_565, %get3A_566] {strides = array<i32>} : memref<64x1024xf32, #tpu.memory_space<vmem>>, vector<1x16xf32>,
        %get3A_568 = vector.shape_cast %get3A_567 : vector<1x16xf32> to vector<16xf32>
        %add3A_569 = arith.addf %add3A_563, %get3A_568 : vector<16xf32>
        %get3A_570 = arith.constant 39 : i32
        %get3A_571 = arith.index_cast %get3A_570 : i32 to index
        %get3A_572 = arith.index_cast %mul3A_177 : i32 to index
        %get3A_573 = tpu.vector_load %arg6[%get3A_571, %get3A_572] {strides = array<i32>} : memref<64x1024xf32, #tpu.memory_space<vmem>>, vector<1x16xf32>,
        %get3A_574 = vector.shape_cast %get3A_573 : vector<1x16xf32> to vector<16xf32>
        %add3A_575 = arith.addf %add3A_569, %get3A_574 : vector<16xf32>
        %get3A_576 = arith.constant 47 : i32
        %get3A_577 = arith.index_cast %get3A_576 : i32 to index
        %get3A_578 = arith.index_cast %mul3A_177 : i32 to index
        %get3A_579 = tpu.vector_load %arg6[%get3A_577, %get3A_578] {strides = array<i32>} : memref<64x1024xf32, #tpu.memory_space<vmem>>, vector<1x16xf32>,
        %get3A_580 = vector.shape_cast %get3A_579 : vector<1x16xf32> to vector<16xf32>
        %add3A_581 = arith.addf %add3A_575, %get3A_580 : vector<16xf32>
        %get3A_582 = arith.constant 55 : i32
        %get3A_583 = arith.index_cast %get3A_582 : i32 to index
        %get3A_584 = arith.index_cast %mul3A_177 : i32 to index
        %get3A_585 = tpu.vector_load %arg6[%get3A_583, %get3A_584] {strides = array<i32>} : memref<64x1024xf32, #tpu.memory_space<vmem>>, vector<1x16xf32>,
        %get3A_586 = vector.shape_cast %get3A_585 : vector<1x16xf32> to vector<16xf32>
        %add3A_587 = arith.addf %add3A_581, %get3A_586 : vector<16xf32>
        %get3A_588 = arith.constant 63 : i32
        %get3A_589 = arith.index_cast %get3A_588 : i32 to index
        %get3A_590 = arith.index_cast %mul3A_177 : i32 to index
        %get3A_591 = tpu.vector_load %arg6[%get3A_589, %get3A_590] {strides = array<i32>} : memref<64x1024xf32, #tpu.memory_space<vmem>>, vector<1x16xf32>,
        %get3A_592 = vector.shape_cast %get3A_591 : vector<1x16xf32> to vector<16xf32>
        %add3A_593 = arith.addf %add3A_587, %get3A_592 : vector<16xf32>
        %swap3A_594 = arith.constant 7 : i32
        %swap3A_595 = arith.index_cast %swap3A_594 : i32 to index
        %swap3A_596 = arith.index_cast %mul3A_177 : i32 to index
        %swap3A_597 = tpu.vector_load %arg7[%swap3A_595, %swap3A_596] {strides = array<i32>} : memref<8x1024xf32, #tpu.memory_space<vmem>>, vector<1x16xf32>,
        %swap3A_598 = vector.shape_cast %swap3A_597 : vector<1x16xf32> to vector<16xf32>
        %swap3A_599 = vector.shape_cast %add3A_593 : vector<16xf32> to vector<1x16xf32>
        tpu.vector_store %arg7[%swap3A_595, %swap3A_596], %swap3A_599 {strides = array<i32>} : memref<8x1024xf32, #tpu.memory_space<vmem>>, vector<1x16xf32>,
      }
      %scan3A_173 = arith.constant 64 : i32
      %add3A_174 = arith.addi %mul3A_2, %mul3A_25 : i32
      "tpu.region"() ({
        %run_scoped3A_175 = tpu.sem_alloc : memref<!tpu.dma_semaphore, #tpu.memory_space<semaphore_mem>>
        %dma_start3A_176 = arith.constant 0 : i32
        %dma_start3A_177 = tpu.memref_slice %arg4[%add3A_174, %dma_start3A_176] : memref<4096x1024xf32, #tpu.memory_space<hbm>> -> memref<8x1024xf32, #tpu.memory_space<hbm>>
        %dma_start3A_178 = arith.constant 0 : i32
        %dma_start3A_179 = tpu.memref_slice %arg4[%add3A_174, %dma_start3A_178] : memref<4096x1024xf32, #tpu.memory_space<hbm>> -> memref<8x1024xf32, #tpu.memory_space<hbm>>
        tpu.enqueue_dma source(%arg7 : memref<8x1024xf32, #tpu.memory_space<vmem>>) target(%dma_start3A_179 : memref<8x1024xf32, #tpu.memory_space<hbm>>) target_semaphore(%run_scoped3A_175 : memref<!tpu.dma_semaphore, #tpu.memory_space<semaphore_mem>>)
        %dma_wait3A_180 = arith.constant 0 : i32
        %dma_wait3A_181 = tpu.memref_slice %arg4[%add3A_174, %dma_wait3A_180] : memref<4096x1024xf32, #tpu.memory_space<hbm>> -> memref<8x1024xf32, #tpu.memory_space<hbm>>
        %dma_wait3A_182 = arith.constant 0 : i32
        %dma_wait3A_183 = tpu.memref_slice %arg4[%add3A_174, %dma_wait3A_182] : memref<4096x1024xf32, #tpu.memory_space<hbm>> -> memref<8x1024xf32, #tpu.memory_space<hbm>>
        tpu.wait_dma2 semaphore(%run_scoped3A_175 : memref<!tpu.dma_semaphore, #tpu.memory_space<semaphore_mem>>) src(%arg7 : memref<8x1024xf32, #tpu.memory_space<vmem>>) dst(%dma_wait3A_183 : memref<8x1024xf32, #tpu.memory_space<hbm>>)
        tpu.yield
      }) : () -> ()
    }
    %scan3A_22 = arith.constant 16 : i32
    return
  }
}

module attributes {stable_mosaic.version = 14 : i64} {
  func.func @_router_body(%arg0: i32, %arg1: memref<512x1024xf32, #tpu.memory_space<vmem>>, %arg2: memref<1024x64xf32, #tpu.memory_space<vmem>>, %arg3: memref<8x64xf32, #tpu.memory_space<vmem>>, %arg4: memref<8x512xi32, #tpu.memory_space<vmem>>, %arg5: memref<8x512xf32, #tpu.memory_space<vmem>>, %arg6: memref<8x512xi32, #tpu.memory_space<vmem>>, %arg7: memref<8x64xi32, #tpu.memory_space<vmem>>, %arg8: memref<8x64xi32, #tpu.memory_space<vmem>>) attributes {dimension_semantics = [#tpu.dimension_semantics<arbitrary>], iteration_bounds = array<i64: 8>, scalar_prefetch = 0 : i64, scratch_operands = 1 : i64, tpu.core_type = #tpu.core_type<tc>, window_params = [{transform_indices = @transform_0, window_bounds = array<i64: 512, 1024>}, {pipeline_mode = #tpu.pipeline_mode<synchronous>, transform_indices = @transform_1, window_bounds = array<i64: 1024, 64>}, {pipeline_mode = #tpu.pipeline_mode<synchronous>, transform_indices = @transform_2, window_bounds = array<i64: 8, 64>}, {transform_indices = @transform_3, window_bounds = array<i64: 8, 512>}, {transform_indices = @transform_4, window_bounds = array<i64: 8, 512>}, {transform_indices = @transform_5, window_bounds = array<i64: 8, 512>}, {pipeline_mode = #tpu.pipeline_mode<synchronous>, transform_indices = @transform_6, window_bounds = array<i64: 8, 64>}]} {
    %eq3A = arith.constant 0 : i32
    %eq3A_0 = arith.cmpi eq, %arg0, %eq3A : i32
    %convert_element_type3A = arith.extui %eq3A_0 : i1 to i32
    %cond3A = arith.constant 0 : i32
    %cond3A_1 = arith.cmpi ne, %convert_element_type3A, %cond3A : i32
    scf.if %cond3A_1 {
      %broadcast_in_dim3A_322 = arith.constant 0 : i32
      %broadcast_in_dim3A_323 = vector.broadcast %broadcast_in_dim3A_322 : i32 to vector<8x64xi32>
      %swap3A_324 = arith.constant 0 : index
      %swap3A_325 = arith.constant 0 : index
      %swap3A_326 = vector.load %arg8[%swap3A_324, %swap3A_325] : memref<8x64xi32, #tpu.memory_space<vmem>>, vector<8x64xi32>
      tpu.vector_store %arg8[%swap3A_324, %swap3A_325], %broadcast_in_dim3A_323 {strides = array<i32>} : memref<8x64xi32, #tpu.memory_space<vmem>>, vector<8x64xi32>,
    } else {
    }
    %get3A = arith.constant 0 : index
    %get3A_2 = arith.constant 0 : index
    %get3A_3 = vector.load %arg1[%get3A, %get3A_2] : memref<512x1024xf32, #tpu.memory_space<vmem>>, vector<512x1024xf32>
    %get3A_4 = arith.constant 0 : index
    %get3A_5 = arith.constant 0 : index
    %get3A_6 = vector.load %arg2[%get3A_4, %get3A_5] : memref<1024x64xf32, #tpu.memory_space<vmem>>, vector<1024x64xf32>
    %dot_general3A = arith.constant dense<0.000000e+00> : vector<512x64xf32>
    %dot_general3A_7 = tpu.matmul %get3A_3, %get3A_6, %dot_general3A {dimension_numbers = #tpu.dot_dimension_numbers<[1], [0], [0], [1], [0, 0, 1, 1], [], []>, transpose_lhs_hint = false} : vector<512x1024xf32>, vector<1024x64xf32>, vector<512x64xf32> -> vector<512x64xf32>
    %logistic3A = arith.negf %dot_general3A_7 : vector<512x64xf32>
    %logistic3A_8 = math.exp %logistic3A : vector<512x64xf32>
    %logistic3A_9 = arith.constant 1.000000e+00 : f32
    %logistic3A_10 = vector.broadcast %logistic3A_9 : f32 to vector<512x64xf32>
    %logistic3A_11 = arith.addf %logistic3A_10, %logistic3A_8 : vector<512x64xf32>
    %logistic3A_12 = arith.divf %logistic3A_10, %logistic3A_11 : vector<512x64xf32>
    %get3A_13 = arith.constant 0 : index
    %get3A_14 = arith.constant 0 : index
    %get3A_15 = vector.load %arg3[%get3A_13, %get3A_14] : memref<8x64xf32, #tpu.memory_space<vmem>>, vector<1x64xf32>
    %add3A = vector.broadcast %get3A_15 : vector<1x64xf32> to vector<512x64xf32>
    %add3A_16 = arith.addf %logistic3A_12, %add3A : vector<512x64xf32>
    %iota3A = tpu.iota {dimensions = array<i32: 1>} : vector<512x64xi32>
    %broadcast_in_dim3A = arith.constant 0.000000e+00 : f32
    %broadcast_in_dim3A_17 = vector.broadcast %broadcast_in_dim3A : f32 to vector<512x64xf32>
    %reduce_max3A = arith.constant dense<0xFF800000> : vector<512xf32>
    %reduce_max3A_18 = vector.multi_reduction <maximumf>, %add3A_16, %reduce_max3A [1] : vector<512x64xf32> to vector<512xf32>
    %broadcast_in_dim3A_19 = vector.shape_cast %reduce_max3A_18 : vector<512xf32> to vector<512x1xf32>
    %eq3A_20 = vector.broadcast %broadcast_in_dim3A_19 : vector<512x1xf32> to vector<512x64xf32>
    %eq3A_21 = arith.cmpf oeq, %add3A_16, %eq3A_20 : vector<512x64xf32>
    %jit3A = arith.constant 64 : i32
    %broadcast_in_dim3A_22 = vector.broadcast %jit3A : i32 to vector<512x64xi32>
    %select_n3A = arith.select %eq3A_21, %iota3A, %broadcast_in_dim3A_22 : vector<512x64xi1>, vector<512x64xi32>
    %reduce_min3A = arith.constant dense<2147483647> : vector<512xi32>
    %reduce_min3A_23 = vector.multi_reduction <minsi>, %select_n3A, %reduce_min3A [1] : vector<512x64xi32> to vector<512xi32>
    %broadcast_in_dim3A_24 = vector.shape_cast %reduce_min3A_23 : vector<512xi32> to vector<512x1xi32>
    %eq3A_25 = vector.broadcast %broadcast_in_dim3A_24 : vector<512x1xi32> to vector<512x64xi32>
    %eq3A_26 = arith.cmpi eq, %iota3A, %eq3A_25 : vector<512x64xi32>
    %squeeze3A = vector.shape_cast %broadcast_in_dim3A_24 : vector<512x1xi32> to vector<512xi32>
    %jit3A_27 = arith.constant 0.000000e+00 : f32
    %broadcast_in_dim3A_28 = vector.broadcast %jit3A_27 : f32 to vector<512x64xf32>
    %select_n3A_29 = arith.select %eq3A_26, %logistic3A_12, %broadcast_in_dim3A_28 : vector<512x64xi1>, vector<512x64xf32>
    %reduce_sum3A = arith.constant dense<0.000000e+00> : vector<512xf32>
    %reduce_sum3A_30 = vector.multi_reduction <add>, %select_n3A_29, %reduce_sum3A [1] : vector<512x64xf32> to vector<512xf32>
    %convert_element_type3A_31 = arith.extui %eq3A_26 : vector<512x64xi1> to vector<512x64xi32>
    %convert_element_type3A_32 = arith.sitofp %convert_element_type3A_31 : vector<512x64xi32> to vector<512x64xf32>
    %add3A_33 = arith.addf %broadcast_in_dim3A_17, %convert_element_type3A_32 : vector<512x64xf32>
    %jit3A_34 = arith.constant 0xFF800000 : f32
    %broadcast_in_dim3A_35 = vector.broadcast %jit3A_34 : f32 to vector<512x64xf32>
    %select_n3A_36 = arith.select %eq3A_26, %broadcast_in_dim3A_35, %add3A_16 : vector<512x64xi1>, vector<512x64xf32>
    %reduce_max3A_37 = arith.constant dense<0xFF800000> : vector<512xf32>
    %reduce_max3A_38 = vector.multi_reduction <maximumf>, %select_n3A_36, %reduce_max3A_37 [1] : vector<512x64xf32> to vector<512xf32>
    %broadcast_in_dim3A_39 = vector.shape_cast %reduce_max3A_38 : vector<512xf32> to vector<512x1xf32>
    %eq3A_40 = vector.broadcast %broadcast_in_dim3A_39 : vector<512x1xf32> to vector<512x64xf32>
    %eq3A_41 = arith.cmpf oeq, %select_n3A_36, %eq3A_40 : vector<512x64xf32>
    %jit3A_42 = arith.constant 64 : i32
    %broadcast_in_dim3A_43 = vector.broadcast %jit3A_42 : i32 to vector<512x64xi32>
    %select_n3A_44 = arith.select %eq3A_41, %iota3A, %broadcast_in_dim3A_43 : vector<512x64xi1>, vector<512x64xi32>
    %reduce_min3A_45 = arith.constant dense<2147483647> : vector<512xi32>
    %reduce_min3A_46 = vector.multi_reduction <minsi>, %select_n3A_44, %reduce_min3A_45 [1] : vector<512x64xi32> to vector<512xi32>
    %broadcast_in_dim3A_47 = vector.shape_cast %reduce_min3A_46 : vector<512xi32> to vector<512x1xi32>
    %eq3A_48 = vector.broadcast %broadcast_in_dim3A_47 : vector<512x1xi32> to vector<512x64xi32>
    %eq3A_49 = arith.cmpi eq, %iota3A, %eq3A_48 : vector<512x64xi32>
    %squeeze3A_50 = vector.shape_cast %broadcast_in_dim3A_47 : vector<512x1xi32> to vector<512xi32>
    %jit3A_51 = arith.constant 0.000000e+00 : f32
    %broadcast_in_dim3A_52 = vector.broadcast %jit3A_51 : f32 to vector<512x64xf32>
    %select_n3A_53 = arith.select %eq3A_49, %logistic3A_12, %broadcast_in_dim3A_52 : vector<512x64xi1>, vector<512x64xf32>
    %reduce_sum3A_54 = arith.constant dense<0.000000e+00> : vector<512xf32>
    %reduce_sum3A_55 = vector.multi_reduction <add>, %select_n3A_53, %reduce_sum3A_54 [1] : vector<512x64xf32> to vector<512xf32>
    %convert_element_type3A_56 = arith.extui %eq3A_49 : vector<512x64xi1> to vector<512x64xi32>
    %convert_element_type3A_57 = arith.sitofp %convert_element_type3A_56 : vector<512x64xi32> to vector<512x64xf32>
    %add3A_58 = arith.addf %add3A_33, %convert_element_type3A_57 : vector<512x64xf32>
    %jit3A_59 = arith.constant 0xFF800000 : f32
    %broadcast_in_dim3A_60 = vector.broadcast %jit3A_59 : f32 to vector<512x64xf32>
    %select_n3A_61 = arith.select %eq3A_49, %broadcast_in_dim3A_60, %select_n3A_36 : vector<512x64xi1>, vector<512x64xf32>
    %reduce_max3A_62 = arith.constant dense<0xFF800000> : vector<512xf32>
    %reduce_max3A_63 = vector.multi_reduction <maximumf>, %select_n3A_61, %reduce_max3A_62 [1] : vector<512x64xf32> to vector<512xf32>
    %broadcast_in_dim3A_64 = vector.shape_cast %reduce_max3A_63 : vector<512xf32> to vector<512x1xf32>
    %eq3A_65 = vector.broadcast %broadcast_in_dim3A_64 : vector<512x1xf32> to vector<512x64xf32>
    %eq3A_66 = arith.cmpf oeq, %select_n3A_61, %eq3A_65 : vector<512x64xf32>
    %jit3A_67 = arith.constant 64 : i32
    %broadcast_in_dim3A_68 = vector.broadcast %jit3A_67 : i32 to vector<512x64xi32>
    %select_n3A_69 = arith.select %eq3A_66, %iota3A, %broadcast_in_dim3A_68 : vector<512x64xi1>, vector<512x64xi32>
    %reduce_min3A_70 = arith.constant dense<2147483647> : vector<512xi32>
    %reduce_min3A_71 = vector.multi_reduction <minsi>, %select_n3A_69, %reduce_min3A_70 [1] : vector<512x64xi32> to vector<512xi32>
    %broadcast_in_dim3A_72 = vector.shape_cast %reduce_min3A_71 : vector<512xi32> to vector<512x1xi32>
    %eq3A_73 = vector.broadcast %broadcast_in_dim3A_72 : vector<512x1xi32> to vector<512x64xi32>
    %eq3A_74 = arith.cmpi eq, %iota3A, %eq3A_73 : vector<512x64xi32>
    %squeeze3A_75 = vector.shape_cast %broadcast_in_dim3A_72 : vector<512x1xi32> to vector<512xi32>
    %jit3A_76 = arith.constant 0.000000e+00 : f32
    %broadcast_in_dim3A_77 = vector.broadcast %jit3A_76 : f32 to vector<512x64xf32>
    %select_n3A_78 = arith.select %eq3A_74, %logistic3A_12, %broadcast_in_dim3A_77 : vector<512x64xi1>, vector<512x64xf32>
    %reduce_sum3A_79 = arith.constant dense<0.000000e+00> : vector<512xf32>
    %reduce_sum3A_80 = vector.multi_reduction <add>, %select_n3A_78, %reduce_sum3A_79 [1] : vector<512x64xf32> to vector<512xf32>
    %convert_element_type3A_81 = arith.extui %eq3A_74 : vector<512x64xi1> to vector<512x64xi32>
    %convert_element_type3A_82 = arith.sitofp %convert_element_type3A_81 : vector<512x64xi32> to vector<512x64xf32>
    %add3A_83 = arith.addf %add3A_58, %convert_element_type3A_82 : vector<512x64xf32>
    %jit3A_84 = arith.constant 0xFF800000 : f32
    %broadcast_in_dim3A_85 = vector.broadcast %jit3A_84 : f32 to vector<512x64xf32>
    %select_n3A_86 = arith.select %eq3A_74, %broadcast_in_dim3A_85, %select_n3A_61 : vector<512x64xi1>, vector<512x64xf32>
    %reduce_max3A_87 = arith.constant dense<0xFF800000> : vector<512xf32>
    %reduce_max3A_88 = vector.multi_reduction <maximumf>, %select_n3A_86, %reduce_max3A_87 [1] : vector<512x64xf32> to vector<512xf32>
    %broadcast_in_dim3A_89 = vector.shape_cast %reduce_max3A_88 : vector<512xf32> to vector<512x1xf32>
    %eq3A_90 = vector.broadcast %broadcast_in_dim3A_89 : vector<512x1xf32> to vector<512x64xf32>
    %eq3A_91 = arith.cmpf oeq, %select_n3A_86, %eq3A_90 : vector<512x64xf32>
    %jit3A_92 = arith.constant 64 : i32
    %broadcast_in_dim3A_93 = vector.broadcast %jit3A_92 : i32 to vector<512x64xi32>
    %select_n3A_94 = arith.select %eq3A_91, %iota3A, %broadcast_in_dim3A_93 : vector<512x64xi1>, vector<512x64xi32>
    %reduce_min3A_95 = arith.constant dense<2147483647> : vector<512xi32>
    %reduce_min3A_96 = vector.multi_reduction <minsi>, %select_n3A_94, %reduce_min3A_95 [1] : vector<512x64xi32> to vector<512xi32>
    %broadcast_in_dim3A_97 = vector.shape_cast %reduce_min3A_96 : vector<512xi32> to vector<512x1xi32>
    %eq3A_98 = vector.broadcast %broadcast_in_dim3A_97 : vector<512x1xi32> to vector<512x64xi32>
    %eq3A_99 = arith.cmpi eq, %iota3A, %eq3A_98 : vector<512x64xi32>
    %squeeze3A_100 = vector.shape_cast %broadcast_in_dim3A_97 : vector<512x1xi32> to vector<512xi32>
    %jit3A_101 = arith.constant 0.000000e+00 : f32
    %broadcast_in_dim3A_102 = vector.broadcast %jit3A_101 : f32 to vector<512x64xf32>
    %select_n3A_103 = arith.select %eq3A_99, %logistic3A_12, %broadcast_in_dim3A_102 : vector<512x64xi1>, vector<512x64xf32>
    %reduce_sum3A_104 = arith.constant dense<0.000000e+00> : vector<512xf32>
    %reduce_sum3A_105 = vector.multi_reduction <add>, %select_n3A_103, %reduce_sum3A_104 [1] : vector<512x64xf32> to vector<512xf32>
    %convert_element_type3A_106 = arith.extui %eq3A_99 : vector<512x64xi1> to vector<512x64xi32>
    %convert_element_type3A_107 = arith.sitofp %convert_element_type3A_106 : vector<512x64xi32> to vector<512x64xf32>
    %add3A_108 = arith.addf %add3A_83, %convert_element_type3A_107 : vector<512x64xf32>
    %jit3A_109 = arith.constant 0xFF800000 : f32
    %broadcast_in_dim3A_110 = vector.broadcast %jit3A_109 : f32 to vector<512x64xf32>
    %select_n3A_111 = arith.select %eq3A_99, %broadcast_in_dim3A_110, %select_n3A_86 : vector<512x64xi1>, vector<512x64xf32>
    %reduce_max3A_112 = arith.constant dense<0xFF800000> : vector<512xf32>
    %reduce_max3A_113 = vector.multi_reduction <maximumf>, %select_n3A_111, %reduce_max3A_112 [1] : vector<512x64xf32> to vector<512xf32>
    %broadcast_in_dim3A_114 = vector.shape_cast %reduce_max3A_113 : vector<512xf32> to vector<512x1xf32>
    %eq3A_115 = vector.broadcast %broadcast_in_dim3A_114 : vector<512x1xf32> to vector<512x64xf32>
    %eq3A_116 = arith.cmpf oeq, %select_n3A_111, %eq3A_115 : vector<512x64xf32>
    %jit3A_117 = arith.constant 64 : i32
    %broadcast_in_dim3A_118 = vector.broadcast %jit3A_117 : i32 to vector<512x64xi32>
    %select_n3A_119 = arith.select %eq3A_116, %iota3A, %broadcast_in_dim3A_118 : vector<512x64xi1>, vector<512x64xi32>
    %reduce_min3A_120 = arith.constant dense<2147483647> : vector<512xi32>
    %reduce_min3A_121 = vector.multi_reduction <minsi>, %select_n3A_119, %reduce_min3A_120 [1] : vector<512x64xi32> to vector<512xi32>
    %broadcast_in_dim3A_122 = vector.shape_cast %reduce_min3A_121 : vector<512xi32> to vector<512x1xi32>
    %eq3A_123 = vector.broadcast %broadcast_in_dim3A_122 : vector<512x1xi32> to vector<512x64xi32>
    %eq3A_124 = arith.cmpi eq, %iota3A, %eq3A_123 : vector<512x64xi32>
    %squeeze3A_125 = vector.shape_cast %broadcast_in_dim3A_122 : vector<512x1xi32> to vector<512xi32>
    %jit3A_126 = arith.constant 0.000000e+00 : f32
    %broadcast_in_dim3A_127 = vector.broadcast %jit3A_126 : f32 to vector<512x64xf32>
    %select_n3A_128 = arith.select %eq3A_124, %logistic3A_12, %broadcast_in_dim3A_127 : vector<512x64xi1>, vector<512x64xf32>
    %reduce_sum3A_129 = arith.constant dense<0.000000e+00> : vector<512xf32>
    %reduce_sum3A_130 = vector.multi_reduction <add>, %select_n3A_128, %reduce_sum3A_129 [1] : vector<512x64xf32> to vector<512xf32>
    %convert_element_type3A_131 = arith.extui %eq3A_124 : vector<512x64xi1> to vector<512x64xi32>
    %convert_element_type3A_132 = arith.sitofp %convert_element_type3A_131 : vector<512x64xi32> to vector<512x64xf32>
    %add3A_133 = arith.addf %add3A_108, %convert_element_type3A_132 : vector<512x64xf32>
    %jit3A_134 = arith.constant 0xFF800000 : f32
    %broadcast_in_dim3A_135 = vector.broadcast %jit3A_134 : f32 to vector<512x64xf32>
    %select_n3A_136 = arith.select %eq3A_124, %broadcast_in_dim3A_135, %select_n3A_111 : vector<512x64xi1>, vector<512x64xf32>
    %reduce_max3A_137 = arith.constant dense<0xFF800000> : vector<512xf32>
    %reduce_max3A_138 = vector.multi_reduction <maximumf>, %select_n3A_136, %reduce_max3A_137 [1] : vector<512x64xf32> to vector<512xf32>
    %broadcast_in_dim3A_139 = vector.shape_cast %reduce_max3A_138 : vector<512xf32> to vector<512x1xf32>
    %eq3A_140 = vector.broadcast %broadcast_in_dim3A_139 : vector<512x1xf32> to vector<512x64xf32>
    %eq3A_141 = arith.cmpf oeq, %select_n3A_136, %eq3A_140 : vector<512x64xf32>
    %jit3A_142 = arith.constant 64 : i32
    %broadcast_in_dim3A_143 = vector.broadcast %jit3A_142 : i32 to vector<512x64xi32>
    %select_n3A_144 = arith.select %eq3A_141, %iota3A, %broadcast_in_dim3A_143 : vector<512x64xi1>, vector<512x64xi32>
    %reduce_min3A_145 = arith.constant dense<2147483647> : vector<512xi32>
    %reduce_min3A_146 = vector.multi_reduction <minsi>, %select_n3A_144, %reduce_min3A_145 [1] : vector<512x64xi32> to vector<512xi32>
    %broadcast_in_dim3A_147 = vector.shape_cast %reduce_min3A_146 : vector<512xi32> to vector<512x1xi32>
    %eq3A_148 = vector.broadcast %broadcast_in_dim3A_147 : vector<512x1xi32> to vector<512x64xi32>
    %eq3A_149 = arith.cmpi eq, %iota3A, %eq3A_148 : vector<512x64xi32>
    %squeeze3A_150 = vector.shape_cast %broadcast_in_dim3A_147 : vector<512x1xi32> to vector<512xi32>
    %jit3A_151 = arith.constant 0.000000e+00 : f32
    %broadcast_in_dim3A_152 = vector.broadcast %jit3A_151 : f32 to vector<512x64xf32>
    %select_n3A_153 = arith.select %eq3A_149, %logistic3A_12, %broadcast_in_dim3A_152 : vector<512x64xi1>, vector<512x64xf32>
    %reduce_sum3A_154 = arith.constant dense<0.000000e+00> : vector<512xf32>
    %reduce_sum3A_155 = vector.multi_reduction <add>, %select_n3A_153, %reduce_sum3A_154 [1] : vector<512x64xf32> to vector<512xf32>
    %convert_element_type3A_156 = arith.extui %eq3A_149 : vector<512x64xi1> to vector<512x64xi32>
    %convert_element_type3A_157 = arith.sitofp %convert_element_type3A_156 : vector<512x64xi32> to vector<512x64xf32>
    %add3A_158 = arith.addf %add3A_133, %convert_element_type3A_157 : vector<512x64xf32>
    %jit3A_159 = arith.constant 0xFF800000 : f32
    %broadcast_in_dim3A_160 = vector.broadcast %jit3A_159 : f32 to vector<512x64xf32>
    %select_n3A_161 = arith.select %eq3A_149, %broadcast_in_dim3A_160, %select_n3A_136 : vector<512x64xi1>, vector<512x64xf32>
    %reduce_max3A_162 = arith.constant dense<0xFF800000> : vector<512xf32>
    %reduce_max3A_163 = vector.multi_reduction <maximumf>, %select_n3A_161, %reduce_max3A_162 [1] : vector<512x64xf32> to vector<512xf32>
    %broadcast_in_dim3A_164 = vector.shape_cast %reduce_max3A_163 : vector<512xf32> to vector<512x1xf32>
    %eq3A_165 = vector.broadcast %broadcast_in_dim3A_164 : vector<512x1xf32> to vector<512x64xf32>
    %eq3A_166 = arith.cmpf oeq, %select_n3A_161, %eq3A_165 : vector<512x64xf32>
    %jit3A_167 = arith.constant 64 : i32
    %broadcast_in_dim3A_168 = vector.broadcast %jit3A_167 : i32 to vector<512x64xi32>
    %select_n3A_169 = arith.select %eq3A_166, %iota3A, %broadcast_in_dim3A_168 : vector<512x64xi1>, vector<512x64xi32>
    %reduce_min3A_170 = arith.constant dense<2147483647> : vector<512xi32>
    %reduce_min3A_171 = vector.multi_reduction <minsi>, %select_n3A_169, %reduce_min3A_170 [1] : vector<512x64xi32> to vector<512xi32>
    %broadcast_in_dim3A_172 = vector.shape_cast %reduce_min3A_171 : vector<512xi32> to vector<512x1xi32>
    %eq3A_173 = vector.broadcast %broadcast_in_dim3A_172 : vector<512x1xi32> to vector<512x64xi32>
    %eq3A_174 = arith.cmpi eq, %iota3A, %eq3A_173 : vector<512x64xi32>
    %squeeze3A_175 = vector.shape_cast %broadcast_in_dim3A_172 : vector<512x1xi32> to vector<512xi32>
    %jit3A_176 = arith.constant 0.000000e+00 : f32
    %broadcast_in_dim3A_177 = vector.broadcast %jit3A_176 : f32 to vector<512x64xf32>
    %select_n3A_178 = arith.select %eq3A_174, %logistic3A_12, %broadcast_in_dim3A_177 : vector<512x64xi1>, vector<512x64xf32>
    %reduce_sum3A_179 = arith.constant dense<0.000000e+00> : vector<512xf32>
    %reduce_sum3A_180 = vector.multi_reduction <add>, %select_n3A_178, %reduce_sum3A_179 [1] : vector<512x64xf32> to vector<512xf32>
    %convert_element_type3A_181 = arith.extui %eq3A_174 : vector<512x64xi1> to vector<512x64xi32>
    %convert_element_type3A_182 = arith.sitofp %convert_element_type3A_181 : vector<512x64xi32> to vector<512x64xf32>
    %add3A_183 = arith.addf %add3A_158, %convert_element_type3A_182 : vector<512x64xf32>
    %jit3A_184 = arith.constant 0xFF800000 : f32
    %broadcast_in_dim3A_185 = vector.broadcast %jit3A_184 : f32 to vector<512x64xf32>
    %select_n3A_186 = arith.select %eq3A_174, %broadcast_in_dim3A_185, %select_n3A_161 : vector<512x64xi1>, vector<512x64xf32>
    %reduce_max3A_187 = arith.constant dense<0xFF800000> : vector<512xf32>
    %reduce_max3A_188 = vector.multi_reduction <maximumf>, %select_n3A_186, %reduce_max3A_187 [1] : vector<512x64xf32> to vector<512xf32>
    %broadcast_in_dim3A_189 = vector.shape_cast %reduce_max3A_188 : vector<512xf32> to vector<512x1xf32>
    %eq3A_190 = vector.broadcast %broadcast_in_dim3A_189 : vector<512x1xf32> to vector<512x64xf32>
    %eq3A_191 = arith.cmpf oeq, %select_n3A_186, %eq3A_190 : vector<512x64xf32>
    %jit3A_192 = arith.constant 64 : i32
    %broadcast_in_dim3A_193 = vector.broadcast %jit3A_192 : i32 to vector<512x64xi32>
    %select_n3A_194 = arith.select %eq3A_191, %iota3A, %broadcast_in_dim3A_193 : vector<512x64xi1>, vector<512x64xi32>
    %reduce_min3A_195 = arith.constant dense<2147483647> : vector<512xi32>
    %reduce_min3A_196 = vector.multi_reduction <minsi>, %select_n3A_194, %reduce_min3A_195 [1] : vector<512x64xi32> to vector<512xi32>
    %broadcast_in_dim3A_197 = vector.shape_cast %reduce_min3A_196 : vector<512xi32> to vector<512x1xi32>
    %eq3A_198 = vector.broadcast %broadcast_in_dim3A_197 : vector<512x1xi32> to vector<512x64xi32>
    %eq3A_199 = arith.cmpi eq, %iota3A, %eq3A_198 : vector<512x64xi32>
    %squeeze3A_200 = vector.shape_cast %broadcast_in_dim3A_197 : vector<512x1xi32> to vector<512xi32>
    %jit3A_201 = arith.constant 0.000000e+00 : f32
    %broadcast_in_dim3A_202 = vector.broadcast %jit3A_201 : f32 to vector<512x64xf32>
    %select_n3A_203 = arith.select %eq3A_199, %logistic3A_12, %broadcast_in_dim3A_202 : vector<512x64xi1>, vector<512x64xf32>
    %reduce_sum3A_204 = arith.constant dense<0.000000e+00> : vector<512xf32>
    %reduce_sum3A_205 = vector.multi_reduction <add>, %select_n3A_203, %reduce_sum3A_204 [1] : vector<512x64xf32> to vector<512xf32>
    %convert_element_type3A_206 = arith.extui %eq3A_199 : vector<512x64xi1> to vector<512x64xi32>
    %convert_element_type3A_207 = arith.sitofp %convert_element_type3A_206 : vector<512x64xi32> to vector<512x64xf32>
    %add3A_208 = arith.addf %add3A_183, %convert_element_type3A_207 : vector<512x64xf32>
    %stack3A = vector.shape_cast %reduce_sum3A_30 : vector<512xf32> to vector<1x512xf32>
    %stack3A_209 = vector.shape_cast %reduce_sum3A_55 : vector<512xf32> to vector<1x512xf32>
    %stack3A_210 = vector.shape_cast %reduce_sum3A_80 : vector<512xf32> to vector<1x512xf32>
    %stack3A_211 = vector.shape_cast %reduce_sum3A_105 : vector<512xf32> to vector<1x512xf32>
    %stack3A_212 = vector.shape_cast %reduce_sum3A_130 : vector<512xf32> to vector<1x512xf32>
    %stack3A_213 = vector.shape_cast %reduce_sum3A_155 : vector<512xf32> to vector<1x512xf32>
    %stack3A_214 = vector.shape_cast %reduce_sum3A_180 : vector<512xf32> to vector<1x512xf32>
    %stack3A_215 = vector.shape_cast %reduce_sum3A_205 : vector<512xf32> to vector<1x512xf32>
    %stack3A_216 = tpu.concatenate %stack3A, %stack3A_209, %stack3A_210, %stack3A_211, %stack3A_212, %stack3A_213, %stack3A_214, %stack3A_215 in 0 : vector<1x512xf32>, vector<1x512xf32>, vector<1x512xf32>, vector<1x512xf32>, vector<1x512xf32>, vector<1x512xf32>, vector<1x512xf32>, vector<1x512xf32> -> vector<8x512xf32>
    %reduce_sum3A_217 = arith.constant dense<0.000000e+00> : vector<512xf32>
    %reduce_sum3A_218 = vector.multi_reduction <add>, %stack3A_216, %reduce_sum3A_217 [0] : vector<8x512xf32> to vector<512xf32>
    %broadcast_in_dim3A_219 = vector.shape_cast %reduce_sum3A_218 : vector<512xf32> to vector<1x512xf32>
    %max3A = arith.constant 9.99999968E-21 : f32
    %max3A_220 = vector.broadcast %max3A : f32 to vector<1x512xf32>
    %max3A_221 = arith.maximumf %broadcast_in_dim3A_219, %max3A_220 : vector<1x512xf32>
    %div3A = vector.broadcast %max3A_221 : vector<1x512xf32> to vector<8x512xf32>
    %div3A_222 = arith.divf %stack3A_216, %div3A : vector<8x512xf32>
    %mul3A = arith.constant 1.000000e+00 : f32
    %mul3A_223 = vector.broadcast %mul3A : f32 to vector<8x512xf32>
    %mul3A_224 = arith.mulf %div3A_222, %mul3A_223 : vector<8x512xf32>
    %swap3A = arith.constant 0 : index
    %swap3A_225 = arith.constant 0 : index
    %swap3A_226 = vector.load %arg5[%swap3A, %swap3A_225] : memref<8x512xf32, #tpu.memory_space<vmem>>, vector<8x512xf32>
    tpu.vector_store %arg5[%swap3A, %swap3A_225], %mul3A_224 {strides = array<i32>} : memref<8x512xf32, #tpu.memory_space<vmem>>, vector<8x512xf32>,
    %stack3A_227 = vector.shape_cast %squeeze3A : vector<512xi32> to vector<1x512xi32>
    %stack3A_228 = vector.shape_cast %squeeze3A_50 : vector<512xi32> to vector<1x512xi32>
    %stack3A_229 = vector.shape_cast %squeeze3A_75 : vector<512xi32> to vector<1x512xi32>
    %stack3A_230 = vector.shape_cast %squeeze3A_100 : vector<512xi32> to vector<1x512xi32>
    %stack3A_231 = vector.shape_cast %squeeze3A_125 : vector<512xi32> to vector<1x512xi32>
    %stack3A_232 = vector.shape_cast %squeeze3A_150 : vector<512xi32> to vector<1x512xi32>
    %stack3A_233 = vector.shape_cast %squeeze3A_175 : vector<512xi32> to vector<1x512xi32>
    %stack3A_234 = vector.shape_cast %squeeze3A_200 : vector<512xi32> to vector<1x512xi32>
    %stack3A_235 = tpu.concatenate %stack3A_227, %stack3A_228, %stack3A_229, %stack3A_230, %stack3A_231, %stack3A_232, %stack3A_233, %stack3A_234 in 0 : vector<1x512xi32>, vector<1x512xi32>, vector<1x512xi32>, vector<1x512xi32>, vector<1x512xi32>, vector<1x512xi32>, vector<1x512xi32>, vector<1x512xi32> -> vector<8x512xi32>
    %swap3A_236 = arith.constant 0 : index
    %swap3A_237 = arith.constant 0 : index
    %swap3A_238 = vector.load %arg4[%swap3A_236, %swap3A_237] : memref<8x512xi32, #tpu.memory_space<vmem>>, vector<8x512xi32>
    tpu.vector_store %arg4[%swap3A_236, %swap3A_237], %stack3A_235 {strides = array<i32>} : memref<8x512xi32, #tpu.memory_space<vmem>>, vector<8x512xi32>,
    %get3A_239 = arith.constant 0 : index
    %get3A_240 = arith.constant 0 : index
    %get3A_241 = vector.load %arg8[%get3A_239, %get3A_240] : memref<8x64xi32, #tpu.memory_space<vmem>>, vector<1x64xi32>
    %convert_element_type3A_242 = arith.sitofp %get3A_241 : vector<1x64xi32> to vector<1x64xf32>
    %iota3A_243 = tpu.iota {dimensions = array<i32: 0>} : vector<512x512xi32>
    %iota3A_244 = tpu.iota {dimensions = array<i32: 1>} : vector<512x512xi32>
    %ge3A = arith.cmpi sge, %iota3A_243, %iota3A_244 : vector<512x512xi32>
    %convert_element_type3A_245 = arith.extui %ge3A : vector<512x512xi1> to vector<512x512xi32>
    %convert_element_type3A_246 = arith.sitofp %convert_element_type3A_245 : vector<512x512xi32> to vector<512x512xf32>
    %dot_general3A_247 = arith.constant dense<0.000000e+00> : vector<512x64xf32>
    %dot_general3A_248 = tpu.matmul %convert_element_type3A_246, %add3A_208, %dot_general3A_247 {dimension_numbers = #tpu.dot_dimension_numbers<[1], [0], [0], [1], [0, 0, 1, 1], [], []>, transpose_lhs_hint = false} : vector<512x512xf32>, vector<512x64xf32>, vector<512x64xf32> -> vector<512x64xf32>
    %add3A_249 = vector.broadcast %convert_element_type3A_242 : vector<1x64xf32> to vector<512x64xf32>
    %add3A_250 = arith.addf %add3A_249, %dot_general3A_248 : vector<512x64xf32>
    %sub3A = arith.subf %add3A_250, %add3A_208 : vector<512x64xf32>
    %jit3A_251 = arith.constant 0 : i32
    %convert_element_type3A_252 = arith.sitofp %jit3A_251 : i32 to f32
    %broadcast_in_dim3A_253 = vector.broadcast %convert_element_type3A_252 : f32 to vector<512x64xf32>
    %select_n3A_254 = arith.select %eq3A_26, %sub3A, %broadcast_in_dim3A_253 : vector<512x64xi1>, vector<512x64xf32>
    %reduce_sum3A_255 = arith.constant dense<0.000000e+00> : vector<512xf32>
    %reduce_sum3A_256 = vector.multi_reduction <add>, %select_n3A_254, %reduce_sum3A_255 [1] : vector<512x64xf32> to vector<512xf32>
    %jit3A_257 = arith.constant 0 : i32
    %convert_element_type3A_258 = arith.sitofp %jit3A_257 : i32 to f32
    %broadcast_in_dim3A_259 = vector.broadcast %convert_element_type3A_258 : f32 to vector<512x64xf32>
    %select_n3A_260 = arith.select %eq3A_49, %sub3A, %broadcast_in_dim3A_259 : vector<512x64xi1>, vector<512x64xf32>
    %reduce_sum3A_261 = arith.constant dense<0.000000e+00> : vector<512xf32>
    %reduce_sum3A_262 = vector.multi_reduction <add>, %select_n3A_260, %reduce_sum3A_261 [1] : vector<512x64xf32> to vector<512xf32>
    %jit3A_263 = arith.constant 0 : i32
    %convert_element_type3A_264 = arith.sitofp %jit3A_263 : i32 to f32
    %broadcast_in_dim3A_265 = vector.broadcast %convert_element_type3A_264 : f32 to vector<512x64xf32>
    %select_n3A_266 = arith.select %eq3A_74, %sub3A, %broadcast_in_dim3A_265 : vector<512x64xi1>, vector<512x64xf32>
    %reduce_sum3A_267 = arith.constant dense<0.000000e+00> : vector<512xf32>
    %reduce_sum3A_268 = vector.multi_reduction <add>, %select_n3A_266, %reduce_sum3A_267 [1] : vector<512x64xf32> to vector<512xf32>
    %jit3A_269 = arith.constant 0 : i32
    %convert_element_type3A_270 = arith.sitofp %jit3A_269 : i32 to f32
    %broadcast_in_dim3A_271 = vector.broadcast %convert_element_type3A_270 : f32 to vector<512x64xf32>
    %select_n3A_272 = arith.select %eq3A_99, %sub3A, %broadcast_in_dim3A_271 : vector<512x64xi1>, vector<512x64xf32>
    %reduce_sum3A_273 = arith.constant dense<0.000000e+00> : vector<512xf32>
    %reduce_sum3A_274 = vector.multi_reduction <add>, %select_n3A_272, %reduce_sum3A_273 [1] : vector<512x64xf32> to vector<512xf32>
    %jit3A_275 = arith.constant 0 : i32
    %convert_element_type3A_276 = arith.sitofp %jit3A_275 : i32 to f32
    %broadcast_in_dim3A_277 = vector.broadcast %convert_element_type3A_276 : f32 to vector<512x64xf32>
    %select_n3A_278 = arith.select %eq3A_124, %sub3A, %broadcast_in_dim3A_277 : vector<512x64xi1>, vector<512x64xf32>
    %reduce_sum3A_279 = arith.constant dense<0.000000e+00> : vector<512xf32>
    %reduce_sum3A_280 = vector.multi_reduction <add>, %select_n3A_278, %reduce_sum3A_279 [1] : vector<512x64xf32> to vector<512xf32>
    %jit3A_281 = arith.constant 0 : i32
    %convert_element_type3A_282 = arith.sitofp %jit3A_281 : i32 to f32
    %broadcast_in_dim3A_283 = vector.broadcast %convert_element_type3A_282 : f32 to vector<512x64xf32>
    %select_n3A_284 = arith.select %eq3A_149, %sub3A, %broadcast_in_dim3A_283 : vector<512x64xi1>, vector<512x64xf32>
    %reduce_sum3A_285 = arith.constant dense<0.000000e+00> : vector<512xf32>
    %reduce_sum3A_286 = vector.multi_reduction <add>, %select_n3A_284, %reduce_sum3A_285 [1] : vector<512x64xf32> to vector<512xf32>
    %jit3A_287 = arith.constant 0 : i32
    %convert_element_type3A_288 = arith.sitofp %jit3A_287 : i32 to f32
    %broadcast_in_dim3A_289 = vector.broadcast %convert_element_type3A_288 : f32 to vector<512x64xf32>
    %select_n3A_290 = arith.select %eq3A_174, %sub3A, %broadcast_in_dim3A_289 : vector<512x64xi1>, vector<512x64xf32>
    %reduce_sum3A_291 = arith.constant dense<0.000000e+00> : vector<512xf32>
    %reduce_sum3A_292 = vector.multi_reduction <add>, %select_n3A_290, %reduce_sum3A_291 [1] : vector<512x64xf32> to vector<512xf32>
    %jit3A_293 = arith.constant 0 : i32
    %convert_element_type3A_294 = arith.sitofp %jit3A_293 : i32 to f32
    %broadcast_in_dim3A_295 = vector.broadcast %convert_element_type3A_294 : f32 to vector<512x64xf32>
    %select_n3A_296 = arith.select %eq3A_199, %sub3A, %broadcast_in_dim3A_295 : vector<512x64xi1>, vector<512x64xf32>
    %reduce_sum3A_297 = arith.constant dense<0.000000e+00> : vector<512xf32>
    %reduce_sum3A_298 = vector.multi_reduction <add>, %select_n3A_296, %reduce_sum3A_297 [1] : vector<512x64xf32> to vector<512xf32>
    %stack3A_299 = vector.shape_cast %reduce_sum3A_256 : vector<512xf32> to vector<1x512xf32>
    %stack3A_300 = vector.shape_cast %reduce_sum3A_262 : vector<512xf32> to vector<1x512xf32>
    %stack3A_301 = vector.shape_cast %reduce_sum3A_268 : vector<512xf32> to vector<1x512xf32>
    %stack3A_302 = vector.shape_cast %reduce_sum3A_274 : vector<512xf32> to vector<1x512xf32>
    %stack3A_303 = vector.shape_cast %reduce_sum3A_280 : vector<512xf32> to vector<1x512xf32>
    %stack3A_304 = vector.shape_cast %reduce_sum3A_286 : vector<512xf32> to vector<1x512xf32>
    %stack3A_305 = vector.shape_cast %reduce_sum3A_292 : vector<512xf32> to vector<1x512xf32>
    %stack3A_306 = vector.shape_cast %reduce_sum3A_298 : vector<512xf32> to vector<1x512xf32>
    %stack3A_307 = tpu.concatenate %stack3A_299, %stack3A_300, %stack3A_301, %stack3A_302, %stack3A_303, %stack3A_304, %stack3A_305, %stack3A_306 in 0 : vector<1x512xf32>, vector<1x512xf32>, vector<1x512xf32>, vector<1x512xf32>, vector<1x512xf32>, vector<1x512xf32>, vector<1x512xf32>, vector<1x512xf32> -> vector<8x512xf32>
    %convert_element_type3A_308 = arith.fptosi %stack3A_307 : vector<8x512xf32> to vector<8x512xi32>
    %swap3A_309 = arith.constant 0 : index
    %swap3A_310 = arith.constant 0 : index
    %swap3A_311 = vector.load %arg6[%swap3A_309, %swap3A_310] : memref<8x512xi32, #tpu.memory_space<vmem>>, vector<8x512xi32>
    tpu.vector_store %arg6[%swap3A_309, %swap3A_310], %convert_element_type3A_308 {strides = array<i32>} : memref<8x512xi32, #tpu.memory_space<vmem>>, vector<8x512xi32>,
    %slice3A = vector.extract_strided_slice %dot_general3A_248 {offsets = [511, 0], sizes = [1, 64], strides = [1, 1]} : vector<512x64xf32> to vector<1x64xf32>
    %add3A_312 = arith.addf %convert_element_type3A_242, %slice3A : vector<1x64xf32>
    %broadcast_in_dim3A_313 = vector.shape_cast %add3A_312 : vector<1x64xf32> to vector<1x64xf32>
    %broadcast_in_dim3A_314 = vector.broadcast %broadcast_in_dim3A_313 : vector<1x64xf32> to vector<8x64xf32>
    %convert_element_type3A_315 = arith.fptosi %broadcast_in_dim3A_314 : vector<8x64xf32> to vector<8x64xi32>
    %swap3A_316 = arith.constant 0 : index
    %swap3A_317 = arith.constant 0 : index
    %swap3A_318 = vector.load %arg8[%swap3A_316, %swap3A_317] : memref<8x64xi32, #tpu.memory_space<vmem>>, vector<8x64xi32>
    tpu.vector_store %arg8[%swap3A_316, %swap3A_317], %convert_element_type3A_315 {strides = array<i32>} : memref<8x64xi32, #tpu.memory_space<vmem>>, vector<8x64xi32>,
    %swap3A_319 = arith.constant 0 : index
    %swap3A_320 = arith.constant 0 : index
    %swap3A_321 = vector.load %arg7[%swap3A_319, %swap3A_320] : memref<8x64xi32, #tpu.memory_space<vmem>>, vector<8x64xi32>
    tpu.vector_store %arg7[%swap3A_319, %swap3A_320], %convert_element_type3A_315 {strides = array<i32>} : memref<8x64xi32, #tpu.memory_space<vmem>>, vector<8x64xi32>,
    return
  }
  func.func @transform_0(%arg0: i32) -> (i32, i32) {
    %c0_i32 = arith.constant 0 : i32
    %c0_i32_0 = arith.constant 0 : i32
    return %arg0, %c0_i32 : i32, i32
  }
  func.func @transform_1(%arg0: i32) -> (i32, i32) {
    %c0_i32 = arith.constant 0 : i32
    %c0_i32_0 = arith.constant 0 : i32
    %c0_i32_1 = arith.constant 0 : i32
    return %c0_i32, %c0_i32_0 : i32, i32
  }
  func.func @transform_2(%arg0: i32) -> (i32, i32) {
    %c0_i32 = arith.constant 0 : i32
    %c0_i32_0 = arith.constant 0 : i32
    %c0_i32_1 = arith.constant 0 : i32
    return %c0_i32, %c0_i32_0 : i32, i32
  }
  func.func @transform_3(%arg0: i32) -> (i32, i32) {
    %c0_i32 = arith.constant 0 : i32
    %c0_i32_0 = arith.constant 0 : i32
    return %c0_i32, %arg0 : i32, i32
  }
  func.func @transform_4(%arg0: i32) -> (i32, i32) {
    %c0_i32 = arith.constant 0 : i32
    %c0_i32_0 = arith.constant 0 : i32
    return %c0_i32, %arg0 : i32, i32
  }
  func.func @transform_5(%arg0: i32) -> (i32, i32) {
    %c0_i32 = arith.constant 0 : i32
    %c0_i32_0 = arith.constant 0 : i32
    return %c0_i32, %arg0 : i32, i32
  }
  func.func @transform_6(%arg0: i32) -> (i32, i32) {
    %c0_i32 = arith.constant 0 : i32
    %c0_i32_0 = arith.constant 0 : i32
    %c0_i32_1 = arith.constant 0 : i32
    return %c0_i32, %c0_i32_0 : i32, i32
  }
}

module attributes {stable_mosaic.version = 14 : i64} {
  func.func @_destcalc_body(%arg0: i32, %arg1: memref<8x512xi32, #tpu.memory_space<vmem>>, %arg2: memref<8x512xi32, #tpu.memory_space<vmem>>, %arg3: memref<4096x1xf32, #tpu.memory_space<vmem>>, %arg4: memref<64xi32, #tpu.memory_space<smem>>, %arg5: memref<8x512xi32, #tpu.memory_space<vmem>>, %arg6: memref<4096x128xf32, #tpu.memory_space<vmem>>) attributes {dimension_semantics = [#tpu.dimension_semantics<arbitrary>], iteration_bounds = array<i64: 8>, scalar_prefetch = 0 : i64, scratch_operands = 0 : i64, tpu.core_type = #tpu.core_type<tc>, window_params = [{transform_indices = @transform_0, window_bounds = array<i64: 8, 512>}, {transform_indices = @transform_1, window_bounds = array<i64: 8, 512>}, {transform_indices = @transform_2, window_bounds = array<i64: 4096, 1>}, {transform_indices = @transform_3, window_bounds = array<i64: 64>}, {transform_indices = @transform_4, window_bounds = array<i64: 8, 512>}, {transform_indices = @transform_5, window_bounds = array<i64: 4096, 128>}]} {
    %get3A = arith.constant 0 : index
    %get3A_0 = arith.constant 0 : index
    %get3A_1 = vector.load %arg1[%get3A, %get3A_0] : memref<8x512xi32, #tpu.memory_space<vmem>>, vector<8x512xi32>
    %get3A_2 = arith.constant 0 : index
    %get3A_3 = arith.constant 0 : index
    %get3A_4 = vector.load %arg2[%get3A_2, %get3A_3] : memref<8x512xi32, #tpu.memory_space<vmem>>, vector<8x512xi32>
    %eq3A = arith.constant 0 : i32
    %eq3A_5 = vector.broadcast %eq3A : i32 to vector<8x512xi32>
    %eq3A_6 = arith.cmpi eq, %get3A_1, %eq3A_5 : vector<8x512xi32>
    %get3A_7 = arith.constant 0 : index
    %get3A_8 = memref.load %arg4[%get3A_7] : memref<64xi32, #tpu.memory_space<smem>>
    %jit3A = arith.constant 0 : i32
    %broadcast_in_dim3A = vector.broadcast %get3A_8 : i32 to vector<8x512xi32>
    %broadcast_in_dim3A_9 = vector.broadcast %jit3A : i32 to vector<8x512xi32>
    %select_n3A = arith.select %eq3A_6, %broadcast_in_dim3A, %broadcast_in_dim3A_9 : vector<8x512xi1>, vector<8x512xi32>
    %add3A = arith.addi %get3A_4, %select_n3A : vector<8x512xi32>
    %eq3A_10 = arith.constant 1 : i32
    %eq3A_11 = vector.broadcast %eq3A_10 : i32 to vector<8x512xi32>
    %eq3A_12 = arith.cmpi eq, %get3A_1, %eq3A_11 : vector<8x512xi32>
    %get3A_13 = arith.constant 1 : index
    %get3A_14 = memref.load %arg4[%get3A_13] : memref<64xi32, #tpu.memory_space<smem>>
    %jit3A_15 = arith.constant 0 : i32
    %broadcast_in_dim3A_16 = vector.broadcast %get3A_14 : i32 to vector<8x512xi32>
    %broadcast_in_dim3A_17 = vector.broadcast %jit3A_15 : i32 to vector<8x512xi32>
    %select_n3A_18 = arith.select %eq3A_12, %broadcast_in_dim3A_16, %broadcast_in_dim3A_17 : vector<8x512xi1>, vector<8x512xi32>
    %add3A_19 = arith.addi %add3A, %select_n3A_18 : vector<8x512xi32>
    %eq3A_20 = arith.constant 2 : i32
    %eq3A_21 = vector.broadcast %eq3A_20 : i32 to vector<8x512xi32>
    %eq3A_22 = arith.cmpi eq, %get3A_1, %eq3A_21 : vector<8x512xi32>
    %get3A_23 = arith.constant 2 : index
    %get3A_24 = memref.load %arg4[%get3A_23] : memref<64xi32, #tpu.memory_space<smem>>
    %jit3A_25 = arith.constant 0 : i32
    %broadcast_in_dim3A_26 = vector.broadcast %get3A_24 : i32 to vector<8x512xi32>
    %broadcast_in_dim3A_27 = vector.broadcast %jit3A_25 : i32 to vector<8x512xi32>
    %select_n3A_28 = arith.select %eq3A_22, %broadcast_in_dim3A_26, %broadcast_in_dim3A_27 : vector<8x512xi1>, vector<8x512xi32>
    %add3A_29 = arith.addi %add3A_19, %select_n3A_28 : vector<8x512xi32>
    %eq3A_30 = arith.constant 3 : i32
    %eq3A_31 = vector.broadcast %eq3A_30 : i32 to vector<8x512xi32>
    %eq3A_32 = arith.cmpi eq, %get3A_1, %eq3A_31 : vector<8x512xi32>
    %get3A_33 = arith.constant 3 : index
    %get3A_34 = memref.load %arg4[%get3A_33] : memref<64xi32, #tpu.memory_space<smem>>
    %jit3A_35 = arith.constant 0 : i32
    %broadcast_in_dim3A_36 = vector.broadcast %get3A_34 : i32 to vector<8x512xi32>
    %broadcast_in_dim3A_37 = vector.broadcast %jit3A_35 : i32 to vector<8x512xi32>
    %select_n3A_38 = arith.select %eq3A_32, %broadcast_in_dim3A_36, %broadcast_in_dim3A_37 : vector<8x512xi1>, vector<8x512xi32>
    %add3A_39 = arith.addi %add3A_29, %select_n3A_38 : vector<8x512xi32>
    %eq3A_40 = arith.constant 4 : i32
    %eq3A_41 = vector.broadcast %eq3A_40 : i32 to vector<8x512xi32>
    %eq3A_42 = arith.cmpi eq, %get3A_1, %eq3A_41 : vector<8x512xi32>
    %get3A_43 = arith.constant 4 : index
    %get3A_44 = memref.load %arg4[%get3A_43] : memref<64xi32, #tpu.memory_space<smem>>
    %jit3A_45 = arith.constant 0 : i32
    %broadcast_in_dim3A_46 = vector.broadcast %get3A_44 : i32 to vector<8x512xi32>
    %broadcast_in_dim3A_47 = vector.broadcast %jit3A_45 : i32 to vector<8x512xi32>
    %select_n3A_48 = arith.select %eq3A_42, %broadcast_in_dim3A_46, %broadcast_in_dim3A_47 : vector<8x512xi1>, vector<8x512xi32>
    %add3A_49 = arith.addi %add3A_39, %select_n3A_48 : vector<8x512xi32>
    %eq3A_50 = arith.constant 5 : i32
    %eq3A_51 = vector.broadcast %eq3A_50 : i32 to vector<8x512xi32>
    %eq3A_52 = arith.cmpi eq, %get3A_1, %eq3A_51 : vector<8x512xi32>
    %get3A_53 = arith.constant 5 : index
    %get3A_54 = memref.load %arg4[%get3A_53] : memref<64xi32, #tpu.memory_space<smem>>
    %jit3A_55 = arith.constant 0 : i32
    %broadcast_in_dim3A_56 = vector.broadcast %get3A_54 : i32 to vector<8x512xi32>
    %broadcast_in_dim3A_57 = vector.broadcast %jit3A_55 : i32 to vector<8x512xi32>
    %select_n3A_58 = arith.select %eq3A_52, %broadcast_in_dim3A_56, %broadcast_in_dim3A_57 : vector<8x512xi1>, vector<8x512xi32>
    %add3A_59 = arith.addi %add3A_49, %select_n3A_58 : vector<8x512xi32>
    %eq3A_60 = arith.constant 6 : i32
    %eq3A_61 = vector.broadcast %eq3A_60 : i32 to vector<8x512xi32>
    %eq3A_62 = arith.cmpi eq, %get3A_1, %eq3A_61 : vector<8x512xi32>
    %get3A_63 = arith.constant 6 : index
    %get3A_64 = memref.load %arg4[%get3A_63] : memref<64xi32, #tpu.memory_space<smem>>
    %jit3A_65 = arith.constant 0 : i32
    %broadcast_in_dim3A_66 = vector.broadcast %get3A_64 : i32 to vector<8x512xi32>
    %broadcast_in_dim3A_67 = vector.broadcast %jit3A_65 : i32 to vector<8x512xi32>
    %select_n3A_68 = arith.select %eq3A_62, %broadcast_in_dim3A_66, %broadcast_in_dim3A_67 : vector<8x512xi1>, vector<8x512xi32>
    %add3A_69 = arith.addi %add3A_59, %select_n3A_68 : vector<8x512xi32>
    %eq3A_70 = arith.constant 7 : i32
    %eq3A_71 = vector.broadcast %eq3A_70 : i32 to vector<8x512xi32>
    %eq3A_72 = arith.cmpi eq, %get3A_1, %eq3A_71 : vector<8x512xi32>
    %get3A_73 = arith.constant 7 : index
    %get3A_74 = memref.load %arg4[%get3A_73] : memref<64xi32, #tpu.memory_space<smem>>
    %jit3A_75 = arith.constant 0 : i32
    %broadcast_in_dim3A_76 = vector.broadcast %get3A_74 : i32 to vector<8x512xi32>
    %broadcast_in_dim3A_77 = vector.broadcast %jit3A_75 : i32 to vector<8x512xi32>
    %select_n3A_78 = arith.select %eq3A_72, %broadcast_in_dim3A_76, %broadcast_in_dim3A_77 : vector<8x512xi1>, vector<8x512xi32>
    %add3A_79 = arith.addi %add3A_69, %select_n3A_78 : vector<8x512xi32>
    %eq3A_80 = arith.constant 8 : i32
    %eq3A_81 = vector.broadcast %eq3A_80 : i32 to vector<8x512xi32>
    %eq3A_82 = arith.cmpi eq, %get3A_1, %eq3A_81 : vector<8x512xi32>
    %get3A_83 = arith.constant 8 : index
    %get3A_84 = memref.load %arg4[%get3A_83] : memref<64xi32, #tpu.memory_space<smem>>
    %jit3A_85 = arith.constant 0 : i32
    %broadcast_in_dim3A_86 = vector.broadcast %get3A_84 : i32 to vector<8x512xi32>
    %broadcast_in_dim3A_87 = vector.broadcast %jit3A_85 : i32 to vector<8x512xi32>
    %select_n3A_88 = arith.select %eq3A_82, %broadcast_in_dim3A_86, %broadcast_in_dim3A_87 : vector<8x512xi1>, vector<8x512xi32>
    %add3A_89 = arith.addi %add3A_79, %select_n3A_88 : vector<8x512xi32>
    %eq3A_90 = arith.constant 9 : i32
    %eq3A_91 = vector.broadcast %eq3A_90 : i32 to vector<8x512xi32>
    %eq3A_92 = arith.cmpi eq, %get3A_1, %eq3A_91 : vector<8x512xi32>
    %get3A_93 = arith.constant 9 : index
    %get3A_94 = memref.load %arg4[%get3A_93] : memref<64xi32, #tpu.memory_space<smem>>
    %jit3A_95 = arith.constant 0 : i32
    %broadcast_in_dim3A_96 = vector.broadcast %get3A_94 : i32 to vector<8x512xi32>
    %broadcast_in_dim3A_97 = vector.broadcast %jit3A_95 : i32 to vector<8x512xi32>
    %select_n3A_98 = arith.select %eq3A_92, %broadcast_in_dim3A_96, %broadcast_in_dim3A_97 : vector<8x512xi1>, vector<8x512xi32>
    %add3A_99 = arith.addi %add3A_89, %select_n3A_98 : vector<8x512xi32>
    %eq3A_100 = arith.constant 10 : i32
    %eq3A_101 = vector.broadcast %eq3A_100 : i32 to vector<8x512xi32>
    %eq3A_102 = arith.cmpi eq, %get3A_1, %eq3A_101 : vector<8x512xi32>
    %get3A_103 = arith.constant 10 : index
    %get3A_104 = memref.load %arg4[%get3A_103] : memref<64xi32, #tpu.memory_space<smem>>
    %jit3A_105 = arith.constant 0 : i32
    %broadcast_in_dim3A_106 = vector.broadcast %get3A_104 : i32 to vector<8x512xi32>
    %broadcast_in_dim3A_107 = vector.broadcast %jit3A_105 : i32 to vector<8x512xi32>
    %select_n3A_108 = arith.select %eq3A_102, %broadcast_in_dim3A_106, %broadcast_in_dim3A_107 : vector<8x512xi1>, vector<8x512xi32>
    %add3A_109 = arith.addi %add3A_99, %select_n3A_108 : vector<8x512xi32>
    %eq3A_110 = arith.constant 11 : i32
    %eq3A_111 = vector.broadcast %eq3A_110 : i32 to vector<8x512xi32>
    %eq3A_112 = arith.cmpi eq, %get3A_1, %eq3A_111 : vector<8x512xi32>
    %get3A_113 = arith.constant 11 : index
    %get3A_114 = memref.load %arg4[%get3A_113] : memref<64xi32, #tpu.memory_space<smem>>
    %jit3A_115 = arith.constant 0 : i32
    %broadcast_in_dim3A_116 = vector.broadcast %get3A_114 : i32 to vector<8x512xi32>
    %broadcast_in_dim3A_117 = vector.broadcast %jit3A_115 : i32 to vector<8x512xi32>
    %select_n3A_118 = arith.select %eq3A_112, %broadcast_in_dim3A_116, %broadcast_in_dim3A_117 : vector<8x512xi1>, vector<8x512xi32>
    %add3A_119 = arith.addi %add3A_109, %select_n3A_118 : vector<8x512xi32>
    %eq3A_120 = arith.constant 12 : i32
    %eq3A_121 = vector.broadcast %eq3A_120 : i32 to vector<8x512xi32>
    %eq3A_122 = arith.cmpi eq, %get3A_1, %eq3A_121 : vector<8x512xi32>
    %get3A_123 = arith.constant 12 : index
    %get3A_124 = memref.load %arg4[%get3A_123] : memref<64xi32, #tpu.memory_space<smem>>
    %jit3A_125 = arith.constant 0 : i32
    %broadcast_in_dim3A_126 = vector.broadcast %get3A_124 : i32 to vector<8x512xi32>
    %broadcast_in_dim3A_127 = vector.broadcast %jit3A_125 : i32 to vector<8x512xi32>
    %select_n3A_128 = arith.select %eq3A_122, %broadcast_in_dim3A_126, %broadcast_in_dim3A_127 : vector<8x512xi1>, vector<8x512xi32>
    %add3A_129 = arith.addi %add3A_119, %select_n3A_128 : vector<8x512xi32>
    %eq3A_130 = arith.constant 13 : i32
    %eq3A_131 = vector.broadcast %eq3A_130 : i32 to vector<8x512xi32>
    %eq3A_132 = arith.cmpi eq, %get3A_1, %eq3A_131 : vector<8x512xi32>
    %get3A_133 = arith.constant 13 : index
    %get3A_134 = memref.load %arg4[%get3A_133] : memref<64xi32, #tpu.memory_space<smem>>
    %jit3A_135 = arith.constant 0 : i32
    %broadcast_in_dim3A_136 = vector.broadcast %get3A_134 : i32 to vector<8x512xi32>
    %broadcast_in_dim3A_137 = vector.broadcast %jit3A_135 : i32 to vector<8x512xi32>
    %select_n3A_138 = arith.select %eq3A_132, %broadcast_in_dim3A_136, %broadcast_in_dim3A_137 : vector<8x512xi1>, vector<8x512xi32>
    %add3A_139 = arith.addi %add3A_129, %select_n3A_138 : vector<8x512xi32>
    %eq3A_140 = arith.constant 14 : i32
    %eq3A_141 = vector.broadcast %eq3A_140 : i32 to vector<8x512xi32>
    %eq3A_142 = arith.cmpi eq, %get3A_1, %eq3A_141 : vector<8x512xi32>
    %get3A_143 = arith.constant 14 : index
    %get3A_144 = memref.load %arg4[%get3A_143] : memref<64xi32, #tpu.memory_space<smem>>
    %jit3A_145 = arith.constant 0 : i32
    %broadcast_in_dim3A_146 = vector.broadcast %get3A_144 : i32 to vector<8x512xi32>
    %broadcast_in_dim3A_147 = vector.broadcast %jit3A_145 : i32 to vector<8x512xi32>
    %select_n3A_148 = arith.select %eq3A_142, %broadcast_in_dim3A_146, %broadcast_in_dim3A_147 : vector<8x512xi1>, vector<8x512xi32>
    %add3A_149 = arith.addi %add3A_139, %select_n3A_148 : vector<8x512xi32>
    %eq3A_150 = arith.constant 15 : i32
    %eq3A_151 = vector.broadcast %eq3A_150 : i32 to vector<8x512xi32>
    %eq3A_152 = arith.cmpi eq, %get3A_1, %eq3A_151 : vector<8x512xi32>
    %get3A_153 = arith.constant 15 : index
    %get3A_154 = memref.load %arg4[%get3A_153] : memref<64xi32, #tpu.memory_space<smem>>
    %jit3A_155 = arith.constant 0 : i32
    %broadcast_in_dim3A_156 = vector.broadcast %get3A_154 : i32 to vector<8x512xi32>
    %broadcast_in_dim3A_157 = vector.broadcast %jit3A_155 : i32 to vector<8x512xi32>
    %select_n3A_158 = arith.select %eq3A_152, %broadcast_in_dim3A_156, %broadcast_in_dim3A_157 : vector<8x512xi1>, vector<8x512xi32>
    %add3A_159 = arith.addi %add3A_149, %select_n3A_158 : vector<8x512xi32>
    %eq3A_160 = arith.constant 16 : i32
    %eq3A_161 = vector.broadcast %eq3A_160 : i32 to vector<8x512xi32>
    %eq3A_162 = arith.cmpi eq, %get3A_1, %eq3A_161 : vector<8x512xi32>
    %get3A_163 = arith.constant 16 : index
    %get3A_164 = memref.load %arg4[%get3A_163] : memref<64xi32, #tpu.memory_space<smem>>
    %jit3A_165 = arith.constant 0 : i32
    %broadcast_in_dim3A_166 = vector.broadcast %get3A_164 : i32 to vector<8x512xi32>
    %broadcast_in_dim3A_167 = vector.broadcast %jit3A_165 : i32 to vector<8x512xi32>
    %select_n3A_168 = arith.select %eq3A_162, %broadcast_in_dim3A_166, %broadcast_in_dim3A_167 : vector<8x512xi1>, vector<8x512xi32>
    %add3A_169 = arith.addi %add3A_159, %select_n3A_168 : vector<8x512xi32>
    %eq3A_170 = arith.constant 17 : i32
    %eq3A_171 = vector.broadcast %eq3A_170 : i32 to vector<8x512xi32>
    %eq3A_172 = arith.cmpi eq, %get3A_1, %eq3A_171 : vector<8x512xi32>
    %get3A_173 = arith.constant 17 : index
    %get3A_174 = memref.load %arg4[%get3A_173] : memref<64xi32, #tpu.memory_space<smem>>
    %jit3A_175 = arith.constant 0 : i32
    %broadcast_in_dim3A_176 = vector.broadcast %get3A_174 : i32 to vector<8x512xi32>
    %broadcast_in_dim3A_177 = vector.broadcast %jit3A_175 : i32 to vector<8x512xi32>
    %select_n3A_178 = arith.select %eq3A_172, %broadcast_in_dim3A_176, %broadcast_in_dim3A_177 : vector<8x512xi1>, vector<8x512xi32>
    %add3A_179 = arith.addi %add3A_169, %select_n3A_178 : vector<8x512xi32>
    %eq3A_180 = arith.constant 18 : i32
    %eq3A_181 = vector.broadcast %eq3A_180 : i32 to vector<8x512xi32>
    %eq3A_182 = arith.cmpi eq, %get3A_1, %eq3A_181 : vector<8x512xi32>
    %get3A_183 = arith.constant 18 : index
    %get3A_184 = memref.load %arg4[%get3A_183] : memref<64xi32, #tpu.memory_space<smem>>
    %jit3A_185 = arith.constant 0 : i32
    %broadcast_in_dim3A_186 = vector.broadcast %get3A_184 : i32 to vector<8x512xi32>
    %broadcast_in_dim3A_187 = vector.broadcast %jit3A_185 : i32 to vector<8x512xi32>
    %select_n3A_188 = arith.select %eq3A_182, %broadcast_in_dim3A_186, %broadcast_in_dim3A_187 : vector<8x512xi1>, vector<8x512xi32>
    %add3A_189 = arith.addi %add3A_179, %select_n3A_188 : vector<8x512xi32>
    %eq3A_190 = arith.constant 19 : i32
    %eq3A_191 = vector.broadcast %eq3A_190 : i32 to vector<8x512xi32>
    %eq3A_192 = arith.cmpi eq, %get3A_1, %eq3A_191 : vector<8x512xi32>
    %get3A_193 = arith.constant 19 : index
    %get3A_194 = memref.load %arg4[%get3A_193] : memref<64xi32, #tpu.memory_space<smem>>
    %jit3A_195 = arith.constant 0 : i32
    %broadcast_in_dim3A_196 = vector.broadcast %get3A_194 : i32 to vector<8x512xi32>
    %broadcast_in_dim3A_197 = vector.broadcast %jit3A_195 : i32 to vector<8x512xi32>
    %select_n3A_198 = arith.select %eq3A_192, %broadcast_in_dim3A_196, %broadcast_in_dim3A_197 : vector<8x512xi1>, vector<8x512xi32>
    %add3A_199 = arith.addi %add3A_189, %select_n3A_198 : vector<8x512xi32>
    %eq3A_200 = arith.constant 20 : i32
    %eq3A_201 = vector.broadcast %eq3A_200 : i32 to vector<8x512xi32>
    %eq3A_202 = arith.cmpi eq, %get3A_1, %eq3A_201 : vector<8x512xi32>
    %get3A_203 = arith.constant 20 : index
    %get3A_204 = memref.load %arg4[%get3A_203] : memref<64xi32, #tpu.memory_space<smem>>
    %jit3A_205 = arith.constant 0 : i32
    %broadcast_in_dim3A_206 = vector.broadcast %get3A_204 : i32 to vector<8x512xi32>
    %broadcast_in_dim3A_207 = vector.broadcast %jit3A_205 : i32 to vector<8x512xi32>
    %select_n3A_208 = arith.select %eq3A_202, %broadcast_in_dim3A_206, %broadcast_in_dim3A_207 : vector<8x512xi1>, vector<8x512xi32>
    %add3A_209 = arith.addi %add3A_199, %select_n3A_208 : vector<8x512xi32>
    %eq3A_210 = arith.constant 21 : i32
    %eq3A_211 = vector.broadcast %eq3A_210 : i32 to vector<8x512xi32>
    %eq3A_212 = arith.cmpi eq, %get3A_1, %eq3A_211 : vector<8x512xi32>
    %get3A_213 = arith.constant 21 : index
    %get3A_214 = memref.load %arg4[%get3A_213] : memref<64xi32, #tpu.memory_space<smem>>
    %jit3A_215 = arith.constant 0 : i32
    %broadcast_in_dim3A_216 = vector.broadcast %get3A_214 : i32 to vector<8x512xi32>
    %broadcast_in_dim3A_217 = vector.broadcast %jit3A_215 : i32 to vector<8x512xi32>
    %select_n3A_218 = arith.select %eq3A_212, %broadcast_in_dim3A_216, %broadcast_in_dim3A_217 : vector<8x512xi1>, vector<8x512xi32>
    %add3A_219 = arith.addi %add3A_209, %select_n3A_218 : vector<8x512xi32>
    %eq3A_220 = arith.constant 22 : i32
    %eq3A_221 = vector.broadcast %eq3A_220 : i32 to vector<8x512xi32>
    %eq3A_222 = arith.cmpi eq, %get3A_1, %eq3A_221 : vector<8x512xi32>
    %get3A_223 = arith.constant 22 : index
    %get3A_224 = memref.load %arg4[%get3A_223] : memref<64xi32, #tpu.memory_space<smem>>
    %jit3A_225 = arith.constant 0 : i32
    %broadcast_in_dim3A_226 = vector.broadcast %get3A_224 : i32 to vector<8x512xi32>
    %broadcast_in_dim3A_227 = vector.broadcast %jit3A_225 : i32 to vector<8x512xi32>
    %select_n3A_228 = arith.select %eq3A_222, %broadcast_in_dim3A_226, %broadcast_in_dim3A_227 : vector<8x512xi1>, vector<8x512xi32>
    %add3A_229 = arith.addi %add3A_219, %select_n3A_228 : vector<8x512xi32>
    %eq3A_230 = arith.constant 23 : i32
    %eq3A_231 = vector.broadcast %eq3A_230 : i32 to vector<8x512xi32>
    %eq3A_232 = arith.cmpi eq, %get3A_1, %eq3A_231 : vector<8x512xi32>
    %get3A_233 = arith.constant 23 : index
    %get3A_234 = memref.load %arg4[%get3A_233] : memref<64xi32, #tpu.memory_space<smem>>
    %jit3A_235 = arith.constant 0 : i32
    %broadcast_in_dim3A_236 = vector.broadcast %get3A_234 : i32 to vector<8x512xi32>
    %broadcast_in_dim3A_237 = vector.broadcast %jit3A_235 : i32 to vector<8x512xi32>
    %select_n3A_238 = arith.select %eq3A_232, %broadcast_in_dim3A_236, %broadcast_in_dim3A_237 : vector<8x512xi1>, vector<8x512xi32>
    %add3A_239 = arith.addi %add3A_229, %select_n3A_238 : vector<8x512xi32>
    %eq3A_240 = arith.constant 24 : i32
    %eq3A_241 = vector.broadcast %eq3A_240 : i32 to vector<8x512xi32>
    %eq3A_242 = arith.cmpi eq, %get3A_1, %eq3A_241 : vector<8x512xi32>
    %get3A_243 = arith.constant 24 : index
    %get3A_244 = memref.load %arg4[%get3A_243] : memref<64xi32, #tpu.memory_space<smem>>
    %jit3A_245 = arith.constant 0 : i32
    %broadcast_in_dim3A_246 = vector.broadcast %get3A_244 : i32 to vector<8x512xi32>
    %broadcast_in_dim3A_247 = vector.broadcast %jit3A_245 : i32 to vector<8x512xi32>
    %select_n3A_248 = arith.select %eq3A_242, %broadcast_in_dim3A_246, %broadcast_in_dim3A_247 : vector<8x512xi1>, vector<8x512xi32>
    %add3A_249 = arith.addi %add3A_239, %select_n3A_248 : vector<8x512xi32>
    %eq3A_250 = arith.constant 25 : i32
    %eq3A_251 = vector.broadcast %eq3A_250 : i32 to vector<8x512xi32>
    %eq3A_252 = arith.cmpi eq, %get3A_1, %eq3A_251 : vector<8x512xi32>
    %get3A_253 = arith.constant 25 : index
    %get3A_254 = memref.load %arg4[%get3A_253] : memref<64xi32, #tpu.memory_space<smem>>
    %jit3A_255 = arith.constant 0 : i32
    %broadcast_in_dim3A_256 = vector.broadcast %get3A_254 : i32 to vector<8x512xi32>
    %broadcast_in_dim3A_257 = vector.broadcast %jit3A_255 : i32 to vector<8x512xi32>
    %select_n3A_258 = arith.select %eq3A_252, %broadcast_in_dim3A_256, %broadcast_in_dim3A_257 : vector<8x512xi1>, vector<8x512xi32>
    %add3A_259 = arith.addi %add3A_249, %select_n3A_258 : vector<8x512xi32>
    %eq3A_260 = arith.constant 26 : i32
    %eq3A_261 = vector.broadcast %eq3A_260 : i32 to vector<8x512xi32>
    %eq3A_262 = arith.cmpi eq, %get3A_1, %eq3A_261 : vector<8x512xi32>
    %get3A_263 = arith.constant 26 : index
    %get3A_264 = memref.load %arg4[%get3A_263] : memref<64xi32, #tpu.memory_space<smem>>
    %jit3A_265 = arith.constant 0 : i32
    %broadcast_in_dim3A_266 = vector.broadcast %get3A_264 : i32 to vector<8x512xi32>
    %broadcast_in_dim3A_267 = vector.broadcast %jit3A_265 : i32 to vector<8x512xi32>
    %select_n3A_268 = arith.select %eq3A_262, %broadcast_in_dim3A_266, %broadcast_in_dim3A_267 : vector<8x512xi1>, vector<8x512xi32>
    %add3A_269 = arith.addi %add3A_259, %select_n3A_268 : vector<8x512xi32>
    %eq3A_270 = arith.constant 27 : i32
    %eq3A_271 = vector.broadcast %eq3A_270 : i32 to vector<8x512xi32>
    %eq3A_272 = arith.cmpi eq, %get3A_1, %eq3A_271 : vector<8x512xi32>
    %get3A_273 = arith.constant 27 : index
    %get3A_274 = memref.load %arg4[%get3A_273] : memref<64xi32, #tpu.memory_space<smem>>
    %jit3A_275 = arith.constant 0 : i32
    %broadcast_in_dim3A_276 = vector.broadcast %get3A_274 : i32 to vector<8x512xi32>
    %broadcast_in_dim3A_277 = vector.broadcast %jit3A_275 : i32 to vector<8x512xi32>
    %select_n3A_278 = arith.select %eq3A_272, %broadcast_in_dim3A_276, %broadcast_in_dim3A_277 : vector<8x512xi1>, vector<8x512xi32>
    %add3A_279 = arith.addi %add3A_269, %select_n3A_278 : vector<8x512xi32>
    %eq3A_280 = arith.constant 28 : i32
    %eq3A_281 = vector.broadcast %eq3A_280 : i32 to vector<8x512xi32>
    %eq3A_282 = arith.cmpi eq, %get3A_1, %eq3A_281 : vector<8x512xi32>
    %get3A_283 = arith.constant 28 : index
    %get3A_284 = memref.load %arg4[%get3A_283] : memref<64xi32, #tpu.memory_space<smem>>
    %jit3A_285 = arith.constant 0 : i32
    %broadcast_in_dim3A_286 = vector.broadcast %get3A_284 : i32 to vector<8x512xi32>
    %broadcast_in_dim3A_287 = vector.broadcast %jit3A_285 : i32 to vector<8x512xi32>
    %select_n3A_288 = arith.select %eq3A_282, %broadcast_in_dim3A_286, %broadcast_in_dim3A_287 : vector<8x512xi1>, vector<8x512xi32>
    %add3A_289 = arith.addi %add3A_279, %select_n3A_288 : vector<8x512xi32>
    %eq3A_290 = arith.constant 29 : i32
    %eq3A_291 = vector.broadcast %eq3A_290 : i32 to vector<8x512xi32>
    %eq3A_292 = arith.cmpi eq, %get3A_1, %eq3A_291 : vector<8x512xi32>
    %get3A_293 = arith.constant 29 : index
    %get3A_294 = memref.load %arg4[%get3A_293] : memref<64xi32, #tpu.memory_space<smem>>
    %jit3A_295 = arith.constant 0 : i32
    %broadcast_in_dim3A_296 = vector.broadcast %get3A_294 : i32 to vector<8x512xi32>
    %broadcast_in_dim3A_297 = vector.broadcast %jit3A_295 : i32 to vector<8x512xi32>
    %select_n3A_298 = arith.select %eq3A_292, %broadcast_in_dim3A_296, %broadcast_in_dim3A_297 : vector<8x512xi1>, vector<8x512xi32>
    %add3A_299 = arith.addi %add3A_289, %select_n3A_298 : vector<8x512xi32>
    %eq3A_300 = arith.constant 30 : i32
    %eq3A_301 = vector.broadcast %eq3A_300 : i32 to vector<8x512xi32>
    %eq3A_302 = arith.cmpi eq, %get3A_1, %eq3A_301 : vector<8x512xi32>
    %get3A_303 = arith.constant 30 : index
    %get3A_304 = memref.load %arg4[%get3A_303] : memref<64xi32, #tpu.memory_space<smem>>
    %jit3A_305 = arith.constant 0 : i32
    %broadcast_in_dim3A_306 = vector.broadcast %get3A_304 : i32 to vector<8x512xi32>
    %broadcast_in_dim3A_307 = vector.broadcast %jit3A_305 : i32 to vector<8x512xi32>
    %select_n3A_308 = arith.select %eq3A_302, %broadcast_in_dim3A_306, %broadcast_in_dim3A_307 : vector<8x512xi1>, vector<8x512xi32>
    %add3A_309 = arith.addi %add3A_299, %select_n3A_308 : vector<8x512xi32>
    %eq3A_310 = arith.constant 31 : i32
    %eq3A_311 = vector.broadcast %eq3A_310 : i32 to vector<8x512xi32>
    %eq3A_312 = arith.cmpi eq, %get3A_1, %eq3A_311 : vector<8x512xi32>
    %get3A_313 = arith.constant 31 : index
    %get3A_314 = memref.load %arg4[%get3A_313] : memref<64xi32, #tpu.memory_space<smem>>
    %jit3A_315 = arith.constant 0 : i32
    %broadcast_in_dim3A_316 = vector.broadcast %get3A_314 : i32 to vector<8x512xi32>
    %broadcast_in_dim3A_317 = vector.broadcast %jit3A_315 : i32 to vector<8x512xi32>
    %select_n3A_318 = arith.select %eq3A_312, %broadcast_in_dim3A_316, %broadcast_in_dim3A_317 : vector<8x512xi1>, vector<8x512xi32>
    %add3A_319 = arith.addi %add3A_309, %select_n3A_318 : vector<8x512xi32>
    %eq3A_320 = arith.constant 32 : i32
    %eq3A_321 = vector.broadcast %eq3A_320 : i32 to vector<8x512xi32>
    %eq3A_322 = arith.cmpi eq, %get3A_1, %eq3A_321 : vector<8x512xi32>
    %get3A_323 = arith.constant 32 : index
    %get3A_324 = memref.load %arg4[%get3A_323] : memref<64xi32, #tpu.memory_space<smem>>
    %jit3A_325 = arith.constant 0 : i32
    %broadcast_in_dim3A_326 = vector.broadcast %get3A_324 : i32 to vector<8x512xi32>
    %broadcast_in_dim3A_327 = vector.broadcast %jit3A_325 : i32 to vector<8x512xi32>
    %select_n3A_328 = arith.select %eq3A_322, %broadcast_in_dim3A_326, %broadcast_in_dim3A_327 : vector<8x512xi1>, vector<8x512xi32>
    %add3A_329 = arith.addi %add3A_319, %select_n3A_328 : vector<8x512xi32>
    %eq3A_330 = arith.constant 33 : i32
    %eq3A_331 = vector.broadcast %eq3A_330 : i32 to vector<8x512xi32>
    %eq3A_332 = arith.cmpi eq, %get3A_1, %eq3A_331 : vector<8x512xi32>
    %get3A_333 = arith.constant 33 : index
    %get3A_334 = memref.load %arg4[%get3A_333] : memref<64xi32, #tpu.memory_space<smem>>
    %jit3A_335 = arith.constant 0 : i32
    %broadcast_in_dim3A_336 = vector.broadcast %get3A_334 : i32 to vector<8x512xi32>
    %broadcast_in_dim3A_337 = vector.broadcast %jit3A_335 : i32 to vector<8x512xi32>
    %select_n3A_338 = arith.select %eq3A_332, %broadcast_in_dim3A_336, %broadcast_in_dim3A_337 : vector<8x512xi1>, vector<8x512xi32>
    %add3A_339 = arith.addi %add3A_329, %select_n3A_338 : vector<8x512xi32>
    %eq3A_340 = arith.constant 34 : i32
    %eq3A_341 = vector.broadcast %eq3A_340 : i32 to vector<8x512xi32>
    %eq3A_342 = arith.cmpi eq, %get3A_1, %eq3A_341 : vector<8x512xi32>
    %get3A_343 = arith.constant 34 : index
    %get3A_344 = memref.load %arg4[%get3A_343] : memref<64xi32, #tpu.memory_space<smem>>
    %jit3A_345 = arith.constant 0 : i32
    %broadcast_in_dim3A_346 = vector.broadcast %get3A_344 : i32 to vector<8x512xi32>
    %broadcast_in_dim3A_347 = vector.broadcast %jit3A_345 : i32 to vector<8x512xi32>
    %select_n3A_348 = arith.select %eq3A_342, %broadcast_in_dim3A_346, %broadcast_in_dim3A_347 : vector<8x512xi1>, vector<8x512xi32>
    %add3A_349 = arith.addi %add3A_339, %select_n3A_348 : vector<8x512xi32>
    %eq3A_350 = arith.constant 35 : i32
    %eq3A_351 = vector.broadcast %eq3A_350 : i32 to vector<8x512xi32>
    %eq3A_352 = arith.cmpi eq, %get3A_1, %eq3A_351 : vector<8x512xi32>
    %get3A_353 = arith.constant 35 : index
    %get3A_354 = memref.load %arg4[%get3A_353] : memref<64xi32, #tpu.memory_space<smem>>
    %jit3A_355 = arith.constant 0 : i32
    %broadcast_in_dim3A_356 = vector.broadcast %get3A_354 : i32 to vector<8x512xi32>
    %broadcast_in_dim3A_357 = vector.broadcast %jit3A_355 : i32 to vector<8x512xi32>
    %select_n3A_358 = arith.select %eq3A_352, %broadcast_in_dim3A_356, %broadcast_in_dim3A_357 : vector<8x512xi1>, vector<8x512xi32>
    %add3A_359 = arith.addi %add3A_349, %select_n3A_358 : vector<8x512xi32>
    %eq3A_360 = arith.constant 36 : i32
    %eq3A_361 = vector.broadcast %eq3A_360 : i32 to vector<8x512xi32>
    %eq3A_362 = arith.cmpi eq, %get3A_1, %eq3A_361 : vector<8x512xi32>
    %get3A_363 = arith.constant 36 : index
    %get3A_364 = memref.load %arg4[%get3A_363] : memref<64xi32, #tpu.memory_space<smem>>
    %jit3A_365 = arith.constant 0 : i32
    %broadcast_in_dim3A_366 = vector.broadcast %get3A_364 : i32 to vector<8x512xi32>
    %broadcast_in_dim3A_367 = vector.broadcast %jit3A_365 : i32 to vector<8x512xi32>
    %select_n3A_368 = arith.select %eq3A_362, %broadcast_in_dim3A_366, %broadcast_in_dim3A_367 : vector<8x512xi1>, vector<8x512xi32>
    %add3A_369 = arith.addi %add3A_359, %select_n3A_368 : vector<8x512xi32>
    %eq3A_370 = arith.constant 37 : i32
    %eq3A_371 = vector.broadcast %eq3A_370 : i32 to vector<8x512xi32>
    %eq3A_372 = arith.cmpi eq, %get3A_1, %eq3A_371 : vector<8x512xi32>
    %get3A_373 = arith.constant 37 : index
    %get3A_374 = memref.load %arg4[%get3A_373] : memref<64xi32, #tpu.memory_space<smem>>
    %jit3A_375 = arith.constant 0 : i32
    %broadcast_in_dim3A_376 = vector.broadcast %get3A_374 : i32 to vector<8x512xi32>
    %broadcast_in_dim3A_377 = vector.broadcast %jit3A_375 : i32 to vector<8x512xi32>
    %select_n3A_378 = arith.select %eq3A_372, %broadcast_in_dim3A_376, %broadcast_in_dim3A_377 : vector<8x512xi1>, vector<8x512xi32>
    %add3A_379 = arith.addi %add3A_369, %select_n3A_378 : vector<8x512xi32>
    %eq3A_380 = arith.constant 38 : i32
    %eq3A_381 = vector.broadcast %eq3A_380 : i32 to vector<8x512xi32>
    %eq3A_382 = arith.cmpi eq, %get3A_1, %eq3A_381 : vector<8x512xi32>
    %get3A_383 = arith.constant 38 : index
    %get3A_384 = memref.load %arg4[%get3A_383] : memref<64xi32, #tpu.memory_space<smem>>
    %jit3A_385 = arith.constant 0 : i32
    %broadcast_in_dim3A_386 = vector.broadcast %get3A_384 : i32 to vector<8x512xi32>
    %broadcast_in_dim3A_387 = vector.broadcast %jit3A_385 : i32 to vector<8x512xi32>
    %select_n3A_388 = arith.select %eq3A_382, %broadcast_in_dim3A_386, %broadcast_in_dim3A_387 : vector<8x512xi1>, vector<8x512xi32>
    %add3A_389 = arith.addi %add3A_379, %select_n3A_388 : vector<8x512xi32>
    %eq3A_390 = arith.constant 39 : i32
    %eq3A_391 = vector.broadcast %eq3A_390 : i32 to vector<8x512xi32>
    %eq3A_392 = arith.cmpi eq, %get3A_1, %eq3A_391 : vector<8x512xi32>
    %get3A_393 = arith.constant 39 : index
    %get3A_394 = memref.load %arg4[%get3A_393] : memref<64xi32, #tpu.memory_space<smem>>
    %jit3A_395 = arith.constant 0 : i32
    %broadcast_in_dim3A_396 = vector.broadcast %get3A_394 : i32 to vector<8x512xi32>
    %broadcast_in_dim3A_397 = vector.broadcast %jit3A_395 : i32 to vector<8x512xi32>
    %select_n3A_398 = arith.select %eq3A_392, %broadcast_in_dim3A_396, %broadcast_in_dim3A_397 : vector<8x512xi1>, vector<8x512xi32>
    %add3A_399 = arith.addi %add3A_389, %select_n3A_398 : vector<8x512xi32>
    %eq3A_400 = arith.constant 40 : i32
    %eq3A_401 = vector.broadcast %eq3A_400 : i32 to vector<8x512xi32>
    %eq3A_402 = arith.cmpi eq, %get3A_1, %eq3A_401 : vector<8x512xi32>
    %get3A_403 = arith.constant 40 : index
    %get3A_404 = memref.load %arg4[%get3A_403] : memref<64xi32, #tpu.memory_space<smem>>
    %jit3A_405 = arith.constant 0 : i32
    %broadcast_in_dim3A_406 = vector.broadcast %get3A_404 : i32 to vector<8x512xi32>
    %broadcast_in_dim3A_407 = vector.broadcast %jit3A_405 : i32 to vector<8x512xi32>
    %select_n3A_408 = arith.select %eq3A_402, %broadcast_in_dim3A_406, %broadcast_in_dim3A_407 : vector<8x512xi1>, vector<8x512xi32>
    %add3A_409 = arith.addi %add3A_399, %select_n3A_408 : vector<8x512xi32>
    %eq3A_410 = arith.constant 41 : i32
    %eq3A_411 = vector.broadcast %eq3A_410 : i32 to vector<8x512xi32>
    %eq3A_412 = arith.cmpi eq, %get3A_1, %eq3A_411 : vector<8x512xi32>
    %get3A_413 = arith.constant 41 : index
    %get3A_414 = memref.load %arg4[%get3A_413] : memref<64xi32, #tpu.memory_space<smem>>
    %jit3A_415 = arith.constant 0 : i32
    %broadcast_in_dim3A_416 = vector.broadcast %get3A_414 : i32 to vector<8x512xi32>
    %broadcast_in_dim3A_417 = vector.broadcast %jit3A_415 : i32 to vector<8x512xi32>
    %select_n3A_418 = arith.select %eq3A_412, %broadcast_in_dim3A_416, %broadcast_in_dim3A_417 : vector<8x512xi1>, vector<8x512xi32>
    %add3A_419 = arith.addi %add3A_409, %select_n3A_418 : vector<8x512xi32>
    %eq3A_420 = arith.constant 42 : i32
    %eq3A_421 = vector.broadcast %eq3A_420 : i32 to vector<8x512xi32>
    %eq3A_422 = arith.cmpi eq, %get3A_1, %eq3A_421 : vector<8x512xi32>
    %get3A_423 = arith.constant 42 : index
    %get3A_424 = memref.load %arg4[%get3A_423] : memref<64xi32, #tpu.memory_space<smem>>
    %jit3A_425 = arith.constant 0 : i32
    %broadcast_in_dim3A_426 = vector.broadcast %get3A_424 : i32 to vector<8x512xi32>
    %broadcast_in_dim3A_427 = vector.broadcast %jit3A_425 : i32 to vector<8x512xi32>
    %select_n3A_428 = arith.select %eq3A_422, %broadcast_in_dim3A_426, %broadcast_in_dim3A_427 : vector<8x512xi1>, vector<8x512xi32>
    %add3A_429 = arith.addi %add3A_419, %select_n3A_428 : vector<8x512xi32>
    %eq3A_430 = arith.constant 43 : i32
    %eq3A_431 = vector.broadcast %eq3A_430 : i32 to vector<8x512xi32>
    %eq3A_432 = arith.cmpi eq, %get3A_1, %eq3A_431 : vector<8x512xi32>
    %get3A_433 = arith.constant 43 : index
    %get3A_434 = memref.load %arg4[%get3A_433] : memref<64xi32, #tpu.memory_space<smem>>
    %jit3A_435 = arith.constant 0 : i32
    %broadcast_in_dim3A_436 = vector.broadcast %get3A_434 : i32 to vector<8x512xi32>
    %broadcast_in_dim3A_437 = vector.broadcast %jit3A_435 : i32 to vector<8x512xi32>
    %select_n3A_438 = arith.select %eq3A_432, %broadcast_in_dim3A_436, %broadcast_in_dim3A_437 : vector<8x512xi1>, vector<8x512xi32>
    %add3A_439 = arith.addi %add3A_429, %select_n3A_438 : vector<8x512xi32>
    %eq3A_440 = arith.constant 44 : i32
    %eq3A_441 = vector.broadcast %eq3A_440 : i32 to vector<8x512xi32>
    %eq3A_442 = arith.cmpi eq, %get3A_1, %eq3A_441 : vector<8x512xi32>
    %get3A_443 = arith.constant 44 : index
    %get3A_444 = memref.load %arg4[%get3A_443] : memref<64xi32, #tpu.memory_space<smem>>
    %jit3A_445 = arith.constant 0 : i32
    %broadcast_in_dim3A_446 = vector.broadcast %get3A_444 : i32 to vector<8x512xi32>
    %broadcast_in_dim3A_447 = vector.broadcast %jit3A_445 : i32 to vector<8x512xi32>
    %select_n3A_448 = arith.select %eq3A_442, %broadcast_in_dim3A_446, %broadcast_in_dim3A_447 : vector<8x512xi1>, vector<8x512xi32>
    %add3A_449 = arith.addi %add3A_439, %select_n3A_448 : vector<8x512xi32>
    %eq3A_450 = arith.constant 45 : i32
    %eq3A_451 = vector.broadcast %eq3A_450 : i32 to vector<8x512xi32>
    %eq3A_452 = arith.cmpi eq, %get3A_1, %eq3A_451 : vector<8x512xi32>
    %get3A_453 = arith.constant 45 : index
    %get3A_454 = memref.load %arg4[%get3A_453] : memref<64xi32, #tpu.memory_space<smem>>
    %jit3A_455 = arith.constant 0 : i32
    %broadcast_in_dim3A_456 = vector.broadcast %get3A_454 : i32 to vector<8x512xi32>
    %broadcast_in_dim3A_457 = vector.broadcast %jit3A_455 : i32 to vector<8x512xi32>
    %select_n3A_458 = arith.select %eq3A_452, %broadcast_in_dim3A_456, %broadcast_in_dim3A_457 : vector<8x512xi1>, vector<8x512xi32>
    %add3A_459 = arith.addi %add3A_449, %select_n3A_458 : vector<8x512xi32>
    %eq3A_460 = arith.constant 46 : i32
    %eq3A_461 = vector.broadcast %eq3A_460 : i32 to vector<8x512xi32>
    %eq3A_462 = arith.cmpi eq, %get3A_1, %eq3A_461 : vector<8x512xi32>
    %get3A_463 = arith.constant 46 : index
    %get3A_464 = memref.load %arg4[%get3A_463] : memref<64xi32, #tpu.memory_space<smem>>
    %jit3A_465 = arith.constant 0 : i32
    %broadcast_in_dim3A_466 = vector.broadcast %get3A_464 : i32 to vector<8x512xi32>
    %broadcast_in_dim3A_467 = vector.broadcast %jit3A_465 : i32 to vector<8x512xi32>
    %select_n3A_468 = arith.select %eq3A_462, %broadcast_in_dim3A_466, %broadcast_in_dim3A_467 : vector<8x512xi1>, vector<8x512xi32>
    %add3A_469 = arith.addi %add3A_459, %select_n3A_468 : vector<8x512xi32>
    %eq3A_470 = arith.constant 47 : i32
    %eq3A_471 = vector.broadcast %eq3A_470 : i32 to vector<8x512xi32>
    %eq3A_472 = arith.cmpi eq, %get3A_1, %eq3A_471 : vector<8x512xi32>
    %get3A_473 = arith.constant 47 : index
    %get3A_474 = memref.load %arg4[%get3A_473] : memref<64xi32, #tpu.memory_space<smem>>
    %jit3A_475 = arith.constant 0 : i32
    %broadcast_in_dim3A_476 = vector.broadcast %get3A_474 : i32 to vector<8x512xi32>
    %broadcast_in_dim3A_477 = vector.broadcast %jit3A_475 : i32 to vector<8x512xi32>
    %select_n3A_478 = arith.select %eq3A_472, %broadcast_in_dim3A_476, %broadcast_in_dim3A_477 : vector<8x512xi1>, vector<8x512xi32>
    %add3A_479 = arith.addi %add3A_469, %select_n3A_478 : vector<8x512xi32>
    %eq3A_480 = arith.constant 48 : i32
    %eq3A_481 = vector.broadcast %eq3A_480 : i32 to vector<8x512xi32>
    %eq3A_482 = arith.cmpi eq, %get3A_1, %eq3A_481 : vector<8x512xi32>
    %get3A_483 = arith.constant 48 : index
    %get3A_484 = memref.load %arg4[%get3A_483] : memref<64xi32, #tpu.memory_space<smem>>
    %jit3A_485 = arith.constant 0 : i32
    %broadcast_in_dim3A_486 = vector.broadcast %get3A_484 : i32 to vector<8x512xi32>
    %broadcast_in_dim3A_487 = vector.broadcast %jit3A_485 : i32 to vector<8x512xi32>
    %select_n3A_488 = arith.select %eq3A_482, %broadcast_in_dim3A_486, %broadcast_in_dim3A_487 : vector<8x512xi1>, vector<8x512xi32>
    %add3A_489 = arith.addi %add3A_479, %select_n3A_488 : vector<8x512xi32>
    %eq3A_490 = arith.constant 49 : i32
    %eq3A_491 = vector.broadcast %eq3A_490 : i32 to vector<8x512xi32>
    %eq3A_492 = arith.cmpi eq, %get3A_1, %eq3A_491 : vector<8x512xi32>
    %get3A_493 = arith.constant 49 : index
    %get3A_494 = memref.load %arg4[%get3A_493] : memref<64xi32, #tpu.memory_space<smem>>
    %jit3A_495 = arith.constant 0 : i32
    %broadcast_in_dim3A_496 = vector.broadcast %get3A_494 : i32 to vector<8x512xi32>
    %broadcast_in_dim3A_497 = vector.broadcast %jit3A_495 : i32 to vector<8x512xi32>
    %select_n3A_498 = arith.select %eq3A_492, %broadcast_in_dim3A_496, %broadcast_in_dim3A_497 : vector<8x512xi1>, vector<8x512xi32>
    %add3A_499 = arith.addi %add3A_489, %select_n3A_498 : vector<8x512xi32>
    %eq3A_500 = arith.constant 50 : i32
    %eq3A_501 = vector.broadcast %eq3A_500 : i32 to vector<8x512xi32>
    %eq3A_502 = arith.cmpi eq, %get3A_1, %eq3A_501 : vector<8x512xi32>
    %get3A_503 = arith.constant 50 : index
    %get3A_504 = memref.load %arg4[%get3A_503] : memref<64xi32, #tpu.memory_space<smem>>
    %jit3A_505 = arith.constant 0 : i32
    %broadcast_in_dim3A_506 = vector.broadcast %get3A_504 : i32 to vector<8x512xi32>
    %broadcast_in_dim3A_507 = vector.broadcast %jit3A_505 : i32 to vector<8x512xi32>
    %select_n3A_508 = arith.select %eq3A_502, %broadcast_in_dim3A_506, %broadcast_in_dim3A_507 : vector<8x512xi1>, vector<8x512xi32>
    %add3A_509 = arith.addi %add3A_499, %select_n3A_508 : vector<8x512xi32>
    %eq3A_510 = arith.constant 51 : i32
    %eq3A_511 = vector.broadcast %eq3A_510 : i32 to vector<8x512xi32>
    %eq3A_512 = arith.cmpi eq, %get3A_1, %eq3A_511 : vector<8x512xi32>
    %get3A_513 = arith.constant 51 : index
    %get3A_514 = memref.load %arg4[%get3A_513] : memref<64xi32, #tpu.memory_space<smem>>
    %jit3A_515 = arith.constant 0 : i32
    %broadcast_in_dim3A_516 = vector.broadcast %get3A_514 : i32 to vector<8x512xi32>
    %broadcast_in_dim3A_517 = vector.broadcast %jit3A_515 : i32 to vector<8x512xi32>
    %select_n3A_518 = arith.select %eq3A_512, %broadcast_in_dim3A_516, %broadcast_in_dim3A_517 : vector<8x512xi1>, vector<8x512xi32>
    %add3A_519 = arith.addi %add3A_509, %select_n3A_518 : vector<8x512xi32>
    %eq3A_520 = arith.constant 52 : i32
    %eq3A_521 = vector.broadcast %eq3A_520 : i32 to vector<8x512xi32>
    %eq3A_522 = arith.cmpi eq, %get3A_1, %eq3A_521 : vector<8x512xi32>
    %get3A_523 = arith.constant 52 : index
    %get3A_524 = memref.load %arg4[%get3A_523] : memref<64xi32, #tpu.memory_space<smem>>
    %jit3A_525 = arith.constant 0 : i32
    %broadcast_in_dim3A_526 = vector.broadcast %get3A_524 : i32 to vector<8x512xi32>
    %broadcast_in_dim3A_527 = vector.broadcast %jit3A_525 : i32 to vector<8x512xi32>
    %select_n3A_528 = arith.select %eq3A_522, %broadcast_in_dim3A_526, %broadcast_in_dim3A_527 : vector<8x512xi1>, vector<8x512xi32>
    %add3A_529 = arith.addi %add3A_519, %select_n3A_528 : vector<8x512xi32>
    %eq3A_530 = arith.constant 53 : i32
    %eq3A_531 = vector.broadcast %eq3A_530 : i32 to vector<8x512xi32>
    %eq3A_532 = arith.cmpi eq, %get3A_1, %eq3A_531 : vector<8x512xi32>
    %get3A_533 = arith.constant 53 : index
    %get3A_534 = memref.load %arg4[%get3A_533] : memref<64xi32, #tpu.memory_space<smem>>
    %jit3A_535 = arith.constant 0 : i32
    %broadcast_in_dim3A_536 = vector.broadcast %get3A_534 : i32 to vector<8x512xi32>
    %broadcast_in_dim3A_537 = vector.broadcast %jit3A_535 : i32 to vector<8x512xi32>
    %select_n3A_538 = arith.select %eq3A_532, %broadcast_in_dim3A_536, %broadcast_in_dim3A_537 : vector<8x512xi1>, vector<8x512xi32>
    %add3A_539 = arith.addi %add3A_529, %select_n3A_538 : vector<8x512xi32>
    %eq3A_540 = arith.constant 54 : i32
    %eq3A_541 = vector.broadcast %eq3A_540 : i32 to vector<8x512xi32>
    %eq3A_542 = arith.cmpi eq, %get3A_1, %eq3A_541 : vector<8x512xi32>
    %get3A_543 = arith.constant 54 : index
    %get3A_544 = memref.load %arg4[%get3A_543] : memref<64xi32, #tpu.memory_space<smem>>
    %jit3A_545 = arith.constant 0 : i32
    %broadcast_in_dim3A_546 = vector.broadcast %get3A_544 : i32 to vector<8x512xi32>
    %broadcast_in_dim3A_547 = vector.broadcast %jit3A_545 : i32 to vector<8x512xi32>
    %select_n3A_548 = arith.select %eq3A_542, %broadcast_in_dim3A_546, %broadcast_in_dim3A_547 : vector<8x512xi1>, vector<8x512xi32>
    %add3A_549 = arith.addi %add3A_539, %select_n3A_548 : vector<8x512xi32>
    %eq3A_550 = arith.constant 55 : i32
    %eq3A_551 = vector.broadcast %eq3A_550 : i32 to vector<8x512xi32>
    %eq3A_552 = arith.cmpi eq, %get3A_1, %eq3A_551 : vector<8x512xi32>
    %get3A_553 = arith.constant 55 : index
    %get3A_554 = memref.load %arg4[%get3A_553] : memref<64xi32, #tpu.memory_space<smem>>
    %jit3A_555 = arith.constant 0 : i32
    %broadcast_in_dim3A_556 = vector.broadcast %get3A_554 : i32 to vector<8x512xi32>
    %broadcast_in_dim3A_557 = vector.broadcast %jit3A_555 : i32 to vector<8x512xi32>
    %select_n3A_558 = arith.select %eq3A_552, %broadcast_in_dim3A_556, %broadcast_in_dim3A_557 : vector<8x512xi1>, vector<8x512xi32>
    %add3A_559 = arith.addi %add3A_549, %select_n3A_558 : vector<8x512xi32>
    %eq3A_560 = arith.constant 56 : i32
    %eq3A_561 = vector.broadcast %eq3A_560 : i32 to vector<8x512xi32>
    %eq3A_562 = arith.cmpi eq, %get3A_1, %eq3A_561 : vector<8x512xi32>
    %get3A_563 = arith.constant 56 : index
    %get3A_564 = memref.load %arg4[%get3A_563] : memref<64xi32, #tpu.memory_space<smem>>
    %jit3A_565 = arith.constant 0 : i32
    %broadcast_in_dim3A_566 = vector.broadcast %get3A_564 : i32 to vector<8x512xi32>
    %broadcast_in_dim3A_567 = vector.broadcast %jit3A_565 : i32 to vector<8x512xi32>
    %select_n3A_568 = arith.select %eq3A_562, %broadcast_in_dim3A_566, %broadcast_in_dim3A_567 : vector<8x512xi1>, vector<8x512xi32>
    %add3A_569 = arith.addi %add3A_559, %select_n3A_568 : vector<8x512xi32>
    %eq3A_570 = arith.constant 57 : i32
    %eq3A_571 = vector.broadcast %eq3A_570 : i32 to vector<8x512xi32>
    %eq3A_572 = arith.cmpi eq, %get3A_1, %eq3A_571 : vector<8x512xi32>
    %get3A_573 = arith.constant 57 : index
    %get3A_574 = memref.load %arg4[%get3A_573] : memref<64xi32, #tpu.memory_space<smem>>
    %jit3A_575 = arith.constant 0 : i32
    %broadcast_in_dim3A_576 = vector.broadcast %get3A_574 : i32 to vector<8x512xi32>
    %broadcast_in_dim3A_577 = vector.broadcast %jit3A_575 : i32 to vector<8x512xi32>
    %select_n3A_578 = arith.select %eq3A_572, %broadcast_in_dim3A_576, %broadcast_in_dim3A_577 : vector<8x512xi1>, vector<8x512xi32>
    %add3A_579 = arith.addi %add3A_569, %select_n3A_578 : vector<8x512xi32>
    %eq3A_580 = arith.constant 58 : i32
    %eq3A_581 = vector.broadcast %eq3A_580 : i32 to vector<8x512xi32>
    %eq3A_582 = arith.cmpi eq, %get3A_1, %eq3A_581 : vector<8x512xi32>
    %get3A_583 = arith.constant 58 : index
    %get3A_584 = memref.load %arg4[%get3A_583] : memref<64xi32, #tpu.memory_space<smem>>
    %jit3A_585 = arith.constant 0 : i32
    %broadcast_in_dim3A_586 = vector.broadcast %get3A_584 : i32 to vector<8x512xi32>
    %broadcast_in_dim3A_587 = vector.broadcast %jit3A_585 : i32 to vector<8x512xi32>
    %select_n3A_588 = arith.select %eq3A_582, %broadcast_in_dim3A_586, %broadcast_in_dim3A_587 : vector<8x512xi1>, vector<8x512xi32>
    %add3A_589 = arith.addi %add3A_579, %select_n3A_588 : vector<8x512xi32>
    %eq3A_590 = arith.constant 59 : i32
    %eq3A_591 = vector.broadcast %eq3A_590 : i32 to vector<8x512xi32>
    %eq3A_592 = arith.cmpi eq, %get3A_1, %eq3A_591 : vector<8x512xi32>
    %get3A_593 = arith.constant 59 : index
    %get3A_594 = memref.load %arg4[%get3A_593] : memref<64xi32, #tpu.memory_space<smem>>
    %jit3A_595 = arith.constant 0 : i32
    %broadcast_in_dim3A_596 = vector.broadcast %get3A_594 : i32 to vector<8x512xi32>
    %broadcast_in_dim3A_597 = vector.broadcast %jit3A_595 : i32 to vector<8x512xi32>
    %select_n3A_598 = arith.select %eq3A_592, %broadcast_in_dim3A_596, %broadcast_in_dim3A_597 : vector<8x512xi1>, vector<8x512xi32>
    %add3A_599 = arith.addi %add3A_589, %select_n3A_598 : vector<8x512xi32>
    %eq3A_600 = arith.constant 60 : i32
    %eq3A_601 = vector.broadcast %eq3A_600 : i32 to vector<8x512xi32>
    %eq3A_602 = arith.cmpi eq, %get3A_1, %eq3A_601 : vector<8x512xi32>
    %get3A_603 = arith.constant 60 : index
    %get3A_604 = memref.load %arg4[%get3A_603] : memref<64xi32, #tpu.memory_space<smem>>
    %jit3A_605 = arith.constant 0 : i32
    %broadcast_in_dim3A_606 = vector.broadcast %get3A_604 : i32 to vector<8x512xi32>
    %broadcast_in_dim3A_607 = vector.broadcast %jit3A_605 : i32 to vector<8x512xi32>
    %select_n3A_608 = arith.select %eq3A_602, %broadcast_in_dim3A_606, %broadcast_in_dim3A_607 : vector<8x512xi1>, vector<8x512xi32>
    %add3A_609 = arith.addi %add3A_599, %select_n3A_608 : vector<8x512xi32>
    %eq3A_610 = arith.constant 61 : i32
    %eq3A_611 = vector.broadcast %eq3A_610 : i32 to vector<8x512xi32>
    %eq3A_612 = arith.cmpi eq, %get3A_1, %eq3A_611 : vector<8x512xi32>
    %get3A_613 = arith.constant 61 : index
    %get3A_614 = memref.load %arg4[%get3A_613] : memref<64xi32, #tpu.memory_space<smem>>
    %jit3A_615 = arith.constant 0 : i32
    %broadcast_in_dim3A_616 = vector.broadcast %get3A_614 : i32 to vector<8x512xi32>
    %broadcast_in_dim3A_617 = vector.broadcast %jit3A_615 : i32 to vector<8x512xi32>
    %select_n3A_618 = arith.select %eq3A_612, %broadcast_in_dim3A_616, %broadcast_in_dim3A_617 : vector<8x512xi1>, vector<8x512xi32>
    %add3A_619 = arith.addi %add3A_609, %select_n3A_618 : vector<8x512xi32>
    %eq3A_620 = arith.constant 62 : i32
    %eq3A_621 = vector.broadcast %eq3A_620 : i32 to vector<8x512xi32>
    %eq3A_622 = arith.cmpi eq, %get3A_1, %eq3A_621 : vector<8x512xi32>
    %get3A_623 = arith.constant 62 : index
    %get3A_624 = memref.load %arg4[%get3A_623] : memref<64xi32, #tpu.memory_space<smem>>
    %jit3A_625 = arith.constant 0 : i32
    %broadcast_in_dim3A_626 = vector.broadcast %get3A_624 : i32 to vector<8x512xi32>
    %broadcast_in_dim3A_627 = vector.broadcast %jit3A_625 : i32 to vector<8x512xi32>
    %select_n3A_628 = arith.select %eq3A_622, %broadcast_in_dim3A_626, %broadcast_in_dim3A_627 : vector<8x512xi1>, vector<8x512xi32>
    %add3A_629 = arith.addi %add3A_619, %select_n3A_628 : vector<8x512xi32>
    %eq3A_630 = arith.constant 63 : i32
    %eq3A_631 = vector.broadcast %eq3A_630 : i32 to vector<8x512xi32>
    %eq3A_632 = arith.cmpi eq, %get3A_1, %eq3A_631 : vector<8x512xi32>
    %get3A_633 = arith.constant 63 : index
    %get3A_634 = memref.load %arg4[%get3A_633] : memref<64xi32, #tpu.memory_space<smem>>
    %jit3A_635 = arith.constant 0 : i32
    %broadcast_in_dim3A_636 = vector.broadcast %get3A_634 : i32 to vector<8x512xi32>
    %broadcast_in_dim3A_637 = vector.broadcast %jit3A_635 : i32 to vector<8x512xi32>
    %select_n3A_638 = arith.select %eq3A_632, %broadcast_in_dim3A_636, %broadcast_in_dim3A_637 : vector<8x512xi1>, vector<8x512xi32>
    %add3A_639 = arith.addi %add3A_629, %select_n3A_638 : vector<8x512xi32>
    %swap3A = arith.constant 0 : index
    %swap3A_640 = arith.constant 0 : index
    %swap3A_641 = vector.load %arg5[%swap3A, %swap3A_640] : memref<8x512xi32, #tpu.memory_space<vmem>>, vector<8x512xi32>
    tpu.vector_store %arg5[%swap3A, %swap3A_640], %add3A_639 {strides = array<i32>} : memref<8x512xi32, #tpu.memory_space<vmem>>, vector<8x512xi32>,
    %get3A_642 = arith.constant 0 : index
    %get3A_643 = arith.constant 0 : index
    %get3A_644 = vector.load %arg3[%get3A_642, %get3A_643] : memref<4096x1xf32, #tpu.memory_space<vmem>>, vector<4096x1xf32>
    %broadcast_in_dim3A_645 = vector.shape_cast %get3A_644 : vector<4096x1xf32> to vector<4096x1xf32>
    %broadcast_in_dim3A_646 = vector.broadcast %broadcast_in_dim3A_645 : vector<4096x1xf32> to vector<4096x128xf32>
    %swap3A_647 = arith.constant 0 : index
    %swap3A_648 = arith.constant 0 : index
    %swap3A_649 = vector.load %arg6[%swap3A_647, %swap3A_648] : memref<4096x128xf32, #tpu.memory_space<vmem>>, vector<4096x128xf32>
    tpu.vector_store %arg6[%swap3A_647, %swap3A_648], %broadcast_in_dim3A_646 {strides = array<i32>} : memref<4096x128xf32, #tpu.memory_space<vmem>>, vector<4096x128xf32>,
    return
  }
  func.func @transform_0(%arg0: i32) -> (i32, i32) {
    %c0_i32 = arith.constant 0 : i32
    %c0_i32_0 = arith.constant 0 : i32
    return %c0_i32, %arg0 : i32, i32
  }
  func.func @transform_1(%arg0: i32) -> (i32, i32) {
    %c0_i32 = arith.constant 0 : i32
    %c0_i32_0 = arith.constant 0 : i32
    return %c0_i32, %arg0 : i32, i32
  }
  func.func @transform_2(%arg0: i32) -> (i32, i32) {
    %c0_i32 = arith.constant 0 : i32
    %c0_i32_0 = arith.constant 0 : i32
    return %arg0, %c0_i32 : i32, i32
  }
  func.func @transform_3(%arg0: i32) -> i32 {
    %c0_i32 = arith.constant 0 : i32
    %c0_i32_0 = arith.constant 0 : i32
    return %c0_i32 : i32
  }
  func.func @transform_4(%arg0: i32) -> (i32, i32) {
    %c0_i32 = arith.constant 0 : i32
    %c0_i32_0 = arith.constant 0 : i32
    return %c0_i32, %arg0 : i32, i32
  }
  func.func @transform_5(%arg0: i32) -> (i32, i32) {
    %c0_i32 = arith.constant 0 : i32
    %c0_i32_0 = arith.constant 0 : i32
    return %arg0, %c0_i32 : i32, i32
  }
}

module attributes {stable_mosaic.version = 14 : i64} {
  func.func @_expert_body(%arg0: i32, %arg1: memref<6x320xi32, #tpu.memory_space<smem>>, %arg2: memref<128x1024xf32, #tpu.memory_space<vmem>>, %arg3: memref<128x128xf32, #tpu.memory_space<vmem>>, %arg4: memref<64x1024x512xf32, #tpu.memory_space<hbm>>, %arg5: memref<64x1024x512xf32, #tpu.memory_space<hbm>>, %arg6: memref<64x512x1024xf32, #tpu.memory_space<hbm>>, %arg7: memref<128x1024xf32, #tpu.memory_space<vmem>>, %arg8: memref<3x1024x512xf32, #tpu.memory_space<vmem>>, %arg9: memref<3x1024x512xf32, #tpu.memory_space<vmem>>, %arg10: memref<3x512x1024xf32, #tpu.memory_space<vmem>>, %arg11: memref<3x!tpu.dma_semaphore, #tpu.memory_space<semaphore_mem>>) attributes {dimension_semantics = [#tpu.dimension_semantics<arbitrary>], iteration_bounds = array<i64: 320>, scalar_prefetch = 1 : i64, scratch_operands = 4 : i64, tpu.core_type = #tpu.core_type<tc>, window_params = [{transform_indices = @transform_0, window_bounds = array<i64: 128, 1024>}, {transform_indices = @transform_1, window_bounds = array<i64: 128, 128>}, {}, {}, {}, {transform_indices = @transform_5, window_bounds = array<i64: 128, 1024>}]} {
    %get3A = arith.constant 0 : index
    %get3A_0 = arith.index_cast %arg0 : i32 to index
    %get3A_1 = memref.load %arg1[%get3A, %get3A_0] : memref<6x320xi32, #tpu.memory_space<smem>>
    %get3A_2 = arith.constant 1 : index
    %get3A_3 = arith.index_cast %arg0 : i32 to index
    %get3A_4 = memref.load %arg1[%get3A_2, %get3A_3] : memref<6x320xi32, #tpu.memory_space<smem>>
    %get3A_5 = arith.constant 2 : index
    %get3A_6 = arith.index_cast %arg0 : i32 to index
    %get3A_7 = memref.load %arg1[%get3A_5, %get3A_6] : memref<6x320xi32, #tpu.memory_space<smem>>
    %get3A_8 = arith.constant 3 : index
    %get3A_9 = arith.index_cast %arg0 : i32 to index
    %get3A_10 = memref.load %arg1[%get3A_8, %get3A_9] : memref<6x320xi32, #tpu.memory_space<smem>>
    %get3A_11 = arith.constant 4 : index
    %get3A_12 = arith.index_cast %arg0 : i32 to index
    %get3A_13 = memref.load %arg1[%get3A_11, %get3A_12] : memref<6x320xi32, #tpu.memory_space<smem>>
    %get3A_14 = arith.constant 5 : index
    %get3A_15 = arith.index_cast %arg0 : i32 to index
    %get3A_16 = memref.load %arg1[%get3A_14, %get3A_15] : memref<6x320xi32, #tpu.memory_space<smem>>
    %eq3A = arith.constant 0 : i32
    %eq3A_17 = arith.cmpi eq, %arg0, %eq3A : i32
    %convert_element_type3A = arith.extui %eq3A_17 : i1 to i32
    %cond3A = arith.constant 0 : i32
    %cond3A_18 = arith.cmpi ne, %convert_element_type3A, %cond3A : i32
    scf.if %cond3A_18 {
      %dma_start3A = tpu.memref_slice %arg11[%get3A_4] : memref<3x!tpu.dma_semaphore, #tpu.memory_space<semaphore_mem>> -> memref<1x!tpu.dma_semaphore, #tpu.memory_space<semaphore_mem>>
      %dma_start3A_65 = tpu.memref_squeeze %dma_start3A : memref<1x!tpu.dma_semaphore, #tpu.memory_space<semaphore_mem>> -> memref<!tpu.dma_semaphore, #tpu.memory_space<semaphore_mem>>
      %dma_start3A_66 = arith.constant 0 : i32
      %dma_start3A_67 = arith.constant 0 : i32
      %dma_start3A_68 = tpu.memref_slice %arg8[%get3A_4, %dma_start3A_66, %dma_start3A_67] : memref<3x1024x512xf32, #tpu.memory_space<vmem>> -> memref<1x1024x512xf32, #tpu.memory_space<vmem>>
      %dma_start3A_69 = tpu.memref_squeeze %dma_start3A_68 : memref<1x1024x512xf32, #tpu.memory_space<vmem>> -> memref<1024x512xf32, #tpu.memory_space<vmem>>
      %dma_start3A_70 = arith.constant 0 : i32
      %dma_start3A_71 = arith.constant 0 : i32
      %dma_start3A_72 = tpu.memref_slice %arg4[%get3A_13, %dma_start3A_70, %dma_start3A_71] : memref<64x1024x512xf32, #tpu.memory_space<hbm>> -> memref<1x1024x512xf32, #tpu.memory_space<hbm>>
      %dma_start3A_73 = tpu.memref_squeeze %dma_start3A_72 : memref<1x1024x512xf32, #tpu.memory_space<hbm>> -> memref<1024x512xf32, #tpu.memory_space<hbm>>
      tpu.enqueue_dma source(%dma_start3A_73 : memref<1024x512xf32, #tpu.memory_space<hbm>>) target(%dma_start3A_69 : memref<1024x512xf32, #tpu.memory_space<vmem>>) target_semaphore(%dma_start3A_65 : memref<!tpu.dma_semaphore, #tpu.memory_space<semaphore_mem>>)
      %dma_start3A_74 = tpu.memref_slice %arg11[%get3A_4] : memref<3x!tpu.dma_semaphore, #tpu.memory_space<semaphore_mem>> -> memref<1x!tpu.dma_semaphore, #tpu.memory_space<semaphore_mem>>
      %dma_start3A_75 = tpu.memref_squeeze %dma_start3A_74 : memref<1x!tpu.dma_semaphore, #tpu.memory_space<semaphore_mem>> -> memref<!tpu.dma_semaphore, #tpu.memory_space<semaphore_mem>>
      %dma_start3A_76 = arith.constant 0 : i32
      %dma_start3A_77 = arith.constant 0 : i32
      %dma_start3A_78 = tpu.memref_slice %arg9[%get3A_4, %dma_start3A_76, %dma_start3A_77] : memref<3x1024x512xf32, #tpu.memory_space<vmem>> -> memref<1x1024x512xf32, #tpu.memory_space<vmem>>
      %dma_start3A_79 = tpu.memref_squeeze %dma_start3A_78 : memref<1x1024x512xf32, #tpu.memory_space<vmem>> -> memref<1024x512xf32, #tpu.memory_space<vmem>>
      %dma_start3A_80 = arith.constant 0 : i32
      %dma_start3A_81 = arith.constant 0 : i32
      %dma_start3A_82 = tpu.memref_slice %arg5[%get3A_13, %dma_start3A_80, %dma_start3A_81] : memref<64x1024x512xf32, #tpu.memory_space<hbm>> -> memref<1x1024x512xf32, #tpu.memory_space<hbm>>
      %dma_start3A_83 = tpu.memref_squeeze %dma_start3A_82 : memref<1x1024x512xf32, #tpu.memory_space<hbm>> -> memref<1024x512xf32, #tpu.memory_space<hbm>>
      tpu.enqueue_dma source(%dma_start3A_83 : memref<1024x512xf32, #tpu.memory_space<hbm>>) target(%dma_start3A_79 : memref<1024x512xf32, #tpu.memory_space<vmem>>) target_semaphore(%dma_start3A_75 : memref<!tpu.dma_semaphore, #tpu.memory_space<semaphore_mem>>)
      %dma_start3A_84 = tpu.memref_slice %arg11[%get3A_4] : memref<3x!tpu.dma_semaphore, #tpu.memory_space<semaphore_mem>> -> memref<1x!tpu.dma_semaphore, #tpu.memory_space<semaphore_mem>>
      %dma_start3A_85 = tpu.memref_squeeze %dma_start3A_84 : memref<1x!tpu.dma_semaphore, #tpu.memory_space<semaphore_mem>> -> memref<!tpu.dma_semaphore, #tpu.memory_space<semaphore_mem>>
      %dma_start3A_86 = arith.constant 0 : i32
      %dma_start3A_87 = arith.constant 0 : i32
      %dma_start3A_88 = tpu.memref_slice %arg10[%get3A_4, %dma_start3A_86, %dma_start3A_87] : memref<3x512x1024xf32, #tpu.memory_space<vmem>> -> memref<1x512x1024xf32, #tpu.memory_space<vmem>>
      %dma_start3A_89 = tpu.memref_squeeze %dma_start3A_88 : memref<1x512x1024xf32, #tpu.memory_space<vmem>> -> memref<512x1024xf32, #tpu.memory_space<vmem>>
      %dma_start3A_90 = arith.constant 0 : i32
      %dma_start3A_91 = arith.constant 0 : i32
      %dma_start3A_92 = tpu.memref_slice %arg6[%get3A_13, %dma_start3A_90, %dma_start3A_91] : memref<64x512x1024xf32, #tpu.memory_space<hbm>> -> memref<1x512x1024xf32, #tpu.memory_space<hbm>>
      %dma_start3A_93 = tpu.memref_squeeze %dma_start3A_92 : memref<1x512x1024xf32, #tpu.memory_space<hbm>> -> memref<512x1024xf32, #tpu.memory_space<hbm>>
      tpu.enqueue_dma source(%dma_start3A_93 : memref<512x1024xf32, #tpu.memory_space<hbm>>) target(%dma_start3A_89 : memref<512x1024xf32, #tpu.memory_space<vmem>>) target_semaphore(%dma_start3A_85 : memref<!tpu.dma_semaphore, #tpu.memory_space<semaphore_mem>>)
    } else {
    }
    %eq3A_19 = arith.constant 1 : i32
    %eq3A_20 = arith.cmpi eq, %get3A_1, %eq3A_19 : i32
    %convert_element_type3A_21 = arith.extui %eq3A_20 : i1 to i32
    %cond3A_22 = arith.constant 0 : i32
    %cond3A_23 = arith.cmpi ne, %convert_element_type3A_21, %cond3A_22 : i32
    scf.if %cond3A_23 {
      %dma_wait3A = tpu.memref_slice %arg11[%get3A_4] : memref<3x!tpu.dma_semaphore, #tpu.memory_space<semaphore_mem>> -> memref<1x!tpu.dma_semaphore, #tpu.memory_space<semaphore_mem>>
      %dma_wait3A_65 = tpu.memref_squeeze %dma_wait3A : memref<1x!tpu.dma_semaphore, #tpu.memory_space<semaphore_mem>> -> memref<!tpu.dma_semaphore, #tpu.memory_space<semaphore_mem>>
      %dma_wait3A_66 = arith.constant 0 : i32
      %dma_wait3A_67 = arith.constant 0 : i32
      %dma_wait3A_68 = tpu.memref_slice %arg8[%get3A_4, %dma_wait3A_66, %dma_wait3A_67] : memref<3x1024x512xf32, #tpu.memory_space<vmem>> -> memref<1x1024x512xf32, #tpu.memory_space<vmem>>
      %dma_wait3A_69 = tpu.memref_squeeze %dma_wait3A_68 : memref<1x1024x512xf32, #tpu.memory_space<vmem>> -> memref<1024x512xf32, #tpu.memory_space<vmem>>
      %dma_wait3A_70 = arith.constant 0 : i32
      %dma_wait3A_71 = arith.constant 0 : i32
      %dma_wait3A_72 = tpu.memref_slice %arg4[%get3A_13, %dma_wait3A_70, %dma_wait3A_71] : memref<64x1024x512xf32, #tpu.memory_space<hbm>> -> memref<1x1024x512xf32, #tpu.memory_space<hbm>>
      %dma_wait3A_73 = tpu.memref_squeeze %dma_wait3A_72 : memref<1x1024x512xf32, #tpu.memory_space<hbm>> -> memref<1024x512xf32, #tpu.memory_space<hbm>>
      tpu.wait_dma2 semaphore(%dma_wait3A_65 : memref<!tpu.dma_semaphore, #tpu.memory_space<semaphore_mem>>) src(%dma_wait3A_73 : memref<1024x512xf32, #tpu.memory_space<hbm>>) dst(%dma_wait3A_69 : memref<1024x512xf32, #tpu.memory_space<vmem>>)
      %dma_wait3A_74 = tpu.memref_slice %arg11[%get3A_4] : memref<3x!tpu.dma_semaphore, #tpu.memory_space<semaphore_mem>> -> memref<1x!tpu.dma_semaphore, #tpu.memory_space<semaphore_mem>>
      %dma_wait3A_75 = tpu.memref_squeeze %dma_wait3A_74 : memref<1x!tpu.dma_semaphore, #tpu.memory_space<semaphore_mem>> -> memref<!tpu.dma_semaphore, #tpu.memory_space<semaphore_mem>>
      %dma_wait3A_76 = arith.constant 0 : i32
      %dma_wait3A_77 = arith.constant 0 : i32
      %dma_wait3A_78 = tpu.memref_slice %arg9[%get3A_4, %dma_wait3A_76, %dma_wait3A_77] : memref<3x1024x512xf32, #tpu.memory_space<vmem>> -> memref<1x1024x512xf32, #tpu.memory_space<vmem>>
      %dma_wait3A_79 = tpu.memref_squeeze %dma_wait3A_78 : memref<1x1024x512xf32, #tpu.memory_space<vmem>> -> memref<1024x512xf32, #tpu.memory_space<vmem>>
      %dma_wait3A_80 = arith.constant 0 : i32
      %dma_wait3A_81 = arith.constant 0 : i32
      %dma_wait3A_82 = tpu.memref_slice %arg5[%get3A_13, %dma_wait3A_80, %dma_wait3A_81] : memref<64x1024x512xf32, #tpu.memory_space<hbm>> -> memref<1x1024x512xf32, #tpu.memory_space<hbm>>
      %dma_wait3A_83 = tpu.memref_squeeze %dma_wait3A_82 : memref<1x1024x512xf32, #tpu.memory_space<hbm>> -> memref<1024x512xf32, #tpu.memory_space<hbm>>
      tpu.wait_dma2 semaphore(%dma_wait3A_75 : memref<!tpu.dma_semaphore, #tpu.memory_space<semaphore_mem>>) src(%dma_wait3A_83 : memref<1024x512xf32, #tpu.memory_space<hbm>>) dst(%dma_wait3A_79 : memref<1024x512xf32, #tpu.memory_space<vmem>>)
      %dma_wait3A_84 = tpu.memref_slice %arg11[%get3A_4] : memref<3x!tpu.dma_semaphore, #tpu.memory_space<semaphore_mem>> -> memref<1x!tpu.dma_semaphore, #tpu.memory_space<semaphore_mem>>
      %dma_wait3A_85 = tpu.memref_squeeze %dma_wait3A_84 : memref<1x!tpu.dma_semaphore, #tpu.memory_space<semaphore_mem>> -> memref<!tpu.dma_semaphore, #tpu.memory_space<semaphore_mem>>
      %dma_wait3A_86 = arith.constant 0 : i32
      %dma_wait3A_87 = arith.constant 0 : i32
      %dma_wait3A_88 = tpu.memref_slice %arg10[%get3A_4, %dma_wait3A_86, %dma_wait3A_87] : memref<3x512x1024xf32, #tpu.memory_space<vmem>> -> memref<1x512x1024xf32, #tpu.memory_space<vmem>>
      %dma_wait3A_89 = tpu.memref_squeeze %dma_wait3A_88 : memref<1x512x1024xf32, #tpu.memory_space<vmem>> -> memref<512x1024xf32, #tpu.memory_space<vmem>>
      %dma_wait3A_90 = arith.constant 0 : i32
      %dma_wait3A_91 = arith.constant 0 : i32
      %dma_wait3A_92 = tpu.memref_slice %arg6[%get3A_13, %dma_wait3A_90, %dma_wait3A_91] : memref<64x512x1024xf32, #tpu.memory_space<hbm>> -> memref<1x512x1024xf32, #tpu.memory_space<hbm>>
      %dma_wait3A_93 = tpu.memref_squeeze %dma_wait3A_92 : memref<1x512x1024xf32, #tpu.memory_space<hbm>> -> memref<512x1024xf32, #tpu.memory_space<hbm>>
      tpu.wait_dma2 semaphore(%dma_wait3A_85 : memref<!tpu.dma_semaphore, #tpu.memory_space<semaphore_mem>>) src(%dma_wait3A_93 : memref<512x1024xf32, #tpu.memory_space<hbm>>) dst(%dma_wait3A_89 : memref<512x1024xf32, #tpu.memory_space<vmem>>)
    } else {
    }
    %eq3A_24 = arith.constant 1 : i32
    %eq3A_25 = arith.cmpi eq, %get3A_16, %eq3A_24 : i32
    %convert_element_type3A_26 = arith.extui %eq3A_25 : i1 to i32
    %cond3A_27 = arith.constant 0 : i32
    %cond3A_28 = arith.cmpi ne, %convert_element_type3A_26, %cond3A_27 : i32
    scf.if %cond3A_28 {
      %dma_start3A = tpu.memref_slice %arg11[%get3A_10] : memref<3x!tpu.dma_semaphore, #tpu.memory_space<semaphore_mem>> -> memref<1x!tpu.dma_semaphore, #tpu.memory_space<semaphore_mem>>
      %dma_start3A_65 = tpu.memref_squeeze %dma_start3A : memref<1x!tpu.dma_semaphore, #tpu.memory_space<semaphore_mem>> -> memref<!tpu.dma_semaphore, #tpu.memory_space<semaphore_mem>>
      %dma_start3A_66 = arith.constant 0 : i32
      %dma_start3A_67 = arith.constant 0 : i32
      %dma_start3A_68 = tpu.memref_slice %arg8[%get3A_10, %dma_start3A_66, %dma_start3A_67] : memref<3x1024x512xf32, #tpu.memory_space<vmem>> -> memref<1x1024x512xf32, #tpu.memory_space<vmem>>
      %dma_start3A_69 = tpu.memref_squeeze %dma_start3A_68 : memref<1x1024x512xf32, #tpu.memory_space<vmem>> -> memref<1024x512xf32, #tpu.memory_space<vmem>>
      %dma_start3A_70 = arith.constant 0 : i32
      %dma_start3A_71 = arith.constant 0 : i32
      %dma_start3A_72 = tpu.memref_slice %arg4[%get3A_7, %dma_start3A_70, %dma_start3A_71] : memref<64x1024x512xf32, #tpu.memory_space<hbm>> -> memref<1x1024x512xf32, #tpu.memory_space<hbm>>
      %dma_start3A_73 = tpu.memref_squeeze %dma_start3A_72 : memref<1x1024x512xf32, #tpu.memory_space<hbm>> -> memref<1024x512xf32, #tpu.memory_space<hbm>>
      tpu.enqueue_dma source(%dma_start3A_73 : memref<1024x512xf32, #tpu.memory_space<hbm>>) target(%dma_start3A_69 : memref<1024x512xf32, #tpu.memory_space<vmem>>) target_semaphore(%dma_start3A_65 : memref<!tpu.dma_semaphore, #tpu.memory_space<semaphore_mem>>)
      %dma_start3A_74 = tpu.memref_slice %arg11[%get3A_10] : memref<3x!tpu.dma_semaphore, #tpu.memory_space<semaphore_mem>> -> memref<1x!tpu.dma_semaphore, #tpu.memory_space<semaphore_mem>>
      %dma_start3A_75 = tpu.memref_squeeze %dma_start3A_74 : memref<1x!tpu.dma_semaphore, #tpu.memory_space<semaphore_mem>> -> memref<!tpu.dma_semaphore, #tpu.memory_space<semaphore_mem>>
      %dma_start3A_76 = arith.constant 0 : i32
      %dma_start3A_77 = arith.constant 0 : i32
      %dma_start3A_78 = tpu.memref_slice %arg9[%get3A_10, %dma_start3A_76, %dma_start3A_77] : memref<3x1024x512xf32, #tpu.memory_space<vmem>> -> memref<1x1024x512xf32, #tpu.memory_space<vmem>>
      %dma_start3A_79 = tpu.memref_squeeze %dma_start3A_78 : memref<1x1024x512xf32, #tpu.memory_space<vmem>> -> memref<1024x512xf32, #tpu.memory_space<vmem>>
      %dma_start3A_80 = arith.constant 0 : i32
      %dma_start3A_81 = arith.constant 0 : i32
      %dma_start3A_82 = tpu.memref_slice %arg5[%get3A_7, %dma_start3A_80, %dma_start3A_81] : memref<64x1024x512xf32, #tpu.memory_space<hbm>> -> memref<1x1024x512xf32, #tpu.memory_space<hbm>>
      %dma_start3A_83 = tpu.memref_squeeze %dma_start3A_82 : memref<1x1024x512xf32, #tpu.memory_space<hbm>> -> memref<1024x512xf32, #tpu.memory_space<hbm>>
      tpu.enqueue_dma source(%dma_start3A_83 : memref<1024x512xf32, #tpu.memory_space<hbm>>) target(%dma_start3A_79 : memref<1024x512xf32, #tpu.memory_space<vmem>>) target_semaphore(%dma_start3A_75 : memref<!tpu.dma_semaphore, #tpu.memory_space<semaphore_mem>>)
      %dma_start3A_84 = tpu.memref_slice %arg11[%get3A_10] : memref<3x!tpu.dma_semaphore, #tpu.memory_space<semaphore_mem>> -> memref<1x!tpu.dma_semaphore, #tpu.memory_space<semaphore_mem>>
      %dma_start3A_85 = tpu.memref_squeeze %dma_start3A_84 : memref<1x!tpu.dma_semaphore, #tpu.memory_space<semaphore_mem>> -> memref<!tpu.dma_semaphore, #tpu.memory_space<semaphore_mem>>
      %dma_start3A_86 = arith.constant 0 : i32
      %dma_start3A_87 = arith.constant 0 : i32
      %dma_start3A_88 = tpu.memref_slice %arg10[%get3A_10, %dma_start3A_86, %dma_start3A_87] : memref<3x512x1024xf32, #tpu.memory_space<vmem>> -> memref<1x512x1024xf32, #tpu.memory_space<vmem>>
      %dma_start3A_89 = tpu.memref_squeeze %dma_start3A_88 : memref<1x512x1024xf32, #tpu.memory_space<vmem>> -> memref<512x1024xf32, #tpu.memory_space<vmem>>
      %dma_start3A_90 = arith.constant 0 : i32
      %dma_start3A_91 = arith.constant 0 : i32
      %dma_start3A_92 = tpu.memref_slice %arg6[%get3A_7, %dma_start3A_90, %dma_start3A_91] : memref<64x512x1024xf32, #tpu.memory_space<hbm>> -> memref<1x512x1024xf32, #tpu.memory_space<hbm>>
      %dma_start3A_93 = tpu.memref_squeeze %dma_start3A_92 : memref<1x512x1024xf32, #tpu.memory_space<hbm>> -> memref<512x1024xf32, #tpu.memory_space<hbm>>
      tpu.enqueue_dma source(%dma_start3A_93 : memref<512x1024xf32, #tpu.memory_space<hbm>>) target(%dma_start3A_89 : memref<512x1024xf32, #tpu.memory_space<vmem>>) target_semaphore(%dma_start3A_85 : memref<!tpu.dma_semaphore, #tpu.memory_space<semaphore_mem>>)
    } else {
    }
    %get3A_29 = arith.constant 0 : index
    %get3A_30 = arith.constant 0 : index
    %get3A_31 = vector.load %arg2[%get3A_29, %get3A_30] : memref<128x1024xf32, #tpu.memory_space<vmem>>, vector<128x1024xf32>
    %get3A_32 = arith.constant 0 : index
    %get3A_33 = arith.constant 0 : index
    %get3A_34 = vector.load %arg3[%get3A_32, %get3A_33] : memref<128x128xf32, #tpu.memory_space<vmem>>, vector<128x1xf32>
    %mul3A = vector.broadcast %get3A_34 : vector<128x1xf32> to vector<128x1024xf32>
    %mul3A_35 = arith.mulf %get3A_31, %mul3A : vector<128x1024xf32>
    %get3A_36 = arith.index_cast %get3A_4 : i32 to index
    %get3A_37 = arith.constant 0 : index
    %get3A_38 = arith.constant 0 : index
    %get3A_39 = vector.load %arg8[%get3A_36, %get3A_37, %get3A_38] : memref<3x1024x512xf32, #tpu.memory_space<vmem>>, vector<1x1024x512xf32>
    %get3A_40 = vector.shape_cast %get3A_39 : vector<1x1024x512xf32> to vector<1024x512xf32>
    %dot_general3A = arith.constant dense<0.000000e+00> : vector<128x512xf32>
    %dot_general3A_41 = tpu.matmul %mul3A_35, %get3A_40, %dot_general3A {dimension_numbers = #tpu.dot_dimension_numbers<[1], [0], [0], [1], [0, 0, 1, 1], [], []>, transpose_lhs_hint = false} : vector<128x1024xf32>, vector<1024x512xf32>, vector<128x512xf32> -> vector<128x512xf32>
    %get3A_42 = arith.index_cast %get3A_4 : i32 to index
    %get3A_43 = arith.constant 0 : index
    %get3A_44 = arith.constant 0 : index
    %get3A_45 = vector.load %arg9[%get3A_42, %get3A_43, %get3A_44] : memref<3x1024x512xf32, #tpu.memory_space<vmem>>, vector<1x1024x512xf32>
    %get3A_46 = vector.shape_cast %get3A_45 : vector<1x1024x512xf32> to vector<1024x512xf32>
    %dot_general3A_47 = arith.constant dense<0.000000e+00> : vector<128x512xf32>
    %dot_general3A_48 = tpu.matmul %mul3A_35, %get3A_46, %dot_general3A_47 {dimension_numbers = #tpu.dot_dimension_numbers<[1], [0], [0], [1], [0, 0, 1, 1], [], []>, transpose_lhs_hint = false} : vector<128x1024xf32>, vector<1024x512xf32>, vector<128x512xf32> -> vector<128x512xf32>
    %logistic3A = arith.negf %dot_general3A_41 : vector<128x512xf32>
    %logistic3A_49 = math.exp %logistic3A : vector<128x512xf32>
    %logistic3A_50 = arith.constant 1.000000e+00 : f32
    %logistic3A_51 = vector.broadcast %logistic3A_50 : f32 to vector<128x512xf32>
    %logistic3A_52 = arith.addf %logistic3A_51, %logistic3A_49 : vector<128x512xf32>
    %logistic3A_53 = arith.divf %logistic3A_51, %logistic3A_52 : vector<128x512xf32>
    %mul3A_54 = arith.mulf %dot_general3A_41, %logistic3A_53 : vector<128x512xf32>
    %mul3A_55 = arith.mulf %mul3A_54, %dot_general3A_48 : vector<128x512xf32>
    %get3A_56 = arith.index_cast %get3A_4 : i32 to index
    %get3A_57 = arith.constant 0 : index
    %get3A_58 = arith.constant 0 : index
    %get3A_59 = vector.load %arg10[%get3A_56, %get3A_57, %get3A_58] : memref<3x512x1024xf32, #tpu.memory_space<vmem>>, vector<1x512x1024xf32>
    %get3A_60 = vector.shape_cast %get3A_59 : vector<1x512x1024xf32> to vector<512x1024xf32>
    %dot_general3A_61 = arith.constant dense<0.000000e+00> : vector<128x1024xf32>
    %dot_general3A_62 = tpu.matmul %mul3A_55, %get3A_60, %dot_general3A_61 {dimension_numbers = #tpu.dot_dimension_numbers<[1], [0], [0], [1], [0, 0, 1, 1], [], []>, transpose_lhs_hint = false} : vector<128x512xf32>, vector<512x1024xf32>, vector<128x1024xf32> -> vector<128x1024xf32>
    %swap3A = arith.constant 0 : index
    %swap3A_63 = arith.constant 0 : index
    %swap3A_64 = vector.load %arg7[%swap3A, %swap3A_63] : memref<128x1024xf32, #tpu.memory_space<vmem>>, vector<128x1024xf32>
    tpu.vector_store %arg7[%swap3A, %swap3A_63], %dot_general3A_62 {strides = array<i32>} : memref<128x1024xf32, #tpu.memory_space<vmem>>, vector<128x1024xf32>,
    return
  }
  func.func @transform_0(%arg0: i32, %arg1: memref<6x320xi32, #tpu.memory_space<smem>>) -> (i32, i32) {
    %c0_i32 = arith.constant 0 : i32
    %c0_i32_0 = arith.constant 0 : i32
    return %arg0, %c0_i32 : i32, i32
  }
  func.func @transform_1(%arg0: i32, %arg1: memref<6x320xi32, #tpu.memory_space<smem>>) -> (i32, i32) {
    %c0_i32 = arith.constant 0 : i32
    %c0_i32_0 = arith.constant 0 : i32
    return %arg0, %c0_i32 : i32, i32
  }
  func.func @transform_5(%arg0: i32, %arg1: memref<6x320xi32, #tpu.memory_space<smem>>) -> (i32, i32) {
    %c0_i32 = arith.constant 0 : i32
    %c0_i32_0 = arith.constant 0 : i32
    return %arg0, %c0_i32 : i32, i32
  }
}

</mosaic_0001>

<sc_bundles>
// kernel: kernel.10.cloned.1.call-start
scs
__scs_entry_jumppad:
0x0: {  	(pc) =	sbr.rel $0x88, $3  }
0x1: {  	(tag) =	ssettag $0x0;
	lr =	simm.s32 $0x1  }
0x2: {  	[smem:$0x3F9B] =	sst lr;
	_ =	strace $0xD0000000  }
0x3: {  	_ = 	snop  }
0x4: {  	_ = 	snop  }
0x5: {  	_ = 	snop  }
0x6: {  	_ = 	snop  }
0x7: {  	_ = 	snop  }
__scs_overlays_trampoline_lowered:
0x8: {  	[smem:$0x3FAA] =	sst s0  }
0x9: {  	[smem:$0x3FAB] =	sst s1  }
0xa: {  	[smem:$0x3FAC] =	sst s2  }
0xb: {  	[smem:$0x3FAD] =	sst s3  }
0xc: {  	[smem:$0x3FAE] =	sst s4  }
0xd: {  	[smem:$0x3FAF] =	sst s5  }
0xe: {  	[smem:$0x3FB0] =	sst s6  }
0xf: {  	[smem:$0x3FB1] =	sst s7  }
0x10: {  	[smem:$0x3FB2] =	sst s8  }
0x11: {  	[smem:$0x3FB3] =	sst s9;
	s0 =	simm.s32 @!p0 $0x0  }
0x12: {  	s1 =	sld [smem:$0x3F99];
	s0 =	simm.s32 @p0 $0x1  }
0x13: {  	[smem:$0x3FB4] =	sst s0;
	s0 =	simm.s32 @!p1 $0x0  }
0x14: {  	s2 =	sld [smem:$0x3F98];
	s0 =	simm.s32 @p1 $0x1  }
0x15: {  	[smem:$0x3FB5] =	sst s0;
	s0 =	simm.s32 @!p2 $0x0  }
0x16: {  	s3 =	sld [smem:$0x3FDB];
	s0 =	simm.s32 @p2 $0x1  }
0x17: {  	s4 =	simm.s32 $0x1BF5;
	[smem:$0x3FB7] =	sst s0  }
0x18: {  	s0 =	sld [smem:$0x3F9A];
	_ =	swait.ge [sflag:s4], $0x0  }
0x19: {  	s7 =	sld [smem:$0x3F9B]  }
0x1a: {  	s8 =	sadd.s32 $0xFFFFE003, lr  }
0x1b: {  	s9 =	sadd.s32 $0xFFFFFEF7, lr;
	s5 =	simm.s32 $0xFFFFFFFF;
	p2 =	slt.u32 s8, $0xFFFFF086  }
0x1c: {  	p1 =	slt.u32 s9, $0xF7A;
	s5 =	simm.s32 @!p2 $0x0  }
0x1d: {  	s5 =	simm.s32 @p1 $0x1;
	p0 =	seq.s32 s7, s2  }
0x1e: {  	s7 =	smul.u32 @!p0 $0xF7A, s2;
	p2 =	seq.s32 @!p0 s5, $0x0  }
0x1f: {  	s9 =	smul.u32 $0xF7A, s1;
	s8 =	simm.s32 @!p0 $0x1BF5;
	p2 =	por !p2, p0  }
0x20: {  	[sflag:s8] =	ssyncset.s32 @!p0 $0xFFFFF086;
	s6 =	sadd.s32 @!p0 s3, s7;
	s7 =	simm.s32 @!p0 $0x108  }
0x21: {  	s3 =	sadd.s32 s3, s9;
	s6 =	sadd.s32 @!p0 $0x88, s6;
	s7 =	simm.s32 @p2 $0x1082  }
0x22: {  	[simem:s7], [sflag:s8] =	dma.local @!p0 [hbm:s6], $0xF7A  }
0x23: {  	s9 =	sor.u32 $0xD0000000, s2;
	s6 =	simm.s32 $0x108;
	_ =	swait.ge @!p0 [sflag:s8], $0x0  }
0x24: {  	s3 =	sadd.s32 $0x88, s3;
	s6 =	simm.s32 @!p1 $0x1082;
	[sflag:s4] =	ssyncset.s32 $0xFFFFF086  }
0x25: {  	[simem:s6], [sflag:s4] =	dma.local [hbm:s3], $0xF7A  }
0x26: {  	[smem:$0x3F9B] =	sst s1;
	(tag) =	ssettag s2;
	_ =	strace s9  }
0x27: {  	s1 =	sld [smem:$0x3FAB]  }
0x28: {  	s2 =	sld [smem:$0x3FAC]  }
0x29: {  	s4 =	sld [smem:$0x3FAE]  }
0x2a: {  	p0 =	seq.s32 s5, $0x0;
	s5 =	sld [smem:$0x3FAF]  }
0x2b: {  	s6 =	sld [smem:$0x3FB0]  }
0x2c: {  	s7 =	sld [smem:$0x3FB1]  }
0x2d: {  	s3 =	simm.s32 $0x108;
	s8 =	sld [smem:$0x3FB2]  }
0x2e: {  	s3 =	simm.s32 @!p0 $0x1082;
	s9 =	sld [smem:$0x3FB3]  }
0x2f: {  	lr =	sadd.s32 s0, s3;
	s0 =	sld [smem:$0x3FAA]  }
0x30: {  	s3 =	sld [smem:$0x3FAD]  }
0x31: {  	[smem:$0x3FB6] =	sst s10  }
0x32: {  	s10 =	sld [smem:$0x3FB4];
	_ =	sdelay $0x3  }
0x33: {  	p0 =	seq.s32 s10, $0x1;
	s10 =	sld [smem:$0x3FB6];
	_ =	sdelay $0x3  }
0x34: {  	[smem:$0x3FB6] =	sst s10  }
0x35: {  	s10 =	sld [smem:$0x3FB5];
	_ =	sdelay $0x3  }
0x36: {  	p1 =	seq.s32 s10, $0x1;
	s10 =	sld [smem:$0x3FB6];
	_ =	sdelay $0x3  }
0x37: {  	[smem:$0x3FB6] =	sst s10  }
0x38: {  	s10 =	sld [smem:$0x3FB7]  }
0x39: {  	_ = 	snop;
	(pc) =	sbr.ind lr, $3  }
0x3a: {  	_ = 	snop  }
0x3b: {  	_ = 	snop  }
0x3c: {  	p2 =	seq.s32 s10, $0x1;
	s10 =	sld [smem:$0x3FB6]  }
0x3d: {  	_ =	shalt  }
0x3e: {  	_ =	shalt  }
0x3f: {  	_ =	shalt  }
0x40: {  	_ =	shalt  }
0x41: {  	_ =	shalt  }
0x42: {  	_ =	shalt  }
0x43: {  	_ =	shalt  }
0x44: {  	_ =	shalt  }
0x45: {  	_ =	shalt  }
0x46: {  	_ =	shalt  }
0x47: {  	_ =	shalt  }
0x48: {  	_ =	shalt  }
0x49: {  	_ =	shalt  }
0x4a: {  	_ =	shalt  }
0x4b: {  	_ =	shalt  }
0x4c: {  	_ =	shalt  }
0x4d: {  	_ =	shalt  }
0x4e: {  	_ =	shalt  }
0x4f: {  	_ =	shalt  }
0x50: {  	_ =	shalt  }
0x51: {  	_ =	shalt  }
0x52: {  	_ =	shalt  }
0x53: {  	_ =	shalt  }
0x54: {  	_ =	shalt  }
0x55: {  	_ =	shalt  }
0x56: {  	_ =	shalt  }
0x57: {  	_ =	shalt  }
0x58: {  	_ =	shalt  }
0x59: {  	_ =	shalt  }
0x5a: {  	_ =	shalt  }
0x5b: {  	_ =	shalt  }
0x5c: {  	_ =	shalt  }
0x5d: {  	_ =	shalt  }
0x5e: {  	_ =	shalt  }
0x5f: {  	_ =	shalt  }
0x60: {  	_ =	shalt  }
0x61: {  	_ =	shalt  }
0x62: {  	_ =	shalt  }
0x63: {  	_ =	shalt  }
0x64: {  	_ =	shalt  }
0x65: {  	_ =	shalt  }
0x66: {  	_ =	shalt  }
0x67: {  	_ =	shalt  }
0x68: {  	_ =	shalt  }
0x69: {  	_ =	shalt  }
0x6a: {  	_ =	shalt  }
0x6b: {  	_ =	shalt  }
0x6c: {  	_ =	shalt  }
0x6d: {  	_ =	shalt  }
0x6e: {  	_ =	shalt  }
0x6f: {  	_ =	shalt  }
0x70: {  	_ =	shalt  }
0x71: {  	_ =	shalt  }
0x72: {  	_ =	shalt  }
0x73: {  	_ =	shalt  }
0x74: {  	_ =	shalt  }
0x75: {  	_ =	shalt  }
0x76: {  	_ =	shalt  }
0x77: {  	_ =	shalt  }
0x78: {  	_ =	shalt  }
0x79: {  	_ =	shalt  }
0x7a: {  	_ =	shalt  }
0x7b: {  	_ =	shalt  }
0x7c: {  	_ =	shalt  }
0x7d: {  	_ =	shalt  }
0x7e: {  	_ =	shalt  }
0x7f: {  	_ =	shalt  }
0x80: {  	_ =	shalt  }
0x81: {  	_ =	shalt  }
0x82: {  	_ =	shalt  }
0x83: {  	_ =	shalt  }
0x84: {  	_ =	shalt  }
0x85: {  	_ =	shalt  }
0x86: {  	_ =	shalt  }
0x87: {  	_ =	shalt  }
.Lfunc_end0:
.L_simem_size_0:
called_computation.1_lowered:
.L_overlay_start_0:
0x88: {  	s2 =	sld [smem:$0x3FD9]  }
0x89: {  	s3 =	sld [smem:$0x3FFE];
	_ =	sdelay $0x1  }
0x8a: {  	s1 =	srdreg.scid  }
0x8b: {  	s0 =	sand.u32 $0x1, s1  }
0x8c: {  	s17 =	sshll.u32 s0, $0xA;
	s2 =	sadd.s32 s3, s2  }
0x8d: {  	s2 =	sadd.s32 s2, s17  }
0x8e: {  	[smem:$0x3FC2] =	sst s2  }
0x8f: {  	_ = 	snop  }
0x90: {  	s2 =	sld [smem:$0x3FD0];
	(tm) =	ssettm $0x1  }
0x91: {  	s18 =	sld [smem:$0x3FFB];
	_ =	sdelay $0x3  }
0x92: {  	_ =	strace s18  }
0x93: {  	s3 =	sld [smem:$0x3FFC];
	_ =	sdelay $0x3  }
0x94: {  	_ =	strace s3  }
0x95: {  	s3 =	sld [smem:$0x3FFD];
	_ =	sdelay $0x3  }
0x96: {  	_ =	strace s3  }
0x97: {  	_ =	strace $0x8FFFFFFF  }
0x98: {  	s19 =	sld [smem:$0x3FDB];
	_ =	sdelay $0x1  }
0x99: {  	s4 =	simm.s32 $_scs_section_size  }
0x9a: {  	s5 =	simm.s32 $_size__tile_overlayer_lowered;
	s6 =	simm.s32 $_tile_overlayer_lowered  }
0x9b: {  	s22 =	simm.s32 $0x1BFF;
	s21 =	sshll.u32 s6, $0x1;
	s3 =	sadd.s32 s4, s19  }
0x9c: {  	s7 =	simm.s32 $0x0;
	s20 =	sshll.u32 s5, $0x1;
	s5 =	sadd.s32 s21, s3  }
0x9d: {  	[timem:s7], [sflag:s22] =	dma.local [hbm:s5], s20  }
0x9e: {  	_ =	swait.ge [sflag:s22], s20  }
0x9f: {  	s4 =	ssub.s32 $0x0, s20;
	[sflag:s22] =	ssyncset.done $0x0  }
0xa0: {  	[sflag:s22] =	ssyncadd.s32 s4;
	_ =	sdelay $0x1  }
0xa1: {  	s23 =	simm.s32 $0x1B8B  }
0xa2: {  	_ =	swait.ge [sflag:s23], $0x1  }
0xa3: {  	[sflag:s23] =	ssyncset.done $0x0  }
0xa4: {  	s25 =	simm.s32 $0x1B8E;
	s24 =	sld [smem:$0x3FFE];
	[sflag:s23] =	ssyncadd.s32 $0xFFFFFFFF  }
0xa5: {  	s26 =	simm.s32 $execute0_lowered;
	[smem:$0x3FD2] =	sst s25  }
0xa6: {  	s5 =	sshll.u32 s26, $0x1;
	_ =	strace $0x80000049;
	[dreg:$0x1] =	wrdreg $0xFFFFFFFF  }
0xa7: {  	s28 =	simm.s32 $_size_execute0_lowered;
	s3 =	sadd.s32 s3, s5;
	[dreg:$0x0] =	wrdreg $0x0  }
0xa8: {  	s5 =	sshll.u32 s28, $0x1;
	[dreg:$0x2] =	wrdreg s3  }
0xa9: {  	[dreg:$0x3] =	wrdreg s5  }
0xaa: {  	[dreg:$0x4] =	wrdreg $0xC0  }
0xab: {  	_ =	task [dreg:s7], $0x5FFFF  }
0xac: {  	[dreg:$0x1] =	wrdreg $0xFFFFFFFF  }
0xad: {  	[dreg:$0x0] =	wrdreg $0x60  }
0xae: {  	[dreg:$0x2] =	wrdreg s24  }
0xaf: {  	[dreg:$0x3] =	wrdreg s2  }
0xb0: {  	[dreg:$0x4] =	wrdreg $0x9  }
0xb1: {  	_ =	task.clear_ibuf [dreg:s7], $0x5FFFF;
	_ =	strace $0x90000049  }
0xb2: {  	s29 =	simm.s32 $0x9;
	_ =	strace $0x8000004B  }
0xb3: {  	_ =	swait.ge [sflag:s29], $0x1  }
0xb4: {  	[sflag:s29] =	ssyncadd.s32 $0xFFFFFFFF  }
0xb5: {  	_ =	strace $0x9000004B  }
0xb6: {  	_ =	sfence  }
0xb7: {  	s30 =	sld [smem:$0x0];
	_ =	sdelay $0x2  }
0xb8: {  	s31 =	sshll.u32 s1, $0xD;
	s1 =	sshrl.u32 s1, $0x2  }
0xb9: {  	s3 =	sand.u32 $0x4000, s31;
	s1 =	sadd.s32 s1, s30  }
0xba: {  	s0 =	sor.u32 s3, s0;
	s1 =	sshll.u32 s1, $0x11  }
0xbb: {  	s0 =	sor.u32 s1, s0  }
0xbc: {  	s0 =	sadd.s32 $0x8F2B, s0  }
0xbd: {  	[sflag:s0] =	ssyncadd.remote.s32 $0x1  }
0xbe: {  	_ =	sfence.sel $0xFFFF  }
0xbf: {  	[dreg:$0x0] =	wrdreg $0xFFFFFFFF;
	(pc) =	sbr.abs _section_cstart, $3  }
0xc0: {  	[dreg:$0x1] =	wrdreg $0xFFFFFFFF  }
0xc1: {  	_ =	task.clear_ibuf [dreg:s7], $0x2FFFF;
	_ =	strace $0x9FFFFFFF  }
0xc2: {  	(tm) =	ssettm $0x7FFFFFFF  }
0xc3: {  	_ =	shalt  }
tec
execute0_lowered:
.L_overlay_start_1:
0x0: {  	(tag) =	ssettag $0x1  }
0x1: {  	s0 =	rddreg [dreg:$0x0];
	s3 =	simm.s32 $0x0  }
0x2: {  	s1 =	srdreg.scid;
	s4 =	stileid.u32;
	s11 =	simm.s32 $0x9400  }
0x3: {  	s12 =	simm.s32 $0x9C00;
	s13 =	simm.s32 $0xA400;
	s17 =	simm.s32 $0xAC00  }
0x4: {  	s28 =	simm.s32 $0xCC00;
	s29 =	simm.s32 $0xD400;
	s30 =	simm.s32 $0xDC00  }
0x5: {  	s31 =	simm.s32 $0xE400;
	s8 =	simm.s32 $0x0;
	s1 =	sand.u32 $0x1, s1  }
0x6: {  	s4 =	sshll.u32 s4, $0x8;
	s2 =	ssub.s32 $0x2, s1;
	s1 =	sshll.u32 s1, $0x7  }
0x7: {  	[smem:$0x7FF] =	sst s3;
	s5 =	sadd.s32 $0x5A1000, s0;
	s4 =	sor.u32 s1, s4  }
0x8: {  	s14 =	sadd.s32 $0x5A1100, s0;
	s15 =	sadd.s32 $0x5A1200, s0;
	s19 =	sadd.s32 s0, s4  }
0x9: {  	_ =	strace $0x8000004A;
	s20 =	sadd.s32 $0x10, s19;
	[dreg:$0x3] =	wrdreg s19  }
0xa: {  	s16 =	sadd.s32 $0x5A1300, s0;
	s21 =	sadd.s32 $0x20, s19;
	[dreg:$0x4] =	wrdreg s20  }
0xb: {  	s6 =	sshrl.u32 s2, $0x1;
	s22 =	sadd.s32 $0x30, s19;
	[dreg:$0x5] =	wrdreg s21  }
0xc: {  	s1 =	simm.s32 $0xBC00;
	s23 =	sadd.s32 $0x40, s19;
	[dreg:$0x6] =	wrdreg s22  }
0xd: {  	s18 =	ssub.s32 s2, s6;
	s24 =	sadd.s32 $0x50, s19;
	[dreg:$0x7] =	wrdreg s23  }
0xe: {  	s6 =	simm.s32 $0xB400;
	s25 =	sadd.s32 $0x70, s19;
	[dreg:$0x8] =	wrdreg s24  }
0xf: {  	s0 =	simm.s32 $0xEC00;
	s2 =	sadd.s32 $0x60, s19;
	[dreg:$0x9] =	wrdreg s25  }
0x10: {  	v0 =	vlaneseq.u32;
	s26 =	smax.u32 s18, $0x1;
	s18 =	simm.s32 $0x2;
	[dreg:$0xa] =	wrdreg s2  }
0x11: {  	v1 =	vshrl.u32 v0, $0x3;
	s19 =	simm.s32 $0xFC00;
	[dreg:$0xb] =	wrdreg s26;
	s26 =	simm.s32 $0xC400  }
0x12: {  	vm0 =	vmmov $0xffff;
	v0 =	vand.u32 $0x7, v0;
	v1 =	vmul.u32 $0x8, v1;
	s2 =	simm.s32 $0xF400;
	s20 =	simm.s32 $0x1;
	s21 =	simm.s32 $0x10400  }
.LBB2_1:
0x13: {  	[dreg:$0xc] =	wrdreg s8  }
0x14: {  	s7 =	rddreg [dreg:$0x3]  }
0x15: {  	[tilespmem:s3], [sflag:$0x2] =	stream.linear.gather [hbm4b:s7+s3], $0x80, $0x38;
	[tilespmem:$0x12400] =	vst v63  }
0x16: {  	_ =	swait.ge [sflag:s18], $0x80  }
0x17: {  	[sflag:s18] =	ssyncset.done $0x0  }
0x18: {  	s25 =	simm.s32 $0x80;
	s24 =	rddreg [dreg:$0x4];
	[sflag:s18] =	ssyncadd.s32 $0xFFFFFF80  }
0x19: {  	[tilespmem:s25], [sflag:$0x2] =	stream.linear.gather [hbm4b:s24+s3], $0x80, $0x38;
	[tilespmem:$0x12400] =	vst v63  }
0x1a: {  	_ =	swait.ge [sflag:s18], $0x80  }
0x1b: {  	[sflag:s18] =	ssyncset.done $0x0  }
0x1c: {  	s10 =	simm.s32 $0x100;
	s9 =	rddreg [dreg:$0x5];
	[sflag:s18] =	ssyncadd.s32 $0xFFFFFF80  }
0x1d: {  	[tilespmem:s10], [sflag:$0x2] =	stream.linear.gather [hbm4b:s9+s3], $0x80, $0x38;
	[tilespmem:$0x12400] =	vst v63  }
0x1e: {  	_ =	swait.ge [sflag:s18], $0x80  }
0x1f: {  	[sflag:s18] =	ssyncset.done $0x0  }
0x20: {  	s23 =	simm.s32 $0x180;
	s22 =	rddreg [dreg:$0x6];
	[sflag:s18] =	ssyncadd.s32 $0xFFFFFF80  }
0x21: {  	[tilespmem:s23], [sflag:$0x2] =	stream.linear.gather [hbm4b:s22+s3], $0x80, $0x38;
	[tilespmem:$0x12400] =	vst v63  }
0x22: {  	_ =	swait.ge [sflag:s18], $0x80  }
0x23: {  	[sflag:s18] =	ssyncset.done $0x0  }
0x24: {  	s25 =	simm.s32 $0x200;
	s24 =	rddreg [dreg:$0x7];
	[sflag:s18] =	ssyncadd.s32 $0xFFFFFF80  }
0x25: {  	[tilespmem:s25], [sflag:$0x2] =	stream.linear.gather [hbm4b:s24+s3], $0x80, $0x38;
	[tilespmem:$0x12400] =	vst v63  }
0x26: {  	_ =	swait.ge [sflag:s18], $0x80  }
0x27: {  	[sflag:s18] =	ssyncset.done $0x0  }
0x28: {  	s10 =	simm.s32 $0x280;
	s9 =	rddreg [dreg:$0x8];
	[sflag:s18] =	ssyncadd.s32 $0xFFFFFF80  }
0x29: {  	[tilespmem:s10], [sflag:$0x2] =	stream.linear.gather [hbm4b:s9+s3], $0x80, $0x38;
	[tilespmem:$0x12400] =	vst v63  }
0x2a: {  	_ =	swait.ge [sflag:s18], $0x80  }
0x2b: {  	[sflag:s18] =	ssyncset.done $0x0  }
0x2c: {  	s23 =	simm.s32 $0x300;
	s22 =	rddreg [dreg:$0xa];
	[sflag:s18] =	ssyncadd.s32 $0xFFFFFF80  }
0x2d: {  	[tilespmem:s23], [sflag:$0x2] =	stream.linear.gather [hbm4b:s22+s3], $0x80, $0x38;
	[tilespmem:$0x12400] =	vst v63  }
0x2e: {  	_ =	swait.ge [sflag:s18], $0x80  }
0x2f: {  	[sflag:s18] =	ssyncset.done $0x0  }
0x30: {  	s25 =	simm.s32 $0x380;
	s24 =	rddreg [dreg:$0x9];
	[sflag:s18] =	ssyncadd.s32 $0xFFFFFF80  }
0x31: {  	[tilespmem:s25], [sflag:$0x2] =	stream.linear.gather [hbm4b:s24+s3], $0x80, $0x38;
	[tilespmem:$0x12400] =	vst v63  }
0x32: {  	_ =	swait.ge [sflag:s18], $0x80  }
0x33: {  	[sflag:s18] =	ssyncset.done $0x0  }
0x34: {  	s22 =	simm.s32 $0x0;
	[sflag:s18] =	ssyncadd.s32 $0xFFFFFF80  }
.LBB2_2:
0x35: {  	s23 =	sshll.u32 s22, $0x3  }
0x36: {  	v2 =	vld.msk [tilespmem:s23+$0x0], $0xff;
	_ =	sdelay $0x4  }
0x37: {  	v3 =	vshll.u32 v2, $0x3  }
0x38: {  	v2 =	vand.u32 $0x7, v2;
	v3 =	vand.u32 $0xFFFFFFC0, v3  }
0x39: {  	v2 =	vor.u32 v2, v3  }
0x3a: {  	v2 =	vperm.xlane v2, v0;
	_ =	sdelay $0x1  }
0x3b: {  	v2 =	vadd.s32 v1, v2;
	_ =	sdelay $0x3  }
0x3c: {  	s24 =	simm.s32 $0x0;
	s7 =	simm.s32 $0x400  }
0x3d: {  	[tilespmem:s7], [sflag:$0x1] =	stream.indirect_vreg.gather [hbm4b:s5+s24], $0x80, v2, vm0, $0xb8;
	[tilespmem:$0x12400] =	vst v63  }
0x3e: {  	s10 =	simm.s32 $0xC00  }
0x3f: {  	[tilespmem:s10], [sflag:$0x1] =	stream.indirect_vreg.gather [hbm4b:s14+s24], $0x80, v2, vm0, $0xb8;
	[tilespmem:$0x12400] =	vst v63  }
0x40: {  	s25 =	simm.s32 $0x1400  }
0x41: {  	[tilespmem:s25], [sflag:$0x1] =	stream.indirect_vreg.gather [hbm4b:s15+s24], $0x80, v2, vm0, $0xb8;
	[tilespmem:$0x12400] =	vst v63  }
0x42: {  	s8 =	simm.s32 $0x1C00  }
0x43: {  	[tilespmem:s8], [sflag:$0x1] =	stream.indirect_vreg.gather [hbm4b:s16+s24], $0x80, v2, vm0, $0xb8;
	[tilespmem:$0x12400] =	vst v63  }
0x44: {  	v2 =	vld.msk [tilespmem:s23+$0x80], $0xff;
	_ =	sdelay $0x4  }
0x45: {  	v3 =	vshll.u32 v2, $0x3  }
0x46: {  	v2 =	vand.u32 $0x7, v2;
	v3 =	vand.u32 $0xFFFFFFC0, v3  }
0x47: {  	v2 =	vor.u32 v2, v3  }
0x48: {  	v2 =	vperm.xlane v2, v0;
	_ =	sdelay $0x1  }
0x49: {  	v2 =	vadd.s32 v1, v2;
	_ =	sdelay $0x3  }
0x4a: {  	s9 =	simm.s32 $0x2400  }
0x4b: {  	[tilespmem:s9], [sflag:$0x1] =	stream.indirect_vreg.gather [hbm4b:s5+s24], $0x80, v2, vm0, $0xb8;
	[tilespmem:$0x12400] =	vst v63  }
0x4c: {  	s10 =	simm.s32 $0x2C00  }
0x4d: {  	[tilespmem:s10], [sflag:$0x1] =	stream.indirect_vreg.gather [hbm4b:s14+s24], $0x80, v2, vm0, $0xb8;
	[tilespmem:$0x12400] =	vst v63  }
0x4e: {  	s25 =	simm.s32 $0x3400  }
0x4f: {  	[tilespmem:s25], [sflag:$0x1] =	stream.indirect_vreg.gather [hbm4b:s15+s24], $0x80, v2, vm0, $0xb8;
	[tilespmem:$0x12400] =	vst v63  }
0x50: {  	s8 =	simm.s32 $0x3C00  }
0x51: {  	[tilespmem:s8], [sflag:$0x1] =	stream.indirect_vreg.gather [hbm4b:s16+s24], $0x80, v2, vm0, $0xb8;
	[tilespmem:$0x12400] =	vst v63  }
0x52: {  	v2 =	vld.msk [tilespmem:s23+$0x100], $0xff;
	_ =	sdelay $0x4  }
0x53: {  	v3 =	vshll.u32 v2, $0x3  }
0x54: {  	v2 =	vand.u32 $0x7, v2;
	v3 =	vand.u32 $0xFFFFFFC0, v3  }
0x55: {  	v2 =	vor.u32 v2, v3  }
0x56: {  	v2 =	vperm.xlane v2, v0;
	_ =	sdelay $0x1  }
0x57: {  	v2 =	vadd.s32 v1, v2;
	_ =	sdelay $0x3  }
0x58: {  	s9 =	simm.s32 $0x4400  }
0x59: {  	[tilespmem:s9], [sflag:$0x1] =	stream.indirect_vreg.gather [hbm4b:s5+s24], $0x80, v2, vm0, $0xb8;
	[tilespmem:$0x12400] =	vst v63  }
0x5a: {  	s10 =	simm.s32 $0x4C00  }
0x5b: {  	[tilespmem:s10], [sflag:$0x1] =	stream.indirect_vreg.gather [hbm4b:s14+s24], $0x80, v2, vm0, $0xb8;
	[tilespmem:$0x12400] =	vst v63  }
0x5c: {  	s25 =	simm.s32 $0x5400  }
0x5d: {  	[tilespmem:s25], [sflag:$0x1] =	stream.indirect_vreg.gather [hbm4b:s15+s24], $0x80, v2, vm0, $0xb8;
	[tilespmem:$0x12400] =	vst v63  }
0x5e: {  	s8 =	simm.s32 $0x5C00  }
0x5f: {  	[tilespmem:s8], [sflag:$0x1] =	stream.indirect_vreg.gather [hbm4b:s16+s24], $0x80, v2, vm0, $0xb8;
	[tilespmem:$0x12400] =	vst v63  }
0x60: {  	v2 =	vld.msk [tilespmem:s23+$0x180], $0xff;
	_ =	sdelay $0x4  }
0x61: {  	v3 =	vshll.u32 v2, $0x3  }
0x62: {  	v2 =	vand.u32 $0x7, v2;
	v3 =	vand.u32 $0xFFFFFFC0, v3  }
0x63: {  	v2 =	vor.u32 v2, v3  }
0x64: {  	v2 =	vperm.xlane v2, v0;
	_ =	sdelay $0x1  }
0x65: {  	v2 =	vadd.s32 v1, v2;
	_ =	sdelay $0x3  }
0x66: {  	s9 =	simm.s32 $0x6400  }
0x67: {  	[tilespmem:s9], [sflag:$0x1] =	stream.indirect_vreg.gather [hbm4b:s5+s24], $0x80, v2, vm0, $0xb8;
	[tilespmem:$0x12400] =	vst v63  }
0x68: {  	s10 =	simm.s32 $0x6C00  }
0x69: {  	[tilespmem:s10], [sflag:$0x1] =	stream.indirect_vreg.gather [hbm4b:s14+s24], $0x80, v2, vm0, $0xb8;
	[tilespmem:$0x12400] =	vst v63  }
0x6a: {  	s25 =	simm.s32 $0x7400  }
0x6b: {  	[tilespmem:s25], [sflag:$0x1] =	stream.indirect_vreg.gather [hbm4b:s15+s24], $0x80, v2, vm0, $0xb8;
	[tilespmem:$0x12400] =	vst v63  }
0x6c: {  	s8 =	simm.s32 $0x7C00  }
0x6d: {  	[tilespmem:s8], [sflag:$0x1] =	stream.indirect_vreg.gather [hbm4b:s16+s24], $0x80, v2, vm0, $0xb8;
	[tilespmem:$0x12400] =	vst v63  }
0x6e: {  	v2 =	vld.msk [tilespmem:s23+$0x200], $0xff;
	_ =	sdelay $0x4  }
0x6f: {  	v3 =	vshll.u32 v2, $0x3  }
0x70: {  	v2 =	vand.u32 $0x7, v2;
	v3 =	vand.u32 $0xFFFFFFC0, v3  }
0x71: {  	v2 =	vor.u32 v2, v3  }
0x72: {  	v2 =	vperm.xlane v2, v0;
	_ =	sdelay $0x1  }
0x73: {  	v2 =	vadd.s32 v1, v2;
	_ =	sdelay $0x3  }
0x74: {  	s9 =	simm.s32 $0x8400  }
0x75: {  	[tilespmem:s9], [sflag:$0x1] =	stream.indirect_vreg.gather [hbm4b:s5+s24], $0x80, v2, vm0, $0xb8;
	[tilespmem:$0x12400] =	vst v63  }
0x76: {  	s10 =	simm.s32 $0x8C00  }
0x77: {  	[tilespmem:s10], [sflag:$0x1] =	stream.indirect_vreg.gather [hbm4b:s14+s24], $0x80, v2, vm0, $0xb8;
	[tilespmem:$0x12400] =	vst v63  }
0x78: {  	_ = 	snop  }
0x79: {  	[tilespmem:s11], [sflag:$0x1] =	stream.indirect_vreg.gather [hbm4b:s15+s24], $0x80, v2, vm0, $0xb8;
	[tilespmem:$0x12400] =	vst v63  }
0x7a: {  	_ = 	snop  }
0x7b: {  	[tilespmem:s12], [sflag:$0x1] =	stream.indirect_vreg.gather [hbm4b:s16+s24], $0x80, v2, vm0, $0xb8;
	[tilespmem:$0x12400] =	vst v63  }
0x7c: {  	v2 =	vld.msk [tilespmem:s23+$0x280], $0xff;
	_ =	sdelay $0x4  }
0x7d: {  	v3 =	vshll.u32 v2, $0x3  }
0x7e: {  	v2 =	vand.u32 $0x7, v2;
	v3 =	vand.u32 $0xFFFFFFC0, v3  }
0x7f: {  	v2 =	vor.u32 v2, v3  }
0x80: {  	v2 =	vperm.xlane v2, v0;
	_ =	sdelay $0x1  }
0x81: {  	v2 =	vadd.s32 v1, v2;
	_ =	sdelay $0x4  }
0x82: {  	[tilespmem:s13], [sflag:$0x1] =	stream.indirect_vreg.gather [hbm4b:s5+s24], $0x80, v2, vm0, $0xb8;
	[tilespmem:$0x12400] =	vst v63  }
0x83: {  	_ = 	snop  }
0x84: {  	[tilespmem:s17], [sflag:$0x1] =	stream.indirect_vreg.gather [hbm4b:s14+s24], $0x80, v2, vm0, $0xb8;
	[tilespmem:$0x12400] =	vst v63  }
0x85: {  	_ = 	snop  }
0x86: {  	[tilespmem:s6], [sflag:$0x1] =	stream.indirect_vreg.gather [hbm4b:s15+s24], $0x80, v2, vm0, $0xb8;
	[tilespmem:$0x12400] =	vst v63  }
0x87: {  	_ = 	snop  }
0x88: {  	[tilespmem:s1], [sflag:$0x1] =	stream.indirect_vreg.gather [hbm4b:s16+s24], $0x80, v2, vm0, $0xb8;
	[tilespmem:$0x12400] =	vst v63  }
0x89: {  	v2 =	vld.msk [tilespmem:s23+$0x300], $0xff;
	_ =	sdelay $0x4  }
0x8a: {  	v3 =	vshll.u32 v2, $0x3  }
0x8b: {  	v2 =	vand.u32 $0x7, v2;
	v3 =	vand.u32 $0xFFFFFFC0, v3  }
0x8c: {  	v2 =	vor.u32 v2, v3  }
0x8d: {  	v2 =	vperm.xlane v2, v0;
	_ =	sdelay $0x1  }
0x8e: {  	v2 =	vadd.s32 v1, v2;
	_ =	sdelay $0x4  }
0x8f: {  	[tilespmem:s26], [sflag:$0x1] =	stream.indirect_vreg.gather [hbm4b:s5+s24], $0x80, v2, vm0, $0xb8;
	[tilespmem:$0x12400] =	vst v63  }
0x90: {  	_ = 	snop  }
0x91: {  	[tilespmem:s28], [sflag:$0x1] =	stream.indirect_vreg.gather [hbm4b:s14+s24], $0x80, v2, vm0, $0xb8;
	[tilespmem:$0x12400] =	vst v63  }
0x92: {  	_ = 	snop  }
0x93: {  	[tilespmem:s29], [sflag:$0x1] =	stream.indirect_vreg.gather [hbm4b:s15+s24], $0x80, v2, vm0, $0xb8;
	[tilespmem:$0x12400] =	vst v63  }
0x94: {  	_ = 	snop  }
0x95: {  	[tilespmem:s30], [sflag:$0x1] =	stream.indirect_vreg.gather [hbm4b:s16+s24], $0x80, v2, vm0, $0xb8;
	[tilespmem:$0x12400] =	vst v63  }
0x96: {  	v2 =	vld.msk [tilespmem:s23+$0x380], $0xff;
	_ =	sdelay $0x4  }
0x97: {  	v3 =	vshll.u32 v2, $0x3  }
0x98: {  	v2 =	vand.u32 $0x7, v2;
	v3 =	vand.u32 $0xFFFFFFC0, v3  }
0x99: {  	v2 =	vor.u32 v2, v3  }
0x9a: {  	v2 =	vperm.xlane v2, v0;
	_ =	sdelay $0x1  }
0x9b: {  	v2 =	vadd.s32 v1, v2;
	_ =	sdelay $0x4  }
0x9c: {  	[tilespmem:s31], [sflag:$0x1] =	stream.indirect_vreg.gather [hbm4b:s5+s24], $0x80, v2, vm0, $0xb8;
	[tilespmem:$0x12400] =	vst v63  }
0x9d: {  	_ = 	snop  }
0x9e: {  	[tilespmem:s0], [sflag:$0x1] =	stream.indirect_vreg.gather [hbm4b:s14+s24], $0x80, v2, vm0, $0xb8;
	[tilespmem:$0x12400] =	vst v63  }
0x9f: {  	_ = 	snop  }
0xa0: {  	[tilespmem:s2], [sflag:$0x1] =	stream.indirect_vreg.gather [hbm4b:s15+s24], $0x80, v2, vm0, $0xb8;
	[tilespmem:$0x12400] =	vst v63  }
0xa1: {  	_ = 	snop  }
0xa2: {  	[tilespmem:s19], [sflag:$0x1] =	stream.indirect_vreg.gather [hbm4b:s16+s24], $0x80, v2, vm0, $0xb8;
	[tilespmem:$0x12400] =	vst v63  }
0xa3: {  	_ =	swait.ge [sflag:s20], $0x2000  }
0xa4: {  	[sflag:s20] =	ssyncset.done $0x0  }
0xa5: {  	[sflag:s20] =	ssyncadd.s32 $0xFFFFE000  }
0xa6: {  	_ =	swait.ge [sflag:s20], $0x2000  }
0xa7: {  	[sflag:s20] =	ssyncset.done $0x0  }
0xa8: {  	[sflag:s20] =	ssyncadd.s32 $0xFFFFE000  }
0xa9: {  	_ =	swait.ge [sflag:s20], $0x2000  }
0xaa: {  	[sflag:s20] =	ssyncset.done $0x0  }
0xab: {  	[sflag:s20] =	ssyncadd.s32 $0xFFFFE000  }
0xac: {  	_ =	swait.ge [sflag:s20], $0x2000  }
0xad: {  	[sflag:s20] =	ssyncset.done $0x0  }
0xae: {  	[sflag:s20] =	ssyncadd.s32 $0xFFFFE000  }
0xaf: {  	_ =	swait.ge [sflag:s20], $0x2000  }
0xb0: {  	[sflag:s20] =	ssyncset.done $0x0  }
0xb1: {  	[sflag:s20] =	ssyncadd.s32 $0xFFFFE000  }
0xb2: {  	_ =	swait.ge [sflag:s20], $0x2000  }
0xb3: {  	[sflag:s20] =	ssyncset.done $0x0  }
0xb4: {  	[sflag:s20] =	ssyncadd.s32 $0xFFFFE000  }
0xb5: {  	_ =	swait.ge [sflag:s20], $0x2000  }
0xb6: {  	[sflag:s20] =	ssyncset.done $0x0  }
0xb7: {  	[sflag:s20] =	ssyncadd.s32 $0xFFFFE000  }
0xb8: {  	_ =	swait.ge [sflag:s20], $0x2000  }
0xb9: {  	s25 =	sand.u32 $0x70, s24;
	s8 =	sand.u32 $0x1C00, s24;
	[sflag:s20] =	ssyncset.done $0x0  }
0xba: {  	s25 =	sor.u32 s25, s8;
	[sflag:s20] =	ssyncadd.s32 $0xFFFFE000  }
0xbb: {  	v10 =	vld [tilespmem:s25+$0xE400]  }
0xbc: {  	v9 =	vld [tilespmem:s25+$0xE480]  }
0xbd: {  	v8 =	vld [tilespmem:s25+$0xE500]  }
0xbe: {  	v3 =	vld [tilespmem:s25+$0xE580]  }
0xbf: {  	v2 =	vld [tilespmem:s25+$0xE600]  }
0xc0: {  	v15 =	vld [tilespmem:s25+$0xC400]  }
0xc1: {  	v14 =	vld [tilespmem:s25+$0xC480]  }
0xc2: {  	v13 =	vld [tilespmem:s25+$0xC500]  }
0xc3: {  	v5 =	vld [tilespmem:s25+$0xC580]  }
0xc4: {  	v4 =	vld [tilespmem:s25+$0xC600]  }
0xc5: {  	v24 =	vld [tilespmem:s25+$0xA400]  }
0xc6: {  	v26 =	vld [tilespmem:s25+$0xA480]  }
0xc7: {  	v16 =	vld [tilespmem:s25+$0xA500]  }
0xc8: {  	v7 =	vld [tilespmem:s25+$0xA580]  }
0xc9: {  	v6 =	vld [tilespmem:s25+$0xA600]  }
0xca: {  	v22 =	vld [tilespmem:s25+$0x8400]  }
0xcb: {  	v25 =	vld [tilespmem:s25+$0x8480]  }
0xcc: {  	v28 =	vld [tilespmem:s25+$0x8500]  }
0xcd: {  	v12 =	vld [tilespmem:s25+$0x8580]  }
0xce: {  	v11 =	vld [tilespmem:s25+$0x8600]  }
0xcf: {  	v21 =	vld [tilespmem:s25+$0x6400]  }
0xd0: {  	v23 =	vld [tilespmem:s25+$0x6480]  }
0xd1: {  	v27 =	vld [tilespmem:s25+$0x6500]  }
0xd2: {  	v19 =	vld [tilespmem:s25+$0x4400]  }
0xd3: {  	v17 =	vld [tilespmem:s25+$0x2400]  }
0xd4: {  	v18 =	vld [tilespmem:s25+$0x400]  }
0xd5: {  	v20 =	vld [tilespmem:s25+$0x480]  }
0xd6: {  	v29 =	vld [tilespmem:s25+$0x2480]  }
0xd7: {  	v30 =	vld [tilespmem:s25+$0x500]  }
0xd8: {  	v31 =	vld [tilespmem:s25+$0x2500]  }
0xd9: {  	v32 =	vld [tilespmem:s25+$0x4480]  }
0xda: {  	v33 =	vld [tilespmem:s25+$0x4500]  }
0xdb: {  	v34 =	vadd.f32 v17, v18;
	v18 =	vld [tilespmem:s25+$0x6580]  }
0xdc: {  	v29 =	vadd.f32 v29, v20;
	v17 =	vld [tilespmem:s25+$0x6600]  }
0xdd: {  	v20 =	vld [tilespmem:s25+$0x4580];
	v30 =	vadd.f32 v31, v30;
	v34 =	vadd.f32 v19, v34  }
0xde: {  	v29 =	vadd.f32 v32, v29;
	v19 =	vld [tilespmem:s25+$0x4600]  }
0xdf: {  	v30 =	vadd.f32 v33, v30;
	v31 =	vadd.f32 v21, v34;
	v21 =	vld [tilespmem:s25+$0x580]  }
0xe0: {  	v29 =	vadd.f32 v23, v29;
	v23 =	vld [tilespmem:s25+$0x2580]  }
0xe1: {  	v30 =	vadd.f32 v27, v30;
	v31 =	vadd.f32 v22, v31;
	v22 =	vld [tilespmem:s25+$0x600]  }
0xe2: {  	v63 =	vadd.f32 v25, v29;
	v25 =	vld [tilespmem:s25+$0x2600]  }
0xe3: {  	v29 =	vadd.f32 v28, v30;
	v27 =	vadd.f32 v24, v31;
	v24 =	vld [tilespmem:s25+$0x680]  }
0xe4: {  	s7 =	simm.s32 $0x0;
	s8 =	simm.s32 $0x10;
	v28 =	vadd.f32 v26, v63;
	v26 =	vld [tilespmem:s25+$0x2680]  }
.LBB2_3:
0xe5: {  	p0 =	sne.s32 s8, $0x3F0;
	v15 =	vadd.f32 v15, v27;
	v16 =	vadd.f32 v16, v29;
	v27 =	vld [tilespmem:s25+$0x700]  }
0xe6: {  	v14 =	vadd.f32 v14, v28;
	v28 =	vld [tilespmem:s25+$0x2700]  }
0xe7: {  	v10 =	vadd.f32 v10, v15;
	v13 =	vadd.f32 v13, v16;
	v15 =	vld [tilespmem:s25+$0x4680]  }
0xe8: {  	v9 =	vadd.f32 v9, v14;
	v14 =	vadd.f32 v23, v21;
	v16 =	vld [tilespmem:s25+$0x4700]  }
0xe9: {  	v8 =	vadd.f32 v8, v13;
	v13 =	vadd.f32 v25, v22;
	v21 =	vld [tilespmem:s25+$0x6680]  }
0xea: {  	v14 =	vadd.f32 v20, v14;
	v20 =	vadd.f32 v26, v24;
	v22 =	vld [tilespmem:s25+$0x6700]  }
0xeb: {  	v13 =	vadd.f32 v19, v13;
	v19 =	vld [tilespmem:s25+$0x8680];
	v23 =	vadd.f32 v28, v27  }
0xec: {  	v14 =	vadd.f32 v18, v14;
	v15 =	vadd.f32 v15, v20;
	v18 =	vld [tilespmem:s25+$0x8700]  }
0xed: {  	v13 =	vadd.f32 v17, v13;
	v17 =	vld [tilespmem:s25+$0xA680];
	v16 =	vadd.f32 v16, v23  }
0xee: {  	v12 =	vadd.f32 v12, v14;
	v14 =	vadd.f32 v21, v15;
	v15 =	vld [tilespmem:s25+$0xA700]  }
0xef: {  	v11 =	vadd.f32 v11, v13;
	v13 =	vld [tilespmem:s25+$0xC680];
	v16 =	vadd.f32 v22, v16  }
0xf0: {  	v7 =	vadd.f32 v7, v12;
	v12 =	vadd.f32 v19, v14;
	v14 =	vld [tilespmem:s25+$0xC700]  }
0xf1: {  	v6 =	vadd.f32 v6, v11;
	v11 =	vld [tilespmem:s25+$0xE680];
	v16 =	vadd.f32 v18, v16  }
0xf2: {  	v5 =	vadd.f32 v5, v7;
	v7 =	vadd.f32 v17, v12;
	v12 =	vld [tilespmem:s25+$0xE700]  }
0xf3: {  	[tilespmem:s25+$0x10400] =	vst v10;
	v4 =	vadd.f32 v4, v6;
	v6 =	vadd.f32 v15, v16  }
0xf4: {  	[tilespmem:s25+$0x10480] =	vst v9;
	v3 =	vadd.f32 v3, v5;
	v5 =	vadd.f32 v13, v7  }
0xf5: {  	[tilespmem:s25+$0x10500] =	vst v8;
	v2 =	vadd.f32 v2, v4;
	v4 =	vadd.f32 v14, v6  }
0xf6: {  	[tilespmem:s25+$0x10580] =	vst v3;
	v3 =	vadd.f32 v11, v5  }
0xf7: {  	[tilespmem:s25+$0x10600] =	vst v2;
	v2 =	vadd.f32 v12, v4  }
0xf8: {  	s9 =	sor.u32 s7, s24;
	s24 =	smov.u32 s8;
	[tilespmem:s25+$0x10680] =	vst v3  }
0xf9: {  	s9 =	sor.u32 $0x380, s9;
	[tilespmem:s25+$0x10700] =	vst v2;
	v2 =	vld [tilespmem:s25+$0x2780]  }
0xfa: {  	v3 =	vld [tilespmem:s9+$0x400];
	_ =	sdelay $0x1  }
0xfb: {  	v4 =	vld [tilespmem:s25+$0x4780];
	_ =	sdelay $0x1  }
0xfc: {  	v5 =	vld [tilespmem:s25+$0x6780]  }
0xfd: {  	v2 =	vadd.f32 v2, v3  }
0xfe: {  	v3 =	vld [tilespmem:s25+$0x8780]  }
0xff: {  	v2 =	vadd.f32 v4, v2  }
0x100: {  	v4 =	vld [tilespmem:s25+$0xA780]  }
0x101: {  	v2 =	vadd.f32 v5, v2  }
0x102: {  	v5 =	vld [tilespmem:s25+$0xC780]  }
0x103: {  	v2 =	vadd.f32 v3, v2  }
0x104: {  	v3 =	vld [tilespmem:s25+$0xE780]  }
0x105: {  	v2 =	vadd.f32 v4, v2;
	_ =	sdelay $0x1  }
0x106: {  	v2 =	vadd.f32 v5, v2;
	_ =	sdelay $0x1  }
0x107: {  	s7 =	sadd.s32 $0x80, s7;
	v2 =	vadd.f32 v3, v2  }
0x108: {  	s10 =	sand.u32 $0x1C00, s7;
	s25 =	sand.u32 $0x70, s8  }
0x109: {  	s25 =	sor.u32 s25, s10;
	[tilespmem:s9+$0x10400] =	vst v2  }
0x10a: {  	v10 =	vld [tilespmem:s25+$0xE400]  }
0x10b: {  	v9 =	vld [tilespmem:s25+$0xE480]  }
0x10c: {  	v8 =	vld [tilespmem:s25+$0xE500]  }
0x10d: {  	v3 =	vld [tilespmem:s25+$0xE580]  }
0x10e: {  	v2 =	vld [tilespmem:s25+$0xE600]  }
0x10f: {  	v15 =	vld [tilespmem:s25+$0xC400]  }
0x110: {  	v14 =	vld [tilespmem:s25+$0xC480]  }
0x111: {  	v13 =	vld [tilespmem:s25+$0xC500]  }
0x112: {  	v5 =	vld [tilespmem:s25+$0xC580]  }
0x113: {  	v4 =	vld [tilespmem:s25+$0xC600]  }
0x114: {  	v24 =	vld [tilespmem:s25+$0xA400]  }
0x115: {  	v26 =	vld [tilespmem:s25+$0xA480]  }
0x116: {  	v16 =	vld [tilespmem:s25+$0xA500]  }
0x117: {  	v7 =	vld [tilespmem:s25+$0xA580]  }
0x118: {  	v6 =	vld [tilespmem:s25+$0xA600]  }
0x119: {  	v22 =	vld [tilespmem:s25+$0x8400]  }
0x11a: {  	v25 =	vld [tilespmem:s25+$0x8480]  }
0x11b: {  	v28 =	vld [tilespmem:s25+$0x8500]  }
0x11c: {  	v12 =	vld [tilespmem:s25+$0x8580]  }
0x11d: {  	v11 =	vld [tilespmem:s25+$0x8600]  }
0x11e: {  	v21 =	vld [tilespmem:s25+$0x6400]  }
0x11f: {  	v23 =	vld [tilespmem:s25+$0x6480]  }
0x120: {  	v27 =	vld [tilespmem:s25+$0x6500]  }
0x121: {  	v19 =	vld [tilespmem:s25+$0x4400]  }
0x122: {  	v17 =	vld [tilespmem:s25+$0x2400]  }
0x123: {  	v18 =	vld [tilespmem:s25+$0x400]  }
0x124: {  	v20 =	vld [tilespmem:s25+$0x480]  }
0x125: {  	v29 =	vld [tilespmem:s25+$0x2480]  }
0x126: {  	v30 =	vld [tilespmem:s25+$0x500]  }
0x127: {  	v31 =	vld [tilespmem:s25+$0x2500]  }
0x128: {  	v32 =	vld [tilespmem:s25+$0x4480]  }
0x129: {  	v33 =	vld [tilespmem:s25+$0x4500]  }
0x12a: {  	v34 =	vadd.f32 v17, v18;
	v18 =	vld [tilespmem:s25+$0x6580]  }
0x12b: {  	v29 =	vadd.f32 v29, v20;
	v17 =	vld [tilespmem:s25+$0x6600]  }
0x12c: {  	v34 =	vadd.f32 v19, v34;
	v30 =	vadd.f32 v31, v30;
	v20 =	vld [tilespmem:s25+$0x4580]  }
0x12d: {  	v29 =	vadd.f32 v32, v29;
	v19 =	vld [tilespmem:s25+$0x4600]  }
0x12e: {  	v31 =	vadd.f32 v21, v34;
	v30 =	vadd.f32 v33, v30;
	v21 =	vld [tilespmem:s25+$0x580]  }
.Ltmp0:
0x12f: {  	v29 =	vadd.f32 v23, v29;
	v23 =	vld [tilespmem:s25+$0x2580];
	(pc) =	sbr.rel @p0 .LBB2_3-.Ltmp0, $4  }
0x130: {  	v31 =	vadd.f32 v22, v31;
	v30 =	vadd.f32 v27, v30;
	v22 =	vld [tilespmem:s25+$0x600]  }
0x131: {  	v32 =	vadd.f32 v25, v29;
	v25 =	vld [tilespmem:s25+$0x2600]  }
0x132: {  	v27 =	vadd.f32 v24, v31;
	v29 =	vadd.f32 v28, v30;
	v24 =	vld [tilespmem:s25+$0x680]  }
0x133: {  	s8 =	sadd.s32 $0x10, s8;
	v28 =	vadd.f32 v26, v32;
	v26 =	vld [tilespmem:s25+$0x2680]  }
0x134: {  	v15 =	vadd.f32 v15, v27;
	v36 =	vld [tilespmem:s25+$0x700]  }
0x135: {  	v16 =	vadd.f32 v16, v29;
	v37 =	vld [tilespmem:s25+$0x2700];
	v39 =	vadd.f32 v23, v21  }
0x136: {  	v38 =	vld [tilespmem:s25+$0x4680];
	v14 =	vadd.f32 v14, v28;
	v10 =	vadd.f32 v10, v15  }
0x137: {  	v40 =	vld [tilespmem:s25+$0x4700];
	v13 =	vadd.f32 v13, v16;
	v41 =	vadd.f32 v25, v22  }
0x138: {  	v42 =	vld [tilespmem:s25+$0x6680];
	v9 =	vadd.f32 v9, v14;
	v14 =	vadd.f32 v20, v39  }
0x139: {  	v44 =	vld [tilespmem:s25+$0x6700];
	v8 =	vadd.f32 v8, v13;
	v43 =	vadd.f32 v26, v24  }
0x13a: {  	v45 =	vld [tilespmem:s25+$0x8680];
	v13 =	vadd.f32 v19, v41;
	v46 =	vadd.f32 v37, v36  }
0x13b: {  	v47 =	vld [tilespmem:s25+$0x8700];
	v14 =	vadd.f32 v18, v14;
	v15 =	vadd.f32 v38, v43  }
0x13c: {  	v48 =	vld [tilespmem:s25+$0xA680];
	v13 =	vadd.f32 v17, v13;
	v16 =	vadd.f32 v40, v46  }
0x13d: {  	v50 =	vld [tilespmem:s25+$0xA700];
	v12 =	vadd.f32 v12, v14;
	v49 =	vadd.f32 v42, v15  }
0x13e: {  	v51 =	vld [tilespmem:s25+$0xC680];
	v11 =	vadd.f32 v11, v13;
	v16 =	vadd.f32 v44, v16  }
0x13f: {  	v53 =	vld [tilespmem:s25+$0xC700];
	v7 =	vadd.f32 v7, v12;
	v52 =	vadd.f32 v45, v49  }
0x140: {  	v54 =	vld [tilespmem:s25+$0xE680];
	v6 =	vadd.f32 v6, v11;
	v16 =	vadd.f32 v47, v16  }
0x141: {  	v56 =	vld [tilespmem:s25+$0xE700];
	v5 =	vadd.f32 v5, v7;
	v55 =	vadd.f32 v48, v52  }
0x142: {  	[tilespmem:s25+$0x10400] =	vst v10;
	v4 =	vadd.f32 v4, v6;
	v57 =	vadd.f32 v50, v16  }
0x143: {  	[tilespmem:s25+$0x10480] =	vst v9;
	v3 =	vadd.f32 v3, v5;
	v58 =	vadd.f32 v51, v55  }
0x144: {  	[tilespmem:s25+$0x10500] =	vst v8;
	v2 =	vadd.f32 v2, v4;
	v59 =	vadd.f32 v53, v57  }
0x145: {  	[tilespmem:s25+$0x10580] =	vst v3;
	v3 =	vadd.f32 v54, v58  }
0x146: {  	[tilespmem:s25+$0x10600] =	vst v2;
	v2 =	vadd.f32 v56, v59  }
0x147: {  	s7 =	sor.u32 s7, s24;
	[tilespmem:s25+$0x10680] =	vst v3  }
0x148: {  	s7 =	sor.u32 $0x380, s7;
	[tilespmem:s25+$0x10700] =	vst v2;
	v2 =	vld [tilespmem:s25+$0x2780]  }
0x149: {  	v3 =	vld [tilespmem:s7+$0x400];
	_ =	sdelay $0x1  }
0x14a: {  	v60 =	vld [tilespmem:s25+$0x4780];
	_ =	sdelay $0x1  }
0x14b: {  	v61 =	vld [tilespmem:s25+$0x6780]  }
0x14c: {  	v2 =	vadd.f32 v2, v3  }
0x14d: {  	v3 =	vld [tilespmem:s25+$0x8780]  }
0x14e: {  	v2 =	vadd.f32 v60, v2  }
0x14f: {  	v62 =	vld [tilespmem:s25+$0xA780]  }
0x150: {  	v2 =	vadd.f32 v61, v2  }
0x151: {  	v63 =	vld [tilespmem:s25+$0xC780]  }
0x152: {  	v2 =	vadd.f32 v3, v2  }
0x153: {  	v3 =	vld [tilespmem:s25+$0xE780]  }
0x154: {  	v2 =	vadd.f32 v62, v2;
	_ =	sdelay $0x1  }
0x155: {  	v2 =	vadd.f32 v63, v2;
	_ =	sdelay $0x1  }
0x156: {  	s8 =	sadd.s32 s4, s23;
	s22 =	sadd.s32 $0x1, s22;
	v2 =	vadd.f32 v3, v2  }
0x157: {  	s8 =	sshll.u32 s8, $0x7;
	p0 =	sne.s32 s22, $0x10;
	s25 =	rddreg [dreg:$0x1]  }
.Ltmp1:
0x158: {  	[tilespmem:s7+$0x10400] =	vst v2;
	s7 =	sadd.s32 s25, s8;
	(pc) =	sbr.rel @p0 .LBB2_2-.Ltmp1, $4  }
0x159: {  	[hbm4b:s7+s3] =	stream.linear.scatter [tilespmem:s21], [sflag:$0x2], $0x2000, $0x38;
	[tilespmem:$0x12400] =	vst v63  }
0x15a: {  	_ =	swait.ge [sflag:s18], $0x2000  }
0x15b: {  	[sflag:s18] =	ssyncset.done $0x0  }
0x15c: {  	[sflag:s18] =	ssyncadd.s32 $0xFFFFE000  }
0x15d: {  	s8 =	rddreg [dreg:$0xc]  }
0x15e: {  	s7 =	rddreg [dreg:$0xb];
	s8 =	sadd.s32 $0x1, s8  }
0x15f: {  	p0 =	sne.s32 s8, s7  }
.Ltmp2:
0x160: {  	_ = 	snop;
	(pc) =	sbr.rel @p0 .LBB2_1-.Ltmp2, $1  }
0x161: {  	_ =	sdelay $0x3  }
0x162: {  	_ =	sfence.sel $0x180000  }
0x163: {  	[bflag:$0x0] =	sbarrier.arrive $0xFFFF  }
0x164: {  	_ =	strace $0x9000004A  }
0x165: {  	s0 =	stileid.u32;
	[bflag:$0x2] =	sbarrier.arrive $0xFFFF  }
0x166: {  	p0 =	sne.s32 s0, $0x0;
	s0 =	rddreg [dreg:$0x2]  }
0x167: {  	s0 =	sadd.s32 @!p0 $0x100000, s0  }
0x168: {  	[sflag:s0] =	ssyncadd.tile.s32 @!p0 $0x1;
	_ =	shalt  }
.Lfunc_end2:
_tile_overlayer_lowered:
.L_overlay_start_2:
0x169: {  	(tag) =	ssettag $0x2  }
0x16a: {  	s0 =	rddreg [dreg:$0x0];
	s2 =	stileid.u32  }
0x16b: {  	s1 =	rddreg [dreg:$0x1];
	p0 =	sne.s32 s2, $0x0  }
0x16c: {  	s3 =	rddreg [dreg:$0x2];
	[bflag:$0x3] =	sbarrier.arrive $0xFFFF;
	s2 =	simm.s32 @!p0 $0x1C02  }
0x16d: {  	[timem:s3], [sflag:s2] =	dma.local @!p0 [hbm:s0], s1  }
0x16e: {  	s0 =	simm.s32 @!p0 $0x2  }
0x16f: {  	_ =	swait.ge @!p0 [sflag:s0], s1  }
0x170: {  	s1 =	ssub.s32 @!p0 $0x0, s1;
	[sflag:s0] =	ssyncset.done @!p0 $0x0  }
0x171: {  	[sflag:s0] =	ssyncadd.s32 @!p0 s1  }
0x172: {  	[bflag:$0x3] =	sbarrier.arrive $0xFFFF  }
0x173: {  	_ =	shalt  }

// kernel: kernel.7.cloned.1.call-start
scs
__scs_entry_jumppad:
0x0: {  	(pc) =	sbr.rel $0x88, $3  }
0x1: {  	(tag) =	ssettag $0x0;
	lr =	simm.s32 $0x1  }
0x2: {  	[smem:$0x3F9B] =	sst lr;
	_ =	strace $0xD0000000  }
0x3: {  	_ = 	snop  }
0x4: {  	_ = 	snop  }
0x5: {  	_ = 	snop  }
0x6: {  	_ = 	snop  }
0x7: {  	_ = 	snop  }
__scs_overlays_trampoline_lowered:
0x8: {  	[smem:$0x3FAA] =	sst s0  }
0x9: {  	[smem:$0x3FAB] =	sst s1  }
0xa: {  	[smem:$0x3FAC] =	sst s2  }
0xb: {  	[smem:$0x3FAD] =	sst s3  }
0xc: {  	[smem:$0x3FAE] =	sst s4  }
0xd: {  	[smem:$0x3FAF] =	sst s5  }
0xe: {  	[smem:$0x3FB0] =	sst s6  }
0xf: {  	[smem:$0x3FB1] =	sst s7  }
0x10: {  	[smem:$0x3FB2] =	sst s8  }
0x11: {  	[smem:$0x3FB3] =	sst s9;
	s0 =	simm.s32 @!p0 $0x0  }
0x12: {  	s1 =	sld [smem:$0x3F99];
	s0 =	simm.s32 @p0 $0x1  }
0x13: {  	[smem:$0x3FB4] =	sst s0;
	s0 =	simm.s32 @!p1 $0x0  }
0x14: {  	s2 =	sld [smem:$0x3F98];
	s0 =	simm.s32 @p1 $0x1  }
0x15: {  	[smem:$0x3FB5] =	sst s0;
	s0 =	simm.s32 @!p2 $0x0  }
0x16: {  	s3 =	sld [smem:$0x3FDB];
	s0 =	simm.s32 @p2 $0x1  }
0x17: {  	s4 =	simm.s32 $0x1BF5;
	[smem:$0x3FB7] =	sst s0  }
0x18: {  	s0 =	sld [smem:$0x3F9A];
	_ =	swait.ge [sflag:s4], $0x0  }
0x19: {  	s7 =	sld [smem:$0x3F9B]  }
0x1a: {  	s8 =	sadd.s32 $0xFFFFE003, lr  }
0x1b: {  	s9 =	sadd.s32 $0xFFFFFEF7, lr;
	s5 =	simm.s32 $0xFFFFFFFF;
	p2 =	slt.u32 s8, $0xFFFFF086  }
0x1c: {  	p1 =	slt.u32 s9, $0xF7A;
	s5 =	simm.s32 @!p2 $0x0  }
0x1d: {  	s5 =	simm.s32 @p1 $0x1;
	p0 =	seq.s32 s7, s2  }
0x1e: {  	s7 =	smul.u32 @!p0 $0xF7A, s2;
	p2 =	seq.s32 @!p0 s5, $0x0  }
0x1f: {  	s9 =	smul.u32 $0xF7A, s1;
	s8 =	simm.s32 @!p0 $0x1BF5;
	p2 =	por !p2, p0  }
0x20: {  	[sflag:s8] =	ssyncset.s32 @!p0 $0xFFFFF086;
	s6 =	sadd.s32 @!p0 s3, s7;
	s7 =	simm.s32 @!p0 $0x108  }
0x21: {  	s3 =	sadd.s32 s3, s9;
	s6 =	sadd.s32 @!p0 $0x88, s6;
	s7 =	simm.s32 @p2 $0x1082  }
0x22: {  	[simem:s7], [sflag:s8] =	dma.local @!p0 [hbm:s6], $0xF7A  }
0x23: {  	s9 =	sor.u32 $0xD0000000, s2;
	s6 =	simm.s32 $0x108;
	_ =	swait.ge @!p0 [sflag:s8], $0x0  }
0x24: {  	s3 =	sadd.s32 $0x88, s3;
	s6 =	simm.s32 @!p1 $0x1082;
	[sflag:s4] =	ssyncset.s32 $0xFFFFF086  }
0x25: {  	[simem:s6], [sflag:s4] =	dma.local [hbm:s3], $0xF7A  }
0x26: {  	[smem:$0x3F9B] =	sst s1;
	(tag) =	ssettag s2;
	_ =	strace s9  }
0x27: {  	s1 =	sld [smem:$0x3FAB]  }
0x28: {  	s2 =	sld [smem:$0x3FAC]  }
0x29: {  	s4 =	sld [smem:$0x3FAE]  }
0x2a: {  	p0 =	seq.s32 s5, $0x0;
	s5 =	sld [smem:$0x3FAF]  }
0x2b: {  	s6 =	sld [smem:$0x3FB0]  }
0x2c: {  	s7 =	sld [smem:$0x3FB1]  }
0x2d: {  	s3 =	simm.s32 $0x108;
	s8 =	sld [smem:$0x3FB2]  }
0x2e: {  	s3 =	simm.s32 @!p0 $0x1082;
	s9 =	sld [smem:$0x3FB3]  }
0x2f: {  	lr =	sadd.s32 s0, s3;
	s0 =	sld [smem:$0x3FAA]  }
0x30: {  	s3 =	sld [smem:$0x3FAD]  }
0x31: {  	[smem:$0x3FB6] =	sst s10  }
0x32: {  	s10 =	sld [smem:$0x3FB4];
	_ =	sdelay $0x3  }
0x33: {  	p0 =	seq.s32 s10, $0x1;
	s10 =	sld [smem:$0x3FB6];
	_ =	sdelay $0x3  }
0x34: {  	[smem:$0x3FB6] =	sst s10  }
0x35: {  	s10 =	sld [smem:$0x3FB5];
	_ =	sdelay $0x3  }
0x36: {  	p1 =	seq.s32 s10, $0x1;
	s10 =	sld [smem:$0x3FB6];
	_ =	sdelay $0x3  }
0x37: {  	[smem:$0x3FB6] =	sst s10  }
0x38: {  	s10 =	sld [smem:$0x3FB7]  }
0x39: {  	_ = 	snop;
	(pc) =	sbr.ind lr, $3  }
0x3a: {  	_ = 	snop  }
0x3b: {  	_ = 	snop  }
0x3c: {  	p2 =	seq.s32 s10, $0x1;
	s10 =	sld [smem:$0x3FB6]  }
0x3d: {  	_ =	shalt  }
0x3e: {  	_ =	shalt  }
0x3f: {  	_ =	shalt  }
0x40: {  	_ =	shalt  }
0x41: {  	_ =	shalt  }
0x42: {  	_ =	shalt  }
0x43: {  	_ =	shalt  }
0x44: {  	_ =	shalt  }
0x45: {  	_ =	shalt  }
0x46: {  	_ =	shalt  }
0x47: {  	_ =	shalt  }
0x48: {  	_ =	shalt  }
0x49: {  	_ =	shalt  }
0x4a: {  	_ =	shalt  }
0x4b: {  	_ =	shalt  }
0x4c: {  	_ =	shalt  }
0x4d: {  	_ =	shalt  }
0x4e: {  	_ =	shalt  }
0x4f: {  	_ =	shalt  }
0x50: {  	_ =	shalt  }
0x51: {  	_ =	shalt  }
0x52: {  	_ =	shalt  }
0x53: {  	_ =	shalt  }
0x54: {  	_ =	shalt  }
0x55: {  	_ =	shalt  }
0x56: {  	_ =	shalt  }
0x57: {  	_ =	shalt  }
0x58: {  	_ =	shalt  }
0x59: {  	_ =	shalt  }
0x5a: {  	_ =	shalt  }
0x5b: {  	_ =	shalt  }
0x5c: {  	_ =	shalt  }
0x5d: {  	_ =	shalt  }
0x5e: {  	_ =	shalt  }
0x5f: {  	_ =	shalt  }
0x60: {  	_ =	shalt  }
0x61: {  	_ =	shalt  }
0x62: {  	_ =	shalt  }
0x63: {  	_ =	shalt  }
0x64: {  	_ =	shalt  }
0x65: {  	_ =	shalt  }
0x66: {  	_ =	shalt  }
0x67: {  	_ =	shalt  }
0x68: {  	_ =	shalt  }
0x69: {  	_ =	shalt  }
0x6a: {  	_ =	shalt  }
0x6b: {  	_ =	shalt  }
0x6c: {  	_ =	shalt  }
0x6d: {  	_ =	shalt  }
0x6e: {  	_ =	shalt  }
0x6f: {  	_ =	shalt  }
0x70: {  	_ =	shalt  }
0x71: {  	_ =	shalt  }
0x72: {  	_ =	shalt  }
0x73: {  	_ =	shalt  }
0x74: {  	_ =	shalt  }
0x75: {  	_ =	shalt  }
0x76: {  	_ =	shalt  }
0x77: {  	_ =	shalt  }
0x78: {  	_ =	shalt  }
0x79: {  	_ =	shalt  }
0x7a: {  	_ =	shalt  }
0x7b: {  	_ =	shalt  }
0x7c: {  	_ =	shalt  }
0x7d: {  	_ =	shalt  }
0x7e: {  	_ =	shalt  }
0x7f: {  	_ =	shalt  }
0x80: {  	_ =	shalt  }
0x81: {  	_ =	shalt  }
0x82: {  	_ =	shalt  }
0x83: {  	_ =	shalt  }
0x84: {  	_ =	shalt  }
0x85: {  	_ =	shalt  }
0x86: {  	_ =	shalt  }
0x87: {  	_ =	shalt  }
.Lfunc_end0:
.L_simem_size_0:
called_computation_lowered:
.L_overlay_start_0:
0x88: {  	s2 =	sld [smem:$0x3FD9]  }
0x89: {  	s3 =	sld [smem:$0x3FFE];
	_ =	sdelay $0x1  }
0x8a: {  	s1 =	srdreg.scid  }
0x8b: {  	s0 =	sand.u32 $0x1, s1  }
0x8c: {  	s17 =	sshll.u32 s0, $0xA;
	s2 =	sadd.s32 s3, s2  }
0x8d: {  	s2 =	sadd.s32 s2, s17  }
0x8e: {  	[smem:$0x3FC2] =	sst s2  }
0x8f: {  	_ = 	snop  }
0x90: {  	s2 =	sld [smem:$0x3FC9]  }
0x91: {  	s18 =	sld [smem:$0x3FD0];
	(tm) =	ssettm $0x1  }
0x92: {  	s4 =	sld [smem:$0x3FFB];
	_ =	sdelay $0x3  }
0x93: {  	_ =	strace s4  }
0x94: {  	s4 =	sld [smem:$0x3FFC];
	_ =	sdelay $0x3  }
0x95: {  	_ =	strace s4  }
0x96: {  	s4 =	sld [smem:$0x3FFD];
	_ =	sdelay $0x3  }
0x97: {  	_ =	strace s4  }
0x98: {  	_ =	strace $0x8FFFFFFF  }
0x99: {  	s19 =	sld [smem:$0x3FDB];
	_ =	sdelay $0x1  }
0x9a: {  	s5 =	simm.s32 $_scs_section_size  }
0x9b: {  	s6 =	simm.s32 $_size__tile_overlayer_lowered;
	s7 =	simm.s32 $_tile_overlayer_lowered  }
0x9c: {  	s22 =	simm.s32 $0x1BFF;
	s21 =	sshll.u32 s7, $0x1;
	s4 =	sadd.s32 s5, s19  }
0x9d: {  	s8 =	simm.s32 $0x0;
	s20 =	sshll.u32 s6, $0x1;
	s6 =	sadd.s32 s21, s4  }
0x9e: {  	[timem:s8], [sflag:s22] =	dma.local [hbm:s6], s20  }
0x9f: {  	_ =	swait.ge [sflag:s22], s20  }
0xa0: {  	s5 =	ssub.s32 $0x0, s20;
	[sflag:s22] =	ssyncset.done $0x0  }
0xa1: {  	[sflag:s22] =	ssyncadd.s32 s5;
	_ =	sdelay $0x1  }
0xa2: {  	s23 =	simm.s32 $0x1B8B  }
0xa3: {  	_ =	swait.ge [sflag:s23], $0x1  }
0xa4: {  	[sflag:s23] =	ssyncset.done $0x0  }
0xa5: {  	s25 =	simm.s32 $0x1B8E;
	s24 =	sld [smem:$0x3FFE];
	[sflag:s23] =	ssyncadd.s32 $0xFFFFFFFF  }
0xa6: {  	s26 =	simm.s32 $execute0_lowered;
	[smem:$0x3FD2] =	sst s25  }
0xa7: {  	s6 =	sshll.u32 s26, $0x1;
	_ =	strace $0x80000046;
	[dreg:$0x1] =	wrdreg $0xFFFFFFFF  }
0xa8: {  	s28 =	simm.s32 $_size_execute0_lowered;
	s4 =	sadd.s32 s4, s6;
	[dreg:$0x0] =	wrdreg $0x0  }
0xa9: {  	s6 =	sshll.u32 s28, $0x1;
	[dreg:$0x2] =	wrdreg s4  }
0xaa: {  	[dreg:$0x3] =	wrdreg s6  }
0xab: {  	[dreg:$0x4] =	wrdreg $0xC0  }
0xac: {  	_ =	task [dreg:s8], $0x5FFFF  }
0xad: {  	[dreg:$0x1] =	wrdreg $0xFFFFFFFF  }
0xae: {  	[dreg:$0x0] =	wrdreg $0x60  }
0xaf: {  	[dreg:$0x2] =	wrdreg s2  }
0xb0: {  	[dreg:$0x3] =	wrdreg s24  }
0xb1: {  	[dreg:$0x4] =	wrdreg s18  }
0xb2: {  	[dreg:$0x5] =	wrdreg $0x9  }
0xb3: {  	_ =	task.clear_ibuf [dreg:s8], $0x6FFFF;
	_ =	strace $0x90000046  }
0xb4: {  	s29 =	simm.s32 $0x9;
	_ =	strace $0x80000048  }
0xb5: {  	_ =	swait.ge [sflag:s29], $0x1  }
0xb6: {  	[sflag:s29] =	ssyncadd.s32 $0xFFFFFFFF  }
0xb7: {  	_ =	strace $0x90000048  }
0xb8: {  	_ =	sfence  }
0xb9: {  	s30 =	sld [smem:$0x0];
	_ =	sdelay $0x2  }
0xba: {  	s31 =	sshll.u32 s1, $0xD;
	s1 =	sshrl.u32 s1, $0x2  }
0xbb: {  	s3 =	sand.u32 $0x4000, s31;
	s1 =	sadd.s32 s1, s30  }
0xbc: {  	s0 =	sor.u32 s3, s0;
	s1 =	sshll.u32 s1, $0x11  }
0xbd: {  	s0 =	sor.u32 s1, s0  }
0xbe: {  	s0 =	sadd.s32 $0x8F2B, s0  }
0xbf: {  	[sflag:s0] =	ssyncadd.remote.s32 $0x1  }
0xc0: {  	_ =	sfence.sel $0xFFFF  }
0xc1: {  	[dreg:$0x0] =	wrdreg $0xFFFFFFFF;
	(pc) =	sbr.abs _section_cstart, $3  }
0xc2: {  	[dreg:$0x1] =	wrdreg $0xFFFFFFFF  }
0xc3: {  	_ =	task.clear_ibuf [dreg:s8], $0x2FFFF;
	_ =	strace $0x9FFFFFFF  }
0xc4: {  	(tm) =	ssettm $0x7FFFFFFF  }
0xc5: {  	_ =	shalt  }
tec
execute0_lowered:
.L_overlay_start_1:
0x0: {  	(tag) =	ssettag $0x1  }
0x1: {  	s5 =	rddreg [dreg:$0x1]  }
0x2: {  	s7 =	rddreg [dreg:$0x2];
	s4 =	simm.s32 $0x0  }
0x3: {  	s0 =	srdreg.scid;
	[smem:$0x7FF] =	sst s4;
	s15 =	sadd.s32 $0x10, s5  }
0x4: {  	s16 =	sadd.s32 $0x20, s5;
	_ =	strace $0x80000047;
	[dreg:$0x5] =	wrdreg s15  }
0x5: {  	s3 =	stileid.u32;
	s17 =	sadd.s32 $0x30, s5;
	[dreg:$0x6] =	wrdreg s16  }
0x6: {  	s29 =	simm.s32 $0x3;
	s18 =	sadd.s32 $0x40, s5;
	[dreg:$0x7] =	wrdreg s17  }
0x7: {  	s0 =	sand.u32 $0x1, s0;
	s19 =	sadd.s32 $0x50, s5;
	[dreg:$0x8] =	wrdreg s18  }
0x8: {  	s6 =	sadd.s32 $0xA1000, s5;
	s20 =	sadd.s32 $0x60, s5;
	[dreg:$0x9] =	wrdreg s19  }
0x9: {  	s3 =	sshll.u32 s3, $0x8;
	s21 =	sadd.s32 $0x70, s5;
	[dreg:$0xa] =	wrdreg s20  }
0xa: {  	s8 =	sadd.s32 $0x1000, s5;
	s22 =	sadd.s32 $0x10000, s7;
	[dreg:$0xb] =	wrdreg s21  }
0xb: {  	s23 =	sadd.s32 $0x20000, s7;
	s24 =	sadd.s32 $0x30000, s7;
	[dreg:$0xc] =	wrdreg s22  }
0xc: {  	s25 =	sadd.s32 $0x40000, s7;
	s26 =	sadd.s32 $0x50000, s7;
	[dreg:$0xd] =	wrdreg s23  }
0xd: {  	s28 =	sadd.s32 $0x60000, s7;
	s31 =	sadd.s32 $0x70000, s7;
	[dreg:$0xe] =	wrdreg s24  }
0xe: {  	s1 =	ssub.s32 $0x2, s0;
	s0 =	sshll.u32 s0, $0x7;
	[dreg:$0xf] =	wrdreg s25  }
0xf: {  	s16 =	sadd.s32 $0xA1100, s5;
	s17 =	sadd.s32 $0xA1200, s5;
	[dreg:$0x10] =	wrdreg s26  }
0x10: {  	s18 =	sadd.s32 $0xA1300, s5;
	[dreg:$0x11] =	wrdreg s28;
	s2 =	sshrl.u32 s1, $0x1  }
0x11: {  	v2 =	vlaneseq.u32;
	[dreg:$0x13] =	wrdreg s31;
	s0 =	sor.u32 s0, s3;
	s1 =	ssub.s32 s1, s2  }
0x12: {  	vm0 =	vmmov $0xffff;
	v1 =	vshrl.u32 v2, $0x3;
	s22 =	simm.s32 $0x2;
	[dreg:$0x4] =	wrdreg s0;
	s30 =	smax.u32 s1, $0x1  }
0x13: {  	v0 =	vand.u32 $0x7, v2;
	v2 =	vor.u32 $0x8, v2;
	v1 =	vmul.u32 $0x8, v1;
	s0 =	simm.s32 $0x0;
	s1 =	simm.s32 $0x4400;
	[dreg:$0x12] =	wrdreg s30  }
.LBB2_1:
0x14: {  	[dreg:$0x14] =	wrdreg s0;
	p0 =	por $0x1, $0x1;
	s23 =	simm.s32 $0x0  }
.LBB2_2:
0x15: {  	s24 =	sshll.u32 s23, $0x6;
	s14 =	rddreg [dreg:$0x4]  }
0x16: {  	s0 =	sor.u32 s14, s24  }
0x17: {  	s13 =	rddreg [dreg:$0x0];
	s24 =	sshll.u32 s0, $0x7  }
0x18: {  	[dreg:$0x15] =	wrdreg s0;
	s24 =	sadd.s32 s13, s24  }
0x19: {  	[tilespmem:s1], [sflag:$0x3] =	stream.linear.gather [hbm4b:s24+s4], $0x10000, $0x38;
	[tilespmem:$0x14400] =	vst v63  }
0x1a: {  	_ =	swait.ge [sflag:s29], $0x10000  }
0x1b: {  	[sflag:s29] =	ssyncset.done $0x0  }
0x1c: {  	s9 =	sshll.u32 s23, $0x3;
	[sflag:s29] =	ssyncadd.s32 $0xFFFF0000  }
0x1d: {  	s23 =	sor.u32 s14, s9;
	s10 =	rddreg [dreg:$0x1]  }
0x1e: {  	s11 =	sadd.s32 s10, s23  }
0x1f: {  	[tilespmem:s4], [sflag:$0x3] =	stream.linear.gather [hbm4b:s11+s4], $0x40, $0x38;
	[tilespmem:$0x14400] =	vst v63  }
0x20: {  	_ =	swait.ge [sflag:s29], $0x40  }
0x21: {  	[sflag:s29] =	ssyncset.done $0x0;
	s12 =	rddreg [dreg:$0x5]  }
0x22: {  	s15 =	simm.s32 $0x80;
	[sflag:s29] =	ssyncadd.s32 $0xFFFFFFC0;
	s14 =	sadd.s32 s23, s12  }
0x23: {  	[tilespmem:s15], [sflag:$0x3] =	stream.linear.gather [hbm4b:s14+s4], $0x40, $0x38;
	[tilespmem:$0x14400] =	vst v63  }
0x24: {  	_ =	swait.ge [sflag:s29], $0x40  }
0x25: {  	[sflag:s29] =	ssyncset.done $0x0;
	s19 =	rddreg [dreg:$0x6]  }
0x26: {  	s21 =	simm.s32 $0x100;
	[sflag:s29] =	ssyncadd.s32 $0xFFFFFFC0;
	s20 =	sadd.s32 s23, s19  }
0x27: {  	[tilespmem:s21], [sflag:$0x3] =	stream.linear.gather [hbm4b:s20+s4], $0x40, $0x38;
	[tilespmem:$0x14400] =	vst v63  }
0x28: {  	_ =	swait.ge [sflag:s29], $0x40  }
0x29: {  	[sflag:s29] =	ssyncset.done $0x0;
	s24 =	rddreg [dreg:$0x7]  }
0x2a: {  	s26 =	simm.s32 $0x180;
	[sflag:s29] =	ssyncadd.s32 $0xFFFFFFC0;
	s25 =	sadd.s32 s23, s24  }
0x2b: {  	[tilespmem:s26], [sflag:$0x3] =	stream.linear.gather [hbm4b:s25+s4], $0x40, $0x38;
	[tilespmem:$0x14400] =	vst v63  }
0x2c: {  	_ =	swait.ge [sflag:s29], $0x40  }
0x2d: {  	[sflag:s29] =	ssyncset.done $0x0;
	s28 =	rddreg [dreg:$0x8]  }
0x2e: {  	s31 =	simm.s32 $0x200;
	[sflag:s29] =	ssyncadd.s32 $0xFFFFFFC0;
	s30 =	sadd.s32 s23, s28  }
0x2f: {  	[tilespmem:s31], [sflag:$0x3] =	stream.linear.gather [hbm4b:s30+s4], $0x40, $0x38;
	[tilespmem:$0x14400] =	vst v63  }
0x30: {  	_ =	swait.ge [sflag:s29], $0x40  }
0x31: {  	[sflag:s29] =	ssyncset.done $0x0;
	s0 =	rddreg [dreg:$0x9]  }
0x32: {  	s3 =	simm.s32 $0x280;
	[sflag:s29] =	ssyncadd.s32 $0xFFFFFFC0;
	s2 =	sadd.s32 s23, s0  }
0x33: {  	[tilespmem:s3], [sflag:$0x3] =	stream.linear.gather [hbm4b:s2+s4], $0x40, $0x38;
	[tilespmem:$0x14400] =	vst v63  }
0x34: {  	_ =	swait.ge [sflag:s29], $0x40  }
0x35: {  	[sflag:s29] =	ssyncset.done $0x0;
	s5 =	rddreg [dreg:$0xa]  }
0x36: {  	s9 =	simm.s32 $0x300;
	[sflag:s29] =	ssyncadd.s32 $0xFFFFFFC0;
	s7 =	sadd.s32 s23, s5  }
0x37: {  	[tilespmem:s9], [sflag:$0x3] =	stream.linear.gather [hbm4b:s7+s4], $0x40, $0x38;
	[tilespmem:$0x14400] =	vst v63  }
0x38: {  	_ =	swait.ge [sflag:s29], $0x40  }
0x39: {  	[sflag:s29] =	ssyncset.done $0x0;
	s10 =	rddreg [dreg:$0xb]  }
0x3a: {  	s11 =	simm.s32 $0x380;
	[sflag:s29] =	ssyncadd.s32 $0xFFFFFFC0;
	s23 =	sadd.s32 s23, s10  }
0x3b: {  	[tilespmem:s11], [sflag:$0x3] =	stream.linear.gather [hbm4b:s23+s4], $0x40, $0x38;
	[tilespmem:$0x14400] =	vst v63  }
0x3c: {  	_ =	swait.ge [sflag:s29], $0x40  }
0x3d: {  	[sflag:s29] =	ssyncset.done $0x0  }
0x3e: {  	[sflag:s29] =	ssyncadd.s32 $0xFFFFFFC0  }
0x3f: {  	v3 =	vld [tilespmem:$0x0];
	_ =	sdelay $0x4  }
0x40: {  	v4 =	vshll.u32 v3, $0x3  }
0x41: {  	v3 =	vand.u32 $0x7, v3;
	v4 =	vand.u32 $0xFFFFFFC0, v4  }
0x42: {  	v3 =	vor.u32 v3, v4  }
0x43: {  	v4 =	vperm.xlane v3, v0;
	_ =	sdelay $0x1  }
0x44: {  	v4 =	vadd.s32 v1, v4;
	_ =	sdelay $0x4  }
0x45: {  	[hbm4b:s6+s4] =	stream.indirect_vreg.scatter [tilespmem:s1], [sflag:$0x1], $0x80, v4, vm0, $0xb8;
	[tilespmem:$0x14400] =	vst v63  }
0x46: {  	s12 =	simm.s32 $0x4C00;
	v3 =	vperm.xlane v3, v2  }
0x47: {  	[hbm4b:s16+s4] =	stream.indirect_vreg.scatter [tilespmem:s12], [sflag:$0x1], $0x80, v4, vm0, $0xb8;
	[tilespmem:$0x14400] =	vst v63  }
0x48: {  	s13 =	simm.s32 $0x5400;
	v3 =	vadd.s32 v1, v3  }
0x49: {  	[hbm4b:s17+s4] =	stream.indirect_vreg.scatter [tilespmem:s13], [sflag:$0x1], $0x80, v4, vm0, $0xb8;
	[tilespmem:$0x14400] =	vst v63  }
0x4a: {  	s14 =	simm.s32 $0x5C00  }
0x4b: {  	[hbm4b:s18+s4] =	stream.indirect_vreg.scatter [tilespmem:s14], [sflag:$0x1], $0x80, v4, vm0, $0xb8;
	[tilespmem:$0x14400] =	vst v63  }
0x4c: {  	s15 =	simm.s32 $0x6400  }
0x4d: {  	[hbm4b:s6+s4] =	stream.indirect_vreg.scatter [tilespmem:s15], [sflag:$0x1], $0x80, v3, vm0, $0xb8;
	[tilespmem:$0x14400] =	vst v63  }
0x4e: {  	s19 =	simm.s32 $0x6C00  }
0x4f: {  	[hbm4b:s16+s4] =	stream.indirect_vreg.scatter [tilespmem:s19], [sflag:$0x1], $0x80, v3, vm0, $0xb8;
	[tilespmem:$0x14400] =	vst v63  }
0x50: {  	s20 =	simm.s32 $0x7400  }
0x51: {  	[hbm4b:s17+s4] =	stream.indirect_vreg.scatter [tilespmem:s20], [sflag:$0x1], $0x80, v3, vm0, $0xb8;
	[tilespmem:$0x14400] =	vst v63  }
0x52: {  	s21 =	simm.s32 $0x7C00  }
0x53: {  	[hbm4b:s18+s4] =	stream.indirect_vreg.scatter [tilespmem:s21], [sflag:$0x1], $0x80, v3, vm0, $0xb8;
	[tilespmem:$0x14400] =	vst v63  }
0x54: {  	v3 =	vld [tilespmem:$0x10];
	_ =	sdelay $0x4  }
0x55: {  	v33 =	vshll.u32 v3, $0x3  }
0x56: {  	v3 =	vand.u32 $0x7, v3;
	v4 =	vand.u32 $0xFFFFFFC0, v33  }
0x57: {  	v3 =	vor.u32 v3, v4  }
0x58: {  	v4 =	vperm.xlane v3, v0;
	_ =	sdelay $0x1  }
0x59: {  	v4 =	vadd.s32 v1, v4;
	_ =	sdelay $0x3  }
0x5a: {  	s23 =	simm.s32 $0x8400  }
0x5b: {  	[hbm4b:s6+s4] =	stream.indirect_vreg.scatter [tilespmem:s23], [sflag:$0x1], $0x80, v4, vm0, $0xb8;
	[tilespmem:$0x14400] =	vst v63  }
0x5c: {  	s24 =	simm.s32 $0x8C00;
	v3 =	vperm.xlane v3, v2  }
0x5d: {  	[hbm4b:s16+s4] =	stream.indirect_vreg.scatter [tilespmem:s24], [sflag:$0x1], $0x80, v4, vm0, $0xb8;
	[tilespmem:$0x14400] =	vst v63  }
0x5e: {  	s26 =	simm.s32 $0x9400;
	v3 =	vadd.s32 v1, v3  }
0x5f: {  	[hbm4b:s17+s4] =	stream.indirect_vreg.scatter [tilespmem:s26], [sflag:$0x1], $0x80, v4, vm0, $0xb8;
	[tilespmem:$0x14400] =	vst v63  }
0x60: {  	s28 =	simm.s32 $0x9C00  }
0x61: {  	[hbm4b:s18+s4] =	stream.indirect_vreg.scatter [tilespmem:s28], [sflag:$0x1], $0x80, v4, vm0, $0xb8;
	[tilespmem:$0x14400] =	vst v63  }
0x62: {  	s30 =	simm.s32 $0xA400  }
0x63: {  	[hbm4b:s6+s4] =	stream.indirect_vreg.scatter [tilespmem:s30], [sflag:$0x1], $0x80, v3, vm0, $0xb8;
	[tilespmem:$0x14400] =	vst v63  }
0x64: {  	s11 =	simm.s32 $0xAC00  }
0x65: {  	[hbm4b:s16+s4] =	stream.indirect_vreg.scatter [tilespmem:s11], [sflag:$0x1], $0x80, v3, vm0, $0xb8;
	[tilespmem:$0x14400] =	vst v63  }
0x66: {  	s12 =	simm.s32 $0xB400  }
0x67: {  	[hbm4b:s17+s4] =	stream.indirect_vreg.scatter [tilespmem:s12], [sflag:$0x1], $0x80, v3, vm0, $0xb8;
	[tilespmem:$0x14400] =	vst v63  }
0x68: {  	s13 =	simm.s32 $0xBC00  }
0x69: {  	[hbm4b:s18+s4] =	stream.indirect_vreg.scatter [tilespmem:s13], [sflag:$0x1], $0x80, v3, vm0, $0xb8;
	[tilespmem:$0x14400] =	vst v63  }
0x6a: {  	v3 =	vld [tilespmem:$0x20];
	_ =	sdelay $0x4  }
0x6b: {  	v34 =	vshll.u32 v3, $0x3  }
0x6c: {  	v3 =	vand.u32 $0x7, v3;
	v4 =	vand.u32 $0xFFFFFFC0, v34  }
0x6d: {  	v3 =	vor.u32 v3, v4  }
0x6e: {  	v4 =	vperm.xlane v3, v0;
	_ =	sdelay $0x1  }
0x6f: {  	v4 =	vadd.s32 v1, v4;
	_ =	sdelay $0x3  }
0x70: {  	s14 =	simm.s32 $0xC400  }
0x71: {  	[hbm4b:s6+s4] =	stream.indirect_vreg.scatter [tilespmem:s14], [sflag:$0x1], $0x80, v4, vm0, $0xb8;
	[tilespmem:$0x14400] =	vst v63  }
0x72: {  	s19 =	simm.s32 $0xCC00;
	v3 =	vperm.xlane v3, v2  }
0x73: {  	[hbm4b:s16+s4] =	stream.indirect_vreg.scatter [tilespmem:s19], [sflag:$0x1], $0x80, v4, vm0, $0xb8;
	[tilespmem:$0x14400] =	vst v63  }
0x74: {  	s20 =	simm.s32 $0xD400;
	v3 =	vadd.s32 v1, v3  }
0x75: {  	[hbm4b:s17+s4] =	stream.indirect_vreg.scatter [tilespmem:s20], [sflag:$0x1], $0x80, v4, vm0, $0xb8;
	[tilespmem:$0x14400] =	vst v63  }
0x76: {  	s21 =	simm.s32 $0xDC00  }
0x77: {  	[hbm4b:s18+s4] =	stream.indirect_vreg.scatter [tilespmem:s21], [sflag:$0x1], $0x80, v4, vm0, $0xb8;
	[tilespmem:$0x14400] =	vst v63  }
0x78: {  	s23 =	simm.s32 $0xE400  }
0x79: {  	[hbm4b:s6+s4] =	stream.indirect_vreg.scatter [tilespmem:s23], [sflag:$0x1], $0x80, v3, vm0, $0xb8;
	[tilespmem:$0x14400] =	vst v63  }
0x7a: {  	s24 =	simm.s32 $0xEC00  }
0x7b: {  	[hbm4b:s16+s4] =	stream.indirect_vreg.scatter [tilespmem:s24], [sflag:$0x1], $0x80, v3, vm0, $0xb8;
	[tilespmem:$0x14400] =	vst v63  }
0x7c: {  	s26 =	simm.s32 $0xF400  }
0x7d: {  	[hbm4b:s17+s4] =	stream.indirect_vreg.scatter [tilespmem:s26], [sflag:$0x1], $0x80, v3, vm0, $0xb8;
	[tilespmem:$0x14400] =	vst v63  }
0x7e: {  	s30 =	simm.s32 $0xFC00  }
0x7f: {  	[hbm4b:s18+s4] =	stream.indirect_vreg.scatter [tilespmem:s30], [sflag:$0x1], $0x80, v3, vm0, $0xb8;
	[tilespmem:$0x14400] =	vst v63  }
0x80: {  	v3 =	vld [tilespmem:$0x30];
	_ =	sdelay $0x4  }
0x81: {  	v35 =	vshll.u32 v3, $0x3  }
0x82: {  	v3 =	vand.u32 $0x7, v3;
	v4 =	vand.u32 $0xFFFFFFC0, v35  }
0x83: {  	v3 =	vor.u32 v3, v4  }
0x84: {  	v4 =	vperm.xlane v3, v0;
	_ =	sdelay $0x1  }
0x85: {  	v4 =	vadd.s32 v1, v4;
	_ =	sdelay $0x3  }
0x86: {  	s19 =	simm.s32 $0x10400  }
0x87: {  	[hbm4b:s6+s4] =	stream.indirect_vreg.scatter [tilespmem:s19], [sflag:$0x1], $0x80, v4, vm0, $0xb8;
	[tilespmem:$0x14400] =	vst v63  }
0x88: {  	s21 =	simm.s32 $0x10C00;
	v3 =	vperm.xlane v3, v2  }
0x89: {  	[hbm4b:s16+s4] =	stream.indirect_vreg.scatter [tilespmem:s21], [sflag:$0x1], $0x80, v4, vm0, $0xb8;
	[tilespmem:$0x14400] =	vst v63  }
0x8a: {  	s23 =	simm.s32 $0x11400;
	v3 =	vadd.s32 v1, v3  }
0x8b: {  	[hbm4b:s17+s4] =	stream.indirect_vreg.scatter [tilespmem:s23], [sflag:$0x1], $0x80, v4, vm0, $0xb8;
	[tilespmem:$0x14400] =	vst v63  }
0x8c: {  	s24 =	simm.s32 $0x11C00  }
0x8d: {  	[hbm4b:s18+s4] =	stream.indirect_vreg.scatter [tilespmem:s24], [sflag:$0x1], $0x80, v4, vm0, $0xb8;
	[tilespmem:$0x14400] =	vst v63  }
0x8e: {  	s19 =	simm.s32 $0x12400  }
0x8f: {  	[hbm4b:s6+s4] =	stream.indirect_vreg.scatter [tilespmem:s19], [sflag:$0x1], $0x80, v3, vm0, $0xb8;
	[tilespmem:$0x14400] =	vst v63  }
0x90: {  	s23 =	simm.s32 $0x12C00  }
0x91: {  	[hbm4b:s16+s4] =	stream.indirect_vreg.scatter [tilespmem:s23], [sflag:$0x1], $0x80, v3, vm0, $0xb8;
	[tilespmem:$0x14400] =	vst v63  }
0x92: {  	s24 =	simm.s32 $0x13400  }
0x93: {  	[hbm4b:s17+s4] =	stream.indirect_vreg.scatter [tilespmem:s24], [sflag:$0x1], $0x80, v3, vm0, $0xb8;
	[tilespmem:$0x14400] =	vst v63  }
0x94: {  	s19 =	simm.s32 $0x13C00  }
0x95: {  	[hbm4b:s18+s4] =	stream.indirect_vreg.scatter [tilespmem:s19], [sflag:$0x1], $0x80, v3, vm0, $0xb8;
	[tilespmem:$0x14400] =	vst v63  }
0x96: {  	v3 =	vld [tilespmem:$0x80];
	_ =	sdelay $0x4  }
0x97: {  	v36 =	vshll.u32 v3, $0x3  }
0x98: {  	v3 =	vand.u32 $0x7, v3;
	v4 =	vand.u32 $0xFFFFFFC0, v36  }
0x99: {  	v3 =	vor.u32 v3, v4  }
0x9a: {  	v4 =	vperm.xlane v3, v0;
	_ =	sdelay $0x1  }
0x9b: {  	v4 =	vadd.s32 v1, v4;
	_ =	sdelay $0x3  }
0x9c: {  	s24 =	simm.s32 $0x4400  }
0x9d: {  	[hbm4b:s6+s4] =	stream.indirect_vreg.scatter [tilespmem:s24], [sflag:$0x1], $0x80, v4, vm0, $0xb8;
	[tilespmem:$0x14400] =	vst v63  }
0x9e: {  	s7 =	simm.s32 $0x4C00;
	v3 =	vperm.xlane v3, v2  }
0x9f: {  	[hbm4b:s16+s4] =	stream.indirect_vreg.scatter [tilespmem:s7], [sflag:$0x1], $0x80, v4, vm0, $0xb8;
	[tilespmem:$0x14400] =	vst v63  }
0xa0: {  	s10 =	simm.s32 $0x5400;
	v3 =	vadd.s32 v1, v3  }
0xa1: {  	[hbm4b:s17+s4] =	stream.indirect_vreg.scatter [tilespmem:s10], [sflag:$0x1], $0x80, v4, vm0, $0xb8;
	[tilespmem:$0x14400] =	vst v63  }
0xa2: {  	s9 =	simm.s32 $0x5C00  }
0xa3: {  	[hbm4b:s18+s4] =	stream.indirect_vreg.scatter [tilespmem:s9], [sflag:$0x1], $0x80, v4, vm0, $0xb8;
	[tilespmem:$0x14400] =	vst v63  }
0xa4: {  	s5 =	simm.s32 $0x6400  }
0xa5: {  	[hbm4b:s6+s4] =	stream.indirect_vreg.scatter [tilespmem:s5], [sflag:$0x1], $0x80, v3, vm0, $0xb8;
	[tilespmem:$0x14400] =	vst v63  }
0xa6: {  	s3 =	simm.s32 $0x6C00  }
0xa7: {  	[hbm4b:s16+s4] =	stream.indirect_vreg.scatter [tilespmem:s3], [sflag:$0x1], $0x80, v3, vm0, $0xb8;
	[tilespmem:$0x14400] =	vst v63  }
0xa8: {  	s2 =	simm.s32 $0x7400  }
0xa9: {  	[hbm4b:s17+s4] =	stream.indirect_vreg.scatter [tilespmem:s2], [sflag:$0x1], $0x80, v3, vm0, $0xb8;
	[tilespmem:$0x14400] =	vst v63  }
0xaa: {  	s1 =	simm.s32 $0x7C00  }
0xab: {  	[hbm4b:s18+s4] =	stream.indirect_vreg.scatter [tilespmem:s1], [sflag:$0x1], $0x80, v3, vm0, $0xb8;
	[tilespmem:$0x14400] =	vst v63  }
0xac: {  	v3 =	vld [tilespmem:$0x90];
	_ =	sdelay $0x4  }
0xad: {  	v37 =	vshll.u32 v3, $0x3  }
0xae: {  	v3 =	vand.u32 $0x7, v3;
	v4 =	vand.u32 $0xFFFFFFC0, v37  }
0xaf: {  	v3 =	vor.u32 v3, v4  }
0xb0: {  	v4 =	vperm.xlane v3, v0;
	_ =	sdelay $0x1  }
0xb1: {  	v4 =	vadd.s32 v1, v4;
	_ =	sdelay $0x3  }
0xb2: {  	s25 =	simm.s32 $0x8400  }
0xb3: {  	[hbm4b:s6+s4] =	stream.indirect_vreg.scatter [tilespmem:s25], [sflag:$0x1], $0x80, v4, vm0, $0xb8;
	[tilespmem:$0x14400] =	vst v63  }
0xb4: {  	s31 =	simm.s32 $0x8C00;
	v3 =	vperm.xlane v3, v2  }
0xb5: {  	[hbm4b:s16+s4] =	stream.indirect_vreg.scatter [tilespmem:s31], [sflag:$0x1], $0x80, v4, vm0, $0xb8;
	[tilespmem:$0x14400] =	vst v63  }
0xb6: {  	v3 =	vadd.s32 v1, v3;
	s31 =	simm.s32 $0x9400  }
0xb7: {  	[hbm4b:s17+s4] =	stream.indirect_vreg.scatter [tilespmem:s31], [sflag:$0x1], $0x80, v4, vm0, $0xb8;
	[tilespmem:$0x14400] =	vst v63  }
0xb8: {  	s1 =	simm.s32 $0x9C00  }
0xb9: {  	[hbm4b:s18+s4] =	stream.indirect_vreg.scatter [tilespmem:s1], [sflag:$0x1], $0x80, v4, vm0, $0xb8;
	[tilespmem:$0x14400] =	vst v63  }
0xba: {  	s2 =	simm.s32 $0xA400  }
0xbb: {  	[hbm4b:s6+s4] =	stream.indirect_vreg.scatter [tilespmem:s2], [sflag:$0x1], $0x80, v3, vm0, $0xb8;
	[tilespmem:$0x14400] =	vst v63  }
0xbc: {  	s3 =	simm.s32 $0xAC00  }
0xbd: {  	[hbm4b:s16+s4] =	stream.indirect_vreg.scatter [tilespmem:s3], [sflag:$0x1], $0x80, v3, vm0, $0xb8;
	[tilespmem:$0x14400] =	vst v63  }
0xbe: {  	s5 =	simm.s32 $0xB400  }
0xbf: {  	[hbm4b:s17+s4] =	stream.indirect_vreg.scatter [tilespmem:s5], [sflag:$0x1], $0x80, v3, vm0, $0xb8;
	[tilespmem:$0x14400] =	vst v63  }
0xc0: {  	s15 =	simm.s32 $0xBC00  }
0xc1: {  	[hbm4b:s18+s4] =	stream.indirect_vreg.scatter [tilespmem:s15], [sflag:$0x1], $0x80, v3, vm0, $0xb8;
	[tilespmem:$0x14400] =	vst v63  }
0xc2: {  	v3 =	vld [tilespmem:$0xA0];
	_ =	sdelay $0x4  }
0xc3: {  	v38 =	vshll.u32 v3, $0x3  }
0xc4: {  	v3 =	vand.u32 $0x7, v3;
	v4 =	vand.u32 $0xFFFFFFC0, v38  }
0xc5: {  	v3 =	vor.u32 v3, v4  }
0xc6: {  	v4 =	vperm.xlane v3, v0;
	_ =	sdelay $0x1  }
0xc7: {  	v4 =	vadd.s32 v1, v4;
	_ =	sdelay $0x3  }
0xc8: {  	s13 =	simm.s32 $0xC400  }
0xc9: {  	[hbm4b:s6+s4] =	stream.indirect_vreg.scatter [tilespmem:s13], [sflag:$0x1], $0x80, v4, vm0, $0xb8;
	[tilespmem:$0x14400] =	vst v63  }
0xca: {  	s14 =	simm.s32 $0xCC00;
	v3 =	vperm.xlane v3, v2  }
0xcb: {  	[hbm4b:s16+s4] =	stream.indirect_vreg.scatter [tilespmem:s14], [sflag:$0x1], $0x80, v4, vm0, $0xb8;
	[tilespmem:$0x14400] =	vst v63  }
0xcc: {  	s20 =	simm.s32 $0xD400;
	v3 =	vadd.s32 v1, v3  }
0xcd: {  	[hbm4b:s17+s4] =	stream.indirect_vreg.scatter [tilespmem:s20], [sflag:$0x1], $0x80, v4, vm0, $0xb8;
	[tilespmem:$0x14400] =	vst v63  }
0xce: {  	s10 =	simm.s32 $0xDC00  }
0xcf: {  	[hbm4b:s18+s4] =	stream.indirect_vreg.scatter [tilespmem:s10], [sflag:$0x1], $0x80, v4, vm0, $0xb8;
	[tilespmem:$0x14400] =	vst v63  }
0xd0: {  	s28 =	simm.s32 $0xE400  }
0xd1: {  	[hbm4b:s6+s4] =	stream.indirect_vreg.scatter [tilespmem:s28], [sflag:$0x1], $0x80, v3, vm0, $0xb8;
	[tilespmem:$0x14400] =	vst v63  }
0xd2: {  	s11 =	simm.s32 $0xEC00  }
0xd3: {  	[hbm4b:s16+s4] =	stream.indirect_vreg.scatter [tilespmem:s11], [sflag:$0x1], $0x80, v3, vm0, $0xb8;
	[tilespmem:$0x14400] =	vst v63  }
0xd4: {  	s12 =	simm.s32 $0xF400  }
0xd5: {  	[hbm4b:s17+s4] =	stream.indirect_vreg.scatter [tilespmem:s12], [sflag:$0x1], $0x80, v3, vm0, $0xb8;
	[tilespmem:$0x14400] =	vst v63  }
0xd6: {  	s26 =	simm.s32 $0xFC00  }
0xd7: {  	[hbm4b:s18+s4] =	stream.indirect_vreg.scatter [tilespmem:s26], [sflag:$0x1], $0x80, v3, vm0, $0xb8;
	[tilespmem:$0x14400] =	vst v63  }
0xd8: {  	v3 =	vld [tilespmem:$0xB0];
	_ =	sdelay $0x4  }
0xd9: {  	v39 =	vshll.u32 v3, $0x3  }
0xda: {  	v3 =	vand.u32 $0x7, v3;
	v4 =	vand.u32 $0xFFFFFFC0, v39  }
0xdb: {  	v3 =	vor.u32 v3, v4  }
0xdc: {  	v4 =	vperm.xlane v3, v0;
	_ =	sdelay $0x1  }
0xdd: {  	v4 =	vadd.s32 v1, v4;
	_ =	sdelay $0x3  }
0xde: {  	s30 =	simm.s32 $0x10400  }
0xdf: {  	[hbm4b:s6+s4] =	stream.indirect_vreg.scatter [tilespmem:s30], [sflag:$0x1], $0x80, v4, vm0, $0xb8;
	[tilespmem:$0x14400] =	vst v63  }
0xe0: {  	s21 =	simm.s32 $0x10C00;
	v3 =	vperm.xlane v3, v2  }
0xe1: {  	[hbm4b:s16+s4] =	stream.indirect_vreg.scatter [tilespmem:s21], [sflag:$0x1], $0x80, v4, vm0, $0xb8;
	[tilespmem:$0x14400] =	vst v63  }
0xe2: {  	s12 =	simm.s32 $0x11400;
	v3 =	vadd.s32 v1, v3  }
0xe3: {  	[hbm4b:s17+s4] =	stream.indirect_vreg.scatter [tilespmem:s12], [sflag:$0x1], $0x80, v4, vm0, $0xb8;
	[tilespmem:$0x14400] =	vst v63  }
0xe4: {  	s14 =	simm.s32 $0x11C00  }
0xe5: {  	[hbm4b:s18+s4] =	stream.indirect_vreg.scatter [tilespmem:s14], [sflag:$0x1], $0x80, v4, vm0, $0xb8;
	[tilespmem:$0x14400] =	vst v63  }
0xe6: {  	s21 =	simm.s32 $0x12400  }
0xe7: {  	[hbm4b:s6+s4] =	stream.indirect_vreg.scatter [tilespmem:s21], [sflag:$0x1], $0x80, v3, vm0, $0xb8;
	[tilespmem:$0x14400] =	vst v63  }
0xe8: {  	s28 =	simm.s32 $0x12C00  }
0xe9: {  	[hbm4b:s16+s4] =	stream.indirect_vreg.scatter [tilespmem:s28], [sflag:$0x1], $0x80, v3, vm0, $0xb8;
	[tilespmem:$0x14400] =	vst v63  }
0xea: {  	s23 =	simm.s32 $0x13400  }
0xeb: {  	[hbm4b:s17+s4] =	stream.indirect_vreg.scatter [tilespmem:s23], [sflag:$0x1], $0x80, v3, vm0, $0xb8;
	[tilespmem:$0x14400] =	vst v63  }
0xec: {  	s19 =	simm.s32 $0x13C00  }
0xed: {  	[hbm4b:s18+s4] =	stream.indirect_vreg.scatter [tilespmem:s19], [sflag:$0x1], $0x80, v3, vm0, $0xb8;
	[tilespmem:$0x14400] =	vst v63  }
0xee: {  	v3 =	vld [tilespmem:$0x100];
	_ =	sdelay $0x4  }
0xef: {  	v40 =	vshll.u32 v3, $0x3  }
0xf0: {  	v3 =	vand.u32 $0x7, v3;
	v4 =	vand.u32 $0xFFFFFFC0, v40  }
0xf1: {  	v3 =	vor.u32 v3, v4  }
0xf2: {  	v4 =	vperm.xlane v3, v0;
	_ =	sdelay $0x1  }
0xf3: {  	v4 =	vadd.s32 v1, v4;
	_ =	sdelay $0x3  }
0xf4: {  	s0 =	simm.s32 $0x4400  }
0xf5: {  	[hbm4b:s6+s4] =	stream.indirect_vreg.scatter [tilespmem:s0], [sflag:$0x1], $0x80, v4, vm0, $0xb8;
	[tilespmem:$0x14400] =	vst v63  }
0xf6: {  	v3 =	vperm.xlane v3, v2;
	s0 =	simm.s32 $0x4C00  }
0xf7: {  	[hbm4b:s16+s4] =	stream.indirect_vreg.scatter [tilespmem:s0], [sflag:$0x1], $0x80, v4, vm0, $0xb8;
	[tilespmem:$0x14400] =	vst v63  }
0xf8: {  	v3 =	vadd.s32 v1, v3;
	s0 =	simm.s32 $0x5400  }
0xf9: {  	[hbm4b:s17+s4] =	stream.indirect_vreg.scatter [tilespmem:s0], [sflag:$0x1], $0x80, v4, vm0, $0xb8;
	[tilespmem:$0x14400] =	vst v63  }
0xfa: {  	s0 =	simm.s32 $0x5C00  }
0xfb: {  	[hbm4b:s18+s4] =	stream.indirect_vreg.scatter [tilespmem:s0], [sflag:$0x1], $0x80, v4, vm0, $0xb8;
	[tilespmem:$0x14400] =	vst v63  }
0xfc: {  	s0 =	simm.s32 $0x6400  }
0xfd: {  	[hbm4b:s6+s4] =	stream.indirect_vreg.scatter [tilespmem:s0], [sflag:$0x1], $0x80, v3, vm0, $0xb8;
	[tilespmem:$0x14400] =	vst v63  }
0xfe: {  	s0 =	simm.s32 $0x6C00  }
0xff: {  	[hbm4b:s16+s4] =	stream.indirect_vreg.scatter [tilespmem:s0], [sflag:$0x1], $0x80, v3, vm0, $0xb8;
	[tilespmem:$0x14400] =	vst v63  }
0x100: {  	s0 =	simm.s32 $0x7400  }
0x101: {  	[hbm4b:s17+s4] =	stream.indirect_vreg.scatter [tilespmem:s0], [sflag:$0x1], $0x80, v3, vm0, $0xb8;
	[tilespmem:$0x14400] =	vst v63  }
0x102: {  	s0 =	simm.s32 $0x7C00  }
0x103: {  	[hbm4b:s18+s4] =	stream.indirect_vreg.scatter [tilespmem:s0], [sflag:$0x1], $0x80, v3, vm0, $0xb8;
	[tilespmem:$0x14400] =	vst v63  }
0x104: {  	v3 =	vld [tilespmem:$0x110];
	_ =	sdelay $0x4  }
0x105: {  	v41 =	vshll.u32 v3, $0x3  }
0x106: {  	v3 =	vand.u32 $0x7, v3;
	v4 =	vand.u32 $0xFFFFFFC0, v41  }
0x107: {  	v3 =	vor.u32 v3, v4  }
0x108: {  	v4 =	vperm.xlane v3, v0;
	_ =	sdelay $0x1  }
0x109: {  	v4 =	vadd.s32 v1, v4;
	_ =	sdelay $0x3  }
0x10a: {  	s9 =	simm.s32 $0x8400  }
0x10b: {  	[hbm4b:s6+s4] =	stream.indirect_vreg.scatter [tilespmem:s9], [sflag:$0x1], $0x80, v4, vm0, $0xb8;
	[tilespmem:$0x14400] =	vst v63  }
0x10c: {  	s24 =	simm.s32 $0x8C00;
	v3 =	vperm.xlane v3, v2  }
0x10d: {  	[hbm4b:s16+s4] =	stream.indirect_vreg.scatter [tilespmem:s24], [sflag:$0x1], $0x80, v4, vm0, $0xb8;
	[tilespmem:$0x14400] =	vst v63  }
0x10e: {  	s7 =	simm.s32 $0x9400;
	v3 =	vadd.s32 v1, v3  }
0x10f: {  	[hbm4b:s17+s4] =	stream.indirect_vreg.scatter [tilespmem:s7], [sflag:$0x1], $0x80, v4, vm0, $0xb8;
	[tilespmem:$0x14400] =	vst v63  }
0x110: {  	s1 =	simm.s32 $0x9C00  }
0x111: {  	[hbm4b:s18+s4] =	stream.indirect_vreg.scatter [tilespmem:s1], [sflag:$0x1], $0x80, v4, vm0, $0xb8;
	[tilespmem:$0x14400] =	vst v63  }
0x112: {  	s2 =	simm.s32 $0xA400  }
0x113: {  	[hbm4b:s6+s4] =	stream.indirect_vreg.scatter [tilespmem:s2], [sflag:$0x1], $0x80, v3, vm0, $0xb8;
	[tilespmem:$0x14400] =	vst v63  }
0x114: {  	s3 =	simm.s32 $0xAC00  }
0x115: {  	[hbm4b:s16+s4] =	stream.indirect_vreg.scatter [tilespmem:s3], [sflag:$0x1], $0x80, v3, vm0, $0xb8;
	[tilespmem:$0x14400] =	vst v63  }
0x116: {  	s5 =	simm.s32 $0xB400  }
0x117: {  	[hbm4b:s17+s4] =	stream.indirect_vreg.scatter [tilespmem:s5], [sflag:$0x1], $0x80, v3, vm0, $0xb8;
	[tilespmem:$0x14400] =	vst v63  }
0x118: {  	s31 =	simm.s32 $0xBC00  }
0x119: {  	[hbm4b:s18+s4] =	stream.indirect_vreg.scatter [tilespmem:s31], [sflag:$0x1], $0x80, v3, vm0, $0xb8;
	[tilespmem:$0x14400] =	vst v63  }
0x11a: {  	v3 =	vld [tilespmem:$0x120];
	_ =	sdelay $0x4  }
0x11b: {  	v42 =	vshll.u32 v3, $0x3  }
0x11c: {  	v3 =	vand.u32 $0x7, v3;
	v4 =	vand.u32 $0xFFFFFFC0, v42  }
0x11d: {  	v3 =	vor.u32 v3, v4  }
0x11e: {  	v4 =	vperm.xlane v3, v0;
	_ =	sdelay $0x1  }
0x11f: {  	v4 =	vadd.s32 v1, v4;
	_ =	sdelay $0x3  }
0x120: {  	s1 =	simm.s32 $0xC400  }
0x121: {  	[hbm4b:s6+s4] =	stream.indirect_vreg.scatter [tilespmem:s1], [sflag:$0x1], $0x80, v4, vm0, $0xb8;
	[tilespmem:$0x14400] =	vst v63  }
0x122: {  	s9 =	simm.s32 $0xCC00;
	v3 =	vperm.xlane v3, v2  }
0x123: {  	[hbm4b:s16+s4] =	stream.indirect_vreg.scatter [tilespmem:s9], [sflag:$0x1], $0x80, v4, vm0, $0xb8;
	[tilespmem:$0x14400] =	vst v63  }
0x124: {  	s20 =	simm.s32 $0xD400;
	v3 =	vadd.s32 v1, v3  }
0x125: {  	[hbm4b:s17+s4] =	stream.indirect_vreg.scatter [tilespmem:s20], [sflag:$0x1], $0x80, v4, vm0, $0xb8;
	[tilespmem:$0x14400] =	vst v63  }
0x126: {  	s10 =	simm.s32 $0xDC00  }
0x127: {  	[hbm4b:s18+s4] =	stream.indirect_vreg.scatter [tilespmem:s10], [sflag:$0x1], $0x80, v4, vm0, $0xb8;
	[tilespmem:$0x14400] =	vst v63  }
0x128: {  	s15 =	simm.s32 $0xE400  }
0x129: {  	[hbm4b:s6+s4] =	stream.indirect_vreg.scatter [tilespmem:s15], [sflag:$0x1], $0x80, v3, vm0, $0xb8;
	[tilespmem:$0x14400] =	vst v63  }
0x12a: {  	s25 =	simm.s32 $0xEC00  }
0x12b: {  	[hbm4b:s16+s4] =	stream.indirect_vreg.scatter [tilespmem:s25], [sflag:$0x1], $0x80, v3, vm0, $0xb8;
	[tilespmem:$0x14400] =	vst v63  }
0x12c: {  	s11 =	simm.s32 $0xF400  }
0x12d: {  	[hbm4b:s17+s4] =	stream.indirect_vreg.scatter [tilespmem:s11], [sflag:$0x1], $0x80, v3, vm0, $0xb8;
	[tilespmem:$0x14400] =	vst v63  }
0x12e: {  	s13 =	simm.s32 $0xFC00  }
0x12f: {  	[hbm4b:s18+s4] =	stream.indirect_vreg.scatter [tilespmem:s13], [sflag:$0x1], $0x80, v3, vm0, $0xb8;
	[tilespmem:$0x14400] =	vst v63  }
0x130: {  	v3 =	vld [tilespmem:$0x130];
	_ =	sdelay $0x4  }
0x131: {  	v43 =	vshll.u32 v3, $0x3  }
0x132: {  	v3 =	vand.u32 $0x7, v3;
	v4 =	vand.u32 $0xFFFFFFC0, v43  }
0x133: {  	v3 =	vor.u32 v3, v4  }
0x134: {  	v4 =	vperm.xlane v3, v0;
	_ =	sdelay $0x1  }
0x135: {  	v4 =	vadd.s32 v1, v4;
	_ =	sdelay $0x3  }
0x136: {  	s26 =	simm.s32 $0x10400  }
0x137: {  	[hbm4b:s6+s4] =	stream.indirect_vreg.scatter [tilespmem:s26], [sflag:$0x1], $0x80, v4, vm0, $0xb8;
	[tilespmem:$0x14400] =	vst v63  }
0x138: {  	s30 =	simm.s32 $0x10C00;
	v3 =	vperm.xlane v3, v2  }
0x139: {  	[hbm4b:s16+s4] =	stream.indirect_vreg.scatter [tilespmem:s30], [sflag:$0x1], $0x80, v4, vm0, $0xb8;
	[tilespmem:$0x14400] =	vst v63  }
0x13a: {  	s12 =	simm.s32 $0x11400;
	v3 =	vadd.s32 v1, v3  }
0x13b: {  	[hbm4b:s17+s4] =	stream.indirect_vreg.scatter [tilespmem:s12], [sflag:$0x1], $0x80, v4, vm0, $0xb8;
	[tilespmem:$0x14400] =	vst v63  }
0x13c: {  	s14 =	simm.s32 $0x11C00  }
0x13d: {  	[hbm4b:s18+s4] =	stream.indirect_vreg.scatter [tilespmem:s14], [sflag:$0x1], $0x80, v4, vm0, $0xb8;
	[tilespmem:$0x14400] =	vst v63  }
0x13e: {  	s21 =	simm.s32 $0x12400  }
0x13f: {  	[hbm4b:s6+s4] =	stream.indirect_vreg.scatter [tilespmem:s21], [sflag:$0x1], $0x80, v3, vm0, $0xb8;
	[tilespmem:$0x14400] =	vst v63  }
0x140: {  	s28 =	simm.s32 $0x12C00  }
0x141: {  	[hbm4b:s16+s4] =	stream.indirect_vreg.scatter [tilespmem:s28], [sflag:$0x1], $0x80, v3, vm0, $0xb8;
	[tilespmem:$0x14400] =	vst v63  }
0x142: {  	s23 =	simm.s32 $0x13400  }
0x143: {  	[hbm4b:s17+s4] =	stream.indirect_vreg.scatter [tilespmem:s23], [sflag:$0x1], $0x80, v3, vm0, $0xb8;
	[tilespmem:$0x14400] =	vst v63  }
0x144: {  	s19 =	simm.s32 $0x13C00  }
0x145: {  	[hbm4b:s18+s4] =	stream.indirect_vreg.scatter [tilespmem:s19], [sflag:$0x1], $0x80, v3, vm0, $0xb8;
	[tilespmem:$0x14400] =	vst v63  }
0x146: {  	v3 =	vld [tilespmem:$0x180];
	_ =	sdelay $0x4  }
0x147: {  	v44 =	vshll.u32 v3, $0x3  }
0x148: {  	v3 =	vand.u32 $0x7, v3;
	v4 =	vand.u32 $0xFFFFFFC0, v44  }
0x149: {  	v3 =	vor.u32 v3, v4  }
0x14a: {  	v4 =	vperm.xlane v3, v0;
	_ =	sdelay $0x1  }
0x14b: {  	v4 =	vadd.s32 v1, v4;
	_ =	sdelay $0x3  }
0x14c: {  	s28 =	simm.s32 $0x4400  }
0x14d: {  	[hbm4b:s6+s4] =	stream.indirect_vreg.scatter [tilespmem:s28], [sflag:$0x1], $0x80, v4, vm0, $0xb8;
	[tilespmem:$0x14400] =	vst v63  }
0x14e: {  	s21 =	simm.s32 $0x4C00;
	v3 =	vperm.xlane v3, v2  }
0x14f: {  	[hbm4b:s16+s4] =	stream.indirect_vreg.scatter [tilespmem:s21], [sflag:$0x1], $0x80, v4, vm0, $0xb8;
	[tilespmem:$0x14400] =	vst v63  }
0x150: {  	s23 =	simm.s32 $0x5400;
	v3 =	vadd.s32 v1, v3  }
0x151: {  	[hbm4b:s17+s4] =	stream.indirect_vreg.scatter [tilespmem:s23], [sflag:$0x1], $0x80, v4, vm0, $0xb8;
	[tilespmem:$0x14400] =	vst v63  }
0x152: {  	s28 =	simm.s32 $0x5C00  }
0x153: {  	[hbm4b:s18+s4] =	stream.indirect_vreg.scatter [tilespmem:s28], [sflag:$0x1], $0x80, v4, vm0, $0xb8;
	[tilespmem:$0x14400] =	vst v63  }
0x154: {  	s21 =	simm.s32 $0x6400  }
0x155: {  	[hbm4b:s6+s4] =	stream.indirect_vreg.scatter [tilespmem:s21], [sflag:$0x1], $0x80, v3, vm0, $0xb8;
	[tilespmem:$0x14400] =	vst v63  }
0x156: {  	s23 =	simm.s32 $0x6C00  }
0x157: {  	[hbm4b:s16+s4] =	stream.indirect_vreg.scatter [tilespmem:s23], [sflag:$0x1], $0x80, v3, vm0, $0xb8;
	[tilespmem:$0x14400] =	vst v63  }
0x158: {  	s28 =	simm.s32 $0x7400  }
0x159: {  	[hbm4b:s17+s4] =	stream.indirect_vreg.scatter [tilespmem:s28], [sflag:$0x1], $0x80, v3, vm0, $0xb8;
	[tilespmem:$0x14400] =	vst v63  }
0x15a: {  	s21 =	simm.s32 $0x7C00  }
0x15b: {  	[hbm4b:s18+s4] =	stream.indirect_vreg.scatter [tilespmem:s21], [sflag:$0x1], $0x80, v3, vm0, $0xb8;
	[tilespmem:$0x14400] =	vst v63  }
0x15c: {  	v3 =	vld [tilespmem:$0x190];
	_ =	sdelay $0x4  }
0x15d: {  	v45 =	vshll.u32 v3, $0x3  }
0x15e: {  	v3 =	vand.u32 $0x7, v3;
	v4 =	vand.u32 $0xFFFFFFC0, v45  }
0x15f: {  	v3 =	vor.u32 v3, v4  }
0x160: {  	v4 =	vperm.xlane v3, v0;
	_ =	sdelay $0x1  }
0x161: {  	v4 =	vadd.s32 v1, v4;
	_ =	sdelay $0x3  }
0x162: {  	s23 =	simm.s32 $0x8400  }
0x163: {  	[hbm4b:s6+s4] =	stream.indirect_vreg.scatter [tilespmem:s23], [sflag:$0x1], $0x80, v4, vm0, $0xb8;
	[tilespmem:$0x14400] =	vst v63  }
0x164: {  	s24 =	simm.s32 $0x8C00;
	v3 =	vperm.xlane v3, v2  }
0x165: {  	[hbm4b:s16+s4] =	stream.indirect_vreg.scatter [tilespmem:s24], [sflag:$0x1], $0x80, v4, vm0, $0xb8;
	[tilespmem:$0x14400] =	vst v63  }
0x166: {  	s7 =	simm.s32 $0x9400;
	v3 =	vadd.s32 v1, v3  }
0x167: {  	[hbm4b:s17+s4] =	stream.indirect_vreg.scatter [tilespmem:s7], [sflag:$0x1], $0x80, v4, vm0, $0xb8;
	[tilespmem:$0x14400] =	vst v63  }
0x168: {  	s28 =	simm.s32 $0x9C00  }
0x169: {  	[hbm4b:s18+s4] =	stream.indirect_vreg.scatter [tilespmem:s28], [sflag:$0x1], $0x80, v4, vm0, $0xb8;
	[tilespmem:$0x14400] =	vst v63  }
0x16a: {  	s2 =	simm.s32 $0xA400  }
0x16b: {  	[hbm4b:s6+s4] =	stream.indirect_vreg.scatter [tilespmem:s2], [sflag:$0x1], $0x80, v3, vm0, $0xb8;
	[tilespmem:$0x14400] =	vst v63  }
0x16c: {  	s3 =	simm.s32 $0xAC00  }
0x16d: {  	[hbm4b:s16+s4] =	stream.indirect_vreg.scatter [tilespmem:s3], [sflag:$0x1], $0x80, v3, vm0, $0xb8;
	[tilespmem:$0x14400] =	vst v63  }
0x16e: {  	s5 =	simm.s32 $0xB400  }
0x16f: {  	[hbm4b:s17+s4] =	stream.indirect_vreg.scatter [tilespmem:s5], [sflag:$0x1], $0x80, v3, vm0, $0xb8;
	[tilespmem:$0x14400] =	vst v63  }
0x170: {  	s2 =	simm.s32 $0xBC00  }
0x171: {  	[hbm4b:s18+s4] =	stream.indirect_vreg.scatter [tilespmem:s2], [sflag:$0x1], $0x80, v3, vm0, $0xb8;
	[tilespmem:$0x14400] =	vst v63  }
0x172: {  	v3 =	vld [tilespmem:$0x1A0];
	_ =	sdelay $0x4  }
0x173: {  	v46 =	vshll.u32 v3, $0x3  }
0x174: {  	v3 =	vand.u32 $0x7, v3;
	v4 =	vand.u32 $0xFFFFFFC0, v46  }
0x175: {  	v3 =	vor.u32 v3, v4  }
0x176: {  	v4 =	vperm.xlane v3, v0;
	_ =	sdelay $0x1  }
0x177: {  	v4 =	vadd.s32 v1, v4;
	_ =	sdelay $0x3  }
0x178: {  	s23 =	simm.s32 $0xC400  }
0x179: {  	[hbm4b:s6+s4] =	stream.indirect_vreg.scatter [tilespmem:s23], [sflag:$0x1], $0x80, v4, vm0, $0xb8;
	[tilespmem:$0x14400] =	vst v63  }
0x17a: {  	s2 =	simm.s32 $0xCC00;
	v3 =	vperm.xlane v3, v2  }
0x17b: {  	[hbm4b:s16+s4] =	stream.indirect_vreg.scatter [tilespmem:s2], [sflag:$0x1], $0x80, v4, vm0, $0xb8;
	[tilespmem:$0x14400] =	vst v63  }
0x17c: {  	s31 =	simm.s32 $0xD400;
	v3 =	vadd.s32 v1, v3  }
0x17d: {  	[hbm4b:s17+s4] =	stream.indirect_vreg.scatter [tilespmem:s31], [sflag:$0x1], $0x80, v4, vm0, $0xb8;
	[tilespmem:$0x14400] =	vst v63  }
0x17e: {  	s9 =	simm.s32 $0xDC00  }
0x17f: {  	[hbm4b:s18+s4] =	stream.indirect_vreg.scatter [tilespmem:s9], [sflag:$0x1], $0x80, v4, vm0, $0xb8;
	[tilespmem:$0x14400] =	vst v63  }
0x180: {  	s20 =	simm.s32 $0xE400  }
0x181: {  	[hbm4b:s6+s4] =	stream.indirect_vreg.scatter [tilespmem:s20], [sflag:$0x1], $0x80, v3, vm0, $0xb8;
	[tilespmem:$0x14400] =	vst v63  }
0x182: {  	s25 =	simm.s32 $0xEC00  }
0x183: {  	[hbm4b:s16+s4] =	stream.indirect_vreg.scatter [tilespmem:s25], [sflag:$0x1], $0x80, v3, vm0, $0xb8;
	[tilespmem:$0x14400] =	vst v63  }
0x184: {  	s1 =	simm.s32 $0xF400  }
0x185: {  	[hbm4b:s17+s4] =	stream.indirect_vreg.scatter [tilespmem:s1], [sflag:$0x1], $0x80, v3, vm0, $0xb8;
	[tilespmem:$0x14400] =	vst v63  }
0x186: {  	s11 =	simm.s32 $0xFC00  }
0x187: {  	[hbm4b:s18+s4] =	stream.indirect_vreg.scatter [tilespmem:s11], [sflag:$0x1], $0x80, v3, vm0, $0xb8;
	[tilespmem:$0x14400] =	vst v63  }
0x188: {  	v3 =	vld [tilespmem:$0x1B0];
	_ =	sdelay $0x4  }
0x189: {  	v47 =	vshll.u32 v3, $0x3  }
0x18a: {  	v3 =	vand.u32 $0x7, v3;
	v4 =	vand.u32 $0xFFFFFFC0, v47  }
0x18b: {  	v3 =	vor.u32 v3, v4  }
0x18c: {  	v4 =	vperm.xlane v3, v0;
	_ =	sdelay $0x1  }
0x18d: {  	v4 =	vadd.s32 v1, v4;
	_ =	sdelay $0x3  }
0x18e: {  	s26 =	simm.s32 $0x10400  }
0x18f: {  	[hbm4b:s6+s4] =	stream.indirect_vreg.scatter [tilespmem:s26], [sflag:$0x1], $0x80, v4, vm0, $0xb8;
	[tilespmem:$0x14400] =	vst v63  }
0x190: {  	s30 =	simm.s32 $0x10C00;
	v3 =	vperm.xlane v3, v2  }
0x191: {  	[hbm4b:s16+s4] =	stream.indirect_vreg.scatter [tilespmem:s30], [sflag:$0x1], $0x80, v4, vm0, $0xb8;
	[tilespmem:$0x14400] =	vst v63  }
0x192: {  	s10 =	simm.s32 $0x11400;
	v3 =	vadd.s32 v1, v3  }
0x193: {  	[hbm4b:s17+s4] =	stream.indirect_vreg.scatter [tilespmem:s10], [sflag:$0x1], $0x80, v4, vm0, $0xb8;
	[tilespmem:$0x14400] =	vst v63  }
0x194: {  	s12 =	simm.s32 $0x11C00  }
0x195: {  	[hbm4b:s18+s4] =	stream.indirect_vreg.scatter [tilespmem:s12], [sflag:$0x1], $0x80, v4, vm0, $0xb8;
	[tilespmem:$0x14400] =	vst v63  }
0x196: {  	s13 =	simm.s32 $0x12400  }
0x197: {  	[hbm4b:s6+s4] =	stream.indirect_vreg.scatter [tilespmem:s13], [sflag:$0x1], $0x80, v3, vm0, $0xb8;
	[tilespmem:$0x14400] =	vst v63  }
0x198: {  	s15 =	simm.s32 $0x12C00  }
0x199: {  	[hbm4b:s16+s4] =	stream.indirect_vreg.scatter [tilespmem:s15], [sflag:$0x1], $0x80, v3, vm0, $0xb8;
	[tilespmem:$0x14400] =	vst v63  }
0x19a: {  	s14 =	simm.s32 $0x13400  }
0x19b: {  	[hbm4b:s17+s4] =	stream.indirect_vreg.scatter [tilespmem:s14], [sflag:$0x1], $0x80, v3, vm0, $0xb8;
	[tilespmem:$0x14400] =	vst v63  }
0x19c: {  	s19 =	simm.s32 $0x13C00  }
0x19d: {  	[hbm4b:s18+s4] =	stream.indirect_vreg.scatter [tilespmem:s19], [sflag:$0x1], $0x80, v3, vm0, $0xb8;
	[tilespmem:$0x14400] =	vst v63  }
0x19e: {  	v3 =	vld [tilespmem:$0x200];
	_ =	sdelay $0x4  }
0x19f: {  	v48 =	vshll.u32 v3, $0x3  }
0x1a0: {  	v3 =	vand.u32 $0x7, v3;
	v4 =	vand.u32 $0xFFFFFFC0, v48  }
0x1a1: {  	v3 =	vor.u32 v3, v4  }
0x1a2: {  	v4 =	vperm.xlane v3, v0;
	_ =	sdelay $0x1  }
0x1a3: {  	v4 =	vadd.s32 v1, v4;
	_ =	sdelay $0x3  }
0x1a4: {  	s14 =	simm.s32 $0x4400  }
0x1a5: {  	[hbm4b:s6+s4] =	stream.indirect_vreg.scatter [tilespmem:s14], [sflag:$0x1], $0x80, v4, vm0, $0xb8;
	[tilespmem:$0x14400] =	vst v63  }
0x1a6: {  	s19 =	simm.s32 $0x4C00;
	v3 =	vperm.xlane v3, v2  }
0x1a7: {  	[hbm4b:s16+s4] =	stream.indirect_vreg.scatter [tilespmem:s19], [sflag:$0x1], $0x80, v4, vm0, $0xb8;
	[tilespmem:$0x14400] =	vst v63  }
0x1a8: {  	v3 =	vadd.s32 v1, v3;
	s14 =	simm.s32 $0x5400  }
0x1a9: {  	[hbm4b:s17+s4] =	stream.indirect_vreg.scatter [tilespmem:s14], [sflag:$0x1], $0x80, v4, vm0, $0xb8;
	[tilespmem:$0x14400] =	vst v63  }
0x1aa: {  	s19 =	simm.s32 $0x5C00  }
0x1ab: {  	[hbm4b:s18+s4] =	stream.indirect_vreg.scatter [tilespmem:s19], [sflag:$0x1], $0x80, v4, vm0, $0xb8;
	[tilespmem:$0x14400] =	vst v63  }
0x1ac: {  	s14 =	simm.s32 $0x6400  }
0x1ad: {  	[hbm4b:s6+s4] =	stream.indirect_vreg.scatter [tilespmem:s14], [sflag:$0x1], $0x80, v3, vm0, $0xb8;
	[tilespmem:$0x14400] =	vst v63  }
0x1ae: {  	s19 =	simm.s32 $0x6C00  }
0x1af: {  	[hbm4b:s16+s4] =	stream.indirect_vreg.scatter [tilespmem:s19], [sflag:$0x1], $0x80, v3, vm0, $0xb8;
	[tilespmem:$0x14400] =	vst v63  }
0x1b0: {  	s14 =	simm.s32 $0x7400  }
0x1b1: {  	[hbm4b:s17+s4] =	stream.indirect_vreg.scatter [tilespmem:s14], [sflag:$0x1], $0x80, v3, vm0, $0xb8;
	[tilespmem:$0x14400] =	vst v63  }
0x1b2: {  	s19 =	simm.s32 $0x7C00  }
0x1b3: {  	[hbm4b:s18+s4] =	stream.indirect_vreg.scatter [tilespmem:s19], [sflag:$0x1], $0x80, v3, vm0, $0xb8;
	[tilespmem:$0x14400] =	vst v63  }
0x1b4: {  	v3 =	vld [tilespmem:$0x210];
	_ =	sdelay $0x4  }
0x1b5: {  	v49 =	vshll.u32 v3, $0x3  }
0x1b6: {  	v3 =	vand.u32 $0x7, v3;
	v4 =	vand.u32 $0xFFFFFFC0, v49  }
0x1b7: {  	v3 =	vor.u32 v3, v4  }
0x1b8: {  	v4 =	vperm.xlane v3, v0;
	_ =	sdelay $0x1  }
0x1b9: {  	v4 =	vadd.s32 v1, v4;
	_ =	sdelay $0x3  }
0x1ba: {  	s21 =	simm.s32 $0x8400  }
0x1bb: {  	[hbm4b:s6+s4] =	stream.indirect_vreg.scatter [tilespmem:s21], [sflag:$0x1], $0x80, v4, vm0, $0xb8;
	[tilespmem:$0x14400] =	vst v63  }
0x1bc: {  	s24 =	simm.s32 $0x8C00;
	v3 =	vperm.xlane v3, v2  }
0x1bd: {  	[hbm4b:s16+s4] =	stream.indirect_vreg.scatter [tilespmem:s24], [sflag:$0x1], $0x80, v4, vm0, $0xb8;
	[tilespmem:$0x14400] =	vst v63  }
0x1be: {  	s7 =	simm.s32 $0x9400;
	v3 =	vadd.s32 v1, v3  }
0x1bf: {  	[hbm4b:s17+s4] =	stream.indirect_vreg.scatter [tilespmem:s7], [sflag:$0x1], $0x80, v4, vm0, $0xb8;
	[tilespmem:$0x14400] =	vst v63  }
0x1c0: {  	s28 =	simm.s32 $0x9C00  }
0x1c1: {  	[hbm4b:s18+s4] =	stream.indirect_vreg.scatter [tilespmem:s28], [sflag:$0x1], $0x80, v4, vm0, $0xb8;
	[tilespmem:$0x14400] =	vst v63  }
0x1c2: {  	s24 =	simm.s32 $0xA400  }
0x1c3: {  	[hbm4b:s6+s4] =	stream.indirect_vreg.scatter [tilespmem:s24], [sflag:$0x1], $0x80, v3, vm0, $0xb8;
	[tilespmem:$0x14400] =	vst v63  }
0x1c4: {  	s3 =	simm.s32 $0xAC00  }
0x1c5: {  	[hbm4b:s16+s4] =	stream.indirect_vreg.scatter [tilespmem:s3], [sflag:$0x1], $0x80, v3, vm0, $0xb8;
	[tilespmem:$0x14400] =	vst v63  }
0x1c6: {  	s5 =	simm.s32 $0xB400  }
0x1c7: {  	[hbm4b:s17+s4] =	stream.indirect_vreg.scatter [tilespmem:s5], [sflag:$0x1], $0x80, v3, vm0, $0xb8;
	[tilespmem:$0x14400] =	vst v63  }
0x1c8: {  	s3 =	simm.s32 $0xBC00  }
0x1c9: {  	[hbm4b:s18+s4] =	stream.indirect_vreg.scatter [tilespmem:s3], [sflag:$0x1], $0x80, v3, vm0, $0xb8;
	[tilespmem:$0x14400] =	vst v63  }
0x1ca: {  	v3 =	vld [tilespmem:$0x220];
	_ =	sdelay $0x4  }
0x1cb: {  	v50 =	vshll.u32 v3, $0x3  }
0x1cc: {  	v3 =	vand.u32 $0x7, v3;
	v4 =	vand.u32 $0xFFFFFFC0, v50  }
0x1cd: {  	v3 =	vor.u32 v3, v4  }
0x1ce: {  	v4 =	vperm.xlane v3, v0;
	_ =	sdelay $0x1  }
0x1cf: {  	v4 =	vadd.s32 v1, v4;
	_ =	sdelay $0x3  }
0x1d0: {  	s21 =	simm.s32 $0xC400  }
0x1d1: {  	[hbm4b:s6+s4] =	stream.indirect_vreg.scatter [tilespmem:s21], [sflag:$0x1], $0x80, v4, vm0, $0xb8;
	[tilespmem:$0x14400] =	vst v63  }
0x1d2: {  	s3 =	simm.s32 $0xCC00;
	v3 =	vperm.xlane v3, v2  }
0x1d3: {  	[hbm4b:s16+s4] =	stream.indirect_vreg.scatter [tilespmem:s3], [sflag:$0x1], $0x80, v4, vm0, $0xb8;
	[tilespmem:$0x14400] =	vst v63  }
0x1d4: {  	s2 =	simm.s32 $0xD400;
	v3 =	vadd.s32 v1, v3  }
0x1d5: {  	[hbm4b:s17+s4] =	stream.indirect_vreg.scatter [tilespmem:s2], [sflag:$0x1], $0x80, v4, vm0, $0xb8;
	[tilespmem:$0x14400] =	vst v63  }
0x1d6: {  	s23 =	simm.s32 $0xDC00  }
0x1d7: {  	[hbm4b:s18+s4] =	stream.indirect_vreg.scatter [tilespmem:s23], [sflag:$0x1], $0x80, v4, vm0, $0xb8;
	[tilespmem:$0x14400] =	vst v63  }
0x1d8: {  	s20 =	simm.s32 $0xE400  }
0x1d9: {  	[hbm4b:s6+s4] =	stream.indirect_vreg.scatter [tilespmem:s20], [sflag:$0x1], $0x80, v3, vm0, $0xb8;
	[tilespmem:$0x14400] =	vst v63  }
0x1da: {  	s25 =	simm.s32 $0xEC00  }
0x1db: {  	[hbm4b:s16+s4] =	stream.indirect_vreg.scatter [tilespmem:s25], [sflag:$0x1], $0x80, v3, vm0, $0xb8;
	[tilespmem:$0x14400] =	vst v63  }
0x1dc: {  	s9 =	simm.s32 $0xF400  }
0x1dd: {  	[hbm4b:s17+s4] =	stream.indirect_vreg.scatter [tilespmem:s9], [sflag:$0x1], $0x80, v3, vm0, $0xb8;
	[tilespmem:$0x14400] =	vst v63  }
0x1de: {  	s11 =	simm.s32 $0xFC00  }
0x1df: {  	[hbm4b:s18+s4] =	stream.indirect_vreg.scatter [tilespmem:s11], [sflag:$0x1], $0x80, v3, vm0, $0xb8;
	[tilespmem:$0x14400] =	vst v63  }
0x1e0: {  	v3 =	vld [tilespmem:$0x230];
	_ =	sdelay $0x4  }
0x1e1: {  	v51 =	vshll.u32 v3, $0x3  }
0x1e2: {  	v3 =	vand.u32 $0x7, v3;
	v4 =	vand.u32 $0xFFFFFFC0, v51  }
0x1e3: {  	v3 =	vor.u32 v3, v4  }
0x1e4: {  	v4 =	vperm.xlane v3, v0;
	_ =	sdelay $0x1  }
0x1e5: {  	v4 =	vadd.s32 v1, v4;
	_ =	sdelay $0x3  }
0x1e6: {  	s26 =	simm.s32 $0x10400  }
0x1e7: {  	[hbm4b:s6+s4] =	stream.indirect_vreg.scatter [tilespmem:s26], [sflag:$0x1], $0x80, v4, vm0, $0xb8;
	[tilespmem:$0x14400] =	vst v63  }
0x1e8: {  	s31 =	simm.s32 $0x10C00;
	v3 =	vperm.xlane v3, v2  }
0x1e9: {  	[hbm4b:s16+s4] =	stream.indirect_vreg.scatter [tilespmem:s31], [sflag:$0x1], $0x80, v4, vm0, $0xb8;
	[tilespmem:$0x14400] =	vst v63  }
0x1ea: {  	s30 =	simm.s32 $0x11400;
	v3 =	vadd.s32 v1, v3  }
0x1eb: {  	[hbm4b:s17+s4] =	stream.indirect_vreg.scatter [tilespmem:s30], [sflag:$0x1], $0x80, v4, vm0, $0xb8;
	[tilespmem:$0x14400] =	vst v63  }
0x1ec: {  	s1 =	simm.s32 $0x11C00  }
0x1ed: {  	[hbm4b:s18+s4] =	stream.indirect_vreg.scatter [tilespmem:s1], [sflag:$0x1], $0x80, v4, vm0, $0xb8;
	[tilespmem:$0x14400] =	vst v63  }
0x1ee: {  	s10 =	simm.s32 $0x12400  }
0x1ef: {  	[hbm4b:s6+s4] =	stream.indirect_vreg.scatter [tilespmem:s10], [sflag:$0x1], $0x80, v3, vm0, $0xb8;
	[tilespmem:$0x14400] =	vst v63  }
0x1f0: {  	s15 =	simm.s32 $0x12C00  }
0x1f1: {  	[hbm4b:s16+s4] =	stream.indirect_vreg.scatter [tilespmem:s15], [sflag:$0x1], $0x80, v3, vm0, $0xb8;
	[tilespmem:$0x14400] =	vst v63  }
0x1f2: {  	s12 =	simm.s32 $0x13400  }
0x1f3: {  	[hbm4b:s17+s4] =	stream.indirect_vreg.scatter [tilespmem:s12], [sflag:$0x1], $0x80, v3, vm0, $0xb8;
	[tilespmem:$0x14400] =	vst v63  }
0x1f4: {  	s13 =	simm.s32 $0x13C00  }
0x1f5: {  	[hbm4b:s18+s4] =	stream.indirect_vreg.scatter [tilespmem:s13], [sflag:$0x1], $0x80, v3, vm0, $0xb8;
	[tilespmem:$0x14400] =	vst v63  }
0x1f6: {  	v3 =	vld [tilespmem:$0x280];
	_ =	sdelay $0x4  }
0x1f7: {  	v52 =	vshll.u32 v3, $0x3  }
0x1f8: {  	v3 =	vand.u32 $0x7, v3;
	v4 =	vand.u32 $0xFFFFFFC0, v52  }
0x1f9: {  	v3 =	vor.u32 v3, v4  }
0x1fa: {  	v4 =	vperm.xlane v3, v0;
	_ =	sdelay $0x1  }
0x1fb: {  	v4 =	vadd.s32 v1, v4;
	_ =	sdelay $0x3  }
0x1fc: {  	s12 =	simm.s32 $0x4400  }
0x1fd: {  	[hbm4b:s6+s4] =	stream.indirect_vreg.scatter [tilespmem:s12], [sflag:$0x1], $0x80, v4, vm0, $0xb8;
	[tilespmem:$0x14400] =	vst v63  }
0x1fe: {  	s13 =	simm.s32 $0x4C00;
	v3 =	vperm.xlane v3, v2  }
0x1ff: {  	[hbm4b:s16+s4] =	stream.indirect_vreg.scatter [tilespmem:s13], [sflag:$0x1], $0x80, v4, vm0, $0xb8;
	[tilespmem:$0x14400] =	vst v63  }
0x200: {  	v3 =	vadd.s32 v1, v3;
	s12 =	simm.s32 $0x5400  }
0x201: {  	[hbm4b:s17+s4] =	stream.indirect_vreg.scatter [tilespmem:s12], [sflag:$0x1], $0x80, v4, vm0, $0xb8;
	[tilespmem:$0x14400] =	vst v63  }
0x202: {  	s13 =	simm.s32 $0x5C00  }
0x203: {  	[hbm4b:s18+s4] =	stream.indirect_vreg.scatter [tilespmem:s13], [sflag:$0x1], $0x80, v4, vm0, $0xb8;
	[tilespmem:$0x14400] =	vst v63  }
0x204: {  	s12 =	simm.s32 $0x6400  }
0x205: {  	[hbm4b:s6+s4] =	stream.indirect_vreg.scatter [tilespmem:s12], [sflag:$0x1], $0x80, v3, vm0, $0xb8;
	[tilespmem:$0x14400] =	vst v63  }
0x206: {  	s13 =	simm.s32 $0x6C00  }
0x207: {  	[hbm4b:s16+s4] =	stream.indirect_vreg.scatter [tilespmem:s13], [sflag:$0x1], $0x80, v3, vm0, $0xb8;
	[tilespmem:$0x14400] =	vst v63  }
0x208: {  	s12 =	simm.s32 $0x7400  }
0x209: {  	[hbm4b:s17+s4] =	stream.indirect_vreg.scatter [tilespmem:s12], [sflag:$0x1], $0x80, v3, vm0, $0xb8;
	[tilespmem:$0x14400] =	vst v63  }
0x20a: {  	s13 =	simm.s32 $0x7C00  }
0x20b: {  	[hbm4b:s18+s4] =	stream.indirect_vreg.scatter [tilespmem:s13], [sflag:$0x1], $0x80, v3, vm0, $0xb8;
	[tilespmem:$0x14400] =	vst v63  }
0x20c: {  	v3 =	vld [tilespmem:$0x290];
	_ =	sdelay $0x4  }
0x20d: {  	v53 =	vshll.u32 v3, $0x3  }
0x20e: {  	v3 =	vand.u32 $0x7, v3;
	v4 =	vand.u32 $0xFFFFFFC0, v53  }
0x20f: {  	v3 =	vor.u32 v3, v4  }
0x210: {  	v4 =	vperm.xlane v3, v0;
	_ =	sdelay $0x1  }
0x211: {  	v4 =	vadd.s32 v1, v4;
	_ =	sdelay $0x3  }
0x212: {  	s14 =	simm.s32 $0x8400  }
0x213: {  	[hbm4b:s6+s4] =	stream.indirect_vreg.scatter [tilespmem:s14], [sflag:$0x1], $0x80, v4, vm0, $0xb8;
	[tilespmem:$0x14400] =	vst v63  }
0x214: {  	s19 =	simm.s32 $0x8C00;
	v3 =	vperm.xlane v3, v2  }
0x215: {  	[hbm4b:s16+s4] =	stream.indirect_vreg.scatter [tilespmem:s19], [sflag:$0x1], $0x80, v4, vm0, $0xb8;
	[tilespmem:$0x14400] =	vst v63  }
0x216: {  	s7 =	simm.s32 $0x9400;
	v3 =	vadd.s32 v1, v3  }
0x217: {  	[hbm4b:s17+s4] =	stream.indirect_vreg.scatter [tilespmem:s7], [sflag:$0x1], $0x80, v4, vm0, $0xb8;
	[tilespmem:$0x14400] =	vst v63  }
0x218: {  	s28 =	simm.s32 $0x9C00  }
0x219: {  	[hbm4b:s18+s4] =	stream.indirect_vreg.scatter [tilespmem:s28], [sflag:$0x1], $0x80, v4, vm0, $0xb8;
	[tilespmem:$0x14400] =	vst v63  }
0x21a: {  	s28 =	simm.s32 $0xA400  }
0x21b: {  	[hbm4b:s6+s4] =	stream.indirect_vreg.scatter [tilespmem:s28], [sflag:$0x1], $0x80, v3, vm0, $0xb8;
	[tilespmem:$0x14400] =	vst v63  }
0x21c: {  	s24 =	simm.s32 $0xAC00  }
0x21d: {  	[hbm4b:s16+s4] =	stream.indirect_vreg.scatter [tilespmem:s24], [sflag:$0x1], $0x80, v3, vm0, $0xb8;
	[tilespmem:$0x14400] =	vst v63  }
0x21e: {  	s5 =	simm.s32 $0xB400  }
0x21f: {  	[hbm4b:s17+s4] =	stream.indirect_vreg.scatter [tilespmem:s5], [sflag:$0x1], $0x80, v3, vm0, $0xb8;
	[tilespmem:$0x14400] =	vst v63  }
0x220: {  	s14 =	simm.s32 $0xBC00  }
0x221: {  	[hbm4b:s18+s4] =	stream.indirect_vreg.scatter [tilespmem:s14], [sflag:$0x1], $0x80, v3, vm0, $0xb8;
	[tilespmem:$0x14400] =	vst v63  }
0x222: {  	v3 =	vld [tilespmem:$0x2A0];
	_ =	sdelay $0x4  }
0x223: {  	v54 =	vshll.u32 v3, $0x3  }
0x224: {  	v3 =	vand.u32 $0x7, v3;
	v4 =	vand.u32 $0xFFFFFFC0, v54  }
0x225: {  	v3 =	vor.u32 v3, v4  }
0x226: {  	v4 =	vperm.xlane v3, v0;
	_ =	sdelay $0x1  }
0x227: {  	v4 =	vadd.s32 v1, v4;
	_ =	sdelay $0x3  }
0x228: {  	s28 =	simm.s32 $0xC400  }
0x229: {  	[hbm4b:s6+s4] =	stream.indirect_vreg.scatter [tilespmem:s28], [sflag:$0x1], $0x80, v4, vm0, $0xb8;
	[tilespmem:$0x14400] =	vst v63  }
0x22a: {  	s14 =	simm.s32 $0xCC00;
	v3 =	vperm.xlane v3, v2  }
0x22b: {  	[hbm4b:s16+s4] =	stream.indirect_vreg.scatter [tilespmem:s14], [sflag:$0x1], $0x80, v4, vm0, $0xb8;
	[tilespmem:$0x14400] =	vst v63  }
0x22c: {  	s21 =	simm.s32 $0xD400;
	v3 =	vadd.s32 v1, v3  }
0x22d: {  	[hbm4b:s17+s4] =	stream.indirect_vreg.scatter [tilespmem:s21], [sflag:$0x1], $0x80, v4, vm0, $0xb8;
	[tilespmem:$0x14400] =	vst v63  }
0x22e: {  	s3 =	simm.s32 $0xDC00  }
0x22f: {  	[hbm4b:s18+s4] =	stream.indirect_vreg.scatter [tilespmem:s3], [sflag:$0x1], $0x80, v4, vm0, $0xb8;
	[tilespmem:$0x14400] =	vst v63  }
0x230: {  	s20 =	simm.s32 $0xE400  }
0x231: {  	[hbm4b:s6+s4] =	stream.indirect_vreg.scatter [tilespmem:s20], [sflag:$0x1], $0x80, v3, vm0, $0xb8;
	[tilespmem:$0x14400] =	vst v63  }
0x232: {  	s23 =	simm.s32 $0xEC00  }
0x233: {  	[hbm4b:s16+s4] =	stream.indirect_vreg.scatter [tilespmem:s23], [sflag:$0x1], $0x80, v3, vm0, $0xb8;
	[tilespmem:$0x14400] =	vst v63  }
0x234: {  	s2 =	simm.s32 $0xF400  }
0x235: {  	[hbm4b:s17+s4] =	stream.indirect_vreg.scatter [tilespmem:s2], [sflag:$0x1], $0x80, v3, vm0, $0xb8;
	[tilespmem:$0x14400] =	vst v63  }
0x236: {  	s9 =	simm.s32 $0xFC00  }
0x237: {  	[hbm4b:s18+s4] =	stream.indirect_vreg.scatter [tilespmem:s9], [sflag:$0x1], $0x80, v3, vm0, $0xb8;
	[tilespmem:$0x14400] =	vst v63  }
0x238: {  	v3 =	vld [tilespmem:$0x2B0];
	_ =	sdelay $0x4  }
0x239: {  	v55 =	vshll.u32 v3, $0x3  }
0x23a: {  	v3 =	vand.u32 $0x7, v3;
	v4 =	vand.u32 $0xFFFFFFC0, v55  }
0x23b: {  	v3 =	vor.u32 v3, v4  }
0x23c: {  	v4 =	vperm.xlane v3, v0;
	_ =	sdelay $0x1  }
0x23d: {  	v4 =	vadd.s32 v1, v4;
	_ =	sdelay $0x3  }
0x23e: {  	s25 =	simm.s32 $0x10400  }
0x23f: {  	[hbm4b:s6+s4] =	stream.indirect_vreg.scatter [tilespmem:s25], [sflag:$0x1], $0x80, v4, vm0, $0xb8;
	[tilespmem:$0x14400] =	vst v63  }
0x240: {  	s31 =	simm.s32 $0x10C00;
	v3 =	vperm.xlane v3, v2  }
0x241: {  	[hbm4b:s16+s4] =	stream.indirect_vreg.scatter [tilespmem:s31], [sflag:$0x1], $0x80, v4, vm0, $0xb8;
	[tilespmem:$0x14400] =	vst v63  }
0x242: {  	s26 =	simm.s32 $0x11400;
	v3 =	vadd.s32 v1, v3  }
0x243: {  	[hbm4b:s17+s4] =	stream.indirect_vreg.scatter [tilespmem:s26], [sflag:$0x1], $0x80, v4, vm0, $0xb8;
	[tilespmem:$0x14400] =	vst v63  }
0x244: {  	s30 =	simm.s32 $0x11C00  }
0x245: {  	[hbm4b:s18+s4] =	stream.indirect_vreg.scatter [tilespmem:s30], [sflag:$0x1], $0x80, v4, vm0, $0xb8;
	[tilespmem:$0x14400] =	vst v63  }
0x246: {  	s1 =	simm.s32 $0x12400  }
0x247: {  	[hbm4b:s6+s4] =	stream.indirect_vreg.scatter [tilespmem:s1], [sflag:$0x1], $0x80, v3, vm0, $0xb8;
	[tilespmem:$0x14400] =	vst v63  }
0x248: {  	s15 =	simm.s32 $0x12C00  }
0x249: {  	[hbm4b:s16+s4] =	stream.indirect_vreg.scatter [tilespmem:s15], [sflag:$0x1], $0x80, v3, vm0, $0xb8;
	[tilespmem:$0x14400] =	vst v63  }
0x24a: {  	s10 =	simm.s32 $0x13400  }
0x24b: {  	[hbm4b:s17+s4] =	stream.indirect_vreg.scatter [tilespmem:s10], [sflag:$0x1], $0x80, v3, vm0, $0xb8;
	[tilespmem:$0x14400] =	vst v63  }
0x24c: {  	s11 =	simm.s32 $0x13C00  }
0x24d: {  	[hbm4b:s18+s4] =	stream.indirect_vreg.scatter [tilespmem:s11], [sflag:$0x1], $0x80, v3, vm0, $0xb8;
	[tilespmem:$0x14400] =	vst v63  }
0x24e: {  	v3 =	vld [tilespmem:$0x300];
	_ =	sdelay $0x4  }
0x24f: {  	v56 =	vshll.u32 v3, $0x3  }
0x250: {  	v3 =	vand.u32 $0x7, v3;
	v4 =	vand.u32 $0xFFFFFFC0, v56  }
0x251: {  	v3 =	vor.u32 v3, v4  }
0x252: {  	v4 =	vperm.xlane v3, v0;
	_ =	sdelay $0x1  }
0x253: {  	v4 =	vadd.s32 v1, v4;
	_ =	sdelay $0x3  }
0x254: {  	s15 =	simm.s32 $0x4400  }
0x255: {  	[hbm4b:s6+s4] =	stream.indirect_vreg.scatter [tilespmem:s15], [sflag:$0x1], $0x80, v4, vm0, $0xb8;
	[tilespmem:$0x14400] =	vst v63  }
0x256: {  	s23 =	simm.s32 $0x4C00;
	v3 =	vperm.xlane v3, v2  }
0x257: {  	[hbm4b:s16+s4] =	stream.indirect_vreg.scatter [tilespmem:s23], [sflag:$0x1], $0x80, v4, vm0, $0xb8;
	[tilespmem:$0x14400] =	vst v63  }
0x258: {  	s31 =	simm.s32 $0x5400;
	v3 =	vadd.s32 v1, v3  }
0x259: {  	[hbm4b:s17+s4] =	stream.indirect_vreg.scatter [tilespmem:s31], [sflag:$0x1], $0x80, v4, vm0, $0xb8;
	[tilespmem:$0x14400] =	vst v63  }
0x25a: {  	s1 =	simm.s32 $0x5C00  }
0x25b: {  	[hbm4b:s18+s4] =	stream.indirect_vreg.scatter [tilespmem:s1], [sflag:$0x1], $0x80, v4, vm0, $0xb8;
	[tilespmem:$0x14400] =	vst v63  }
0x25c: {  	s11 =	simm.s32 $0x6400  }
0x25d: {  	[hbm4b:s6+s4] =	stream.indirect_vreg.scatter [tilespmem:s11], [sflag:$0x1], $0x80, v3, vm0, $0xb8;
	[tilespmem:$0x14400] =	vst v63  }
0x25e: {  	s15 =	simm.s32 $0x6C00  }
0x25f: {  	[hbm4b:s16+s4] =	stream.indirect_vreg.scatter [tilespmem:s15], [sflag:$0x1], $0x80, v3, vm0, $0xb8;
	[tilespmem:$0x14400] =	vst v63  }
0x260: {  	s23 =	simm.s32 $0x7400  }
0x261: {  	[hbm4b:s17+s4] =	stream.indirect_vreg.scatter [tilespmem:s23], [sflag:$0x1], $0x80, v3, vm0, $0xb8;
	[tilespmem:$0x14400] =	vst v63  }
0x262: {  	s31 =	simm.s32 $0x7C00  }
0x263: {  	[hbm4b:s18+s4] =	stream.indirect_vreg.scatter [tilespmem:s31], [sflag:$0x1], $0x80, v3, vm0, $0xb8;
	[tilespmem:$0x14400] =	vst v63  }
0x264: {  	v3 =	vld [tilespmem:$0x310];
	_ =	sdelay $0x4  }
0x265: {  	v57 =	vshll.u32 v3, $0x3  }
0x266: {  	v3 =	vand.u32 $0x7, v3;
	v4 =	vand.u32 $0xFFFFFFC0, v57  }
0x267: {  	v3 =	vor.u32 v3, v4  }
0x268: {  	v4 =	vperm.xlane v3, v0;
	_ =	sdelay $0x1  }
0x269: {  	v4 =	vadd.s32 v1, v4;
	_ =	sdelay $0x3  }
0x26a: {  	s13 =	simm.s32 $0x8400  }
0x26b: {  	[hbm4b:s6+s4] =	stream.indirect_vreg.scatter [tilespmem:s13], [sflag:$0x1], $0x80, v4, vm0, $0xb8;
	[tilespmem:$0x14400] =	vst v63  }
0x26c: {  	s12 =	simm.s32 $0x8C00;
	v3 =	vperm.xlane v3, v2  }
0x26d: {  	[hbm4b:s16+s4] =	stream.indirect_vreg.scatter [tilespmem:s12], [sflag:$0x1], $0x80, v4, vm0, $0xb8;
	[tilespmem:$0x14400] =	vst v63  }
0x26e: {  	s7 =	simm.s32 $0x9400;
	v3 =	vadd.s32 v1, v3  }
0x26f: {  	[hbm4b:s17+s4] =	stream.indirect_vreg.scatter [tilespmem:s7], [sflag:$0x1], $0x80, v4, vm0, $0xb8;
	[tilespmem:$0x14400] =	vst v63  }
0x270: {  	s19 =	simm.s32 $0x9C00  }
0x271: {  	[hbm4b:s18+s4] =	stream.indirect_vreg.scatter [tilespmem:s19], [sflag:$0x1], $0x80, v4, vm0, $0xb8;
	[tilespmem:$0x14400] =	vst v63  }
0x272: {  	s1 =	simm.s32 $0xA400  }
0x273: {  	[hbm4b:s6+s4] =	stream.indirect_vreg.scatter [tilespmem:s1], [sflag:$0x1], $0x80, v3, vm0, $0xb8;
	[tilespmem:$0x14400] =	vst v63  }
0x274: {  	s24 =	simm.s32 $0xAC00  }
0x275: {  	[hbm4b:s16+s4] =	stream.indirect_vreg.scatter [tilespmem:s24], [sflag:$0x1], $0x80, v3, vm0, $0xb8;
	[tilespmem:$0x14400] =	vst v63  }
0x276: {  	s5 =	simm.s32 $0xB400  }
0x277: {  	[hbm4b:s17+s4] =	stream.indirect_vreg.scatter [tilespmem:s5], [sflag:$0x1], $0x80, v3, vm0, $0xb8;
	[tilespmem:$0x14400] =	vst v63  }
0x278: {  	s7 =	simm.s32 $0xBC00  }
0x279: {  	[hbm4b:s18+s4] =	stream.indirect_vreg.scatter [tilespmem:s7], [sflag:$0x1], $0x80, v3, vm0, $0xb8;
	[tilespmem:$0x14400] =	vst v63  }
0x27a: {  	v3 =	vld [tilespmem:$0x320];
	_ =	sdelay $0x4  }
0x27b: {  	v58 =	vshll.u32 v3, $0x3  }
0x27c: {  	v3 =	vand.u32 $0x7, v3;
	v4 =	vand.u32 $0xFFFFFFC0, v58  }
0x27d: {  	v3 =	vor.u32 v3, v4  }
0x27e: {  	v4 =	vperm.xlane v3, v0;
	_ =	sdelay $0x1  }
0x27f: {  	v4 =	vadd.s32 v1, v4;
	_ =	sdelay $0x3  }
0x280: {  	s13 =	simm.s32 $0xC400  }
0x281: {  	[hbm4b:s6+s4] =	stream.indirect_vreg.scatter [tilespmem:s13], [sflag:$0x1], $0x80, v4, vm0, $0xb8;
	[tilespmem:$0x14400] =	vst v63  }
0x282: {  	s24 =	simm.s32 $0xCC00;
	v3 =	vperm.xlane v3, v2  }
0x283: {  	[hbm4b:s16+s4] =	stream.indirect_vreg.scatter [tilespmem:s24], [sflag:$0x1], $0x80, v4, vm0, $0xb8;
	[tilespmem:$0x14400] =	vst v63  }
0x284: {  	s14 =	simm.s32 $0xD400;
	v3 =	vadd.s32 v1, v3  }
0x285: {  	[hbm4b:s17+s4] =	stream.indirect_vreg.scatter [tilespmem:s14], [sflag:$0x1], $0x80, v4, vm0, $0xb8;
	[tilespmem:$0x14400] =	vst v63  }
0x286: {  	s3 =	simm.s32 $0xDC00  }
0x287: {  	[hbm4b:s18+s4] =	stream.indirect_vreg.scatter [tilespmem:s3], [sflag:$0x1], $0x80, v4, vm0, $0xb8;
	[tilespmem:$0x14400] =	vst v63  }
0x288: {  	s28 =	simm.s32 $0xE400  }
0x289: {  	[hbm4b:s6+s4] =	stream.indirect_vreg.scatter [tilespmem:s28], [sflag:$0x1], $0x80, v3, vm0, $0xb8;
	[tilespmem:$0x14400] =	vst v63  }
0x28a: {  	s21 =	simm.s32 $0xEC00  }
0x28b: {  	[hbm4b:s16+s4] =	stream.indirect_vreg.scatter [tilespmem:s21], [sflag:$0x1], $0x80, v3, vm0, $0xb8;
	[tilespmem:$0x14400] =	vst v63  }
0x28c: {  	s2 =	simm.s32 $0xF400  }
0x28d: {  	[hbm4b:s17+s4] =	stream.indirect_vreg.scatter [tilespmem:s2], [sflag:$0x1], $0x80, v3, vm0, $0xb8;
	[tilespmem:$0x14400] =	vst v63  }
0x28e: {  	s9 =	simm.s32 $0xFC00  }
0x28f: {  	[hbm4b:s18+s4] =	stream.indirect_vreg.scatter [tilespmem:s9], [sflag:$0x1], $0x80, v3, vm0, $0xb8;
	[tilespmem:$0x14400] =	vst v63  }
0x290: {  	v3 =	vld [tilespmem:$0x330];
	_ =	sdelay $0x4  }
0x291: {  	v59 =	vshll.u32 v3, $0x3  }
0x292: {  	v3 =	vand.u32 $0x7, v3;
	v4 =	vand.u32 $0xFFFFFFC0, v59  }
0x293: {  	v3 =	vor.u32 v3, v4  }
0x294: {  	v4 =	vperm.xlane v3, v0;
	_ =	sdelay $0x1  }
0x295: {  	v4 =	vadd.s32 v1, v4;
	_ =	sdelay $0x3  }
0x296: {  	s25 =	simm.s32 $0x10400  }
0x297: {  	[hbm4b:s6+s4] =	stream.indirect_vreg.scatter [tilespmem:s25], [sflag:$0x1], $0x80, v4, vm0, $0xb8;
	[tilespmem:$0x14400] =	vst v63  }
0x298: {  	s28 =	simm.s32 $0x10C00;
	v3 =	vperm.xlane v3, v2  }
0x299: {  	[hbm4b:s16+s4] =	stream.indirect_vreg.scatter [tilespmem:s28], [sflag:$0x1], $0x80, v4, vm0, $0xb8;
	[tilespmem:$0x14400] =	vst v63  }
0x29a: {  	s26 =	simm.s32 $0x11400;
	v3 =	vadd.s32 v1, v3  }
0x29b: {  	[hbm4b:s17+s4] =	stream.indirect_vreg.scatter [tilespmem:s26], [sflag:$0x1], $0x80, v4, vm0, $0xb8;
	[tilespmem:$0x14400] =	vst v63  }
0x29c: {  	s30 =	simm.s32 $0x11C00  }
0x29d: {  	[hbm4b:s18+s4] =	stream.indirect_vreg.scatter [tilespmem:s30], [sflag:$0x1], $0x80, v4, vm0, $0xb8;
	[tilespmem:$0x14400] =	vst v63  }
0x29e: {  	s3 =	simm.s32 $0x12400  }
0x29f: {  	[hbm4b:s6+s4] =	stream.indirect_vreg.scatter [tilespmem:s3], [sflag:$0x1], $0x80, v3, vm0, $0xb8;
	[tilespmem:$0x14400] =	vst v63  }
0x2a0: {  	s9 =	simm.s32 $0x12C00  }
0x2a1: {  	[hbm4b:s16+s4] =	stream.indirect_vreg.scatter [tilespmem:s9], [sflag:$0x1], $0x80, v3, vm0, $0xb8;
	[tilespmem:$0x14400] =	vst v63  }
0x2a2: {  	s10 =	simm.s32 $0x13400  }
0x2a3: {  	[hbm4b:s17+s4] =	stream.indirect_vreg.scatter [tilespmem:s10], [sflag:$0x1], $0x80, v3, vm0, $0xb8;
	[tilespmem:$0x14400] =	vst v63  }
0x2a4: {  	s20 =	simm.s32 $0x13C00  }
0x2a5: {  	[hbm4b:s18+s4] =	stream.indirect_vreg.scatter [tilespmem:s20], [sflag:$0x1], $0x80, v3, vm0, $0xb8;
	[tilespmem:$0x14400] =	vst v63  }
0x2a6: {  	v3 =	vld [tilespmem:$0x380];
	_ =	sdelay $0x4  }
0x2a7: {  	v60 =	vshll.u32 v3, $0x3  }
0x2a8: {  	v3 =	vand.u32 $0x7, v3;
	v4 =	vand.u32 $0xFFFFFFC0, v60  }
0x2a9: {  	v3 =	vor.u32 v3, v4  }
0x2aa: {  	v4 =	vperm.xlane v3, v0;
	_ =	sdelay $0x1  }
0x2ab: {  	v4 =	vadd.s32 v1, v4;
	_ =	sdelay $0x3  }
0x2ac: {  	s20 =	simm.s32 $0x4400  }
0x2ad: {  	[hbm4b:s6+s4] =	stream.indirect_vreg.scatter [tilespmem:s20], [sflag:$0x1], $0x80, v4, vm0, $0xb8;
	[tilespmem:$0x14400] =	vst v63  }
0x2ae: {  	s10 =	simm.s32 $0x4C00;
	v3 =	vperm.xlane v3, v2  }
0x2af: {  	[hbm4b:s16+s4] =	stream.indirect_vreg.scatter [tilespmem:s10], [sflag:$0x1], $0x80, v4, vm0, $0xb8;
	[tilespmem:$0x14400] =	vst v63  }
0x2b0: {  	v3 =	vadd.s32 v1, v3;
	s20 =	simm.s32 $0x5400  }
0x2b1: {  	[hbm4b:s17+s4] =	stream.indirect_vreg.scatter [tilespmem:s20], [sflag:$0x1], $0x80, v4, vm0, $0xb8;
	[tilespmem:$0x14400] =	vst v63  }
0x2b2: {  	s10 =	simm.s32 $0x5C00  }
0x2b3: {  	[hbm4b:s18+s4] =	stream.indirect_vreg.scatter [tilespmem:s10], [sflag:$0x1], $0x80, v4, vm0, $0xb8;
	[tilespmem:$0x14400] =	vst v63  }
0x2b4: {  	s20 =	simm.s32 $0x6400  }
0x2b5: {  	[hbm4b:s6+s4] =	stream.indirect_vreg.scatter [tilespmem:s20], [sflag:$0x1], $0x80, v3, vm0, $0xb8;
	[tilespmem:$0x14400] =	vst v63  }
0x2b6: {  	s10 =	simm.s32 $0x6C00  }
0x2b7: {  	[hbm4b:s16+s4] =	stream.indirect_vreg.scatter [tilespmem:s10], [sflag:$0x1], $0x80, v3, vm0, $0xb8;
	[tilespmem:$0x14400] =	vst v63  }
0x2b8: {  	s20 =	simm.s32 $0x7400  }
0x2b9: {  	[hbm4b:s17+s4] =	stream.indirect_vreg.scatter [tilespmem:s20], [sflag:$0x1], $0x80, v3, vm0, $0xb8;
	[tilespmem:$0x14400] =	vst v63  }
0x2ba: {  	s10 =	simm.s32 $0x7C00  }
0x2bb: {  	[hbm4b:s18+s4] =	stream.indirect_vreg.scatter [tilespmem:s10], [sflag:$0x1], $0x80, v3, vm0, $0xb8;
	[tilespmem:$0x14400] =	vst v63  }
0x2bc: {  	v3 =	vld [tilespmem:$0x390];
	_ =	sdelay $0x4  }
0x2bd: {  	v61 =	vshll.u32 v3, $0x3  }
0x2be: {  	v3 =	vand.u32 $0x7, v3;
	v4 =	vand.u32 $0xFFFFFFC0, v61  }
0x2bf: {  	v3 =	vor.u32 v3, v4  }
0x2c0: {  	v4 =	vperm.xlane v3, v0;
	_ =	sdelay $0x1  }
0x2c1: {  	v4 =	vadd.s32 v1, v4;
	_ =	sdelay $0x3  }
0x2c2: {  	s15 =	simm.s32 $0x8400  }
0x2c3: {  	[hbm4b:s6+s4] =	stream.indirect_vreg.scatter [tilespmem:s15], [sflag:$0x1], $0x80, v4, vm0, $0xb8;
	[tilespmem:$0x14400] =	vst v63  }
0x2c4: {  	s11 =	simm.s32 $0x8C00;
	v3 =	vperm.xlane v3, v2  }
0x2c5: {  	[hbm4b:s16+s4] =	stream.indirect_vreg.scatter [tilespmem:s11], [sflag:$0x1], $0x80, v4, vm0, $0xb8;
	[tilespmem:$0x14400] =	vst v63  }
0x2c6: {  	s12 =	simm.s32 $0x9400;
	v3 =	vadd.s32 v1, v3  }
0x2c7: {  	[hbm4b:s17+s4] =	stream.indirect_vreg.scatter [tilespmem:s12], [sflag:$0x1], $0x80, v4, vm0, $0xb8;
	[tilespmem:$0x14400] =	vst v63  }
0x2c8: {  	s31 =	simm.s32 $0x9C00  }
0x2c9: {  	[hbm4b:s18+s4] =	stream.indirect_vreg.scatter [tilespmem:s31], [sflag:$0x1], $0x80, v4, vm0, $0xb8;
	[tilespmem:$0x14400] =	vst v63  }
0x2ca: {  	s23 =	simm.s32 $0xA400  }
0x2cb: {  	[hbm4b:s6+s4] =	stream.indirect_vreg.scatter [tilespmem:s23], [sflag:$0x1], $0x80, v3, vm0, $0xb8;
	[tilespmem:$0x14400] =	vst v63  }
0x2cc: {  	s19 =	simm.s32 $0xAC00  }
0x2cd: {  	[hbm4b:s16+s4] =	stream.indirect_vreg.scatter [tilespmem:s19], [sflag:$0x1], $0x80, v3, vm0, $0xb8;
	[tilespmem:$0x14400] =	vst v63  }
0x2ce: {  	s1 =	simm.s32 $0xB400  }
0x2cf: {  	[hbm4b:s17+s4] =	stream.indirect_vreg.scatter [tilespmem:s1], [sflag:$0x1], $0x80, v3, vm0, $0xb8;
	[tilespmem:$0x14400] =	vst v63  }
0x2d0: {  	s15 =	simm.s32 $0xBC00  }
0x2d1: {  	[hbm4b:s18+s4] =	stream.indirect_vreg.scatter [tilespmem:s15], [sflag:$0x1], $0x80, v3, vm0, $0xb8;
	[tilespmem:$0x14400] =	vst v63  }
0x2d2: {  	v3 =	vld [tilespmem:$0x3A0];
	_ =	sdelay $0x4  }
0x2d3: {  	v62 =	vshll.u32 v3, $0x3  }
0x2d4: {  	v3 =	vand.u32 $0x7, v3;
	v4 =	vand.u32 $0xFFFFFFC0, v62  }
0x2d5: {  	v3 =	vor.u32 v3, v4  }
0x2d6: {  	v4 =	vperm.xlane v3, v0;
	_ =	sdelay $0x1  }
0x2d7: {  	v4 =	vadd.s32 v1, v4;
	_ =	sdelay $0x3  }
0x2d8: {  	s19 =	simm.s32 $0xC400  }
0x2d9: {  	[hbm4b:s6+s4] =	stream.indirect_vreg.scatter [tilespmem:s19], [sflag:$0x1], $0x80, v4, vm0, $0xb8;
	[tilespmem:$0x14400] =	vst v63  }
0x2da: {  	s20 =	simm.s32 $0xCC00;
	v3 =	vperm.xlane v3, v2  }
0x2db: {  	[hbm4b:s16+s4] =	stream.indirect_vreg.scatter [tilespmem:s20], [sflag:$0x1], $0x80, v4, vm0, $0xb8;
	[tilespmem:$0x14400] =	vst v63  }
0x2dc: {  	s7 =	simm.s32 $0xD400;
	v3 =	vadd.s32 v1, v3  }
0x2dd: {  	[hbm4b:s17+s4] =	stream.indirect_vreg.scatter [tilespmem:s7], [sflag:$0x1], $0x80, v4, vm0, $0xb8;
	[tilespmem:$0x14400] =	vst v63  }
0x2de: {  	s13 =	simm.s32 $0xDC00  }
0x2df: {  	[hbm4b:s18+s4] =	stream.indirect_vreg.scatter [tilespmem:s13], [sflag:$0x1], $0x80, v4, vm0, $0xb8;
	[tilespmem:$0x14400] =	vst v63  }
0x2e0: {  	s24 =	simm.s32 $0xE400  }
0x2e1: {  	[hbm4b:s6+s4] =	stream.indirect_vreg.scatter [tilespmem:s24], [sflag:$0x1], $0x80, v3, vm0, $0xb8;
	[tilespmem:$0x14400] =	vst v63  }
0x2e2: {  	s14 =	simm.s32 $0xEC00  }
0x2e3: {  	[hbm4b:s16+s4] =	stream.indirect_vreg.scatter [tilespmem:s14], [sflag:$0x1], $0x80, v3, vm0, $0xb8;
	[tilespmem:$0x14400] =	vst v63  }
0x2e4: {  	s5 =	simm.s32 $0xF400  }
0x2e5: {  	[hbm4b:s17+s4] =	stream.indirect_vreg.scatter [tilespmem:s5], [sflag:$0x1], $0x80, v3, vm0, $0xb8;
	[tilespmem:$0x14400] =	vst v63  }
0x2e6: {  	s2 =	simm.s32 $0xFC00  }
0x2e7: {  	[hbm4b:s18+s4] =	stream.indirect_vreg.scatter [tilespmem:s2], [sflag:$0x1], $0x80, v3, vm0, $0xb8;
	[tilespmem:$0x14400] =	vst v63  }
0x2e8: {  	v3 =	vld [tilespmem:$0x3B0];
	_ =	sdelay $0x4  }
0x2e9: {  	v63 =	vshll.u32 v3, $0x3  }
0x2ea: {  	v3 =	vand.u32 $0x7, v3;
	v4 =	vand.u32 $0xFFFFFFC0, v63  }
0x2eb: {  	v3 =	vor.u32 v3, v4  }
0x2ec: {  	v4 =	vperm.xlane v3, v0;
	_ =	sdelay $0x1  }
0x2ed: {  	v4 =	vadd.s32 v1, v4;
	_ =	sdelay $0x3  }
0x2ee: {  	s21 =	simm.s32 $0x10400  }
0x2ef: {  	[hbm4b:s6+s4] =	stream.indirect_vreg.scatter [tilespmem:s21], [sflag:$0x1], $0x80, v4, vm0, $0xb8;
	[tilespmem:$0x14400] =	vst v63  }
0x2f0: {  	s23 =	simm.s32 $0x10C00;
	v3 =	vperm.xlane v3, v2  }
0x2f1: {  	[hbm4b:s16+s4] =	stream.indirect_vreg.scatter [tilespmem:s23], [sflag:$0x1], $0x80, v4, vm0, $0xb8;
	[tilespmem:$0x14400] =	vst v63  }
0x2f2: {  	s25 =	simm.s32 $0x11400;
	v3 =	vadd.s32 v1, v3  }
0x2f3: {  	[hbm4b:s17+s4] =	stream.indirect_vreg.scatter [tilespmem:s25], [sflag:$0x1], $0x80, v4, vm0, $0xb8;
	[tilespmem:$0x14400] =	vst v63  }
0x2f4: {  	s26 =	simm.s32 $0x11C00  }
0x2f5: {  	[hbm4b:s18+s4] =	stream.indirect_vreg.scatter [tilespmem:s26], [sflag:$0x1], $0x80, v4, vm0, $0xb8;
	[tilespmem:$0x14400] =	vst v63  }
0x2f6: {  	s28 =	simm.s32 $0x12400  }
0x2f7: {  	[hbm4b:s6+s4] =	stream.indirect_vreg.scatter [tilespmem:s28], [sflag:$0x1], $0x80, v3, vm0, $0xb8;
	[tilespmem:$0x14400] =	vst v63  }
0x2f8: {  	s30 =	simm.s32 $0x12C00  }
0x2f9: {  	[hbm4b:s16+s4] =	stream.indirect_vreg.scatter [tilespmem:s30], [sflag:$0x1], $0x80, v3, vm0, $0xb8;
	[tilespmem:$0x14400] =	vst v63  }
0x2fa: {  	s3 =	simm.s32 $0x13400;
	s24 =	rddreg [dreg:$0x15]  }
0x2fb: {  	[hbm4b:s17+s4] =	stream.indirect_vreg.scatter [tilespmem:s3], [sflag:$0x1], $0x80, v3, vm0, $0xb8;
	[tilespmem:$0x14400] =	vst v63  }
0x2fc: {  	s9 =	simm.s32 $0x13C00;
	s23 =	sshll.u32 s24, $0x4;
	s25 =	rddreg [dreg:$0x2]  }
0x2fd: {  	[hbm4b:s18+s4] =	stream.indirect_vreg.scatter [tilespmem:s9], [sflag:$0x1], $0x80, v3, vm0, $0xb8;
	[tilespmem:$0x14400] =	vst v63  }
0x2fe: {  	s0 =	simm.s32 $0x400;
	s26 =	sadd.s32 s25, s23  }
0x2ff: {  	[tilespmem:s0], [sflag:$0x3] =	stream.linear.gather [hbm4b:s26+s4], $0x2000, $0x38;
	[tilespmem:$0x14400] =	vst v63  }
0x300: {  	_ =	swait.ge [sflag:s29], $0x2000  }
0x301: {  	[sflag:s29] =	ssyncset.done $0x0  }
0x302: {  	s2 =	simm.s32 $0x40;
	s28 =	rddreg [dreg:$0xc];
	[sflag:s29] =	ssyncadd.s32 $0xFFFFE000  }
0x303: {  	[hbm4b:s8+s2] =	stream.indirect.scatter [tilespmem:s0], [sflag:$0x2], $0x80, s4, s2, $0xb8;
	[tilespmem:$0x14400] =	vst v63  }
0x304: {  	s3 =	simm.s32 $0x2400;
	s30 =	sadd.s32 s23, s28  }
0x305: {  	[tilespmem:s3], [sflag:$0x3] =	stream.linear.gather [hbm4b:s30+s4], $0x2000, $0x38;
	[tilespmem:$0x14400] =	vst v63  }
0x306: {  	_ =	swait.ge [sflag:s29], $0x2000  }
0x307: {  	[sflag:s29] =	ssyncset.done $0x0  }
0x308: {  	s31 =	simm.s32 $0x80;
	[sflag:s29] =	ssyncadd.s32 $0xFFFFE000  }
0x309: {  	[hbm4b:s8+s2] =	stream.indirect.scatter [tilespmem:s3], [sflag:$0x2], $0x80, s31, s2, $0xb8;
	[tilespmem:$0x14400] =	vst v63  }
0x30a: {  	_ =	swait.ge [sflag:s22], $0x2000  }
0x30b: {  	[sflag:s22] =	ssyncset.done $0x0;
	s7 =	rddreg [dreg:$0xd]  }
0x30c: {  	[sflag:s22] =	ssyncadd.s32 $0xFFFFE000;
	s9 =	sadd.s32 s23, s7  }
0x30d: {  	[tilespmem:s0], [sflag:$0x3] =	stream.linear.gather [hbm4b:s9+s4], $0x2000, $0x38;
	[tilespmem:$0x14400] =	vst v63  }
0x30e: {  	_ =	swait.ge [sflag:s29], $0x2000  }
0x30f: {  	[sflag:s29] =	ssyncset.done $0x0  }
0x310: {  	s10 =	simm.s32 $0x100;
	[sflag:s29] =	ssyncadd.s32 $0xFFFFE000  }
0x311: {  	[hbm4b:s8+s2] =	stream.indirect.scatter [tilespmem:s0], [sflag:$0x2], $0x80, s10, s2, $0xb8;
	[tilespmem:$0x14400] =	vst v63  }
0x312: {  	_ =	swait.ge [sflag:s22], $0x2000  }
0x313: {  	[sflag:s22] =	ssyncset.done $0x0;
	s11 =	rddreg [dreg:$0xe]  }
0x314: {  	[sflag:s22] =	ssyncadd.s32 $0xFFFFE000;
	s12 =	sadd.s32 s23, s11  }
0x315: {  	[tilespmem:s3], [sflag:$0x3] =	stream.linear.gather [hbm4b:s12+s4], $0x2000, $0x38;
	[tilespmem:$0x14400] =	vst v63  }
0x316: {  	_ =	swait.ge [sflag:s29], $0x2000  }
0x317: {  	[sflag:s29] =	ssyncset.done $0x0  }
0x318: {  	s13 =	simm.s32 $0x180;
	[sflag:s29] =	ssyncadd.s32 $0xFFFFE000  }
0x319: {  	[hbm4b:s8+s2] =	stream.indirect.scatter [tilespmem:s3], [sflag:$0x2], $0x80, s13, s2, $0xb8;
	[tilespmem:$0x14400] =	vst v63  }
0x31a: {  	_ =	swait.ge [sflag:s22], $0x2000  }
0x31b: {  	[sflag:s22] =	ssyncset.done $0x0;
	s14 =	rddreg [dreg:$0xf]  }
0x31c: {  	[sflag:s22] =	ssyncadd.s32 $0xFFFFE000;
	s15 =	sadd.s32 s23, s14  }
0x31d: {  	[tilespmem:s0], [sflag:$0x3] =	stream.linear.gather [hbm4b:s15+s4], $0x2000, $0x38;
	[tilespmem:$0x14400] =	vst v63  }
0x31e: {  	_ =	swait.ge [sflag:s29], $0x2000  }
0x31f: {  	[sflag:s29] =	ssyncset.done $0x0  }
0x320: {  	s19 =	simm.s32 $0x200;
	[sflag:s29] =	ssyncadd.s32 $0xFFFFE000  }
0x321: {  	[hbm4b:s8+s2] =	stream.indirect.scatter [tilespmem:s0], [sflag:$0x2], $0x80, s19, s2, $0xb8;
	[tilespmem:$0x14400] =	vst v63  }
0x322: {  	_ =	swait.ge [sflag:s22], $0x2000  }
0x323: {  	[sflag:s22] =	ssyncset.done $0x0;
	s20 =	rddreg [dreg:$0x10]  }
0x324: {  	[sflag:s22] =	ssyncadd.s32 $0xFFFFE000;
	s21 =	sadd.s32 s23, s20  }
0x325: {  	[tilespmem:s3], [sflag:$0x3] =	stream.linear.gather [hbm4b:s21+s4], $0x2000, $0x38;
	[tilespmem:$0x14400] =	vst v63  }
0x326: {  	_ =	swait.ge [sflag:s29], $0x2000  }
0x327: {  	[sflag:s29] =	ssyncset.done $0x0  }
0x328: {  	s24 =	simm.s32 $0x280;
	[sflag:s29] =	ssyncadd.s32 $0xFFFFE000  }
0x329: {  	[hbm4b:s8+s2] =	stream.indirect.scatter [tilespmem:s3], [sflag:$0x2], $0x80, s24, s2, $0xb8;
	[tilespmem:$0x14400] =	vst v63  }
0x32a: {  	_ =	swait.ge [sflag:s22], $0x2000  }
0x32b: {  	[sflag:s22] =	ssyncset.done $0x0;
	s25 =	rddreg [dreg:$0x11]  }
0x32c: {  	[sflag:s22] =	ssyncadd.s32 $0xFFFFE000;
	s26 =	sadd.s32 s23, s25  }
0x32d: {  	[tilespmem:s0], [sflag:$0x3] =	stream.linear.gather [hbm4b:s26+s4], $0x2000, $0x38;
	[tilespmem:$0x14400] =	vst v63  }
0x32e: {  	_ =	swait.ge [sflag:s29], $0x2000  }
0x32f: {  	[sflag:s29] =	ssyncset.done $0x0  }
0x330: {  	s28 =	simm.s32 $0x300;
	[sflag:s29] =	ssyncadd.s32 $0xFFFFE000  }
0x331: {  	[hbm4b:s8+s2] =	stream.indirect.scatter [tilespmem:s0], [sflag:$0x2], $0x80, s28, s2, $0xb8;
	[tilespmem:$0x14400] =	vst v63  }
0x332: {  	_ =	swait.ge [sflag:s22], $0x2000  }
0x333: {  	[sflag:s22] =	ssyncset.done $0x0;
	s30 =	rddreg [dreg:$0x13]  }
0x334: {  	[sflag:s22] =	ssyncadd.s32 $0xFFFFE000;
	s23 =	sadd.s32 s23, s30  }
0x335: {  	[tilespmem:s3], [sflag:$0x3] =	stream.linear.gather [hbm4b:s23+s4], $0x2000, $0x38;
	[tilespmem:$0x14400] =	vst v63  }
0x336: {  	_ =	swait.ge [sflag:s29], $0x2000  }
0x337: {  	[sflag:s29] =	ssyncset.done $0x0  }
0x338: {  	s31 =	simm.s32 $0x380;
	[sflag:s29] =	ssyncadd.s32 $0xFFFFE000  }
0x339: {  	[hbm4b:s8+s2] =	stream.indirect.scatter [tilespmem:s3], [sflag:$0x2], $0x80, s31, s2, $0xb8;
	[tilespmem:$0x14400] =	vst v63  }
0x33a: {  	_ =	swait.ge [sflag:s22], $0x2000  }
0x33b: {  	[sflag:s22] =	ssyncset.done $0x0  }
0x33c: {  	[sflag:s22] =	ssyncadd.s32 $0xFFFFE000  }
0x33d: {  	_ =	swait.ge [sflag:s22], $0x2000  }
0x33e: {  	[sflag:s22] =	ssyncset.done $0x0  }
0x33f: {  	s23 =	simm.s32 $0x1;
	[sflag:s22] =	ssyncadd.s32 $0xFFFFE000  }
0x340: {  	_ =	swait.ge [sflag:s23], $0x10000  }
0x341: {  	[sflag:s23] =	ssyncset.done $0x0  }
0x342: {  	[sflag:s23] =	ssyncadd.s32 $0xFFFF0000  }
0x343: {  	_ =	swait.ge [sflag:s23], $0x10000  }
0x344: {  	[sflag:s23] =	ssyncset.done $0x0  }
0x345: {  	[sflag:s23] =	ssyncadd.s32 $0xFFFF0000  }
0x346: {  	_ =	swait.ge [sflag:s23], $0x10000  }
0x347: {  	[sflag:s23] =	ssyncset.done $0x0  }
0x348: {  	[sflag:s23] =	ssyncadd.s32 $0xFFFF0000  }
0x349: {  	_ =	swait.ge [sflag:s23], $0x10000  }
0x34a: {  	[sflag:s23] =	ssyncset.done $0x0  }
0x34b: {  	[sflag:s23] =	ssyncadd.s32 $0xFFFF0000  }
0x34c: {  	_ =	swait.ge [sflag:s23], $0x10000  }
0x34d: {  	[sflag:s23] =	ssyncset.done $0x0  }
0x34e: {  	[sflag:s23] =	ssyncadd.s32 $0xFFFF0000  }
0x34f: {  	_ =	swait.ge [sflag:s23], $0x10000  }
0x350: {  	[sflag:s23] =	ssyncset.done $0x0  }
0x351: {  	[sflag:s23] =	ssyncadd.s32 $0xFFFF0000  }
0x352: {  	p1 =	por p0, p0;
	_ =	swait.ge [sflag:s23], $0x10000  }
.Ltmp0:
0x353: {  	[sflag:s23] =	ssyncset.done $0x0;
	(pc) =	sbr.rel @p1 .LBB2_2-.Ltmp0, $4  }
0x354: {  	[sflag:s23] =	ssyncadd.s32 $0xFFFF0000  }
0x355: {  	_ =	swait.ge [sflag:s23], $0x10000  }
0x356: {  	[sflag:s23] =	ssyncset.done $0x0  }
0x357: {  	p0 =	por $0x0, $0x0;
	s1 =	simm.s32 $0x4400;
	[sflag:s23] =	ssyncadd.s32 $0xFFFF0000  }
0x358: {  	s0 =	rddreg [dreg:$0x14]  }
0x359: {  	s23 =	rddreg [dreg:$0x12];
	s0 =	sadd.s32 $0x1, s0  }
0x35a: {  	p0 =	sne.s32 s0, s23  }
.Ltmp1:
0x35b: {  	_ = 	snop;
	(pc) =	sbr.rel @p0 .LBB2_1-.Ltmp1, $1  }
0x35c: {  	_ =	sdelay $0x3  }
0x35d: {  	_ =	sfence.sel $0x180000  }
0x35e: {  	[bflag:$0x0] =	sbarrier.arrive $0xFFFF  }
0x35f: {  	_ =	strace $0x90000047  }
0x360: {  	s0 =	stileid.u32;
	[bflag:$0x2] =	sbarrier.arrive $0xFFFF  }
0x361: {  	p0 =	sne.s32 s0, $0x0;
	s0 =	rddreg [dreg:$0x3]  }
0x362: {  	s0 =	sadd.s32 @!p0 $0x100000, s0  }
0x363: {  	[sflag:s0] =	ssyncadd.tile.s32 @!p0 $0x1;
	_ =	shalt  }
.Lfunc_end2:
_tile_overlayer_lowered:
.L_overlay_start_2:
0x364: {  	(tag) =	ssettag $0x2  }
0x365: {  	s0 =	rddreg [dreg:$0x0];
	s2 =	stileid.u32  }
0x366: {  	s1 =	rddreg [dreg:$0x1];
	p0 =	sne.s32 s2, $0x0  }
0x367: {  	s3 =	rddreg [dreg:$0x2];
	[bflag:$0x3] =	sbarrier.arrive $0xFFFF;
	s2 =	simm.s32 @!p0 $0x1C03  }
0x368: {  	[timem:s3], [sflag:s2] =	dma.local @!p0 [hbm:s0], s1  }
0x369: {  	s0 =	simm.s32 @!p0 $0x3  }
0x36a: {  	_ =	swait.ge @!p0 [sflag:s0], s1  }
0x36b: {  	s1 =	ssub.s32 @!p0 $0x0, s1;
	[sflag:s0] =	ssyncset.done @!p0 $0x0  }
0x36c: {  	[sflag:s0] =	ssyncadd.s32 @!p0 s1  }
0x36d: {  	[bflag:$0x3] =	sbarrier.arrive $0xFFFF  }
0x36e: {  	_ =	shalt  }

</sc_bundles>
